<compile_context>
chip_gen: v7x
topology: tpu7x:2x2x1
jax: 0.10.2.dev20260603
libtpu: 0.0.44.dev20260713+nightly
codegen_flags: <defaults>
</compile_context>

<pallas_src>
import jax
import jax.numpy as jnp
from jax import lax
from jax.experimental import pallas as pl
from jax.experimental.pallas import tpu as pltpu
from jax.experimental.pallas import tpu_sc as plsc

NC = 2
NS = 16
LANES = 16
C = 128
NBUF = 3


def _sc_mesh():
    return plsc.VectorSubcoreMesh(
        core_axis_name="c", subcore_axis_name="s", num_cores=NC, num_subcores=NS
    )


def _zero_rows(buf, nrows, width):
    @pl.loop(0, nrows)
    def _(j):
        for k in range(width // LANES):
            buf[j, pl.ds(k * LANES, LANES)] = jnp.zeros((LANES,), jnp.float32)


def _degrees(src_arr, dst_arr, n_pad):
    E = src_arr.shape[0]
    epw = E // NS
    n_full = epw // C
    n_grp = n_full // NBUF
    n_rem = n_full - n_grp * NBUF
    tail = epw - n_full * C
    rpw = n_pad // NS

    def body(src_ref, dst_ref, deg_out_ref, deg_in_ref, ifull, idx_t, ones_v,
             zbuf, acc, d0, d1, d2, s0, s1, s2):
        c = lax.axis_index("c")
        s = lax.axis_index("s")
        didx = [d0, d1, d2]
        ssem = [s0, s1, s2]

        @pl.loop(0, C // LANES)
        def _(k):
            ones_v[pl.ds(pl.multiple_of(k * LANES, LANES), LANES)] = jnp.ones(
                (LANES,), jnp.float32
            )

        @pl.loop(0, rpw // LANES)
        def _(k):
            zbuf[pl.ds(pl.multiple_of(k * LANES, LANES), LANES)] = jnp.zeros(
                (LANES,), jnp.float32
            )

        r0 = s * rpw
        e0 = s * epw

        def run(idx_hbm, out_hbm):
            pltpu.sync_copy(zbuf, acc.at[pl.ds(r0, rpw)])
            pltpu.sync_copy(idx_hbm.at[pl.ds(e0, epw)], ifull)
            plsc.subcore_barrier()

            def prep(b, off):
                for k in range(C // LANES):
                    didx[b][pl.ds(k * LANES, LANES)] = ifull[
                        pl.ds(off + k * LANES, LANES)
                    ]

            def chunk_group(g, nb):
                descs = []
                for b in range(nb):
                    off = pl.multiple_of(g * NBUF * C, C) + b * C
                    prep(b, off)
                    descs.append(
                        pltpu.async_copy(ones_v, acc.at[didx[b]], ssem[b],
                                         add=True)
                    )
                for d in descs:
                    d.wait()

            @pl.loop(0, n_grp)
            def _(g):
                chunk_group(g, NBUF)

            if n_rem:
                chunk_group(n_grp, n_rem)

            if tail:
                pltpu.sync_copy(idx_hbm.at[pl.ds(e0 + n_full * C, tail)], idx_t)
                pltpu.sync_copy(ones_v.at[pl.ds(0, tail)], acc.at[idx_t],
                                add=True)

            plsc.subcore_barrier()
            pltpu.sync_copy(acc.at[pl.ds(r0, rpw)], out_hbm.at[pl.ds(r0, rpw)])

        @pl.when(c == 0)
        def _():
            run(src_ref, deg_out_ref)

        @pl.when(c == 1)
        def _():
            run(dst_ref, deg_in_ref)

    f = pl.kernel(
        body,
        out_type=[
            jax.ShapeDtypeStruct((n_pad,), jnp.float32),
            jax.ShapeDtypeStruct((n_pad,), jnp.float32),
        ],
        mesh=_sc_mesh(),
        scratch_types=[
            pltpu.VMEM((epw,), jnp.int32),
            pltpu.VMEM((16,), jnp.int32),
            pltpu.VMEM((C,), jnp.float32),
            pltpu.VMEM((rpw,), jnp.float32),
            pltpu.VMEM_SHARED((n_pad,), jnp.float32),
            pltpu.VMEM((C,), jnp.int32),
            pltpu.VMEM((C,), jnp.int32),
            pltpu.VMEM((C,), jnp.int32),
            pltpu.SemaphoreType.DMA,
            pltpu.SemaphoreType.DMA,
            pltpu.SemaphoreType.DMA,
        ],
    )
    return f(src_arr, dst_arr)


def _spmm_sc(hw2d, src_arr, dst_arr, n_pad, split_features, cs=96, nbuf=NBUF):
    E = src_arr.shape[0]
    dh = hw2d.shape[1]
    half_m = hw2d.shape[0] // 2
    nworkers = NS if split_features else NC * NS
    epw = E // nworkers
    n_full = epw // cs
    n_grp = n_full // nbuf
    n_rem = n_full - n_grp * nbuf
    tail = epw - n_full * cs
    rpw = n_pad // NS

    def body(hw_ref, src_ref, dst_ref, out_a_ref, out_b_ref, sfull,
             sidx_t, didx_t, gidx_t, acc, *scr):
        c = lax.axis_index("c")
        s = lax.axis_index("s")
        rows = list(scr[0:nbuf])
        gidx = list(scr[nbuf:2 * nbuf])
        didx = list(scr[2 * nbuf:3 * nbuf])
        gsem = list(scr[3 * nbuf:4 * nbuf])
        dsem = list(scr[4 * nbuf:5 * nbuf])
        ssem = list(scr[5 * nbuf:6 * nbuf])

        _zero_rows(rows[0], cs, dh)
        r0 = s * rpw
        nz = rpw // cs
        for b in range(nz):
            pltpu.sync_copy(rows[0], acc.at[pl.ds(r0 + b * cs, cs)])
        if rpw - nz * cs:
            pltpu.sync_copy(rows[0].at[pl.ds(0, rpw - nz * cs)],
                            acc.at[pl.ds(r0 + nz * cs, rpw - nz * cs)])

        e0 = (s if split_features else c * NS + s) * epw
        pltpu.sync_copy(src_ref.at[pl.ds(e0, epw)], sfull)
        plsc.subcore_barrier()

        def chunk_group(g, nb):
            gdescs = []
            ddescs = []
            for b in range(nb):
                off = pl.multiple_of(g * nbuf * cs, 8) + b * cs
                ddescs.append(
                    pltpu.async_copy(dst_ref.at[pl.ds(e0 + off, cs)], didx[b],
                                     dsem[b])
                )
                if split_features:
                    for k in range(cs // LANES):
                        gidx[b][pl.ds(k * LANES, LANES)] = (
                            sfull[pl.ds(off + k * LANES, LANES)] + c * half_m
                        )
                    isrc = gidx[b]
                else:
                    isrc = sfull.at[pl.ds(off, cs)]
                gdescs.append(
                    pltpu.async_copy(hw_ref.at[isrc], rows[b], gsem[b])
                )
            sdescs = []
            for b in range(nb):
                gdescs[b].wait()
                ddescs[b].wait()
                sdescs.append(
                    pltpu.async_copy(rows[b], acc.at[didx[b]], ssem[b],
                                     add=True)
                )
            for d in sdescs:
                d.wait()

        @pl.loop(0, n_grp)
        def _(g):
            chunk_group(g, nbuf)

        if n_rem:
            chunk_group(n_grp, n_rem)

        if tail:
            toff = e0 + n_full * cs
            pltpu.sync_copy(src_ref.at[pl.ds(toff, tail)], sidx_t)
            pltpu.sync_copy(dst_ref.at[pl.ds(toff, tail)], didx_t)
            if split_features:
                assert tail % LANES == 0
                for k in range(tail // LANES):
                    li = pl.ds(k * LANES, LANES)
                    gidx_t[li] = sidx_t[li] + c * half_m
                gsrc = gidx_t
            else:
                gsrc = sidx_t
            dst = rows[0].at[pl.ds(0, tail)]
            pltpu.async_copy(hw_ref.at[gsrc], dst, gsem[0]).wait()
            pltpu.sync_copy(dst, acc.at[didx_t], add=True)

        plsc.subcore_barrier()

        @pl.when(c == 0)
        def _():
            pltpu.sync_copy(acc.at[pl.ds(r0, rpw)], out_a_ref.at[pl.ds(r0, rpw)])

        @pl.when(c == 1)
        def _():
            pltpu.sync_copy(acc.at[pl.ds(r0, rpw)], out_b_ref.at[pl.ds(r0, rpw)])

    tb = tail if tail else LANES
    scratch = (
        [
            pltpu.VMEM((epw,), jnp.int32),
            pltpu.VMEM((tb,), jnp.int32),
            pltpu.VMEM((tb,), jnp.int32),
            pltpu.VMEM((tb,), jnp.int32),
            pltpu.VMEM_SHARED((n_pad, dh), jnp.float32),
        ]
        + [pltpu.VMEM((cs, dh), jnp.float32)] * nbuf
        + [pltpu.VMEM((cs,), jnp.int32)] * (2 * nbuf)
        + [pltpu.SemaphoreType.DMA] * (3 * nbuf)
    )
    f = pl.kernel(
        body,
        out_type=[
            jax.ShapeDtypeStruct((n_pad, dh), jnp.float32),
            jax.ShapeDtypeStruct((n_pad, dh), jnp.float32),
        ],
        mesh=_sc_mesh(),
        scratch_types=scratch,
    )
    return f(hw2d, src_arr, dst_arr)


def _tc_norm_matmul(x, deg_out, W):
    n, d_in = x.shape
    d_h = W.shape[1]
    dhh = d_h // 2
    br = 2000
    assert n % br == 0

    def body(x_ref, d_ref, w_ref, o_ref):
        nrm = lax.rsqrt(jnp.maximum(d_ref[...], 1.0))
        xn = x_ref[...] * nrm
        o_ref[0, ...] = jnp.dot(
            xn, w_ref[:, :dhh], preferred_element_type=jnp.float32
        )
        o_ref[1, ...] = jnp.dot(
            xn, w_ref[:, dhh:], preferred_element_type=jnp.float32
        )

    return pl.pallas_call(
        body,
        grid=(n // br,),
        in_specs=[
            pl.BlockSpec((br, d_in), lambda i: (i, 0)),
            pl.BlockSpec((br, 1), lambda i: (i, 0)),
            pl.BlockSpec((d_in, d_h), lambda i: (0, 0)),
        ],
        out_specs=pl.BlockSpec((2, br, dhh), lambda i: (0, i, 0)),
        out_shape=jax.ShapeDtypeStruct((2, n, dhh), jnp.float32),
    )(x, deg_out, W)


def _tc_mid(agg_a, agg_b, deg_in, deg_out, b1, W2):
    n, dhh = agg_a.shape
    d_h = 2 * dhh
    d_out = W2.shape[1]
    br = 2560
    assert n % br == 0

    d_pad = 128

    def body(a_ref, bh_ref, di_ref, do_ref, b_ref, w_ref, o_ref):
        ni = lax.rsqrt(jnp.maximum(di_ref[...], 1.0))
        no = lax.rsqrt(jnp.maximum(do_ref[...], 1.0))
        h = jnp.concatenate([a_ref[...], bh_ref[...]], axis=1)
        h = jnp.maximum(h * ni + b_ref[...], 0.0) * no
        hw = jnp.dot(h, w_ref[...], preferred_element_type=jnp.float32)
        o_ref[...] = jnp.concatenate(
            [hw, jnp.zeros((br, d_pad - d_out), jnp.float32)], axis=1
        )

    return pl.pallas_call(
        body,
        grid=(n // br,),
        in_specs=[
            pl.BlockSpec((br, dhh), lambda i: (i, 0)),
            pl.BlockSpec((br, dhh), lambda i: (i, 0)),
            pl.BlockSpec((br, 1), lambda i: (i, 0)),
            pl.BlockSpec((br, 1), lambda i: (i, 0)),
            pl.BlockSpec((1, d_h), lambda i: (0, 0)),
            pl.BlockSpec((d_h, d_out), lambda i: (0, 0)),
        ],
        out_specs=pl.BlockSpec((br, d_pad), lambda i: (i, 0)),
        out_shape=jax.ShapeDtypeStruct((n, d_pad), jnp.float32),
    )(agg_a, agg_b, deg_in, deg_out, b1.reshape(1, d_h), W2)


def _tc_final(part_a, part_b, deg_in2, b2, n):
    npad, dpad = part_a.shape
    d_out = b2.shape[0]
    br = 2000
    assert n % br == 0

    def body(a_ref, bh_ref, di_ref, b_ref, o_ref):
        ni = lax.rsqrt(jnp.maximum(di_ref[...], 1.0))
        a2 = a_ref[...] + bh_ref[...]
        o_ref[...] = a2[:, :d_out] * ni + b_ref[...]

    return pl.pallas_call(
        body,
        grid=(n // br,),
        in_specs=[
            pl.BlockSpec((br, dpad), lambda i: (i, 0)),
            pl.BlockSpec((br, dpad), lambda i: (i, 0)),
            pl.BlockSpec((br, 1), lambda i: (i, 0)),
            pl.BlockSpec((1, d_out), lambda i: (0, 0)),
        ],
        out_specs=pl.BlockSpec((br, d_out), lambda i: (i, 0)),
        out_shape=jax.ShapeDtypeStruct((n, d_out), jnp.float32),
    )(part_a, part_b, deg_in2, b2.reshape(1, d_out))


def kernel(in_feat, edge_index, W1, b1, W2, b2):
    n, d_in = in_feat.shape
    e = edge_index.shape[1]
    d_h = W1.shape[1]
    d_out = W2.shape[1]
    assert e % (NC * NS) == 0 and d_h % 2 == 0 and d_out % 2 == 0

    n_pad = -(-n // (NS * C)) * (NS * C)

    src_arr = edge_index[0]
    dst_arr = edge_index[1]
    deg_out, deg_in = _degrees(src_arr, dst_arr, n_pad)
    deg_out = deg_out.reshape(n_pad, 1)
    deg_in = deg_in.reshape(n_pad, 1)

    hw1 = _tc_norm_matmul(in_feat, deg_out, W1)
    a1, a1b = _spmm_sc(hw1.reshape(2 * n, d_h // 2), src_arr, dst_arr, n_pad,
                       split_features=True, cs=64, nbuf=4)

    hw2 = _tc_mid(a1, a1b, deg_in, deg_out, b1, W2)
    p2a, p2b = _spmm_sc(hw2, src_arr, dst_arr, n_pad, split_features=False,
                        cs=64, nbuf=4)
    return _tc_final(p2a, p2b, deg_in, b2, n)

# --- scband reference (transcript-rebuilt; emitter-appended) ---
"""Pipeline reference for scband-gnnmodel-16638703305123 (READ-ONLY COPY).

The authoritative reference and input builder live on the scoring server;
editing this copy changes nothing except your own understanding.
"""

import jax, jax.numpy as jnp
import numpy as np

N = 10000
E = 160000
D_IN = 256
D_H = 256
D_OUT = 64


def setup_inputs(seed: int = 0) -> dict:
    key = jax.random.key(seed)
    ks = jax.random.split(key, 6)
    in_feat = jax.random.normal(ks[0], (N, D_IN), dtype=jnp.float32)
    edge_index = jax.random.randint(ks[1], (2, E), 0, N, dtype=jnp.int32)
    W1 = jax.random.normal(ks[2], (D_IN, D_H), dtype=jnp.float32) * jnp.sqrt(2.0 / (D_IN + D_H))
    b1 = jnp.zeros((D_H,), dtype=jnp.float32)
    W2 = jax.random.normal(ks[3], (D_H, D_OUT), dtype=jnp.float32) * jnp.sqrt(2.0 / (D_H + D_OUT))
    b2 = jnp.zeros((D_OUT,), dtype=jnp.float32)
    return {"in_feat": in_feat, "edge_index": edge_index, "W1": W1, "b1": b1, "W2": W2, "b2": b2}


def reference(in_feat, edge_index, W1, b1, W2, b2):
    # DGL GraphConv with norm='both': h = D_in^{-1/2} A D_out^{-1/2} X W + b
    src = edge_index[0]
    dst = edge_index[1]
    ones = jnp.ones((E,), dtype=jnp.float32)
    deg_in = jax.ops.segment_sum(ones, dst, num_segments=N)
    deg_out = jax.ops.segment_sum(ones, src, num_segments=N)
    norm_out = jax.lax.rsqrt(jnp.maximum(deg_out, 1.0))
    norm_in = jax.lax.rsqrt(jnp.maximum(deg_in, 1.0))

    def graph_conv(h, W, b):
        # src-side normalization, weight multiply first (in_feats >= out_feats path)
        hw = (h * norm_out[:, None]) @ W
        msg = jnp.take(hw, src, axis=0)
        agg = jax.ops.segment_sum(msg, dst, num_segments=N)
        return agg * norm_in[:, None] + b

    h = graph_conv(in_feat, W1, b1)
    h = jax.nn.relu(h)
    h = graph_conv(h, W2, b2)
    return h

if __name__ == "__main__":
    import jax
    _d = setup_inputs()
    print(jax.jit(kernel)(*tuple(_d.values())))

</pallas_src>

<mosaic_0001>
#map = affine_map<(d0, d1) -> (0)>
module attributes {stable_mosaic.version = 14 : i64} {
  func.func @body(%arg0: i32, %arg1: i32, %arg2: memref<160000xi32, #tpu.memory_space<hbm>>, %arg3: memref<160000xi32, #tpu.memory_space<hbm>>, %arg4: memref<10240xf32, #tpu.memory_space<hbm>>, %arg5: memref<10240xf32, #tpu.memory_space<hbm>>, %arg6: memref<10000xi32, #tpu.memory_space<vmem>>, %arg7: memref<16xi32, #tpu.memory_space<vmem>>, %arg8: memref<128xf32, #tpu.memory_space<vmem>>, %arg9: memref<640xf32, #tpu.memory_space<vmem>>, %arg10: memref<10240xf32, #tpu.memory_space<vmem_shared>>, %arg11: memref<128xi32, #tpu.memory_space<vmem>>, %arg12: memref<128xi32, #tpu.memory_space<vmem>>, %arg13: memref<128xi32, #tpu.memory_space<vmem>>, %arg14: memref<!tpu.dma_semaphore, #tpu.memory_space<semaphore_mem>>, %arg15: memref<!tpu.dma_semaphore, #tpu.memory_space<semaphore_mem>>, %arg16: memref<!tpu.dma_semaphore, #tpu.memory_space<semaphore_mem>>) attributes {dimension_semantics = [#tpu.dimension_semantics<core_parallel>, #tpu.dimension_semantics<subcore_parallel>], iteration_bounds = array<i64: 2, 16>, scalar_prefetch = 0 : i64, scratch_operands = 11 : i64, tpu.core_type = #tpu.core_type<sc_vector_subcore>, window_params = [{transform_indices = #map}, {transform_indices = #map}, {transform_indices = #map}, {transform_indices = #map}]} {
    %scan3A = arith.constant 0 : i32
    %scan3A_0 = arith.constant 8 : i32
    %scan3A_1 = arith.addi %scan3A, %scan3A_0 : i32
    %scan3A_2 = arith.constant 1 : i32
    scf.for %scan3A_19 = %scan3A to %scan3A_1 step %scan3A_2  : i32 {
      %mul3A_20 = arith.constant 1 : i32
      %mul3A_21 = arith.muli %scan3A_19, %mul3A_20 : i32
      %add3A = arith.constant 0 : i32
      %add3A_22 = arith.addi %add3A, %mul3A_21 : i32
      %broadcast_in_dim3A = arith.constant 1.000000e+00 : f32
      %broadcast_in_dim3A_23 = vector.broadcast %broadcast_in_dim3A : f32 to vector<16xf32>
      %mul3A_24 = arith.constant 16 : i32
      %mul3A_25 = arith.muli %add3A_22, %mul3A_24 : i32
      %multiple_of3A = tpu.assume_multiple %mul3A_25, 16 : i32
      %swap3A = arith.index_cast %multiple_of3A : i32 to index
      %swap3A_26 = tpu.vector_load %arg8[%swap3A] {strides = array<i32>} : memref<128xf32, #tpu.memory_space<vmem>>, vector<16xf32>,
      %swap3A_27 = vector.shape_cast %swap3A_26 : vector<16xf32> to vector<16xf32>
      %swap3A_28 = vector.shape_cast %broadcast_in_dim3A_23 : vector<16xf32> to vector<16xf32>
      tpu.vector_store %arg8[%swap3A], %swap3A_28 {strides = array<i32>} : memref<128xf32, #tpu.memory_space<vmem>>, vector<16xf32>,
    }
    %scan3A_3 = arith.constant 8 : i32
    %scan3A_4 = arith.constant 0 : i32
    %scan3A_5 = arith.constant 40 : i32
    %scan3A_6 = arith.addi %scan3A_4, %scan3A_5 : i32
    %scan3A_7 = arith.constant 1 : i32
    scf.for %scan3A_19 = %scan3A_4 to %scan3A_6 step %scan3A_7  : i32 {
      %mul3A_20 = arith.constant 1 : i32
      %mul3A_21 = arith.muli %scan3A_19, %mul3A_20 : i32
      %add3A = arith.constant 0 : i32
      %add3A_22 = arith.addi %add3A, %mul3A_21 : i32
      %broadcast_in_dim3A = arith.constant 0.000000e+00 : f32
      %broadcast_in_dim3A_23 = vector.broadcast %broadcast_in_dim3A : f32 to vector<16xf32>
      %mul3A_24 = arith.constant 16 : i32
      %mul3A_25 = arith.muli %add3A_22, %mul3A_24 : i32
      %multiple_of3A = tpu.assume_multiple %mul3A_25, 16 : i32
      %swap3A = arith.index_cast %multiple_of3A : i32 to index
      %swap3A_26 = tpu.vector_load %arg9[%swap3A] {strides = array<i32>} : memref<640xf32, #tpu.memory_space<vmem>>, vector<16xf32>,
      %swap3A_27 = vector.shape_cast %swap3A_26 : vector<16xf32> to vector<16xf32>
      %swap3A_28 = vector.shape_cast %broadcast_in_dim3A_23 : vector<16xf32> to vector<16xf32>
      tpu.vector_store %arg9[%swap3A], %swap3A_28 {strides = array<i32>} : memref<640xf32, #tpu.memory_space<vmem>>, vector<16xf32>,
    }
    %scan3A_8 = arith.constant 40 : i32
    %mul3A = arith.constant 640 : i32
    %mul3A_9 = arith.muli %arg1, %mul3A : i32
    %mul3A_10 = arith.constant 10000 : i32
    %mul3A_11 = arith.muli %arg1, %mul3A_10 : i32
    %eq3A = arith.constant 0 : i32
    %eq3A_12 = arith.cmpi eq, %arg0, %eq3A : i32
    %convert_element_type3A = arith.extui %eq3A_12 : i1 to i32
    %cond3A = arith.constant 0 : i32
    %cond3A_13 = arith.cmpi ne, %convert_element_type3A, %cond3A : i32
    scf.if %cond3A_13 {
      "tpu.region"() ({
        %run_scoped3A = tpu.sem_alloc : memref<!tpu.dma_semaphore, #tpu.memory_space<semaphore_mem>>
        %dma_start3A = tpu.memref_slice %arg10[%mul3A_9] : memref<10240xf32, #tpu.memory_space<vmem_shared>> -> memref<640xf32, #tpu.memory_space<vmem_shared>>
        %dma_start3A_26 = tpu.memref_slice %arg10[%mul3A_9] : memref<10240xf32, #tpu.memory_space<vmem_shared>> -> memref<640xf32, #tpu.memory_space<vmem_shared>>
        tpu.enqueue_dma source(%arg9 : memref<640xf32, #tpu.memory_space<vmem>>) target(%dma_start3A_26 : memref<640xf32, #tpu.memory_space<vmem_shared>>) target_semaphore(%run_scoped3A : memref<!tpu.dma_semaphore, #tpu.memory_space<semaphore_mem>>)
        %dma_wait3A = tpu.memref_slice %arg10[%mul3A_9] : memref<10240xf32, #tpu.memory_space<vmem_shared>> -> memref<640xf32, #tpu.memory_space<vmem_shared>>
        %dma_wait3A_27 = tpu.memref_slice %arg10[%mul3A_9] : memref<10240xf32, #tpu.memory_space<vmem_shared>> -> memref<640xf32, #tpu.memory_space<vmem_shared>>
        tpu.wait_dma2 semaphore(%run_scoped3A : memref<!tpu.dma_semaphore, #tpu.memory_space<semaphore_mem>>) src(%arg9 : memref<640xf32, #tpu.memory_space<vmem>>) dst(%dma_wait3A_27 : memref<640xf32, #tpu.memory_space<vmem_shared>>)
        tpu.yield
      }) : () -> ()
      "tpu.region"() ({
        %run_scoped3A = tpu.sem_alloc : memref<!tpu.dma_semaphore, #tpu.memory_space<semaphore_mem>>
        %dma_start3A = tpu.memref_slice %arg2[%mul3A_11] : memref<160000xi32, #tpu.memory_space<hbm>> -> memref<10000xi32, #tpu.memory_space<hbm>>
        %dma_start3A_26 = tpu.memref_slice %arg2[%mul3A_11] : memref<160000xi32, #tpu.memory_space<hbm>> -> memref<10000xi32, #tpu.memory_space<hbm>>
        tpu.enqueue_dma source(%dma_start3A_26 : memref<10000xi32, #tpu.memory_space<hbm>>) target(%arg6 : memref<10000xi32, #tpu.memory_space<vmem>>) target_semaphore(%run_scoped3A : memref<!tpu.dma_semaphore, #tpu.memory_space<semaphore_mem>>)
        %dma_wait3A = tpu.memref_slice %arg2[%mul3A_11] : memref<160000xi32, #tpu.memory_space<hbm>> -> memref<10000xi32, #tpu.memory_space<hbm>>
        %dma_wait3A_27 = tpu.memref_slice %arg2[%mul3A_11] : memref<160000xi32, #tpu.memory_space<hbm>> -> memref<10000xi32, #tpu.memory_space<hbm>>
        tpu.wait_dma2 semaphore(%run_scoped3A : memref<!tpu.dma_semaphore, #tpu.memory_space<semaphore_mem>>) src(%dma_wait3A_27 : memref<10000xi32, #tpu.memory_space<hbm>>) dst(%arg6 : memref<10000xi32, #tpu.memory_space<vmem>>)
        tpu.yield
      }) : () -> ()
      %barrier3A = arith.constant 0 : index
      tpu.barrier barrier_id(%barrier3A)
      %scan3A_19 = arith.constant 0 : i32
      %scan3A_20 = arith.constant 26 : i32
      %scan3A_21 = arith.addi %scan3A_19, %scan3A_20 : i32
      %scan3A_22 = arith.constant 1 : i32
      scf.for %scan3A_26 = %scan3A_19 to %scan3A_21 step %scan3A_22  : i32 {
        %mul3A_27 = arith.constant 1 : i32
        %mul3A_28 = arith.muli %scan3A_26, %mul3A_27 : i32
        %add3A_29 = arith.constant 0 : i32
        %add3A_30 = arith.addi %add3A_29, %mul3A_28 : i32
        %mul3A_31 = arith.constant 3 : i32
        %mul3A_32 = arith.muli %add3A_30, %mul3A_31 : i32
        %mul3A_33 = arith.constant 128 : i32
        %mul3A_34 = arith.muli %mul3A_32, %mul3A_33 : i32
        %multiple_of3A = tpu.assume_multiple %mul3A_34, 128 : i32
        %add3A_35 = arith.constant 0 : i32
        %add3A_36 = arith.addi %multiple_of3A, %add3A_35 : i32
        %add3A_37 = arith.constant 0 : i32
        %add3A_38 = arith.addi %add3A_36, %add3A_37 : i32
        %get3A = arith.index_cast %add3A_38 : i32 to index
        %get3A_39 = tpu.vector_load %arg6[%get3A] {strides = array<i32>} : memref<10000xi32, #tpu.memory_space<vmem>>, vector<16xi32>,
        %get3A_40 = vector.shape_cast %get3A_39 : vector<16xi32> to vector<16xi32>
        %swap3A = arith.constant 0 : index
        %swap3A_41 = tpu.vector_load %arg11[%swap3A] {strides = array<i32>} : memref<128xi32, #tpu.memory_space<vmem>>, vector<16xi32>,
        %swap3A_42 = vector.shape_cast %swap3A_41 : vector<16xi32> to vector<16xi32>
        %swap3A_43 = vector.shape_cast %get3A_40 : vector<16xi32> to vector<16xi32>
        tpu.vector_store %arg11[%swap3A], %swap3A_43 {strides = array<i32>} : memref<128xi32, #tpu.memory_space<vmem>>, vector<16xi32>,
        %add3A_44 = arith.constant 16 : i32
        %add3A_45 = arith.addi %add3A_36, %add3A_44 : i32
        %get3A_46 = arith.index_cast %add3A_45 : i32 to index
        %get3A_47 = tpu.vector_load %arg6[%get3A_46] {strides = array<i32>} : memref<10000xi32, #tpu.memory_space<vmem>>, vector<16xi32>,
        %get3A_48 = vector.shape_cast %get3A_47 : vector<16xi32> to vector<16xi32>
        %swap3A_49 = arith.constant 16 : index
        %swap3A_50 = tpu.vector_load %arg11[%swap3A_49] {strides = array<i32>} : memref<128xi32, #tpu.memory_space<vmem>>, vector<16xi32>,
        %swap3A_51 = vector.shape_cast %swap3A_50 : vector<16xi32> to vector<16xi32>
        %swap3A_52 = vector.shape_cast %get3A_48 : vector<16xi32> to vector<16xi32>
        tpu.vector_store %arg11[%swap3A_49], %swap3A_52 {strides = array<i32>} : memref<128xi32, #tpu.memory_space<vmem>>, vector<16xi32>,
        %add3A_53 = arith.constant 32 : i32
        %add3A_54 = arith.addi %add3A_36, %add3A_53 : i32
        %get3A_55 = arith.index_cast %add3A_54 : i32 to index
        %get3A_56 = tpu.vector_load %arg6[%get3A_55] {strides = array<i32>} : memref<10000xi32, #tpu.memory_space<vmem>>, vector<16xi32>,
        %get3A_57 = vector.shape_cast %get3A_56 : vector<16xi32> to vector<16xi32>
        %swap3A_58 = arith.constant 32 : index
        %swap3A_59 = tpu.vector_load %arg11[%swap3A_58] {strides = array<i32>} : memref<128xi32, #tpu.memory_space<vmem>>, vector<16xi32>,
        %swap3A_60 = vector.shape_cast %swap3A_59 : vector<16xi32> to vector<16xi32>
        %swap3A_61 = vector.shape_cast %get3A_57 : vector<16xi32> to vector<16xi32>
        tpu.vector_store %arg11[%swap3A_58], %swap3A_61 {strides = array<i32>} : memref<128xi32, #tpu.memory_space<vmem>>, vector<16xi32>,
        %add3A_62 = arith.constant 48 : i32
        %add3A_63 = arith.addi %add3A_36, %add3A_62 : i32
        %get3A_64 = arith.index_cast %add3A_63 : i32 to index
        %get3A_65 = tpu.vector_load %arg6[%get3A_64] {strides = array<i32>} : memref<10000xi32, #tpu.memory_space<vmem>>, vector<16xi32>,
        %get3A_66 = vector.shape_cast %get3A_65 : vector<16xi32> to vector<16xi32>
        %swap3A_67 = arith.constant 48 : index
        %swap3A_68 = tpu.vector_load %arg11[%swap3A_67] {strides = array<i32>} : memref<128xi32, #tpu.memory_space<vmem>>, vector<16xi32>,
        %swap3A_69 = vector.shape_cast %swap3A_68 : vector<16xi32> to vector<16xi32>
        %swap3A_70 = vector.shape_cast %get3A_66 : vector<16xi32> to vector<16xi32>
        tpu.vector_store %arg11[%swap3A_67], %swap3A_70 {strides = array<i32>} : memref<128xi32, #tpu.memory_space<vmem>>, vector<16xi32>,
        %add3A_71 = arith.constant 64 : i32
        %add3A_72 = arith.addi %add3A_36, %add3A_71 : i32
        %get3A_73 = arith.index_cast %add3A_72 : i32 to index
        %get3A_74 = tpu.vector_load %arg6[%get3A_73] {strides = array<i32>} : memref<10000xi32, #tpu.memory_space<vmem>>, vector<16xi32>,
        %get3A_75 = vector.shape_cast %get3A_74 : vector<16xi32> to vector<16xi32>
        %swap3A_76 = arith.constant 64 : index
        %swap3A_77 = tpu.vector_load %arg11[%swap3A_76] {strides = array<i32>} : memref<128xi32, #tpu.memory_space<vmem>>, vector<16xi32>,
        %swap3A_78 = vector.shape_cast %swap3A_77 : vector<16xi32> to vector<16xi32>
        %swap3A_79 = vector.shape_cast %get3A_75 : vector<16xi32> to vector<16xi32>
        tpu.vector_store %arg11[%swap3A_76], %swap3A_79 {strides = array<i32>} : memref<128xi32, #tpu.memory_space<vmem>>, vector<16xi32>,
        %add3A_80 = arith.constant 80 : i32
        %add3A_81 = arith.addi %add3A_36, %add3A_80 : i32
        %get3A_82 = arith.index_cast %add3A_81 : i32 to index
        %get3A_83 = tpu.vector_load %arg6[%get3A_82] {strides = array<i32>} : memref<10000xi32, #tpu.memory_space<vmem>>, vector<16xi32>,
        %get3A_84 = vector.shape_cast %get3A_83 : vector<16xi32> to vector<16xi32>
        %swap3A_85 = arith.constant 80 : index
        %swap3A_86 = tpu.vector_load %arg11[%swap3A_85] {strides = array<i32>} : memref<128xi32, #tpu.memory_space<vmem>>, vector<16xi32>,
        %swap3A_87 = vector.shape_cast %swap3A_86 : vector<16xi32> to vector<16xi32>
        %swap3A_88 = vector.shape_cast %get3A_84 : vector<16xi32> to vector<16xi32>
        tpu.vector_store %arg11[%swap3A_85], %swap3A_88 {strides = array<i32>} : memref<128xi32, #tpu.memory_space<vmem>>, vector<16xi32>,
        %add3A_89 = arith.constant 96 : i32
        %add3A_90 = arith.addi %add3A_36, %add3A_89 : i32
        %get3A_91 = arith.index_cast %add3A_90 : i32 to index
        %get3A_92 = tpu.vector_load %arg6[%get3A_91] {strides = array<i32>} : memref<10000xi32, #tpu.memory_space<vmem>>, vector<16xi32>,
        %get3A_93 = vector.shape_cast %get3A_92 : vector<16xi32> to vector<16xi32>
        %swap3A_94 = arith.constant 96 : index
        %swap3A_95 = tpu.vector_load %arg11[%swap3A_94] {strides = array<i32>} : memref<128xi32, #tpu.memory_space<vmem>>, vector<16xi32>,
        %swap3A_96 = vector.shape_cast %swap3A_95 : vector<16xi32> to vector<16xi32>
        %swap3A_97 = vector.shape_cast %get3A_93 : vector<16xi32> to vector<16xi32>
        tpu.vector_store %arg11[%swap3A_94], %swap3A_97 {strides = array<i32>} : memref<128xi32, #tpu.memory_space<vmem>>, vector<16xi32>,
        %add3A_98 = arith.constant 112 : i32
        %add3A_99 = arith.addi %add3A_36, %add3A_98 : i32
        %get3A_100 = arith.index_cast %add3A_99 : i32 to index
        %get3A_101 = tpu.vector_load %arg6[%get3A_100] {strides = array<i32>} : memref<10000xi32, #tpu.memory_space<vmem>>, vector<16xi32>,
        %get3A_102 = vector.shape_cast %get3A_101 : vector<16xi32> to vector<16xi32>
        %swap3A_103 = arith.constant 112 : index
        %swap3A_104 = tpu.vector_load %arg11[%swap3A_103] {strides = array<i32>} : memref<128xi32, #tpu.memory_space<vmem>>, vector<16xi32>,
        %swap3A_105 = vector.shape_cast %swap3A_104 : vector<16xi32> to vector<16xi32>
        %swap3A_106 = vector.shape_cast %get3A_102 : vector<16xi32> to vector<16xi32>
        tpu.vector_store %arg11[%swap3A_103], %swap3A_106 {strides = array<i32>} : memref<128xi32, #tpu.memory_space<vmem>>, vector<16xi32>,
        %dma_start3A = arith.constant 0 : i32
        %dma_start3A_107 = tpu.memref_slice %arg10[%dma_start3A] : memref<10240xf32, #tpu.memory_space<vmem_shared>> -> memref<10240xf32, #tpu.memory_space<vmem_shared>>
        tpu.enqueue_indirect_dma source(%arg8 : memref<128xf32, #tpu.memory_space<vmem>>) target(%dma_start3A_107 : memref<10240xf32, #tpu.memory_space<vmem_shared>>) offsets(%arg11 : memref<128xi32, #tpu.memory_space<vmem>>) semaphore(%arg14 : memref<!tpu.dma_semaphore, #tpu.memory_space<semaphore_mem>>) {add = true}
        %mul3A_108 = arith.constant 3 : i32
        %mul3A_109 = arith.muli %add3A_30, %mul3A_108 : i32
        %mul3A_110 = arith.constant 128 : i32
        %mul3A_111 = arith.muli %mul3A_109, %mul3A_110 : i32
        %multiple_of3A_112 = tpu.assume_multiple %mul3A_111, 128 : i32
        %add3A_113 = arith.constant 128 : i32
        %add3A_114 = arith.addi %multiple_of3A_112, %add3A_113 : i32
        %add3A_115 = arith.constant 0 : i32
        %add3A_116 = arith.addi %add3A_114, %add3A_115 : i32
        %get3A_117 = arith.index_cast %add3A_116 : i32 to index
        %get3A_118 = tpu.vector_load %arg6[%get3A_117] {strides = array<i32>} : memref<10000xi32, #tpu.memory_space<vmem>>, vector<16xi32>,
        %get3A_119 = vector.shape_cast %get3A_118 : vector<16xi32> to vector<16xi32>
        %swap3A_120 = arith.constant 0 : index
        %swap3A_121 = tpu.vector_load %arg12[%swap3A_120] {strides = array<i32>} : memref<128xi32, #tpu.memory_space<vmem>>, vector<16xi32>,
        %swap3A_122 = vector.shape_cast %swap3A_121 : vector<16xi32> to vector<16xi32>
        %swap3A_123 = vector.shape_cast %get3A_119 : vector<16xi32> to vector<16xi32>
        tpu.vector_store %arg12[%swap3A_120], %swap3A_123 {strides = array<i32>} : memref<128xi32, #tpu.memory_space<vmem>>, vector<16xi32>,
        %add3A_124 = arith.constant 16 : i32
        %add3A_125 = arith.addi %add3A_114, %add3A_124 : i32
        %get3A_126 = arith.index_cast %add3A_125 : i32 to index
        %get3A_127 = tpu.vector_load %arg6[%get3A_126] {strides = array<i32>} : memref<10000xi32, #tpu.memory_space<vmem>>, vector<16xi32>,
        %get3A_128 = vector.shape_cast %get3A_127 : vector<16xi32> to vector<16xi32>
        %swap3A_129 = arith.constant 16 : index
        %swap3A_130 = tpu.vector_load %arg12[%swap3A_129] {strides = array<i32>} : memref<128xi32, #tpu.memory_space<vmem>>, vector<16xi32>,
        %swap3A_131 = vector.shape_cast %swap3A_130 : vector<16xi32> to vector<16xi32>
        %swap3A_132 = vector.shape_cast %get3A_128 : vector<16xi32> to vector<16xi32>
        tpu.vector_store %arg12[%swap3A_129], %swap3A_132 {strides = array<i32>} : memref<128xi32, #tpu.memory_space<vmem>>, vector<16xi32>,
        %add3A_133 = arith.constant 32 : i32
        %add3A_134 = arith.addi %add3A_114, %add3A_133 : i32
        %get3A_135 = arith.index_cast %add3A_134 : i32 to index
        %get3A_136 = tpu.vector_load %arg6[%get3A_135] {strides = array<i32>} : memref<10000xi32, #tpu.memory_space<vmem>>, vector<16xi32>,
        %get3A_137 = vector.shape_cast %get3A_136 : vector<16xi32> to vector<16xi32>
        %swap3A_138 = arith.constant 32 : index
        %swap3A_139 = tpu.vector_load %arg12[%swap3A_138] {strides = array<i32>} : memref<128xi32, #tpu.memory_space<vmem>>, vector<16xi32>,
        %swap3A_140 = vector.shape_cast %swap3A_139 : vector<16xi32> to vector<16xi32>
        %swap3A_141 = vector.shape_cast %get3A_137 : vector<16xi32> to vector<16xi32>
        tpu.vector_store %arg12[%swap3A_138], %swap3A_141 {strides = array<i32>} : memref<128xi32, #tpu.memory_space<vmem>>, vector<16xi32>,
        %add3A_142 = arith.constant 48 : i32
        %add3A_143 = arith.addi %add3A_114, %add3A_142 : i32
        %get3A_144 = arith.index_cast %add3A_143 : i32 to index
        %get3A_145 = tpu.vector_load %arg6[%get3A_144] {strides = array<i32>} : memref<10000xi32, #tpu.memory_space<vmem>>, vector<16xi32>,
        %get3A_146 = vector.shape_cast %get3A_145 : vector<16xi32> to vector<16xi32>
        %swap3A_147 = arith.constant 48 : index
        %swap3A_148 = tpu.vector_load %arg12[%swap3A_147] {strides = array<i32>} : memref<128xi32, #tpu.memory_space<vmem>>, vector<16xi32>,
        %swap3A_149 = vector.shape_cast %swap3A_148 : vector<16xi32> to vector<16xi32>
        %swap3A_150 = vector.shape_cast %get3A_146 : vector<16xi32> to vector<16xi32>
        tpu.vector_store %arg12[%swap3A_147], %swap3A_150 {strides = array<i32>} : memref<128xi32, #tpu.memory_space<vmem>>, vector<16xi32>,
        %add3A_151 = arith.constant 64 : i32
        %add3A_152 = arith.addi %add3A_114, %add3A_151 : i32
        %get3A_153 = arith.index_cast %add3A_152 : i32 to index
        %get3A_154 = tpu.vector_load %arg6[%get3A_153] {strides = array<i32>} : memref<10000xi32, #tpu.memory_space<vmem>>, vector<16xi32>,
        %get3A_155 = vector.shape_cast %get3A_154 : vector<16xi32> to vector<16xi32>
        %swap3A_156 = arith.constant 64 : index
        %swap3A_157 = tpu.vector_load %arg12[%swap3A_156] {strides = array<i32>} : memref<128xi32, #tpu.memory_space<vmem>>, vector<16xi32>,
        %swap3A_158 = vector.shape_cast %swap3A_157 : vector<16xi32> to vector<16xi32>
        %swap3A_159 = vector.shape_cast %get3A_155 : vector<16xi32> to vector<16xi32>
        tpu.vector_store %arg12[%swap3A_156], %swap3A_159 {strides = array<i32>} : memref<128xi32, #tpu.memory_space<vmem>>, vector<16xi32>,
        %add3A_160 = arith.constant 80 : i32
        %add3A_161 = arith.addi %add3A_114, %add3A_160 : i32
        %get3A_162 = arith.index_cast %add3A_161 : i32 to index
        %get3A_163 = tpu.vector_load %arg6[%get3A_162] {strides = array<i32>} : memref<10000xi32, #tpu.memory_space<vmem>>, vector<16xi32>,
        %get3A_164 = vector.shape_cast %get3A_163 : vector<16xi32> to vector<16xi32>
        %swap3A_165 = arith.constant 80 : index
        %swap3A_166 = tpu.vector_load %arg12[%swap3A_165] {strides = array<i32>} : memref<128xi32, #tpu.memory_space<vmem>>, vector<16xi32>,
        %swap3A_167 = vector.shape_cast %swap3A_166 : vector<16xi32> to vector<16xi32>
        %swap3A_168 = vector.shape_cast %get3A_164 : vector<16xi32> to vector<16xi32>
        tpu.vector_store %arg12[%swap3A_165], %swap3A_168 {strides = array<i32>} : memref<128xi32, #tpu.memory_space<vmem>>, vector<16xi32>,
        %add3A_169 = arith.constant 96 : i32
        %add3A_170 = arith.addi %add3A_114, %add3A_169 : i32
        %get3A_171 = arith.index_cast %add3A_170 : i32 to index
        %get3A_172 = tpu.vector_load %arg6[%get3A_171] {strides = array<i32>} : memref<10000xi32, #tpu.memory_space<vmem>>, vector<16xi32>,
        %get3A_173 = vector.shape_cast %get3A_172 : vector<16xi32> to vector<16xi32>
        %swap3A_174 = arith.constant 96 : index
        %swap3A_175 = tpu.vector_load %arg12[%swap3A_174] {strides = array<i32>} : memref<128xi32, #tpu.memory_space<vmem>>, vector<16xi32>,
        %swap3A_176 = vector.shape_cast %swap3A_175 : vector<16xi32> to vector<16xi32>
        %swap3A_177 = vector.shape_cast %get3A_173 : vector<16xi32> to vector<16xi32>
        tpu.vector_store %arg12[%swap3A_174], %swap3A_177 {strides = array<i32>} : memref<128xi32, #tpu.memory_space<vmem>>, vector<16xi32>,
        %add3A_178 = arith.constant 112 : i32
        %add3A_179 = arith.addi %add3A_114, %add3A_178 : i32
        %get3A_180 = arith.index_cast %add3A_179 : i32 to index
        %get3A_181 = tpu.vector_load %arg6[%get3A_180] {strides = array<i32>} : memref<10000xi32, #tpu.memory_space<vmem>>, vector<16xi32>,
        %get3A_182 = vector.shape_cast %get3A_181 : vector<16xi32> to vector<16xi32>
        %swap3A_183 = arith.constant 112 : index
        %swap3A_184 = tpu.vector_load %arg12[%swap3A_183] {strides = array<i32>} : memref<128xi32, #tpu.memory_space<vmem>>, vector<16xi32>,
        %swap3A_185 = vector.shape_cast %swap3A_184 : vector<16xi32> to vector<16xi32>
        %swap3A_186 = vector.shape_cast %get3A_182 : vector<16xi32> to vector<16xi32>
        tpu.vector_store %arg12[%swap3A_183], %swap3A_186 {strides = array<i32>} : memref<128xi32, #tpu.memory_space<vmem>>, vector<16xi32>,
        %dma_start3A_187 = arith.constant 0 : i32
        %dma_start3A_188 = tpu.memref_slice %arg10[%dma_start3A_187] : memref<10240xf32, #tpu.memory_space<vmem_shared>> -> memref<10240xf32, #tpu.memory_space<vmem_shared>>
        tpu.enqueue_indirect_dma source(%arg8 : memref<128xf32, #tpu.memory_space<vmem>>) target(%dma_start3A_188 : memref<10240xf32, #tpu.memory_space<vmem_shared>>) offsets(%arg12 : memref<128xi32, #tpu.memory_space<vmem>>) semaphore(%arg15 : memref<!tpu.dma_semaphore, #tpu.memory_space<semaphore_mem>>) {add = true}
        %mul3A_189 = arith.constant 3 : i32
        %mul3A_190 = arith.muli %add3A_30, %mul3A_189 : i32
        %mul3A_191 = arith.constant 128 : i32
        %mul3A_192 = arith.muli %mul3A_190, %mul3A_191 : i32
        %multiple_of3A_193 = tpu.assume_multiple %mul3A_192, 128 : i32
        %add3A_194 = arith.constant 256 : i32
        %add3A_195 = arith.addi %multiple_of3A_193, %add3A_194 : i32
        %add3A_196 = arith.constant 0 : i32
        %add3A_197 = arith.addi %add3A_195, %add3A_196 : i32
        %get3A_198 = arith.index_cast %add3A_197 : i32 to index
        %get3A_199 = tpu.vector_load %arg6[%get3A_198] {strides = array<i32>} : memref<10000xi32, #tpu.memory_space<vmem>>, vector<16xi32>,
        %get3A_200 = vector.shape_cast %get3A_199 : vector<16xi32> to vector<16xi32>
        %swap3A_201 = arith.constant 0 : index
        %swap3A_202 = tpu.vector_load %arg13[%swap3A_201] {strides = array<i32>} : memref<128xi32, #tpu.memory_space<vmem>>, vector<16xi32>,
        %swap3A_203 = vector.shape_cast %swap3A_202 : vector<16xi32> to vector<16xi32>
        %swap3A_204 = vector.shape_cast %get3A_200 : vector<16xi32> to vector<16xi32>
        tpu.vector_store %arg13[%swap3A_201], %swap3A_204 {strides = array<i32>} : memref<128xi32, #tpu.memory_space<vmem>>, vector<16xi32>,
        %add3A_205 = arith.constant 16 : i32
        %add3A_206 = arith.addi %add3A_195, %add3A_205 : i32
        %get3A_207 = arith.index_cast %add3A_206 : i32 to index
        %get3A_208 = tpu.vector_load %arg6[%get3A_207] {strides = array<i32>} : memref<10000xi32, #tpu.memory_space<vmem>>, vector<16xi32>,
        %get3A_209 = vector.shape_cast %get3A_208 : vector<16xi32> to vector<16xi32>
        %swap3A_210 = arith.constant 16 : index
        %swap3A_211 = tpu.vector_load %arg13[%swap3A_210] {strides = array<i32>} : memref<128xi32, #tpu.memory_space<vmem>>, vector<16xi32>,
        %swap3A_212 = vector.shape_cast %swap3A_211 : vector<16xi32> to vector<16xi32>
        %swap3A_213 = vector.shape_cast %get3A_209 : vector<16xi32> to vector<16xi32>
        tpu.vector_store %arg13[%swap3A_210], %swap3A_213 {strides = array<i32>} : memref<128xi32, #tpu.memory_space<vmem>>, vector<16xi32>,
        %add3A_214 = arith.constant 32 : i32
        %add3A_215 = arith.addi %add3A_195, %add3A_214 : i32
        %get3A_216 = arith.index_cast %add3A_215 : i32 to index
        %get3A_217 = tpu.vector_load %arg6[%get3A_216] {strides = array<i32>} : memref<10000xi32, #tpu.memory_space<vmem>>, vector<16xi32>,
        %get3A_218 = vector.shape_cast %get3A_217 : vector<16xi32> to vector<16xi32>
        %swap3A_219 = arith.constant 32 : index
        %swap3A_220 = tpu.vector_load %arg13[%swap3A_219] {strides = array<i32>} : memref<128xi32, #tpu.memory_space<vmem>>, vector<16xi32>,
        %swap3A_221 = vector.shape_cast %swap3A_220 : vector<16xi32> to vector<16xi32>
        %swap3A_222 = vector.shape_cast %get3A_218 : vector<16xi32> to vector<16xi32>
        tpu.vector_store %arg13[%swap3A_219], %swap3A_222 {strides = array<i32>} : memref<128xi32, #tpu.memory_space<vmem>>, vector<16xi32>,
        %add3A_223 = arith.constant 48 : i32
        %add3A_224 = arith.addi %add3A_195, %add3A_223 : i32
        %get3A_225 = arith.index_cast %add3A_224 : i32 to index
        %get3A_226 = tpu.vector_load %arg6[%get3A_225] {strides = array<i32>} : memref<10000xi32, #tpu.memory_space<vmem>>, vector<16xi32>,
        %get3A_227 = vector.shape_cast %get3A_226 : vector<16xi32> to vector<16xi32>
        %swap3A_228 = arith.constant 48 : index
        %swap3A_229 = tpu.vector_load %arg13[%swap3A_228] {strides = array<i32>} : memref<128xi32, #tpu.memory_space<vmem>>, vector<16xi32>,
        %swap3A_230 = vector.shape_cast %swap3A_229 : vector<16xi32> to vector<16xi32>
        %swap3A_231 = vector.shape_cast %get3A_227 : vector<16xi32> to vector<16xi32>
        tpu.vector_store %arg13[%swap3A_228], %swap3A_231 {strides = array<i32>} : memref<128xi32, #tpu.memory_space<vmem>>, vector<16xi32>,
        %add3A_232 = arith.constant 64 : i32
        %add3A_233 = arith.addi %add3A_195, %add3A_232 : i32
        %get3A_234 = arith.index_cast %add3A_233 : i32 to index
        %get3A_235 = tpu.vector_load %arg6[%get3A_234] {strides = array<i32>} : memref<10000xi32, #tpu.memory_space<vmem>>, vector<16xi32>,
        %get3A_236 = vector.shape_cast %get3A_235 : vector<16xi32> to vector<16xi32>
        %swap3A_237 = arith.constant 64 : index
        %swap3A_238 = tpu.vector_load %arg13[%swap3A_237] {strides = array<i32>} : memref<128xi32, #tpu.memory_space<vmem>>, vector<16xi32>,
        %swap3A_239 = vector.shape_cast %swap3A_238 : vector<16xi32> to vector<16xi32>
        %swap3A_240 = vector.shape_cast %get3A_236 : vector<16xi32> to vector<16xi32>
        tpu.vector_store %arg13[%swap3A_237], %swap3A_240 {strides = array<i32>} : memref<128xi32, #tpu.memory_space<vmem>>, vector<16xi32>,
        %add3A_241 = arith.constant 80 : i32
        %add3A_242 = arith.addi %add3A_195, %add3A_241 : i32
        %get3A_243 = arith.index_cast %add3A_242 : i32 to index
        %get3A_244 = tpu.vector_load %arg6[%get3A_243] {strides = array<i32>} : memref<10000xi32, #tpu.memory_space<vmem>>, vector<16xi32>,
        %get3A_245 = vector.shape_cast %get3A_244 : vector<16xi32> to vector<16xi32>
        %swap3A_246 = arith.constant 80 : index
        %swap3A_247 = tpu.vector_load %arg13[%swap3A_246] {strides = array<i32>} : memref<128xi32, #tpu.memory_space<vmem>>, vector<16xi32>,
        %swap3A_248 = vector.shape_cast %swap3A_247 : vector<16xi32> to vector<16xi32>
        %swap3A_249 = vector.shape_cast %get3A_245 : vector<16xi32> to vector<16xi32>
        tpu.vector_store %arg13[%swap3A_246], %swap3A_249 {strides = array<i32>} : memref<128xi32, #tpu.memory_space<vmem>>, vector<16xi32>,
        %add3A_250 = arith.constant 96 : i32
        %add3A_251 = arith.addi %add3A_195, %add3A_250 : i32
        %get3A_252 = arith.index_cast %add3A_251 : i32 to index
        %get3A_253 = tpu.vector_load %arg6[%get3A_252] {strides = array<i32>} : memref<10000xi32, #tpu.memory_space<vmem>>, vector<16xi32>,
        %get3A_254 = vector.shape_cast %get3A_253 : vector<16xi32> to vector<16xi32>
        %swap3A_255 = arith.constant 96 : index
        %swap3A_256 = tpu.vector_load %arg13[%swap3A_255] {strides = array<i32>} : memref<128xi32, #tpu.memory_space<vmem>>, vector<16xi32>,
        %swap3A_257 = vector.shape_cast %swap3A_256 : vector<16xi32> to vector<16xi32>
        %swap3A_258 = vector.shape_cast %get3A_254 : vector<16xi32> to vector<16xi32>
        tpu.vector_store %arg13[%swap3A_255], %swap3A_258 {strides = array<i32>} : memref<128xi32, #tpu.memory_space<vmem>>, vector<16xi32>,
        %add3A_259 = arith.constant 112 : i32
        %add3A_260 = arith.addi %add3A_195, %add3A_259 : i32
        %get3A_261 = arith.index_cast %add3A_260 : i32 to index
        %get3A_262 = tpu.vector_load %arg6[%get3A_261] {strides = array<i32>} : memref<10000xi32, #tpu.memory_space<vmem>>, vector<16xi32>,
        %get3A_263 = vector.shape_cast %get3A_262 : vector<16xi32> to vector<16xi32>
        %swap3A_264 = arith.constant 112 : index
        %swap3A_265 = tpu.vector_load %arg13[%swap3A_264] {strides = array<i32>} : memref<128xi32, #tpu.memory_space<vmem>>, vector<16xi32>,
        %swap3A_266 = vector.shape_cast %swap3A_265 : vector<16xi32> to vector<16xi32>
        %swap3A_267 = vector.shape_cast %get3A_263 : vector<16xi32> to vector<16xi32>
        tpu.vector_store %arg13[%swap3A_264], %swap3A_267 {strides = array<i32>} : memref<128xi32, #tpu.memory_space<vmem>>, vector<16xi32>,
        %dma_start3A_268 = arith.constant 0 : i32
        %dma_start3A_269 = tpu.memref_slice %arg10[%dma_start3A_268] : memref<10240xf32, #tpu.memory_space<vmem_shared>> -> memref<10240xf32, #tpu.memory_space<vmem_shared>>
        tpu.enqueue_indirect_dma source(%arg8 : memref<128xf32, #tpu.memory_space<vmem>>) target(%dma_start3A_269 : memref<10240xf32, #tpu.memory_space<vmem_shared>>) offsets(%arg13 : memref<128xi32, #tpu.memory_space<vmem>>) semaphore(%arg16 : memref<!tpu.dma_semaphore, #tpu.memory_space<semaphore_mem>>) {add = true}
        %dma_wait3A = arith.constant 0 : i32
        %dma_wait3A_270 = tpu.memref_slice %arg10[%dma_wait3A] : memref<10240xf32, #tpu.memory_space<vmem_shared>> -> memref<10240xf32, #tpu.memory_space<vmem_shared>>
        tpu.wait_indirect_dma semaphore(%arg14 : memref<!tpu.dma_semaphore, #tpu.memory_space<semaphore_mem>>) src(%arg8 : memref<128xf32, #tpu.memory_space<vmem>>) dst(%dma_wait3A_270 : memref<10240xf32, #tpu.memory_space<vmem_shared>>)
        %dma_wait3A_271 = arith.constant 0 : i32
        %dma_wait3A_272 = tpu.memref_slice %arg10[%dma_wait3A_271] : memref<10240xf32, #tpu.memory_space<vmem_shared>> -> memref<10240xf32, #tpu.memory_space<vmem_shared>>
        tpu.wait_indirect_dma semaphore(%arg15 : memref<!tpu.dma_semaphore, #tpu.memory_space<semaphore_mem>>) src(%arg8 : memref<128xf32, #tpu.memory_space<vmem>>) dst(%dma_wait3A_272 : memref<10240xf32, #tpu.memory_space<vmem_shared>>)
        %dma_wait3A_273 = arith.constant 0 : i32
        %dma_wait3A_274 = tpu.memref_slice %arg10[%dma_wait3A_273] : memref<10240xf32, #tpu.memory_space<vmem_shared>> -> memref<10240xf32, #tpu.memory_space<vmem_shared>>
        tpu.wait_indirect_dma semaphore(%arg16 : memref<!tpu.dma_semaphore, #tpu.memory_space<semaphore_mem>>) src(%arg8 : memref<128xf32, #tpu.memory_space<vmem>>) dst(%dma_wait3A_274 : memref<10240xf32, #tpu.memory_space<vmem_shared>>)
      }
      %scan3A_23 = arith.constant 26 : i32
      %add3A = arith.constant 9984 : i32
      %add3A_24 = arith.addi %mul3A_11, %add3A : i32
      "tpu.region"() ({
        %run_scoped3A = tpu.sem_alloc : memref<!tpu.dma_semaphore, #tpu.memory_space<semaphore_mem>>
        %dma_start3A = tpu.memref_slice %arg2[%add3A_24] : memref<160000xi32, #tpu.memory_space<hbm>> -> memref<16xi32, #tpu.memory_space<hbm>>
        %dma_start3A_26 = tpu.memref_slice %arg2[%add3A_24] : memref<160000xi32, #tpu.memory_space<hbm>> -> memref<16xi32, #tpu.memory_space<hbm>>
        tpu.enqueue_dma source(%dma_start3A_26 : memref<16xi32, #tpu.memory_space<hbm>>) target(%arg7 : memref<16xi32, #tpu.memory_space<vmem>>) target_semaphore(%run_scoped3A : memref<!tpu.dma_semaphore, #tpu.memory_space<semaphore_mem>>)
        %dma_wait3A = tpu.memref_slice %arg2[%add3A_24] : memref<160000xi32, #tpu.memory_space<hbm>> -> memref<16xi32, #tpu.memory_space<hbm>>
        %dma_wait3A_27 = tpu.memref_slice %arg2[%add3A_24] : memref<160000xi32, #tpu.memory_space<hbm>> -> memref<16xi32, #tpu.memory_space<hbm>>
        tpu.wait_dma2 semaphore(%run_scoped3A : memref<!tpu.dma_semaphore, #tpu.memory_space<semaphore_mem>>) src(%dma_wait3A_27 : memref<16xi32, #tpu.memory_space<hbm>>) dst(%arg7 : memref<16xi32, #tpu.memory_space<vmem>>)
        tpu.yield
      }) : () -> ()
      "tpu.region"() ({
        %run_scoped3A = tpu.sem_alloc : memref<!tpu.dma_semaphore, #tpu.memory_space<semaphore_mem>>
        %dma_start3A = arith.constant 0 : i32
        %dma_start3A_26 = tpu.memref_slice %arg8[%dma_start3A] : memref<128xf32, #tpu.memory_space<vmem>> -> memref<16xf32, #tpu.memory_space<vmem>>
        %dma_start3A_27 = arith.constant 0 : i32
        %dma_start3A_28 = tpu.memref_slice %arg10[%dma_start3A_27] : memref<10240xf32, #tpu.memory_space<vmem_shared>> -> memref<10240xf32, #tpu.memory_space<vmem_shared>>
        tpu.enqueue_indirect_dma source(%dma_start3A_26 : memref<16xf32, #tpu.memory_space<vmem>>) target(%dma_start3A_28 : memref<10240xf32, #tpu.memory_space<vmem_shared>>) offsets(%arg7 : memref<16xi32, #tpu.memory_space<vmem>>) semaphore(%run_scoped3A : memref<!tpu.dma_semaphore, #tpu.memory_space<semaphore_mem>>) {add = true}
        %dma_wait3A = arith.constant 0 : i32
        %dma_wait3A_29 = tpu.memref_slice %arg8[%dma_wait3A] : memref<128xf32, #tpu.memory_space<vmem>> -> memref<16xf32, #tpu.memory_space<vmem>>
        %dma_wait3A_30 = arith.constant 0 : i32
        %dma_wait3A_31 = tpu.memref_slice %arg10[%dma_wait3A_30] : memref<10240xf32, #tpu.memory_space<vmem_shared>> -> memref<10240xf32, #tpu.memory_space<vmem_shared>>
        tpu.wait_indirect_dma semaphore(%run_scoped3A : memref<!tpu.dma_semaphore, #tpu.memory_space<semaphore_mem>>) src(%dma_wait3A_29 : memref<16xf32, #tpu.memory_space<vmem>>) dst(%dma_wait3A_31 : memref<10240xf32, #tpu.memory_space<vmem_shared>>)
        tpu.yield
      }) : () -> ()
      %barrier3A_25 = arith.constant 0 : index
      tpu.barrier barrier_id(%barrier3A_25)
      "tpu.region"() ({
        %run_scoped3A = tpu.sem_alloc : memref<!tpu.dma_semaphore, #tpu.memory_space<semaphore_mem>>
        %dma_start3A = tpu.memref_slice %arg4[%mul3A_9] : memref<10240xf32, #tpu.memory_space<hbm>> -> memref<640xf32, #tpu.memory_space<hbm>>
        %dma_start3A_26 = tpu.memref_slice %arg10[%mul3A_9] : memref<10240xf32, #tpu.memory_space<vmem_shared>> -> memref<640xf32, #tpu.memory_space<vmem_shared>>
        tpu.enqueue_dma source(%dma_start3A_26 : memref<640xf32, #tpu.memory_space<vmem_shared>>) target(%dma_start3A : memref<640xf32, #tpu.memory_space<hbm>>) target_semaphore(%run_scoped3A : memref<!tpu.dma_semaphore, #tpu.memory_space<semaphore_mem>>)
        %dma_wait3A = tpu.memref_slice %arg4[%mul3A_9] : memref<10240xf32, #tpu.memory_space<hbm>> -> memref<640xf32, #tpu.memory_space<hbm>>
        %dma_wait3A_27 = tpu.memref_slice %arg10[%mul3A_9] : memref<10240xf32, #tpu.memory_space<vmem_shared>> -> memref<640xf32, #tpu.memory_space<vmem_shared>>
        tpu.wait_dma2 semaphore(%run_scoped3A : memref<!tpu.dma_semaphore, #tpu.memory_space<semaphore_mem>>) src(%dma_wait3A_27 : memref<640xf32, #tpu.memory_space<vmem_shared>>) dst(%dma_wait3A : memref<640xf32, #tpu.memory_space<hbm>>)
        tpu.yield
      }) : () -> ()
    } else {
    }
    %eq3A_14 = arith.constant 1 : i32
    %eq3A_15 = arith.cmpi eq, %arg0, %eq3A_14 : i32
    %convert_element_type3A_16 = arith.extui %eq3A_15 : i1 to i32
    %cond3A_17 = arith.constant 0 : i32
    %cond3A_18 = arith.cmpi ne, %convert_element_type3A_16, %cond3A_17 : i32
    scf.if %cond3A_18 {
      "tpu.region"() ({
        %run_scoped3A = tpu.sem_alloc : memref<!tpu.dma_semaphore, #tpu.memory_space<semaphore_mem>>
        %dma_start3A = tpu.memref_slice %arg10[%mul3A_9] : memref<10240xf32, #tpu.memory_space<vmem_shared>> -> memref<640xf32, #tpu.memory_space<vmem_shared>>
        %dma_start3A_26 = tpu.memref_slice %arg10[%mul3A_9] : memref<10240xf32, #tpu.memory_space<vmem_shared>> -> memref<640xf32, #tpu.memory_space<vmem_shared>>
        tpu.enqueue_dma source(%arg9 : memref<640xf32, #tpu.memory_space<vmem>>) target(%dma_start3A_26 : memref<640xf32, #tpu.memory_space<vmem_shared>>) target_semaphore(%run_scoped3A : memref<!tpu.dma_semaphore, #tpu.memory_space<semaphore_mem>>)
        %dma_wait3A = tpu.memref_slice %arg10[%mul3A_9] : memref<10240xf32, #tpu.memory_space<vmem_shared>> -> memref<640xf32, #tpu.memory_space<vmem_shared>>
        %dma_wait3A_27 = tpu.memref_slice %arg10[%mul3A_9] : memref<10240xf32, #tpu.memory_space<vmem_shared>> -> memref<640xf32, #tpu.memory_space<vmem_shared>>
        tpu.wait_dma2 semaphore(%run_scoped3A : memref<!tpu.dma_semaphore, #tpu.memory_space<semaphore_mem>>) src(%arg9 : memref<640xf32, #tpu.memory_space<vmem>>) dst(%dma_wait3A_27 : memref<640xf32, #tpu.memory_space<vmem_shared>>)
        tpu.yield
      }) : () -> ()
      "tpu.region"() ({
        %run_scoped3A = tpu.sem_alloc : memref<!tpu.dma_semaphore, #tpu.memory_space<semaphore_mem>>
        %dma_start3A = tpu.memref_slice %arg3[%mul3A_11] : memref<160000xi32, #tpu.memory_space<hbm>> -> memref<10000xi32, #tpu.memory_space<hbm>>
        %dma_start3A_26 = tpu.memref_slice %arg3[%mul3A_11] : memref<160000xi32, #tpu.memory_space<hbm>> -> memref<10000xi32, #tpu.memory_space<hbm>>
        tpu.enqueue_dma source(%dma_start3A_26 : memref<10000xi32, #tpu.memory_space<hbm>>) target(%arg6 : memref<10000xi32, #tpu.memory_space<vmem>>) target_semaphore(%run_scoped3A : memref<!tpu.dma_semaphore, #tpu.memory_space<semaphore_mem>>)
        %dma_wait3A = tpu.memref_slice %arg3[%mul3A_11] : memref<160000xi32, #tpu.memory_space<hbm>> -> memref<10000xi32, #tpu.memory_space<hbm>>
        %dma_wait3A_27 = tpu.memref_slice %arg3[%mul3A_11] : memref<160000xi32, #tpu.memory_space<hbm>> -> memref<10000xi32, #tpu.memory_space<hbm>>
        tpu.wait_dma2 semaphore(%run_scoped3A : memref<!tpu.dma_semaphore, #tpu.memory_space<semaphore_mem>>) src(%dma_wait3A_27 : memref<10000xi32, #tpu.memory_space<hbm>>) dst(%arg6 : memref<10000xi32, #tpu.memory_space<vmem>>)
        tpu.yield
      }) : () -> ()
      %barrier3A = arith.constant 0 : index
      tpu.barrier barrier_id(%barrier3A)
      %scan3A_19 = arith.constant 0 : i32
      %scan3A_20 = arith.constant 26 : i32
      %scan3A_21 = arith.addi %scan3A_19, %scan3A_20 : i32
      %scan3A_22 = arith.constant 1 : i32
      scf.for %scan3A_26 = %scan3A_19 to %scan3A_21 step %scan3A_22  : i32 {
        %mul3A_27 = arith.constant 1 : i32
        %mul3A_28 = arith.muli %scan3A_26, %mul3A_27 : i32
        %add3A_29 = arith.constant 0 : i32
        %add3A_30 = arith.addi %add3A_29, %mul3A_28 : i32
        %mul3A_31 = arith.constant 3 : i32
        %mul3A_32 = arith.muli %add3A_30, %mul3A_31 : i32
        %mul3A_33 = arith.constant 128 : i32
        %mul3A_34 = arith.muli %mul3A_32, %mul3A_33 : i32
        %multiple_of3A = tpu.assume_multiple %mul3A_34, 128 : i32
        %add3A_35 = arith.constant 0 : i32
        %add3A_36 = arith.addi %multiple_of3A, %add3A_35 : i32
        %add3A_37 = arith.constant 0 : i32
        %add3A_38 = arith.addi %add3A_36, %add3A_37 : i32
        %get3A = arith.index_cast %add3A_38 : i32 to index
        %get3A_39 = tpu.vector_load %arg6[%get3A] {strides = array<i32>} : memref<10000xi32, #tpu.memory_space<vmem>>, vector<16xi32>,
        %get3A_40 = vector.shape_cast %get3A_39 : vector<16xi32> to vector<16xi32>
        %swap3A = arith.constant 0 : index
        %swap3A_41 = tpu.vector_load %arg11[%swap3A] {strides = array<i32>} : memref<128xi32, #tpu.memory_space<vmem>>, vector<16xi32>,
        %swap3A_42 = vector.shape_cast %swap3A_41 : vector<16xi32> to vector<16xi32>
        %swap3A_43 = vector.shape_cast %get3A_40 : vector<16xi32> to vector<16xi32>
        tpu.vector_store %arg11[%swap3A], %swap3A_43 {strides = array<i32>} : memref<128xi32, #tpu.memory_space<vmem>>, vector<16xi32>,
        %add3A_44 = arith.constant 16 : i32
        %add3A_45 = arith.addi %add3A_36, %add3A_44 : i32
        %get3A_46 = arith.index_cast %add3A_45 : i32 to index
        %get3A_47 = tpu.vector_load %arg6[%get3A_46] {strides = array<i32>} : memref<10000xi32, #tpu.memory_space<vmem>>, vector<16xi32>,
        %get3A_48 = vector.shape_cast %get3A_47 : vector<16xi32> to vector<16xi32>
        %swap3A_49 = arith.constant 16 : index
        %swap3A_50 = tpu.vector_load %arg11[%swap3A_49] {strides = array<i32>} : memref<128xi32, #tpu.memory_space<vmem>>, vector<16xi32>,
        %swap3A_51 = vector.shape_cast %swap3A_50 : vector<16xi32> to vector<16xi32>
        %swap3A_52 = vector.shape_cast %get3A_48 : vector<16xi32> to vector<16xi32>
        tpu.vector_store %arg11[%swap3A_49], %swap3A_52 {strides = array<i32>} : memref<128xi32, #tpu.memory_space<vmem>>, vector<16xi32>,
        %add3A_53 = arith.constant 32 : i32
        %add3A_54 = arith.addi %add3A_36, %add3A_53 : i32
        %get3A_55 = arith.index_cast %add3A_54 : i32 to index
        %get3A_56 = tpu.vector_load %arg6[%get3A_55] {strides = array<i32>} : memref<10000xi32, #tpu.memory_space<vmem>>, vector<16xi32>,
        %get3A_57 = vector.shape_cast %get3A_56 : vector<16xi32> to vector<16xi32>
        %swap3A_58 = arith.constant 32 : index
        %swap3A_59 = tpu.vector_load %arg11[%swap3A_58] {strides = array<i32>} : memref<128xi32, #tpu.memory_space<vmem>>, vector<16xi32>,
        %swap3A_60 = vector.shape_cast %swap3A_59 : vector<16xi32> to vector<16xi32>
        %swap3A_61 = vector.shape_cast %get3A_57 : vector<16xi32> to vector<16xi32>
        tpu.vector_store %arg11[%swap3A_58], %swap3A_61 {strides = array<i32>} : memref<128xi32, #tpu.memory_space<vmem>>, vector<16xi32>,
        %add3A_62 = arith.constant 48 : i32
        %add3A_63 = arith.addi %add3A_36, %add3A_62 : i32
        %get3A_64 = arith.index_cast %add3A_63 : i32 to index
        %get3A_65 = tpu.vector_load %arg6[%get3A_64] {strides = array<i32>} : memref<10000xi32, #tpu.memory_space<vmem>>, vector<16xi32>,
        %get3A_66 = vector.shape_cast %get3A_65 : vector<16xi32> to vector<16xi32>
        %swap3A_67 = arith.constant 48 : index
        %swap3A_68 = tpu.vector_load %arg11[%swap3A_67] {strides = array<i32>} : memref<128xi32, #tpu.memory_space<vmem>>, vector<16xi32>,
        %swap3A_69 = vector.shape_cast %swap3A_68 : vector<16xi32> to vector<16xi32>
        %swap3A_70 = vector.shape_cast %get3A_66 : vector<16xi32> to vector<16xi32>
        tpu.vector_store %arg11[%swap3A_67], %swap3A_70 {strides = array<i32>} : memref<128xi32, #tpu.memory_space<vmem>>, vector<16xi32>,
        %add3A_71 = arith.constant 64 : i32
        %add3A_72 = arith.addi %add3A_36, %add3A_71 : i32
        %get3A_73 = arith.index_cast %add3A_72 : i32 to index
        %get3A_74 = tpu.vector_load %arg6[%get3A_73] {strides = array<i32>} : memref<10000xi32, #tpu.memory_space<vmem>>, vector<16xi32>,
        %get3A_75 = vector.shape_cast %get3A_74 : vector<16xi32> to vector<16xi32>
        %swap3A_76 = arith.constant 64 : index
        %swap3A_77 = tpu.vector_load %arg11[%swap3A_76] {strides = array<i32>} : memref<128xi32, #tpu.memory_space<vmem>>, vector<16xi32>,
        %swap3A_78 = vector.shape_cast %swap3A_77 : vector<16xi32> to vector<16xi32>
        %swap3A_79 = vector.shape_cast %get3A_75 : vector<16xi32> to vector<16xi32>
        tpu.vector_store %arg11[%swap3A_76], %swap3A_79 {strides = array<i32>} : memref<128xi32, #tpu.memory_space<vmem>>, vector<16xi32>,
        %add3A_80 = arith.constant 80 : i32
        %add3A_81 = arith.addi %add3A_36, %add3A_80 : i32
        %get3A_82 = arith.index_cast %add3A_81 : i32 to index
        %get3A_83 = tpu.vector_load %arg6[%get3A_82] {strides = array<i32>} : memref<10000xi32, #tpu.memory_space<vmem>>, vector<16xi32>,
        %get3A_84 = vector.shape_cast %get3A_83 : vector<16xi32> to vector<16xi32>
        %swap3A_85 = arith.constant 80 : index
        %swap3A_86 = tpu.vector_load %arg11[%swap3A_85] {strides = array<i32>} : memref<128xi32, #tpu.memory_space<vmem>>, vector<16xi32>,
        %swap3A_87 = vector.shape_cast %swap3A_86 : vector<16xi32> to vector<16xi32>
        %swap3A_88 = vector.shape_cast %get3A_84 : vector<16xi32> to vector<16xi32>
        tpu.vector_store %arg11[%swap3A_85], %swap3A_88 {strides = array<i32>} : memref<128xi32, #tpu.memory_space<vmem>>, vector<16xi32>,
        %add3A_89 = arith.constant 96 : i32
        %add3A_90 = arith.addi %add3A_36, %add3A_89 : i32
        %get3A_91 = arith.index_cast %add3A_90 : i32 to index
        %get3A_92 = tpu.vector_load %arg6[%get3A_91] {strides = array<i32>} : memref<10000xi32, #tpu.memory_space<vmem>>, vector<16xi32>,
        %get3A_93 = vector.shape_cast %get3A_92 : vector<16xi32> to vector<16xi32>
        %swap3A_94 = arith.constant 96 : index
        %swap3A_95 = tpu.vector_load %arg11[%swap3A_94] {strides = array<i32>} : memref<128xi32, #tpu.memory_space<vmem>>, vector<16xi32>,
        %swap3A_96 = vector.shape_cast %swap3A_95 : vector<16xi32> to vector<16xi32>
        %swap3A_97 = vector.shape_cast %get3A_93 : vector<16xi32> to vector<16xi32>
        tpu.vector_store %arg11[%swap3A_94], %swap3A_97 {strides = array<i32>} : memref<128xi32, #tpu.memory_space<vmem>>, vector<16xi32>,
        %add3A_98 = arith.constant 112 : i32
        %add3A_99 = arith.addi %add3A_36, %add3A_98 : i32
        %get3A_100 = arith.index_cast %add3A_99 : i32 to index
        %get3A_101 = tpu.vector_load %arg6[%get3A_100] {strides = array<i32>} : memref<10000xi32, #tpu.memory_space<vmem>>, vector<16xi32>,
        %get3A_102 = vector.shape_cast %get3A_101 : vector<16xi32> to vector<16xi32>
        %swap3A_103 = arith.constant 112 : index
        %swap3A_104 = tpu.vector_load %arg11[%swap3A_103] {strides = array<i32>} : memref<128xi32, #tpu.memory_space<vmem>>, vector<16xi32>,
        %swap3A_105 = vector.shape_cast %swap3A_104 : vector<16xi32> to vector<16xi32>
        %swap3A_106 = vector.shape_cast %get3A_102 : vector<16xi32> to vector<16xi32>
        tpu.vector_store %arg11[%swap3A_103], %swap3A_106 {strides = array<i32>} : memref<128xi32, #tpu.memory_space<vmem>>, vector<16xi32>,
        %dma_start3A = arith.constant 0 : i32
        %dma_start3A_107 = tpu.memref_slice %arg10[%dma_start3A] : memref<10240xf32, #tpu.memory_space<vmem_shared>> -> memref<10240xf32, #tpu.memory_space<vmem_shared>>
        tpu.enqueue_indirect_dma source(%arg8 : memref<128xf32, #tpu.memory_space<vmem>>) target(%dma_start3A_107 : memref<10240xf32, #tpu.memory_space<vmem_shared>>) offsets(%arg11 : memref<128xi32, #tpu.memory_space<vmem>>) semaphore(%arg14 : memref<!tpu.dma_semaphore, #tpu.memory_space<semaphore_mem>>) {add = true}
        %mul3A_108 = arith.constant 3 : i32
        %mul3A_109 = arith.muli %add3A_30, %mul3A_108 : i32
        %mul3A_110 = arith.constant 128 : i32
        %mul3A_111 = arith.muli %mul3A_109, %mul3A_110 : i32
        %multiple_of3A_112 = tpu.assume_multiple %mul3A_111, 128 : i32
        %add3A_113 = arith.constant 128 : i32
        %add3A_114 = arith.addi %multiple_of3A_112, %add3A_113 : i32
        %add3A_115 = arith.constant 0 : i32
        %add3A_116 = arith.addi %add3A_114, %add3A_115 : i32
        %get3A_117 = arith.index_cast %add3A_116 : i32 to index
        %get3A_118 = tpu.vector_load %arg6[%get3A_117] {strides = array<i32>} : memref<10000xi32, #tpu.memory_space<vmem>>, vector<16xi32>,
        %get3A_119 = vector.shape_cast %get3A_118 : vector<16xi32> to vector<16xi32>
        %swap3A_120 = arith.constant 0 : index
        %swap3A_121 = tpu.vector_load %arg12[%swap3A_120] {strides = array<i32>} : memref<128xi32, #tpu.memory_space<vmem>>, vector<16xi32>,
        %swap3A_122 = vector.shape_cast %swap3A_121 : vector<16xi32> to vector<16xi32>
        %swap3A_123 = vector.shape_cast %get3A_119 : vector<16xi32> to vector<16xi32>
        tpu.vector_store %arg12[%swap3A_120], %swap3A_123 {strides = array<i32>} : memref<128xi32, #tpu.memory_space<vmem>>, vector<16xi32>,
        %add3A_124 = arith.constant 16 : i32
        %add3A_125 = arith.addi %add3A_114, %add3A_124 : i32
        %get3A_126 = arith.index_cast %add3A_125 : i32 to index
        %get3A_127 = tpu.vector_load %arg6[%get3A_126] {strides = array<i32>} : memref<10000xi32, #tpu.memory_space<vmem>>, vector<16xi32>,
        %get3A_128 = vector.shape_cast %get3A_127 : vector<16xi32> to vector<16xi32>
        %swap3A_129 = arith.constant 16 : index
        %swap3A_130 = tpu.vector_load %arg12[%swap3A_129] {strides = array<i32>} : memref<128xi32, #tpu.memory_space<vmem>>, vector<16xi32>,
        %swap3A_131 = vector.shape_cast %swap3A_130 : vector<16xi32> to vector<16xi32>
        %swap3A_132 = vector.shape_cast %get3A_128 : vector<16xi32> to vector<16xi32>
        tpu.vector_store %arg12[%swap3A_129], %swap3A_132 {strides = array<i32>} : memref<128xi32, #tpu.memory_space<vmem>>, vector<16xi32>,
        %add3A_133 = arith.constant 32 : i32
        %add3A_134 = arith.addi %add3A_114, %add3A_133 : i32
        %get3A_135 = arith.index_cast %add3A_134 : i32 to index
        %get3A_136 = tpu.vector_load %arg6[%get3A_135] {strides = array<i32>} : memref<10000xi32, #tpu.memory_space<vmem>>, vector<16xi32>,
        %get3A_137 = vector.shape_cast %get3A_136 : vector<16xi32> to vector<16xi32>
        %swap3A_138 = arith.constant 32 : index
        %swap3A_139 = tpu.vector_load %arg12[%swap3A_138] {strides = array<i32>} : memref<128xi32, #tpu.memory_space<vmem>>, vector<16xi32>,
        %swap3A_140 = vector.shape_cast %swap3A_139 : vector<16xi32> to vector<16xi32>
        %swap3A_141 = vector.shape_cast %get3A_137 : vector<16xi32> to vector<16xi32>
        tpu.vector_store %arg12[%swap3A_138], %swap3A_141 {strides = array<i32>} : memref<128xi32, #tpu.memory_space<vmem>>, vector<16xi32>,
        %add3A_142 = arith.constant 48 : i32
        %add3A_143 = arith.addi %add3A_114, %add3A_142 : i32
        %get3A_144 = arith.index_cast %add3A_143 : i32 to index
        %get3A_145 = tpu.vector_load %arg6[%get3A_144] {strides = array<i32>} : memref<10000xi32, #tpu.memory_space<vmem>>, vector<16xi32>,
        %get3A_146 = vector.shape_cast %get3A_145 : vector<16xi32> to vector<16xi32>
        %swap3A_147 = arith.constant 48 : index
        %swap3A_148 = tpu.vector_load %arg12[%swap3A_147] {strides = array<i32>} : memref<128xi32, #tpu.memory_space<vmem>>, vector<16xi32>,
        %swap3A_149 = vector.shape_cast %swap3A_148 : vector<16xi32> to vector<16xi32>
        %swap3A_150 = vector.shape_cast %get3A_146 : vector<16xi32> to vector<16xi32>
        tpu.vector_store %arg12[%swap3A_147], %swap3A_150 {strides = array<i32>} : memref<128xi32, #tpu.memory_space<vmem>>, vector<16xi32>,
        %add3A_151 = arith.constant 64 : i32
        %add3A_152 = arith.addi %add3A_114, %add3A_151 : i32
        %get3A_153 = arith.index_cast %add3A_152 : i32 to index
        %get3A_154 = tpu.vector_load %arg6[%get3A_153] {strides = array<i32>} : memref<10000xi32, #tpu.memory_space<vmem>>, vector<16xi32>,
        %get3A_155 = vector.shape_cast %get3A_154 : vector<16xi32> to vector<16xi32>
        %swap3A_156 = arith.constant 64 : index
        %swap3A_157 = tpu.vector_load %arg12[%swap3A_156] {strides = array<i32>} : memref<128xi32, #tpu.memory_space<vmem>>, vector<16xi32>,
        %swap3A_158 = vector.shape_cast %swap3A_157 : vector<16xi32> to vector<16xi32>
        %swap3A_159 = vector.shape_cast %get3A_155 : vector<16xi32> to vector<16xi32>
        tpu.vector_store %arg12[%swap3A_156], %swap3A_159 {strides = array<i32>} : memref<128xi32, #tpu.memory_space<vmem>>, vector<16xi32>,
        %add3A_160 = arith.constant 80 : i32
        %add3A_161 = arith.addi %add3A_114, %add3A_160 : i32
        %get3A_162 = arith.index_cast %add3A_161 : i32 to index
        %get3A_163 = tpu.vector_load %arg6[%get3A_162] {strides = array<i32>} : memref<10000xi32, #tpu.memory_space<vmem>>, vector<16xi32>,
        %get3A_164 = vector.shape_cast %get3A_163 : vector<16xi32> to vector<16xi32>
        %swap3A_165 = arith.constant 80 : index
        %swap3A_166 = tpu.vector_load %arg12[%swap3A_165] {strides = array<i32>} : memref<128xi32, #tpu.memory_space<vmem>>, vector<16xi32>,
        %swap3A_167 = vector.shape_cast %swap3A_166 : vector<16xi32> to vector<16xi32>
        %swap3A_168 = vector.shape_cast %get3A_164 : vector<16xi32> to vector<16xi32>
        tpu.vector_store %arg12[%swap3A_165], %swap3A_168 {strides = array<i32>} : memref<128xi32, #tpu.memory_space<vmem>>, vector<16xi32>,
        %add3A_169 = arith.constant 96 : i32
        %add3A_170 = arith.addi %add3A_114, %add3A_169 : i32
        %get3A_171 = arith.index_cast %add3A_170 : i32 to index
        %get3A_172 = tpu.vector_load %arg6[%get3A_171] {strides = array<i32>} : memref<10000xi32, #tpu.memory_space<vmem>>, vector<16xi32>,
        %get3A_173 = vector.shape_cast %get3A_172 : vector<16xi32> to vector<16xi32>
        %swap3A_174 = arith.constant 96 : index
        %swap3A_175 = tpu.vector_load %arg12[%swap3A_174] {strides = array<i32>} : memref<128xi32, #tpu.memory_space<vmem>>, vector<16xi32>,
        %swap3A_176 = vector.shape_cast %swap3A_175 : vector<16xi32> to vector<16xi32>
        %swap3A_177 = vector.shape_cast %get3A_173 : vector<16xi32> to vector<16xi32>
        tpu.vector_store %arg12[%swap3A_174], %swap3A_177 {strides = array<i32>} : memref<128xi32, #tpu.memory_space<vmem>>, vector<16xi32>,
        %add3A_178 = arith.constant 112 : i32
        %add3A_179 = arith.addi %add3A_114, %add3A_178 : i32
        %get3A_180 = arith.index_cast %add3A_179 : i32 to index
        %get3A_181 = tpu.vector_load %arg6[%get3A_180] {strides = array<i32>} : memref<10000xi32, #tpu.memory_space<vmem>>, vector<16xi32>,
        %get3A_182 = vector.shape_cast %get3A_181 : vector<16xi32> to vector<16xi32>
        %swap3A_183 = arith.constant 112 : index
        %swap3A_184 = tpu.vector_load %arg12[%swap3A_183] {strides = array<i32>} : memref<128xi32, #tpu.memory_space<vmem>>, vector<16xi32>,
        %swap3A_185 = vector.shape_cast %swap3A_184 : vector<16xi32> to vector<16xi32>
        %swap3A_186 = vector.shape_cast %get3A_182 : vector<16xi32> to vector<16xi32>
        tpu.vector_store %arg12[%swap3A_183], %swap3A_186 {strides = array<i32>} : memref<128xi32, #tpu.memory_space<vmem>>, vector<16xi32>,
        %dma_start3A_187 = arith.constant 0 : i32
        %dma_start3A_188 = tpu.memref_slice %arg10[%dma_start3A_187] : memref<10240xf32, #tpu.memory_space<vmem_shared>> -> memref<10240xf32, #tpu.memory_space<vmem_shared>>
        tpu.enqueue_indirect_dma source(%arg8 : memref<128xf32, #tpu.memory_space<vmem>>) target(%dma_start3A_188 : memref<10240xf32, #tpu.memory_space<vmem_shared>>) offsets(%arg12 : memref<128xi32, #tpu.memory_space<vmem>>) semaphore(%arg15 : memref<!tpu.dma_semaphore, #tpu.memory_space<semaphore_mem>>) {add = true}
        %mul3A_189 = arith.constant 3 : i32
        %mul3A_190 = arith.muli %add3A_30, %mul3A_189 : i32
        %mul3A_191 = arith.constant 128 : i32
        %mul3A_192 = arith.muli %mul3A_190, %mul3A_191 : i32
        %multiple_of3A_193 = tpu.assume_multiple %mul3A_192, 128 : i32
        %add3A_194 = arith.constant 256 : i32
        %add3A_195 = arith.addi %multiple_of3A_193, %add3A_194 : i32
        %add3A_196 = arith.constant 0 : i32
        %add3A_197 = arith.addi %add3A_195, %add3A_196 : i32
        %get3A_198 = arith.index_cast %add3A_197 : i32 to index
        %get3A_199 = tpu.vector_load %arg6[%get3A_198] {strides = array<i32>} : memref<10000xi32, #tpu.memory_space<vmem>>, vector<16xi32>,
        %get3A_200 = vector.shape_cast %get3A_199 : vector<16xi32> to vector<16xi32>
        %swap3A_201 = arith.constant 0 : index
        %swap3A_202 = tpu.vector_load %arg13[%swap3A_201] {strides = array<i32>} : memref<128xi32, #tpu.memory_space<vmem>>, vector<16xi32>,
        %swap3A_203 = vector.shape_cast %swap3A_202 : vector<16xi32> to vector<16xi32>
        %swap3A_204 = vector.shape_cast %get3A_200 : vector<16xi32> to vector<16xi32>
        tpu.vector_store %arg13[%swap3A_201], %swap3A_204 {strides = array<i32>} : memref<128xi32, #tpu.memory_space<vmem>>, vector<16xi32>,
        %add3A_205 = arith.constant 16 : i32
        %add3A_206 = arith.addi %add3A_195, %add3A_205 : i32
        %get3A_207 = arith.index_cast %add3A_206 : i32 to index
        %get3A_208 = tpu.vector_load %arg6[%get3A_207] {strides = array<i32>} : memref<10000xi32, #tpu.memory_space<vmem>>, vector<16xi32>,
        %get3A_209 = vector.shape_cast %get3A_208 : vector<16xi32> to vector<16xi32>
        %swap3A_210 = arith.constant 16 : index
        %swap3A_211 = tpu.vector_load %arg13[%swap3A_210] {strides = array<i32>} : memref<128xi32, #tpu.memory_space<vmem>>, vector<16xi32>,
        %swap3A_212 = vector.shape_cast %swap3A_211 : vector<16xi32> to vector<16xi32>
        %swap3A_213 = vector.shape_cast %get3A_209 : vector<16xi32> to vector<16xi32>
        tpu.vector_store %arg13[%swap3A_210], %swap3A_213 {strides = array<i32>} : memref<128xi32, #tpu.memory_space<vmem>>, vector<16xi32>,
        %add3A_214 = arith.constant 32 : i32
        %add3A_215 = arith.addi %add3A_195, %add3A_214 : i32
        %get3A_216 = arith.index_cast %add3A_215 : i32 to index
        %get3A_217 = tpu.vector_load %arg6[%get3A_216] {strides = array<i32>} : memref<10000xi32, #tpu.memory_space<vmem>>, vector<16xi32>,
        %get3A_218 = vector.shape_cast %get3A_217 : vector<16xi32> to vector<16xi32>
        %swap3A_219 = arith.constant 32 : index
        %swap3A_220 = tpu.vector_load %arg13[%swap3A_219] {strides = array<i32>} : memref<128xi32, #tpu.memory_space<vmem>>, vector<16xi32>,
        %swap3A_221 = vector.shape_cast %swap3A_220 : vector<16xi32> to vector<16xi32>
        %swap3A_222 = vector.shape_cast %get3A_218 : vector<16xi32> to vector<16xi32>
        tpu.vector_store %arg13[%swap3A_219], %swap3A_222 {strides = array<i32>} : memref<128xi32, #tpu.memory_space<vmem>>, vector<16xi32>,
        %add3A_223 = arith.constant 48 : i32
        %add3A_224 = arith.addi %add3A_195, %add3A_223 : i32
        %get3A_225 = arith.index_cast %add3A_224 : i32 to index
        %get3A_226 = tpu.vector_load %arg6[%get3A_225] {strides = array<i32>} : memref<10000xi32, #tpu.memory_space<vmem>>, vector<16xi32>,
        %get3A_227 = vector.shape_cast %get3A_226 : vector<16xi32> to vector<16xi32>
        %swap3A_228 = arith.constant 48 : index
        %swap3A_229 = tpu.vector_load %arg13[%swap3A_228] {strides = array<i32>} : memref<128xi32, #tpu.memory_space<vmem>>, vector<16xi32>,
        %swap3A_230 = vector.shape_cast %swap3A_229 : vector<16xi32> to vector<16xi32>
        %swap3A_231 = vector.shape_cast %get3A_227 : vector<16xi32> to vector<16xi32>
        tpu.vector_store %arg13[%swap3A_228], %swap3A_231 {strides = array<i32>} : memref<128xi32, #tpu.memory_space<vmem>>, vector<16xi32>,
        %add3A_232 = arith.constant 64 : i32
        %add3A_233 = arith.addi %add3A_195, %add3A_232 : i32
        %get3A_234 = arith.index_cast %add3A_233 : i32 to index
        %get3A_235 = tpu.vector_load %arg6[%get3A_234] {strides = array<i32>} : memref<10000xi32, #tpu.memory_space<vmem>>, vector<16xi32>,
        %get3A_236 = vector.shape_cast %get3A_235 : vector<16xi32> to vector<16xi32>
        %swap3A_237 = arith.constant 64 : index
        %swap3A_238 = tpu.vector_load %arg13[%swap3A_237] {strides = array<i32>} : memref<128xi32, #tpu.memory_space<vmem>>, vector<16xi32>,
        %swap3A_239 = vector.shape_cast %swap3A_238 : vector<16xi32> to vector<16xi32>
        %swap3A_240 = vector.shape_cast %get3A_236 : vector<16xi32> to vector<16xi32>
        tpu.vector_store %arg13[%swap3A_237], %swap3A_240 {strides = array<i32>} : memref<128xi32, #tpu.memory_space<vmem>>, vector<16xi32>,
        %add3A_241 = arith.constant 80 : i32
        %add3A_242 = arith.addi %add3A_195, %add3A_241 : i32
        %get3A_243 = arith.index_cast %add3A_242 : i32 to index
        %get3A_244 = tpu.vector_load %arg6[%get3A_243] {strides = array<i32>} : memref<10000xi32, #tpu.memory_space<vmem>>, vector<16xi32>,
        %get3A_245 = vector.shape_cast %get3A_244 : vector<16xi32> to vector<16xi32>
        %swap3A_246 = arith.constant 80 : index
        %swap3A_247 = tpu.vector_load %arg13[%swap3A_246] {strides = array<i32>} : memref<128xi32, #tpu.memory_space<vmem>>, vector<16xi32>,
        %swap3A_248 = vector.shape_cast %swap3A_247 : vector<16xi32> to vector<16xi32>
        %swap3A_249 = vector.shape_cast %get3A_245 : vector<16xi32> to vector<16xi32>
        tpu.vector_store %arg13[%swap3A_246], %swap3A_249 {strides = array<i32>} : memref<128xi32, #tpu.memory_space<vmem>>, vector<16xi32>,
        %add3A_250 = arith.constant 96 : i32
        %add3A_251 = arith.addi %add3A_195, %add3A_250 : i32
        %get3A_252 = arith.index_cast %add3A_251 : i32 to index
        %get3A_253 = tpu.vector_load %arg6[%get3A_252] {strides = array<i32>} : memref<10000xi32, #tpu.memory_space<vmem>>, vector<16xi32>,
        %get3A_254 = vector.shape_cast %get3A_253 : vector<16xi32> to vector<16xi32>
        %swap3A_255 = arith.constant 96 : index
        %swap3A_256 = tpu.vector_load %arg13[%swap3A_255] {strides = array<i32>} : memref<128xi32, #tpu.memory_space<vmem>>, vector<16xi32>,
        %swap3A_257 = vector.shape_cast %swap3A_256 : vector<16xi32> to vector<16xi32>
        %swap3A_258 = vector.shape_cast %get3A_254 : vector<16xi32> to vector<16xi32>
        tpu.vector_store %arg13[%swap3A_255], %swap3A_258 {strides = array<i32>} : memref<128xi32, #tpu.memory_space<vmem>>, vector<16xi32>,
        %add3A_259 = arith.constant 112 : i32
        %add3A_260 = arith.addi %add3A_195, %add3A_259 : i32
        %get3A_261 = arith.index_cast %add3A_260 : i32 to index
        %get3A_262 = tpu.vector_load %arg6[%get3A_261] {strides = array<i32>} : memref<10000xi32, #tpu.memory_space<vmem>>, vector<16xi32>,
        %get3A_263 = vector.shape_cast %get3A_262 : vector<16xi32> to vector<16xi32>
        %swap3A_264 = arith.constant 112 : index
        %swap3A_265 = tpu.vector_load %arg13[%swap3A_264] {strides = array<i32>} : memref<128xi32, #tpu.memory_space<vmem>>, vector<16xi32>,
        %swap3A_266 = vector.shape_cast %swap3A_265 : vector<16xi32> to vector<16xi32>
        %swap3A_267 = vector.shape_cast %get3A_263 : vector<16xi32> to vector<16xi32>
        tpu.vector_store %arg13[%swap3A_264], %swap3A_267 {strides = array<i32>} : memref<128xi32, #tpu.memory_space<vmem>>, vector<16xi32>,
        %dma_start3A_268 = arith.constant 0 : i32
        %dma_start3A_269 = tpu.memref_slice %arg10[%dma_start3A_268] : memref<10240xf32, #tpu.memory_space<vmem_shared>> -> memref<10240xf32, #tpu.memory_space<vmem_shared>>
        tpu.enqueue_indirect_dma source(%arg8 : memref<128xf32, #tpu.memory_space<vmem>>) target(%dma_start3A_269 : memref<10240xf32, #tpu.memory_space<vmem_shared>>) offsets(%arg13 : memref<128xi32, #tpu.memory_space<vmem>>) semaphore(%arg16 : memref<!tpu.dma_semaphore, #tpu.memory_space<semaphore_mem>>) {add = true}
        %dma_wait3A = arith.constant 0 : i32
        %dma_wait3A_270 = tpu.memref_slice %arg10[%dma_wait3A] : memref<10240xf32, #tpu.memory_space<vmem_shared>> -> memref<10240xf32, #tpu.memory_space<vmem_shared>>
        tpu.wait_indirect_dma semaphore(%arg14 : memref<!tpu.dma_semaphore, #tpu.memory_space<semaphore_mem>>) src(%arg8 : memref<128xf32, #tpu.memory_space<vmem>>) dst(%dma_wait3A_270 : memref<10240xf32, #tpu.memory_space<vmem_shared>>)
        %dma_wait3A_271 = arith.constant 0 : i32
        %dma_wait3A_272 = tpu.memref_slice %arg10[%dma_wait3A_271] : memref<10240xf32, #tpu.memory_space<vmem_shared>> -> memref<10240xf32, #tpu.memory_space<vmem_shared>>
        tpu.wait_indirect_dma semaphore(%arg15 : memref<!tpu.dma_semaphore, #tpu.memory_space<semaphore_mem>>) src(%arg8 : memref<128xf32, #tpu.memory_space<vmem>>) dst(%dma_wait3A_272 : memref<10240xf32, #tpu.memory_space<vmem_shared>>)
        %dma_wait3A_273 = arith.constant 0 : i32
        %dma_wait3A_274 = tpu.memref_slice %arg10[%dma_wait3A_273] : memref<10240xf32, #tpu.memory_space<vmem_shared>> -> memref<10240xf32, #tpu.memory_space<vmem_shared>>
        tpu.wait_indirect_dma semaphore(%arg16 : memref<!tpu.dma_semaphore, #tpu.memory_space<semaphore_mem>>) src(%arg8 : memref<128xf32, #tpu.memory_space<vmem>>) dst(%dma_wait3A_274 : memref<10240xf32, #tpu.memory_space<vmem_shared>>)
      }
      %scan3A_23 = arith.constant 26 : i32
      %add3A = arith.constant 9984 : i32
      %add3A_24 = arith.addi %mul3A_11, %add3A : i32
      "tpu.region"() ({
        %run_scoped3A = tpu.sem_alloc : memref<!tpu.dma_semaphore, #tpu.memory_space<semaphore_mem>>
        %dma_start3A = tpu.memref_slice %arg3[%add3A_24] : memref<160000xi32, #tpu.memory_space<hbm>> -> memref<16xi32, #tpu.memory_space<hbm>>
        %dma_start3A_26 = tpu.memref_slice %arg3[%add3A_24] : memref<160000xi32, #tpu.memory_space<hbm>> -> memref<16xi32, #tpu.memory_space<hbm>>
        tpu.enqueue_dma source(%dma_start3A_26 : memref<16xi32, #tpu.memory_space<hbm>>) target(%arg7 : memref<16xi32, #tpu.memory_space<vmem>>) target_semaphore(%run_scoped3A : memref<!tpu.dma_semaphore, #tpu.memory_space<semaphore_mem>>)
        %dma_wait3A = tpu.memref_slice %arg3[%add3A_24] : memref<160000xi32, #tpu.memory_space<hbm>> -> memref<16xi32, #tpu.memory_space<hbm>>
        %dma_wait3A_27 = tpu.memref_slice %arg3[%add3A_24] : memref<160000xi32, #tpu.memory_space<hbm>> -> memref<16xi32, #tpu.memory_space<hbm>>
        tpu.wait_dma2 semaphore(%run_scoped3A : memref<!tpu.dma_semaphore, #tpu.memory_space<semaphore_mem>>) src(%dma_wait3A_27 : memref<16xi32, #tpu.memory_space<hbm>>) dst(%arg7 : memref<16xi32, #tpu.memory_space<vmem>>)
        tpu.yield
      }) : () -> ()
      "tpu.region"() ({
        %run_scoped3A = tpu.sem_alloc : memref<!tpu.dma_semaphore, #tpu.memory_space<semaphore_mem>>
        %dma_start3A = arith.constant 0 : i32
        %dma_start3A_26 = tpu.memref_slice %arg8[%dma_start3A] : memref<128xf32, #tpu.memory_space<vmem>> -> memref<16xf32, #tpu.memory_space<vmem>>
        %dma_start3A_27 = arith.constant 0 : i32
        %dma_start3A_28 = tpu.memref_slice %arg10[%dma_start3A_27] : memref<10240xf32, #tpu.memory_space<vmem_shared>> -> memref<10240xf32, #tpu.memory_space<vmem_shared>>
        tpu.enqueue_indirect_dma source(%dma_start3A_26 : memref<16xf32, #tpu.memory_space<vmem>>) target(%dma_start3A_28 : memref<10240xf32, #tpu.memory_space<vmem_shared>>) offsets(%arg7 : memref<16xi32, #tpu.memory_space<vmem>>) semaphore(%run_scoped3A : memref<!tpu.dma_semaphore, #tpu.memory_space<semaphore_mem>>) {add = true}
        %dma_wait3A = arith.constant 0 : i32
        %dma_wait3A_29 = tpu.memref_slice %arg8[%dma_wait3A] : memref<128xf32, #tpu.memory_space<vmem>> -> memref<16xf32, #tpu.memory_space<vmem>>
        %dma_wait3A_30 = arith.constant 0 : i32
        %dma_wait3A_31 = tpu.memref_slice %arg10[%dma_wait3A_30] : memref<10240xf32, #tpu.memory_space<vmem_shared>> -> memref<10240xf32, #tpu.memory_space<vmem_shared>>
        tpu.wait_indirect_dma semaphore(%run_scoped3A : memref<!tpu.dma_semaphore, #tpu.memory_space<semaphore_mem>>) src(%dma_wait3A_29 : memref<16xf32, #tpu.memory_space<vmem>>) dst(%dma_wait3A_31 : memref<10240xf32, #tpu.memory_space<vmem_shared>>)
        tpu.yield
      }) : () -> ()
      %barrier3A_25 = arith.constant 0 : index
      tpu.barrier barrier_id(%barrier3A_25)
      "tpu.region"() ({
        %run_scoped3A = tpu.sem_alloc : memref<!tpu.dma_semaphore, #tpu.memory_space<semaphore_mem>>
        %dma_start3A = tpu.memref_slice %arg5[%mul3A_9] : memref<10240xf32, #tpu.memory_space<hbm>> -> memref<640xf32, #tpu.memory_space<hbm>>
        %dma_start3A_26 = tpu.memref_slice %arg10[%mul3A_9] : memref<10240xf32, #tpu.memory_space<vmem_shared>> -> memref<640xf32, #tpu.memory_space<vmem_shared>>
        tpu.enqueue_dma source(%dma_start3A_26 : memref<640xf32, #tpu.memory_space<vmem_shared>>) target(%dma_start3A : memref<640xf32, #tpu.memory_space<hbm>>) target_semaphore(%run_scoped3A : memref<!tpu.dma_semaphore, #tpu.memory_space<semaphore_mem>>)
        %dma_wait3A = tpu.memref_slice %arg5[%mul3A_9] : memref<10240xf32, #tpu.memory_space<hbm>> -> memref<640xf32, #tpu.memory_space<hbm>>
        %dma_wait3A_27 = tpu.memref_slice %arg10[%mul3A_9] : memref<10240xf32, #tpu.memory_space<vmem_shared>> -> memref<640xf32, #tpu.memory_space<vmem_shared>>
        tpu.wait_dma2 semaphore(%run_scoped3A : memref<!tpu.dma_semaphore, #tpu.memory_space<semaphore_mem>>) src(%dma_wait3A_27 : memref<640xf32, #tpu.memory_space<vmem_shared>>) dst(%dma_wait3A : memref<640xf32, #tpu.memory_space<hbm>>)
        tpu.yield
      }) : () -> ()
    } else {
    }
    return
  }
}

#map = affine_map<(d0, d1) -> (0, 0)>
#map1 = affine_map<(d0, d1) -> (0)>
module attributes {stable_mosaic.version = 14 : i64} {
  func.func @body(%arg0: i32, %arg1: i32, %arg2: memref<20000x128xf32, #tpu.memory_space<hbm>>, %arg3: memref<160000xi32, #tpu.memory_space<hbm>>, %arg4: memref<160000xi32, #tpu.memory_space<hbm>>, %arg5: memref<10240x128xf32, #tpu.memory_space<hbm>>, %arg6: memref<10240x128xf32, #tpu.memory_space<hbm>>, %arg7: memref<10000xi32, #tpu.memory_space<vmem>>, %arg8: memref<16xi32, #tpu.memory_space<vmem>>, %arg9: memref<16xi32, #tpu.memory_space<vmem>>, %arg10: memref<16xi32, #tpu.memory_space<vmem>>, %arg11: memref<10240x128xf32, #tpu.memory_space<vmem_shared>>, %arg12: memref<64x128xf32, #tpu.memory_space<vmem>>, %arg13: memref<64x128xf32, #tpu.memory_space<vmem>>, %arg14: memref<64x128xf32, #tpu.memory_space<vmem>>, %arg15: memref<64x128xf32, #tpu.memory_space<vmem>>, %arg16: memref<64xi32, #tpu.memory_space<vmem>>, %arg17: memref<64xi32, #tpu.memory_space<vmem>>, %arg18: memref<64xi32, #tpu.memory_space<vmem>>, %arg19: memref<64xi32, #tpu.memory_space<vmem>>, %arg20: memref<64xi32, #tpu.memory_space<vmem>>, %arg21: memref<64xi32, #tpu.memory_space<vmem>>, %arg22: memref<64xi32, #tpu.memory_space<vmem>>, %arg23: memref<64xi32, #tpu.memory_space<vmem>>, %arg24: memref<!tpu.dma_semaphore, #tpu.memory_space<semaphore_mem>>, %arg25: memref<!tpu.dma_semaphore, #tpu.memory_space<semaphore_mem>>, %arg26: memref<!tpu.dma_semaphore, #tpu.memory_space<semaphore_mem>>, %arg27: memref<!tpu.dma_semaphore, #tpu.memory_space<semaphore_mem>>, %arg28: memref<!tpu.dma_semaphore, #tpu.memory_space<semaphore_mem>>, %arg29: memref<!tpu.dma_semaphore, #tpu.memory_space<semaphore_mem>>, %arg30: memref<!tpu.dma_semaphore, #tpu.memory_space<semaphore_mem>>, %arg31: memref<!tpu.dma_semaphore, #tpu.memory_space<semaphore_mem>>, %arg32: memref<!tpu.dma_semaphore, #tpu.memory_space<semaphore_mem>>, %arg33: memref<!tpu.dma_semaphore, #tpu.memory_space<semaphore_mem>>, %arg34: memref<!tpu.dma_semaphore, #tpu.memory_space<semaphore_mem>>, %arg35: memref<!tpu.dma_semaphore, #tpu.memory_space<semaphore_mem>>) attributes {dimension_semantics = [#tpu.dimension_semantics<core_parallel>, #tpu.dimension_semantics<subcore_parallel>], iteration_bounds = array<i64: 2, 16>, scalar_prefetch = 0 : i64, scratch_operands = 29 : i64, tpu.core_type = #tpu.core_type<sc_vector_subcore>, window_params = [{transform_indices = #map}, {transform_indices = #map1}, {transform_indices = #map1}, {transform_indices = #map}, {transform_indices = #map}]} {
    %scan3A = arith.constant 0 : i32
    %scan3A_0 = arith.constant 64 : i32
    %scan3A_1 = arith.addi %scan3A, %scan3A_0 : i32
    %scan3A_2 = arith.constant 1 : i32
    scf.for %scan3A_60 = %scan3A to %scan3A_1 step %scan3A_2  : i32 {
      %mul3A_61 = arith.constant 1 : i32
      %mul3A_62 = arith.muli %scan3A_60, %mul3A_61 : i32
      %add3A_63 = arith.constant 0 : i32
      %add3A_64 = arith.addi %add3A_63, %mul3A_62 : i32
      %broadcast_in_dim3A = arith.constant 0.000000e+00 : f32
      %broadcast_in_dim3A_65 = vector.broadcast %broadcast_in_dim3A : f32 to vector<16xf32>
      %swap3A_66 = arith.index_cast %add3A_64 : i32 to index
      %swap3A_67 = arith.constant 0 : index
      %swap3A_68 = tpu.vector_load %arg12[%swap3A_66, %swap3A_67] {strides = array<i32>} : memref<64x128xf32, #tpu.memory_space<vmem>>, vector<1x16xf32>,
      %swap3A_69 = vector.shape_cast %swap3A_68 : vector<1x16xf32> to vector<16xf32>
      %swap3A_70 = vector.shape_cast %broadcast_in_dim3A_65 : vector<16xf32> to vector<1x16xf32>
      tpu.vector_store %arg12[%swap3A_66, %swap3A_67], %swap3A_70 {strides = array<i32>} : memref<64x128xf32, #tpu.memory_space<vmem>>, vector<1x16xf32>,
      %broadcast_in_dim3A_71 = arith.constant 0.000000e+00 : f32
      %broadcast_in_dim3A_72 = vector.broadcast %broadcast_in_dim3A_71 : f32 to vector<16xf32>
      %swap3A_73 = arith.index_cast %add3A_64 : i32 to index
      %swap3A_74 = arith.constant 16 : index
      %swap3A_75 = tpu.vector_load %arg12[%swap3A_73, %swap3A_74] {strides = array<i32>} : memref<64x128xf32, #tpu.memory_space<vmem>>, vector<1x16xf32>,
      %swap3A_76 = vector.shape_cast %swap3A_75 : vector<1x16xf32> to vector<16xf32>
      %swap3A_77 = vector.shape_cast %broadcast_in_dim3A_72 : vector<16xf32> to vector<1x16xf32>
      tpu.vector_store %arg12[%swap3A_73, %swap3A_74], %swap3A_77 {strides = array<i32>} : memref<64x128xf32, #tpu.memory_space<vmem>>, vector<1x16xf32>,
      %broadcast_in_dim3A_78 = arith.constant 0.000000e+00 : f32
      %broadcast_in_dim3A_79 = vector.broadcast %broadcast_in_dim3A_78 : f32 to vector<16xf32>
      %swap3A_80 = arith.index_cast %add3A_64 : i32 to index
      %swap3A_81 = arith.constant 32 : index
      %swap3A_82 = tpu.vector_load %arg12[%swap3A_80, %swap3A_81] {strides = array<i32>} : memref<64x128xf32, #tpu.memory_space<vmem>>, vector<1x16xf32>,
      %swap3A_83 = vector.shape_cast %swap3A_82 : vector<1x16xf32> to vector<16xf32>
      %swap3A_84 = vector.shape_cast %broadcast_in_dim3A_79 : vector<16xf32> to vector<1x16xf32>
      tpu.vector_store %arg12[%swap3A_80, %swap3A_81], %swap3A_84 {strides = array<i32>} : memref<64x128xf32, #tpu.memory_space<vmem>>, vector<1x16xf32>,
      %broadcast_in_dim3A_85 = arith.constant 0.000000e+00 : f32
      %broadcast_in_dim3A_86 = vector.broadcast %broadcast_in_dim3A_85 : f32 to vector<16xf32>
      %swap3A_87 = arith.index_cast %add3A_64 : i32 to index
      %swap3A_88 = arith.constant 48 : index
      %swap3A_89 = tpu.vector_load %arg12[%swap3A_87, %swap3A_88] {strides = array<i32>} : memref<64x128xf32, #tpu.memory_space<vmem>>, vector<1x16xf32>,
      %swap3A_90 = vector.shape_cast %swap3A_89 : vector<1x16xf32> to vector<16xf32>
      %swap3A_91 = vector.shape_cast %broadcast_in_dim3A_86 : vector<16xf32> to vector<1x16xf32>
      tpu.vector_store %arg12[%swap3A_87, %swap3A_88], %swap3A_91 {strides = array<i32>} : memref<64x128xf32, #tpu.memory_space<vmem>>, vector<1x16xf32>,
      %broadcast_in_dim3A_92 = arith.constant 0.000000e+00 : f32
      %broadcast_in_dim3A_93 = vector.broadcast %broadcast_in_dim3A_92 : f32 to vector<16xf32>
      %swap3A_94 = arith.index_cast %add3A_64 : i32 to index
      %swap3A_95 = arith.constant 64 : index
      %swap3A_96 = tpu.vector_load %arg12[%swap3A_94, %swap3A_95] {strides = array<i32>} : memref<64x128xf32, #tpu.memory_space<vmem>>, vector<1x16xf32>,
      %swap3A_97 = vector.shape_cast %swap3A_96 : vector<1x16xf32> to vector<16xf32>
      %swap3A_98 = vector.shape_cast %broadcast_in_dim3A_93 : vector<16xf32> to vector<1x16xf32>
      tpu.vector_store %arg12[%swap3A_94, %swap3A_95], %swap3A_98 {strides = array<i32>} : memref<64x128xf32, #tpu.memory_space<vmem>>, vector<1x16xf32>,
      %broadcast_in_dim3A_99 = arith.constant 0.000000e+00 : f32
      %broadcast_in_dim3A_100 = vector.broadcast %broadcast_in_dim3A_99 : f32 to vector<16xf32>
      %swap3A_101 = arith.index_cast %add3A_64 : i32 to index
      %swap3A_102 = arith.constant 80 : index
      %swap3A_103 = tpu.vector_load %arg12[%swap3A_101, %swap3A_102] {strides = array<i32>} : memref<64x128xf32, #tpu.memory_space<vmem>>, vector<1x16xf32>,
      %swap3A_104 = vector.shape_cast %swap3A_103 : vector<1x16xf32> to vector<16xf32>
      %swap3A_105 = vector.shape_cast %broadcast_in_dim3A_100 : vector<16xf32> to vector<1x16xf32>
      tpu.vector_store %arg12[%swap3A_101, %swap3A_102], %swap3A_105 {strides = array<i32>} : memref<64x128xf32, #tpu.memory_space<vmem>>, vector<1x16xf32>,
      %broadcast_in_dim3A_106 = arith.constant 0.000000e+00 : f32
      %broadcast_in_dim3A_107 = vector.broadcast %broadcast_in_dim3A_106 : f32 to vector<16xf32>
      %swap3A_108 = arith.index_cast %add3A_64 : i32 to index
      %swap3A_109 = arith.constant 96 : index
      %swap3A_110 = tpu.vector_load %arg12[%swap3A_108, %swap3A_109] {strides = array<i32>} : memref<64x128xf32, #tpu.memory_space<vmem>>, vector<1x16xf32>,
      %swap3A_111 = vector.shape_cast %swap3A_110 : vector<1x16xf32> to vector<16xf32>
      %swap3A_112 = vector.shape_cast %broadcast_in_dim3A_107 : vector<16xf32> to vector<1x16xf32>
      tpu.vector_store %arg12[%swap3A_108, %swap3A_109], %swap3A_112 {strides = array<i32>} : memref<64x128xf32, #tpu.memory_space<vmem>>, vector<1x16xf32>,
      %broadcast_in_dim3A_113 = arith.constant 0.000000e+00 : f32
      %broadcast_in_dim3A_114 = vector.broadcast %broadcast_in_dim3A_113 : f32 to vector<16xf32>
      %swap3A_115 = arith.index_cast %add3A_64 : i32 to index
      %swap3A_116 = arith.constant 112 : index
      %swap3A_117 = tpu.vector_load %arg12[%swap3A_115, %swap3A_116] {strides = array<i32>} : memref<64x128xf32, #tpu.memory_space<vmem>>, vector<1x16xf32>,
      %swap3A_118 = vector.shape_cast %swap3A_117 : vector<1x16xf32> to vector<16xf32>
      %swap3A_119 = vector.shape_cast %broadcast_in_dim3A_114 : vector<16xf32> to vector<1x16xf32>
      tpu.vector_store %arg12[%swap3A_115, %swap3A_116], %swap3A_119 {strides = array<i32>} : memref<64x128xf32, #tpu.memory_space<vmem>>, vector<1x16xf32>,
    }
    %scan3A_3 = arith.constant 64 : i32
    %mul3A = arith.constant 640 : i32
    %mul3A_4 = arith.muli %arg1, %mul3A : i32
    %add3A = arith.constant 0 : i32
    %add3A_5 = arith.addi %mul3A_4, %add3A : i32
    "tpu.region"() ({
      %run_scoped3A = tpu.sem_alloc : memref<!tpu.dma_semaphore, #tpu.memory_space<semaphore_mem>>
      %dma_start3A_60 = arith.constant 0 : i32
      %dma_start3A_61 = tpu.memref_slice %arg11[%add3A_5, %dma_start3A_60] : memref<10240x128xf32, #tpu.memory_space<vmem_shared>> -> memref<64x128xf32, #tpu.memory_space<vmem_shared>>
      %dma_start3A_62 = arith.constant 0 : i32
      %dma_start3A_63 = tpu.memref_slice %arg11[%add3A_5, %dma_start3A_62] : memref<10240x128xf32, #tpu.memory_space<vmem_shared>> -> memref<64x128xf32, #tpu.memory_space<vmem_shared>>
      tpu.enqueue_dma source(%arg12 : memref<64x128xf32, #tpu.memory_space<vmem>>) target(%dma_start3A_63 : memref<64x128xf32, #tpu.memory_space<vmem_shared>>) target_semaphore(%run_scoped3A : memref<!tpu.dma_semaphore, #tpu.memory_space<semaphore_mem>>)
      %dma_wait3A_64 = arith.constant 0 : i32
      %dma_wait3A_65 = tpu.memref_slice %arg11[%add3A_5, %dma_wait3A_64] : memref<10240x128xf32, #tpu.memory_space<vmem_shared>> -> memref<64x128xf32, #tpu.memory_space<vmem_shared>>
      %dma_wait3A_66 = arith.constant 0 : i32
      %dma_wait3A_67 = tpu.memref_slice %arg11[%add3A_5, %dma_wait3A_66] : memref<10240x128xf32, #tpu.memory_space<vmem_shared>> -> memref<64x128xf32, #tpu.memory_space<vmem_shared>>
      tpu.wait_dma2 semaphore(%run_scoped3A : memref<!tpu.dma_semaphore, #tpu.memory_space<semaphore_mem>>) src(%arg12 : memref<64x128xf32, #tpu.memory_space<vmem>>) dst(%dma_wait3A_67 : memref<64x128xf32, #tpu.memory_space<vmem_shared>>)
      tpu.yield
    }) : () -> ()
    %add3A_6 = arith.constant 64 : i32
    %add3A_7 = arith.addi %mul3A_4, %add3A_6 : i32
    "tpu.region"() ({
      %run_scoped3A = tpu.sem_alloc : memref<!tpu.dma_semaphore, #tpu.memory_space<semaphore_mem>>
      %dma_start3A_60 = arith.constant 0 : i32
      %dma_start3A_61 = tpu.memref_slice %arg11[%add3A_7, %dma_start3A_60] : memref<10240x128xf32, #tpu.memory_space<vmem_shared>> -> memref<64x128xf32, #tpu.memory_space<vmem_shared>>
      %dma_start3A_62 = arith.constant 0 : i32
      %dma_start3A_63 = tpu.memref_slice %arg11[%add3A_7, %dma_start3A_62] : memref<10240x128xf32, #tpu.memory_space<vmem_shared>> -> memref<64x128xf32, #tpu.memory_space<vmem_shared>>
      tpu.enqueue_dma source(%arg12 : memref<64x128xf32, #tpu.memory_space<vmem>>) target(%dma_start3A_63 : memref<64x128xf32, #tpu.memory_space<vmem_shared>>) target_semaphore(%run_scoped3A : memref<!tpu.dma_semaphore, #tpu.memory_space<semaphore_mem>>)
      %dma_wait3A_64 = arith.constant 0 : i32
      %dma_wait3A_65 = tpu.memref_slice %arg11[%add3A_7, %dma_wait3A_64] : memref<10240x128xf32, #tpu.memory_space<vmem_shared>> -> memref<64x128xf32, #tpu.memory_space<vmem_shared>>
      %dma_wait3A_66 = arith.constant 0 : i32
      %dma_wait3A_67 = tpu.memref_slice %arg11[%add3A_7, %dma_wait3A_66] : memref<10240x128xf32, #tpu.memory_space<vmem_shared>> -> memref<64x128xf32, #tpu.memory_space<vmem_shared>>
      tpu.wait_dma2 semaphore(%run_scoped3A : memref<!tpu.dma_semaphore, #tpu.memory_space<semaphore_mem>>) src(%arg12 : memref<64x128xf32, #tpu.memory_space<vmem>>) dst(%dma_wait3A_67 : memref<64x128xf32, #tpu.memory_space<vmem_shared>>)
      tpu.yield
    }) : () -> ()
    %add3A_8 = arith.constant 128 : i32
    %add3A_9 = arith.addi %mul3A_4, %add3A_8 : i32
    "tpu.region"() ({
      %run_scoped3A = tpu.sem_alloc : memref<!tpu.dma_semaphore, #tpu.memory_space<semaphore_mem>>
      %dma_start3A_60 = arith.constant 0 : i32
      %dma_start3A_61 = tpu.memref_slice %arg11[%add3A_9, %dma_start3A_60] : memref<10240x128xf32, #tpu.memory_space<vmem_shared>> -> memref<64x128xf32, #tpu.memory_space<vmem_shared>>
      %dma_start3A_62 = arith.constant 0 : i32
      %dma_start3A_63 = tpu.memref_slice %arg11[%add3A_9, %dma_start3A_62] : memref<10240x128xf32, #tpu.memory_space<vmem_shared>> -> memref<64x128xf32, #tpu.memory_space<vmem_shared>>
      tpu.enqueue_dma source(%arg12 : memref<64x128xf32, #tpu.memory_space<vmem>>) target(%dma_start3A_63 : memref<64x128xf32, #tpu.memory_space<vmem_shared>>) target_semaphore(%run_scoped3A : memref<!tpu.dma_semaphore, #tpu.memory_space<semaphore_mem>>)
      %dma_wait3A_64 = arith.constant 0 : i32
      %dma_wait3A_65 = tpu.memref_slice %arg11[%add3A_9, %dma_wait3A_64] : memref<10240x128xf32, #tpu.memory_space<vmem_shared>> -> memref<64x128xf32, #tpu.memory_space<vmem_shared>>
      %dma_wait3A_66 = arith.constant 0 : i32
      %dma_wait3A_67 = tpu.memref_slice %arg11[%add3A_9, %dma_wait3A_66] : memref<10240x128xf32, #tpu.memory_space<vmem_shared>> -> memref<64x128xf32, #tpu.memory_space<vmem_shared>>
      tpu.wait_dma2 semaphore(%run_scoped3A : memref<!tpu.dma_semaphore, #tpu.memory_space<semaphore_mem>>) src(%arg12 : memref<64x128xf32, #tpu.memory_space<vmem>>) dst(%dma_wait3A_67 : memref<64x128xf32, #tpu.memory_space<vmem_shared>>)
      tpu.yield
    }) : () -> ()
    %add3A_10 = arith.constant 192 : i32
    %add3A_11 = arith.addi %mul3A_4, %add3A_10 : i32
    "tpu.region"() ({
      %run_scoped3A = tpu.sem_alloc : memref<!tpu.dma_semaphore, #tpu.memory_space<semaphore_mem>>
      %dma_start3A_60 = arith.constant 0 : i32
      %dma_start3A_61 = tpu.memref_slice %arg11[%add3A_11, %dma_start3A_60] : memref<10240x128xf32, #tpu.memory_space<vmem_shared>> -> memref<64x128xf32, #tpu.memory_space<vmem_shared>>
      %dma_start3A_62 = arith.constant 0 : i32
      %dma_start3A_63 = tpu.memref_slice %arg11[%add3A_11, %dma_start3A_62] : memref<10240x128xf32, #tpu.memory_space<vmem_shared>> -> memref<64x128xf32, #tpu.memory_space<vmem_shared>>
      tpu.enqueue_dma source(%arg12 : memref<64x128xf32, #tpu.memory_space<vmem>>) target(%dma_start3A_63 : memref<64x128xf32, #tpu.memory_space<vmem_shared>>) target_semaphore(%run_scoped3A : memref<!tpu.dma_semaphore, #tpu.memory_space<semaphore_mem>>)
      %dma_wait3A_64 = arith.constant 0 : i32
      %dma_wait3A_65 = tpu.memref_slice %arg11[%add3A_11, %dma_wait3A_64] : memref<10240x128xf32, #tpu.memory_space<vmem_shared>> -> memref<64x128xf32, #tpu.memory_space<vmem_shared>>
      %dma_wait3A_66 = arith.constant 0 : i32
      %dma_wait3A_67 = tpu.memref_slice %arg11[%add3A_11, %dma_wait3A_66] : memref<10240x128xf32, #tpu.memory_space<vmem_shared>> -> memref<64x128xf32, #tpu.memory_space<vmem_shared>>
      tpu.wait_dma2 semaphore(%run_scoped3A : memref<!tpu.dma_semaphore, #tpu.memory_space<semaphore_mem>>) src(%arg12 : memref<64x128xf32, #tpu.memory_space<vmem>>) dst(%dma_wait3A_67 : memref<64x128xf32, #tpu.memory_space<vmem_shared>>)
      tpu.yield
    }) : () -> ()
    %add3A_12 = arith.constant 256 : i32
    %add3A_13 = arith.addi %mul3A_4, %add3A_12 : i32
    "tpu.region"() ({
      %run_scoped3A = tpu.sem_alloc : memref<!tpu.dma_semaphore, #tpu.memory_space<semaphore_mem>>
      %dma_start3A_60 = arith.constant 0 : i32
      %dma_start3A_61 = tpu.memref_slice %arg11[%add3A_13, %dma_start3A_60] : memref<10240x128xf32, #tpu.memory_space<vmem_shared>> -> memref<64x128xf32, #tpu.memory_space<vmem_shared>>
      %dma_start3A_62 = arith.constant 0 : i32
      %dma_start3A_63 = tpu.memref_slice %arg11[%add3A_13, %dma_start3A_62] : memref<10240x128xf32, #tpu.memory_space<vmem_shared>> -> memref<64x128xf32, #tpu.memory_space<vmem_shared>>
      tpu.enqueue_dma source(%arg12 : memref<64x128xf32, #tpu.memory_space<vmem>>) target(%dma_start3A_63 : memref<64x128xf32, #tpu.memory_space<vmem_shared>>) target_semaphore(%run_scoped3A : memref<!tpu.dma_semaphore, #tpu.memory_space<semaphore_mem>>)
      %dma_wait3A_64 = arith.constant 0 : i32
      %dma_wait3A_65 = tpu.memref_slice %arg11[%add3A_13, %dma_wait3A_64] : memref<10240x128xf32, #tpu.memory_space<vmem_shared>> -> memref<64x128xf32, #tpu.memory_space<vmem_shared>>
      %dma_wait3A_66 = arith.constant 0 : i32
      %dma_wait3A_67 = tpu.memref_slice %arg11[%add3A_13, %dma_wait3A_66] : memref<10240x128xf32, #tpu.memory_space<vmem_shared>> -> memref<64x128xf32, #tpu.memory_space<vmem_shared>>
      tpu.wait_dma2 semaphore(%run_scoped3A : memref<!tpu.dma_semaphore, #tpu.memory_space<semaphore_mem>>) src(%arg12 : memref<64x128xf32, #tpu.memory_space<vmem>>) dst(%dma_wait3A_67 : memref<64x128xf32, #tpu.memory_space<vmem_shared>>)
      tpu.yield
    }) : () -> ()
    %add3A_14 = arith.constant 320 : i32
    %add3A_15 = arith.addi %mul3A_4, %add3A_14 : i32
    "tpu.region"() ({
      %run_scoped3A = tpu.sem_alloc : memref<!tpu.dma_semaphore, #tpu.memory_space<semaphore_mem>>
      %dma_start3A_60 = arith.constant 0 : i32
      %dma_start3A_61 = tpu.memref_slice %arg11[%add3A_15, %dma_start3A_60] : memref<10240x128xf32, #tpu.memory_space<vmem_shared>> -> memref<64x128xf32, #tpu.memory_space<vmem_shared>>
      %dma_start3A_62 = arith.constant 0 : i32
      %dma_start3A_63 = tpu.memref_slice %arg11[%add3A_15, %dma_start3A_62] : memref<10240x128xf32, #tpu.memory_space<vmem_shared>> -> memref<64x128xf32, #tpu.memory_space<vmem_shared>>
      tpu.enqueue_dma source(%arg12 : memref<64x128xf32, #tpu.memory_space<vmem>>) target(%dma_start3A_63 : memref<64x128xf32, #tpu.memory_space<vmem_shared>>) target_semaphore(%run_scoped3A : memref<!tpu.dma_semaphore, #tpu.memory_space<semaphore_mem>>)
      %dma_wait3A_64 = arith.constant 0 : i32
      %dma_wait3A_65 = tpu.memref_slice %arg11[%add3A_15, %dma_wait3A_64] : memref<10240x128xf32, #tpu.memory_space<vmem_shared>> -> memref<64x128xf32, #tpu.memory_space<vmem_shared>>
      %dma_wait3A_66 = arith.constant 0 : i32
      %dma_wait3A_67 = tpu.memref_slice %arg11[%add3A_15, %dma_wait3A_66] : memref<10240x128xf32, #tpu.memory_space<vmem_shared>> -> memref<64x128xf32, #tpu.memory_space<vmem_shared>>
      tpu.wait_dma2 semaphore(%run_scoped3A : memref<!tpu.dma_semaphore, #tpu.memory_space<semaphore_mem>>) src(%arg12 : memref<64x128xf32, #tpu.memory_space<vmem>>) dst(%dma_wait3A_67 : memref<64x128xf32, #tpu.memory_space<vmem_shared>>)
      tpu.yield
    }) : () -> ()
    %add3A_16 = arith.constant 384 : i32
    %add3A_17 = arith.addi %mul3A_4, %add3A_16 : i32
    "tpu.region"() ({
      %run_scoped3A = tpu.sem_alloc : memref<!tpu.dma_semaphore, #tpu.memory_space<semaphore_mem>>
      %dma_start3A_60 = arith.constant 0 : i32
      %dma_start3A_61 = tpu.memref_slice %arg11[%add3A_17, %dma_start3A_60] : memref<10240x128xf32, #tpu.memory_space<vmem_shared>> -> memref<64x128xf32, #tpu.memory_space<vmem_shared>>
      %dma_start3A_62 = arith.constant 0 : i32
      %dma_start3A_63 = tpu.memref_slice %arg11[%add3A_17, %dma_start3A_62] : memref<10240x128xf32, #tpu.memory_space<vmem_shared>> -> memref<64x128xf32, #tpu.memory_space<vmem_shared>>
      tpu.enqueue_dma source(%arg12 : memref<64x128xf32, #tpu.memory_space<vmem>>) target(%dma_start3A_63 : memref<64x128xf32, #tpu.memory_space<vmem_shared>>) target_semaphore(%run_scoped3A : memref<!tpu.dma_semaphore, #tpu.memory_space<semaphore_mem>>)
      %dma_wait3A_64 = arith.constant 0 : i32
      %dma_wait3A_65 = tpu.memref_slice %arg11[%add3A_17, %dma_wait3A_64] : memref<10240x128xf32, #tpu.memory_space<vmem_shared>> -> memref<64x128xf32, #tpu.memory_space<vmem_shared>>
      %dma_wait3A_66 = arith.constant 0 : i32
      %dma_wait3A_67 = tpu.memref_slice %arg11[%add3A_17, %dma_wait3A_66] : memref<10240x128xf32, #tpu.memory_space<vmem_shared>> -> memref<64x128xf32, #tpu.memory_space<vmem_shared>>
      tpu.wait_dma2 semaphore(%run_scoped3A : memref<!tpu.dma_semaphore, #tpu.memory_space<semaphore_mem>>) src(%arg12 : memref<64x128xf32, #tpu.memory_space<vmem>>) dst(%dma_wait3A_67 : memref<64x128xf32, #tpu.memory_space<vmem_shared>>)
      tpu.yield
    }) : () -> ()
    %add3A_18 = arith.constant 448 : i32
    %add3A_19 = arith.addi %mul3A_4, %add3A_18 : i32
    "tpu.region"() ({
      %run_scoped3A = tpu.sem_alloc : memref<!tpu.dma_semaphore, #tpu.memory_space<semaphore_mem>>
      %dma_start3A_60 = arith.constant 0 : i32
      %dma_start3A_61 = tpu.memref_slice %arg11[%add3A_19, %dma_start3A_60] : memref<10240x128xf32, #tpu.memory_space<vmem_shared>> -> memref<64x128xf32, #tpu.memory_space<vmem_shared>>
      %dma_start3A_62 = arith.constant 0 : i32
      %dma_start3A_63 = tpu.memref_slice %arg11[%add3A_19, %dma_start3A_62] : memref<10240x128xf32, #tpu.memory_space<vmem_shared>> -> memref<64x128xf32, #tpu.memory_space<vmem_shared>>
      tpu.enqueue_dma source(%arg12 : memref<64x128xf32, #tpu.memory_space<vmem>>) target(%dma_start3A_63 : memref<64x128xf32, #tpu.memory_space<vmem_shared>>) target_semaphore(%run_scoped3A : memref<!tpu.dma_semaphore, #tpu.memory_space<semaphore_mem>>)
      %dma_wait3A_64 = arith.constant 0 : i32
      %dma_wait3A_65 = tpu.memref_slice %arg11[%add3A_19, %dma_wait3A_64] : memref<10240x128xf32, #tpu.memory_space<vmem_shared>> -> memref<64x128xf32, #tpu.memory_space<vmem_shared>>
      %dma_wait3A_66 = arith.constant 0 : i32
      %dma_wait3A_67 = tpu.memref_slice %arg11[%add3A_19, %dma_wait3A_66] : memref<10240x128xf32, #tpu.memory_space<vmem_shared>> -> memref<64x128xf32, #tpu.memory_space<vmem_shared>>
      tpu.wait_dma2 semaphore(%run_scoped3A : memref<!tpu.dma_semaphore, #tpu.memory_space<semaphore_mem>>) src(%arg12 : memref<64x128xf32, #tpu.memory_space<vmem>>) dst(%dma_wait3A_67 : memref<64x128xf32, #tpu.memory_space<vmem_shared>>)
      tpu.yield
    }) : () -> ()
    %add3A_20 = arith.constant 512 : i32
    %add3A_21 = arith.addi %mul3A_4, %add3A_20 : i32
    "tpu.region"() ({
      %run_scoped3A = tpu.sem_alloc : memref<!tpu.dma_semaphore, #tpu.memory_space<semaphore_mem>>
      %dma_start3A_60 = arith.constant 0 : i32
      %dma_start3A_61 = tpu.memref_slice %arg11[%add3A_21, %dma_start3A_60] : memref<10240x128xf32, #tpu.memory_space<vmem_shared>> -> memref<64x128xf32, #tpu.memory_space<vmem_shared>>
      %dma_start3A_62 = arith.constant 0 : i32
      %dma_start3A_63 = tpu.memref_slice %arg11[%add3A_21, %dma_start3A_62] : memref<10240x128xf32, #tpu.memory_space<vmem_shared>> -> memref<64x128xf32, #tpu.memory_space<vmem_shared>>
      tpu.enqueue_dma source(%arg12 : memref<64x128xf32, #tpu.memory_space<vmem>>) target(%dma_start3A_63 : memref<64x128xf32, #tpu.memory_space<vmem_shared>>) target_semaphore(%run_scoped3A : memref<!tpu.dma_semaphore, #tpu.memory_space<semaphore_mem>>)
      %dma_wait3A_64 = arith.constant 0 : i32
      %dma_wait3A_65 = tpu.memref_slice %arg11[%add3A_21, %dma_wait3A_64] : memref<10240x128xf32, #tpu.memory_space<vmem_shared>> -> memref<64x128xf32, #tpu.memory_space<vmem_shared>>
      %dma_wait3A_66 = arith.constant 0 : i32
      %dma_wait3A_67 = tpu.memref_slice %arg11[%add3A_21, %dma_wait3A_66] : memref<10240x128xf32, #tpu.memory_space<vmem_shared>> -> memref<64x128xf32, #tpu.memory_space<vmem_shared>>
      tpu.wait_dma2 semaphore(%run_scoped3A : memref<!tpu.dma_semaphore, #tpu.memory_space<semaphore_mem>>) src(%arg12 : memref<64x128xf32, #tpu.memory_space<vmem>>) dst(%dma_wait3A_67 : memref<64x128xf32, #tpu.memory_space<vmem_shared>>)
      tpu.yield
    }) : () -> ()
    %add3A_22 = arith.constant 576 : i32
    %add3A_23 = arith.addi %mul3A_4, %add3A_22 : i32
    "tpu.region"() ({
      %run_scoped3A = tpu.sem_alloc : memref<!tpu.dma_semaphore, #tpu.memory_space<semaphore_mem>>
      %dma_start3A_60 = arith.constant 0 : i32
      %dma_start3A_61 = tpu.memref_slice %arg11[%add3A_23, %dma_start3A_60] : memref<10240x128xf32, #tpu.memory_space<vmem_shared>> -> memref<64x128xf32, #tpu.memory_space<vmem_shared>>
      %dma_start3A_62 = arith.constant 0 : i32
      %dma_start3A_63 = tpu.memref_slice %arg11[%add3A_23, %dma_start3A_62] : memref<10240x128xf32, #tpu.memory_space<vmem_shared>> -> memref<64x128xf32, #tpu.memory_space<vmem_shared>>
      tpu.enqueue_dma source(%arg12 : memref<64x128xf32, #tpu.memory_space<vmem>>) target(%dma_start3A_63 : memref<64x128xf32, #tpu.memory_space<vmem_shared>>) target_semaphore(%run_scoped3A : memref<!tpu.dma_semaphore, #tpu.memory_space<semaphore_mem>>)
      %dma_wait3A_64 = arith.constant 0 : i32
      %dma_wait3A_65 = tpu.memref_slice %arg11[%add3A_23, %dma_wait3A_64] : memref<10240x128xf32, #tpu.memory_space<vmem_shared>> -> memref<64x128xf32, #tpu.memory_space<vmem_shared>>
      %dma_wait3A_66 = arith.constant 0 : i32
      %dma_wait3A_67 = tpu.memref_slice %arg11[%add3A_23, %dma_wait3A_66] : memref<10240x128xf32, #tpu.memory_space<vmem_shared>> -> memref<64x128xf32, #tpu.memory_space<vmem_shared>>
      tpu.wait_dma2 semaphore(%run_scoped3A : memref<!tpu.dma_semaphore, #tpu.memory_space<semaphore_mem>>) src(%arg12 : memref<64x128xf32, #tpu.memory_space<vmem>>) dst(%dma_wait3A_67 : memref<64x128xf32, #tpu.memory_space<vmem_shared>>)
      tpu.yield
    }) : () -> ()
    %mul3A_24 = arith.constant 10000 : i32
    %mul3A_25 = arith.muli %arg1, %mul3A_24 : i32
    "tpu.region"() ({
      %run_scoped3A = tpu.sem_alloc : memref<!tpu.dma_semaphore, #tpu.memory_space<semaphore_mem>>
      %dma_start3A_60 = tpu.memref_slice %arg3[%mul3A_25] : memref<160000xi32, #tpu.memory_space<hbm>> -> memref<10000xi32, #tpu.memory_space<hbm>>
      %dma_start3A_61 = tpu.memref_slice %arg3[%mul3A_25] : memref<160000xi32, #tpu.memory_space<hbm>> -> memref<10000xi32, #tpu.memory_space<hbm>>
      tpu.enqueue_dma source(%dma_start3A_61 : memref<10000xi32, #tpu.memory_space<hbm>>) target(%arg7 : memref<10000xi32, #tpu.memory_space<vmem>>) target_semaphore(%run_scoped3A : memref<!tpu.dma_semaphore, #tpu.memory_space<semaphore_mem>>)
      %dma_wait3A_62 = tpu.memref_slice %arg3[%mul3A_25] : memref<160000xi32, #tpu.memory_space<hbm>> -> memref<10000xi32, #tpu.memory_space<hbm>>
      %dma_wait3A_63 = tpu.memref_slice %arg3[%mul3A_25] : memref<160000xi32, #tpu.memory_space<hbm>> -> memref<10000xi32, #tpu.memory_space<hbm>>
      tpu.wait_dma2 semaphore(%run_scoped3A : memref<!tpu.dma_semaphore, #tpu.memory_space<semaphore_mem>>) src(%dma_wait3A_63 : memref<10000xi32, #tpu.memory_space<hbm>>) dst(%arg7 : memref<10000xi32, #tpu.memory_space<vmem>>)
      tpu.yield
    }) : () -> ()
    %barrier3A = arith.constant 0 : index
    tpu.barrier barrier_id(%barrier3A)
    %scan3A_26 = arith.constant 0 : i32
    %scan3A_27 = arith.constant 39 : i32
    %scan3A_28 = arith.addi %scan3A_26, %scan3A_27 : i32
    %scan3A_29 = arith.constant 1 : i32
    scf.for %scan3A_60 = %scan3A_26 to %scan3A_28 step %scan3A_29  : i32 {
      %mul3A_61 = arith.constant 1 : i32
      %mul3A_62 = arith.muli %scan3A_60, %mul3A_61 : i32
      %add3A_63 = arith.constant 0 : i32
      %add3A_64 = arith.addi %add3A_63, %mul3A_62 : i32
      %mul3A_65 = arith.constant 4 : i32
      %mul3A_66 = arith.muli %add3A_64, %mul3A_65 : i32
      %mul3A_67 = arith.constant 64 : i32
      %mul3A_68 = arith.muli %mul3A_66, %mul3A_67 : i32
      %multiple_of3A = tpu.assume_multiple %mul3A_68, 8 : i32
      %add3A_69 = arith.constant 0 : i32
      %add3A_70 = arith.addi %multiple_of3A, %add3A_69 : i32
      %add3A_71 = arith.addi %mul3A_25, %add3A_70 : i32
      %dma_start3A_72 = tpu.memref_slice %arg4[%add3A_71] : memref<160000xi32, #tpu.memory_space<hbm>> -> memref<64xi32, #tpu.memory_space<hbm>>
      %dma_start3A_73 = tpu.memref_slice %arg4[%add3A_71] : memref<160000xi32, #tpu.memory_space<hbm>> -> memref<64xi32, #tpu.memory_space<hbm>>
      tpu.enqueue_dma source(%dma_start3A_73 : memref<64xi32, #tpu.memory_space<hbm>>) target(%arg20 : memref<64xi32, #tpu.memory_space<vmem>>) target_semaphore(%arg28 : memref<!tpu.dma_semaphore, #tpu.memory_space<semaphore_mem>>)
      %add3A_74 = arith.constant 0 : i32
      %add3A_75 = arith.addi %add3A_70, %add3A_74 : i32
      %get3A_76 = arith.index_cast %add3A_75 : i32 to index
      %get3A_77 = tpu.vector_load %arg7[%get3A_76] {strides = array<i32>} : memref<10000xi32, #tpu.memory_space<vmem>>, vector<16xi32>,
      %get3A_78 = vector.shape_cast %get3A_77 : vector<16xi32> to vector<16xi32>
      %mul3A_79 = arith.constant 10000 : i32
      %mul3A_80 = arith.muli %arg0, %mul3A_79 : i32
      %add3A_81 = vector.broadcast %mul3A_80 : i32 to vector<16xi32>
      %add3A_82 = arith.addi %get3A_78, %add3A_81 : vector<16xi32>
      %swap3A_83 = arith.constant 0 : index
      %swap3A_84 = tpu.vector_load %arg16[%swap3A_83] {strides = array<i32>} : memref<64xi32, #tpu.memory_space<vmem>>, vector<16xi32>,
      %swap3A_85 = vector.shape_cast %swap3A_84 : vector<16xi32> to vector<16xi32>
      %swap3A_86 = vector.shape_cast %add3A_82 : vector<16xi32> to vector<16xi32>
      tpu.vector_store %arg16[%swap3A_83], %swap3A_86 {strides = array<i32>} : memref<64xi32, #tpu.memory_space<vmem>>, vector<16xi32>,
      %add3A_87 = arith.constant 16 : i32
      %add3A_88 = arith.addi %add3A_70, %add3A_87 : i32
      %get3A_89 = arith.index_cast %add3A_88 : i32 to index
      %get3A_90 = tpu.vector_load %arg7[%get3A_89] {strides = array<i32>} : memref<10000xi32, #tpu.memory_space<vmem>>, vector<16xi32>,
      %get3A_91 = vector.shape_cast %get3A_90 : vector<16xi32> to vector<16xi32>
      %mul3A_92 = arith.constant 10000 : i32
      %mul3A_93 = arith.muli %arg0, %mul3A_92 : i32
      %add3A_94 = vector.broadcast %mul3A_93 : i32 to vector<16xi32>
      %add3A_95 = arith.addi %get3A_91, %add3A_94 : vector<16xi32>
      %swap3A_96 = arith.constant 16 : index
      %swap3A_97 = tpu.vector_load %arg16[%swap3A_96] {strides = array<i32>} : memref<64xi32, #tpu.memory_space<vmem>>, vector<16xi32>,
      %swap3A_98 = vector.shape_cast %swap3A_97 : vector<16xi32> to vector<16xi32>
      %swap3A_99 = vector.shape_cast %add3A_95 : vector<16xi32> to vector<16xi32>
      tpu.vector_store %arg16[%swap3A_96], %swap3A_99 {strides = array<i32>} : memref<64xi32, #tpu.memory_space<vmem>>, vector<16xi32>,
      %add3A_100 = arith.constant 32 : i32
      %add3A_101 = arith.addi %add3A_70, %add3A_100 : i32
      %get3A_102 = arith.index_cast %add3A_101 : i32 to index
      %get3A_103 = tpu.vector_load %arg7[%get3A_102] {strides = array<i32>} : memref<10000xi32, #tpu.memory_space<vmem>>, vector<16xi32>,
      %get3A_104 = vector.shape_cast %get3A_103 : vector<16xi32> to vector<16xi32>
      %mul3A_105 = arith.constant 10000 : i32
      %mul3A_106 = arith.muli %arg0, %mul3A_105 : i32
      %add3A_107 = vector.broadcast %mul3A_106 : i32 to vector<16xi32>
      %add3A_108 = arith.addi %get3A_104, %add3A_107 : vector<16xi32>
      %swap3A_109 = arith.constant 32 : index
      %swap3A_110 = tpu.vector_load %arg16[%swap3A_109] {strides = array<i32>} : memref<64xi32, #tpu.memory_space<vmem>>, vector<16xi32>,
      %swap3A_111 = vector.shape_cast %swap3A_110 : vector<16xi32> to vector<16xi32>
      %swap3A_112 = vector.shape_cast %add3A_108 : vector<16xi32> to vector<16xi32>
      tpu.vector_store %arg16[%swap3A_109], %swap3A_112 {strides = array<i32>} : memref<64xi32, #tpu.memory_space<vmem>>, vector<16xi32>,
      %add3A_113 = arith.constant 48 : i32
      %add3A_114 = arith.addi %add3A_70, %add3A_113 : i32
      %get3A_115 = arith.index_cast %add3A_114 : i32 to index
      %get3A_116 = tpu.vector_load %arg7[%get3A_115] {strides = array<i32>} : memref<10000xi32, #tpu.memory_space<vmem>>, vector<16xi32>,
      %get3A_117 = vector.shape_cast %get3A_116 : vector<16xi32> to vector<16xi32>
      %mul3A_118 = arith.constant 10000 : i32
      %mul3A_119 = arith.muli %arg0, %mul3A_118 : i32
      %add3A_120 = vector.broadcast %mul3A_119 : i32 to vector<16xi32>
      %add3A_121 = arith.addi %get3A_117, %add3A_120 : vector<16xi32>
      %swap3A_122 = arith.constant 48 : index
      %swap3A_123 = tpu.vector_load %arg16[%swap3A_122] {strides = array<i32>} : memref<64xi32, #tpu.memory_space<vmem>>, vector<16xi32>,
      %swap3A_124 = vector.shape_cast %swap3A_123 : vector<16xi32> to vector<16xi32>
      %swap3A_125 = vector.shape_cast %add3A_121 : vector<16xi32> to vector<16xi32>
      tpu.vector_store %arg16[%swap3A_122], %swap3A_125 {strides = array<i32>} : memref<64xi32, #tpu.memory_space<vmem>>, vector<16xi32>,
      %dma_start3A_126 = arith.constant 0 : i32
      %dma_start3A_127 = arith.constant 0 : i32
      %dma_start3A_128 = tpu.memref_slice %arg2[%dma_start3A_126, %dma_start3A_127] : memref<20000x128xf32, #tpu.memory_space<hbm>> -> memref<20000x128xf32, #tpu.memory_space<hbm>>
      tpu.enqueue_indirect_dma source(%dma_start3A_128 : memref<20000x128xf32, #tpu.memory_space<hbm>>) target(%arg12 : memref<64x128xf32, #tpu.memory_space<vmem>>) offsets(%arg16 : memref<64xi32, #tpu.memory_space<vmem>>) semaphore(%arg24 : memref<!tpu.dma_semaphore, #tpu.memory_space<semaphore_mem>>)
      %mul3A_129 = arith.constant 4 : i32
      %mul3A_130 = arith.muli %add3A_64, %mul3A_129 : i32
      %mul3A_131 = arith.constant 64 : i32
      %mul3A_132 = arith.muli %mul3A_130, %mul3A_131 : i32
      %multiple_of3A_133 = tpu.assume_multiple %mul3A_132, 8 : i32
      %add3A_134 = arith.constant 64 : i32
      %add3A_135 = arith.addi %multiple_of3A_133, %add3A_134 : i32
      %add3A_136 = arith.addi %mul3A_25, %add3A_135 : i32
      %dma_start3A_137 = tpu.memref_slice %arg4[%add3A_136] : memref<160000xi32, #tpu.memory_space<hbm>> -> memref<64xi32, #tpu.memory_space<hbm>>
      %dma_start3A_138 = tpu.memref_slice %arg4[%add3A_136] : memref<160000xi32, #tpu.memory_space<hbm>> -> memref<64xi32, #tpu.memory_space<hbm>>
      tpu.enqueue_dma source(%dma_start3A_138 : memref<64xi32, #tpu.memory_space<hbm>>) target(%arg21 : memref<64xi32, #tpu.memory_space<vmem>>) target_semaphore(%arg29 : memref<!tpu.dma_semaphore, #tpu.memory_space<semaphore_mem>>)
      %add3A_139 = arith.constant 0 : i32
      %add3A_140 = arith.addi %add3A_135, %add3A_139 : i32
      %get3A_141 = arith.index_cast %add3A_140 : i32 to index
      %get3A_142 = tpu.vector_load %arg7[%get3A_141] {strides = array<i32>} : memref<10000xi32, #tpu.memory_space<vmem>>, vector<16xi32>,
      %get3A_143 = vector.shape_cast %get3A_142 : vector<16xi32> to vector<16xi32>
      %mul3A_144 = arith.constant 10000 : i32
      %mul3A_145 = arith.muli %arg0, %mul3A_144 : i32
      %add3A_146 = vector.broadcast %mul3A_145 : i32 to vector<16xi32>
      %add3A_147 = arith.addi %get3A_143, %add3A_146 : vector<16xi32>
      %swap3A_148 = arith.constant 0 : index
      %swap3A_149 = tpu.vector_load %arg17[%swap3A_148] {strides = array<i32>} : memref<64xi32, #tpu.memory_space<vmem>>, vector<16xi32>,
      %swap3A_150 = vector.shape_cast %swap3A_149 : vector<16xi32> to vector<16xi32>
      %swap3A_151 = vector.shape_cast %add3A_147 : vector<16xi32> to vector<16xi32>
      tpu.vector_store %arg17[%swap3A_148], %swap3A_151 {strides = array<i32>} : memref<64xi32, #tpu.memory_space<vmem>>, vector<16xi32>,
      %add3A_152 = arith.constant 16 : i32
      %add3A_153 = arith.addi %add3A_135, %add3A_152 : i32
      %get3A_154 = arith.index_cast %add3A_153 : i32 to index
      %get3A_155 = tpu.vector_load %arg7[%get3A_154] {strides = array<i32>} : memref<10000xi32, #tpu.memory_space<vmem>>, vector<16xi32>,
      %get3A_156 = vector.shape_cast %get3A_155 : vector<16xi32> to vector<16xi32>
      %mul3A_157 = arith.constant 10000 : i32
      %mul3A_158 = arith.muli %arg0, %mul3A_157 : i32
      %add3A_159 = vector.broadcast %mul3A_158 : i32 to vector<16xi32>
      %add3A_160 = arith.addi %get3A_156, %add3A_159 : vector<16xi32>
      %swap3A_161 = arith.constant 16 : index
      %swap3A_162 = tpu.vector_load %arg17[%swap3A_161] {strides = array<i32>} : memref<64xi32, #tpu.memory_space<vmem>>, vector<16xi32>,
      %swap3A_163 = vector.shape_cast %swap3A_162 : vector<16xi32> to vector<16xi32>
      %swap3A_164 = vector.shape_cast %add3A_160 : vector<16xi32> to vector<16xi32>
      tpu.vector_store %arg17[%swap3A_161], %swap3A_164 {strides = array<i32>} : memref<64xi32, #tpu.memory_space<vmem>>, vector<16xi32>,
      %add3A_165 = arith.constant 32 : i32
      %add3A_166 = arith.addi %add3A_135, %add3A_165 : i32
      %get3A_167 = arith.index_cast %add3A_166 : i32 to index
      %get3A_168 = tpu.vector_load %arg7[%get3A_167] {strides = array<i32>} : memref<10000xi32, #tpu.memory_space<vmem>>, vector<16xi32>,
      %get3A_169 = vector.shape_cast %get3A_168 : vector<16xi32> to vector<16xi32>
      %mul3A_170 = arith.constant 10000 : i32
      %mul3A_171 = arith.muli %arg0, %mul3A_170 : i32
      %add3A_172 = vector.broadcast %mul3A_171 : i32 to vector<16xi32>
      %add3A_173 = arith.addi %get3A_169, %add3A_172 : vector<16xi32>
      %swap3A_174 = arith.constant 32 : index
      %swap3A_175 = tpu.vector_load %arg17[%swap3A_174] {strides = array<i32>} : memref<64xi32, #tpu.memory_space<vmem>>, vector<16xi32>,
      %swap3A_176 = vector.shape_cast %swap3A_175 : vector<16xi32> to vector<16xi32>
      %swap3A_177 = vector.shape_cast %add3A_173 : vector<16xi32> to vector<16xi32>
      tpu.vector_store %arg17[%swap3A_174], %swap3A_177 {strides = array<i32>} : memref<64xi32, #tpu.memory_space<vmem>>, vector<16xi32>,
      %add3A_178 = arith.constant 48 : i32
      %add3A_179 = arith.addi %add3A_135, %add3A_178 : i32
      %get3A_180 = arith.index_cast %add3A_179 : i32 to index
      %get3A_181 = tpu.vector_load %arg7[%get3A_180] {strides = array<i32>} : memref<10000xi32, #tpu.memory_space<vmem>>, vector<16xi32>,
      %get3A_182 = vector.shape_cast %get3A_181 : vector<16xi32> to vector<16xi32>
      %mul3A_183 = arith.constant 10000 : i32
      %mul3A_184 = arith.muli %arg0, %mul3A_183 : i32
      %add3A_185 = vector.broadcast %mul3A_184 : i32 to vector<16xi32>
      %add3A_186 = arith.addi %get3A_182, %add3A_185 : vector<16xi32>
      %swap3A_187 = arith.constant 48 : index
      %swap3A_188 = tpu.vector_load %arg17[%swap3A_187] {strides = array<i32>} : memref<64xi32, #tpu.memory_space<vmem>>, vector<16xi32>,
      %swap3A_189 = vector.shape_cast %swap3A_188 : vector<16xi32> to vector<16xi32>
      %swap3A_190 = vector.shape_cast %add3A_186 : vector<16xi32> to vector<16xi32>
      tpu.vector_store %arg17[%swap3A_187], %swap3A_190 {strides = array<i32>} : memref<64xi32, #tpu.memory_space<vmem>>, vector<16xi32>,
      %dma_start3A_191 = arith.constant 0 : i32
      %dma_start3A_192 = arith.constant 0 : i32
      %dma_start3A_193 = tpu.memref_slice %arg2[%dma_start3A_191, %dma_start3A_192] : memref<20000x128xf32, #tpu.memory_space<hbm>> -> memref<20000x128xf32, #tpu.memory_space<hbm>>
      tpu.enqueue_indirect_dma source(%dma_start3A_193 : memref<20000x128xf32, #tpu.memory_space<hbm>>) target(%arg13 : memref<64x128xf32, #tpu.memory_space<vmem>>) offsets(%arg17 : memref<64xi32, #tpu.memory_space<vmem>>) semaphore(%arg25 : memref<!tpu.dma_semaphore, #tpu.memory_space<semaphore_mem>>)
      %mul3A_194 = arith.constant 4 : i32
      %mul3A_195 = arith.muli %add3A_64, %mul3A_194 : i32
      %mul3A_196 = arith.constant 64 : i32
      %mul3A_197 = arith.muli %mul3A_195, %mul3A_196 : i32
      %multiple_of3A_198 = tpu.assume_multiple %mul3A_197, 8 : i32
      %add3A_199 = arith.constant 128 : i32
      %add3A_200 = arith.addi %multiple_of3A_198, %add3A_199 : i32
      %add3A_201 = arith.addi %mul3A_25, %add3A_200 : i32
      %dma_start3A_202 = tpu.memref_slice %arg4[%add3A_201] : memref<160000xi32, #tpu.memory_space<hbm>> -> memref<64xi32, #tpu.memory_space<hbm>>
      %dma_start3A_203 = tpu.memref_slice %arg4[%add3A_201] : memref<160000xi32, #tpu.memory_space<hbm>> -> memref<64xi32, #tpu.memory_space<hbm>>
      tpu.enqueue_dma source(%dma_start3A_203 : memref<64xi32, #tpu.memory_space<hbm>>) target(%arg22 : memref<64xi32, #tpu.memory_space<vmem>>) target_semaphore(%arg30 : memref<!tpu.dma_semaphore, #tpu.memory_space<semaphore_mem>>)
      %add3A_204 = arith.constant 0 : i32
      %add3A_205 = arith.addi %add3A_200, %add3A_204 : i32
      %get3A_206 = arith.index_cast %add3A_205 : i32 to index
      %get3A_207 = tpu.vector_load %arg7[%get3A_206] {strides = array<i32>} : memref<10000xi32, #tpu.memory_space<vmem>>, vector<16xi32>,
      %get3A_208 = vector.shape_cast %get3A_207 : vector<16xi32> to vector<16xi32>
      %mul3A_209 = arith.constant 10000 : i32
      %mul3A_210 = arith.muli %arg0, %mul3A_209 : i32
      %add3A_211 = vector.broadcast %mul3A_210 : i32 to vector<16xi32>
      %add3A_212 = arith.addi %get3A_208, %add3A_211 : vector<16xi32>
      %swap3A_213 = arith.constant 0 : index
      %swap3A_214 = tpu.vector_load %arg18[%swap3A_213] {strides = array<i32>} : memref<64xi32, #tpu.memory_space<vmem>>, vector<16xi32>,
      %swap3A_215 = vector.shape_cast %swap3A_214 : vector<16xi32> to vector<16xi32>
      %swap3A_216 = vector.shape_cast %add3A_212 : vector<16xi32> to vector<16xi32>
      tpu.vector_store %arg18[%swap3A_213], %swap3A_216 {strides = array<i32>} : memref<64xi32, #tpu.memory_space<vmem>>, vector<16xi32>,
      %add3A_217 = arith.constant 16 : i32
      %add3A_218 = arith.addi %add3A_200, %add3A_217 : i32
      %get3A_219 = arith.index_cast %add3A_218 : i32 to index
      %get3A_220 = tpu.vector_load %arg7[%get3A_219] {strides = array<i32>} : memref<10000xi32, #tpu.memory_space<vmem>>, vector<16xi32>,
      %get3A_221 = vector.shape_cast %get3A_220 : vector<16xi32> to vector<16xi32>
      %mul3A_222 = arith.constant 10000 : i32
      %mul3A_223 = arith.muli %arg0, %mul3A_222 : i32
      %add3A_224 = vector.broadcast %mul3A_223 : i32 to vector<16xi32>
      %add3A_225 = arith.addi %get3A_221, %add3A_224 : vector<16xi32>
      %swap3A_226 = arith.constant 16 : index
      %swap3A_227 = tpu.vector_load %arg18[%swap3A_226] {strides = array<i32>} : memref<64xi32, #tpu.memory_space<vmem>>, vector<16xi32>,
      %swap3A_228 = vector.shape_cast %swap3A_227 : vector<16xi32> to vector<16xi32>
      %swap3A_229 = vector.shape_cast %add3A_225 : vector<16xi32> to vector<16xi32>
      tpu.vector_store %arg18[%swap3A_226], %swap3A_229 {strides = array<i32>} : memref<64xi32, #tpu.memory_space<vmem>>, vector<16xi32>,
      %add3A_230 = arith.constant 32 : i32
      %add3A_231 = arith.addi %add3A_200, %add3A_230 : i32
      %get3A_232 = arith.index_cast %add3A_231 : i32 to index
      %get3A_233 = tpu.vector_load %arg7[%get3A_232] {strides = array<i32>} : memref<10000xi32, #tpu.memory_space<vmem>>, vector<16xi32>,
      %get3A_234 = vector.shape_cast %get3A_233 : vector<16xi32> to vector<16xi32>
      %mul3A_235 = arith.constant 10000 : i32
      %mul3A_236 = arith.muli %arg0, %mul3A_235 : i32
      %add3A_237 = vector.broadcast %mul3A_236 : i32 to vector<16xi32>
      %add3A_238 = arith.addi %get3A_234, %add3A_237 : vector<16xi32>
      %swap3A_239 = arith.constant 32 : index
      %swap3A_240 = tpu.vector_load %arg18[%swap3A_239] {strides = array<i32>} : memref<64xi32, #tpu.memory_space<vmem>>, vector<16xi32>,
      %swap3A_241 = vector.shape_cast %swap3A_240 : vector<16xi32> to vector<16xi32>
      %swap3A_242 = vector.shape_cast %add3A_238 : vector<16xi32> to vector<16xi32>
      tpu.vector_store %arg18[%swap3A_239], %swap3A_242 {strides = array<i32>} : memref<64xi32, #tpu.memory_space<vmem>>, vector<16xi32>,
      %add3A_243 = arith.constant 48 : i32
      %add3A_244 = arith.addi %add3A_200, %add3A_243 : i32
      %get3A_245 = arith.index_cast %add3A_244 : i32 to index
      %get3A_246 = tpu.vector_load %arg7[%get3A_245] {strides = array<i32>} : memref<10000xi32, #tpu.memory_space<vmem>>, vector<16xi32>,
      %get3A_247 = vector.shape_cast %get3A_246 : vector<16xi32> to vector<16xi32>
      %mul3A_248 = arith.constant 10000 : i32
      %mul3A_249 = arith.muli %arg0, %mul3A_248 : i32
      %add3A_250 = vector.broadcast %mul3A_249 : i32 to vector<16xi32>
      %add3A_251 = arith.addi %get3A_247, %add3A_250 : vector<16xi32>
      %swap3A_252 = arith.constant 48 : index
      %swap3A_253 = tpu.vector_load %arg18[%swap3A_252] {strides = array<i32>} : memref<64xi32, #tpu.memory_space<vmem>>, vector<16xi32>,
      %swap3A_254 = vector.shape_cast %swap3A_253 : vector<16xi32> to vector<16xi32>
      %swap3A_255 = vector.shape_cast %add3A_251 : vector<16xi32> to vector<16xi32>
      tpu.vector_store %arg18[%swap3A_252], %swap3A_255 {strides = array<i32>} : memref<64xi32, #tpu.memory_space<vmem>>, vector<16xi32>,
      %dma_start3A_256 = arith.constant 0 : i32
      %dma_start3A_257 = arith.constant 0 : i32
      %dma_start3A_258 = tpu.memref_slice %arg2[%dma_start3A_256, %dma_start3A_257] : memref<20000x128xf32, #tpu.memory_space<hbm>> -> memref<20000x128xf32, #tpu.memory_space<hbm>>
      tpu.enqueue_indirect_dma source(%dma_start3A_258 : memref<20000x128xf32, #tpu.memory_space<hbm>>) target(%arg14 : memref<64x128xf32, #tpu.memory_space<vmem>>) offsets(%arg18 : memref<64xi32, #tpu.memory_space<vmem>>) semaphore(%arg26 : memref<!tpu.dma_semaphore, #tpu.memory_space<semaphore_mem>>)
      %mul3A_259 = arith.constant 4 : i32
      %mul3A_260 = arith.muli %add3A_64, %mul3A_259 : i32
      %mul3A_261 = arith.constant 64 : i32
      %mul3A_262 = arith.muli %mul3A_260, %mul3A_261 : i32
      %multiple_of3A_263 = tpu.assume_multiple %mul3A_262, 8 : i32
      %add3A_264 = arith.constant 192 : i32
      %add3A_265 = arith.addi %multiple_of3A_263, %add3A_264 : i32
      %add3A_266 = arith.addi %mul3A_25, %add3A_265 : i32
      %dma_start3A_267 = tpu.memref_slice %arg4[%add3A_266] : memref<160000xi32, #tpu.memory_space<hbm>> -> memref<64xi32, #tpu.memory_space<hbm>>
      %dma_start3A_268 = tpu.memref_slice %arg4[%add3A_266] : memref<160000xi32, #tpu.memory_space<hbm>> -> memref<64xi32, #tpu.memory_space<hbm>>
      tpu.enqueue_dma source(%dma_start3A_268 : memref<64xi32, #tpu.memory_space<hbm>>) target(%arg23 : memref<64xi32, #tpu.memory_space<vmem>>) target_semaphore(%arg31 : memref<!tpu.dma_semaphore, #tpu.memory_space<semaphore_mem>>)
      %add3A_269 = arith.constant 0 : i32
      %add3A_270 = arith.addi %add3A_265, %add3A_269 : i32
      %get3A_271 = arith.index_cast %add3A_270 : i32 to index
      %get3A_272 = tpu.vector_load %arg7[%get3A_271] {strides = array<i32>} : memref<10000xi32, #tpu.memory_space<vmem>>, vector<16xi32>,
      %get3A_273 = vector.shape_cast %get3A_272 : vector<16xi32> to vector<16xi32>
      %mul3A_274 = arith.constant 10000 : i32
      %mul3A_275 = arith.muli %arg0, %mul3A_274 : i32
      %add3A_276 = vector.broadcast %mul3A_275 : i32 to vector<16xi32>
      %add3A_277 = arith.addi %get3A_273, %add3A_276 : vector<16xi32>
      %swap3A_278 = arith.constant 0 : index
      %swap3A_279 = tpu.vector_load %arg19[%swap3A_278] {strides = array<i32>} : memref<64xi32, #tpu.memory_space<vmem>>, vector<16xi32>,
      %swap3A_280 = vector.shape_cast %swap3A_279 : vector<16xi32> to vector<16xi32>
      %swap3A_281 = vector.shape_cast %add3A_277 : vector<16xi32> to vector<16xi32>
      tpu.vector_store %arg19[%swap3A_278], %swap3A_281 {strides = array<i32>} : memref<64xi32, #tpu.memory_space<vmem>>, vector<16xi32>,
      %add3A_282 = arith.constant 16 : i32
      %add3A_283 = arith.addi %add3A_265, %add3A_282 : i32
      %get3A_284 = arith.index_cast %add3A_283 : i32 to index
      %get3A_285 = tpu.vector_load %arg7[%get3A_284] {strides = array<i32>} : memref<10000xi32, #tpu.memory_space<vmem>>, vector<16xi32>,
      %get3A_286 = vector.shape_cast %get3A_285 : vector<16xi32> to vector<16xi32>
      %mul3A_287 = arith.constant 10000 : i32
      %mul3A_288 = arith.muli %arg0, %mul3A_287 : i32
      %add3A_289 = vector.broadcast %mul3A_288 : i32 to vector<16xi32>
      %add3A_290 = arith.addi %get3A_286, %add3A_289 : vector<16xi32>
      %swap3A_291 = arith.constant 16 : index
      %swap3A_292 = tpu.vector_load %arg19[%swap3A_291] {strides = array<i32>} : memref<64xi32, #tpu.memory_space<vmem>>, vector<16xi32>,
      %swap3A_293 = vector.shape_cast %swap3A_292 : vector<16xi32> to vector<16xi32>
      %swap3A_294 = vector.shape_cast %add3A_290 : vector<16xi32> to vector<16xi32>
      tpu.vector_store %arg19[%swap3A_291], %swap3A_294 {strides = array<i32>} : memref<64xi32, #tpu.memory_space<vmem>>, vector<16xi32>,
      %add3A_295 = arith.constant 32 : i32
      %add3A_296 = arith.addi %add3A_265, %add3A_295 : i32
      %get3A_297 = arith.index_cast %add3A_296 : i32 to index
      %get3A_298 = tpu.vector_load %arg7[%get3A_297] {strides = array<i32>} : memref<10000xi32, #tpu.memory_space<vmem>>, vector<16xi32>,
      %get3A_299 = vector.shape_cast %get3A_298 : vector<16xi32> to vector<16xi32>
      %mul3A_300 = arith.constant 10000 : i32
      %mul3A_301 = arith.muli %arg0, %mul3A_300 : i32
      %add3A_302 = vector.broadcast %mul3A_301 : i32 to vector<16xi32>
      %add3A_303 = arith.addi %get3A_299, %add3A_302 : vector<16xi32>
      %swap3A_304 = arith.constant 32 : index
      %swap3A_305 = tpu.vector_load %arg19[%swap3A_304] {strides = array<i32>} : memref<64xi32, #tpu.memory_space<vmem>>, vector<16xi32>,
      %swap3A_306 = vector.shape_cast %swap3A_305 : vector<16xi32> to vector<16xi32>
      %swap3A_307 = vector.shape_cast %add3A_303 : vector<16xi32> to vector<16xi32>
      tpu.vector_store %arg19[%swap3A_304], %swap3A_307 {strides = array<i32>} : memref<64xi32, #tpu.memory_space<vmem>>, vector<16xi32>,
      %add3A_308 = arith.constant 48 : i32
      %add3A_309 = arith.addi %add3A_265, %add3A_308 : i32
      %get3A_310 = arith.index_cast %add3A_309 : i32 to index
      %get3A_311 = tpu.vector_load %arg7[%get3A_310] {strides = array<i32>} : memref<10000xi32, #tpu.memory_space<vmem>>, vector<16xi32>,
      %get3A_312 = vector.shape_cast %get3A_311 : vector<16xi32> to vector<16xi32>
      %mul3A_313 = arith.constant 10000 : i32
      %mul3A_314 = arith.muli %arg0, %mul3A_313 : i32
      %add3A_315 = vector.broadcast %mul3A_314 : i32 to vector<16xi32>
      %add3A_316 = arith.addi %get3A_312, %add3A_315 : vector<16xi32>
      %swap3A_317 = arith.constant 48 : index
      %swap3A_318 = tpu.vector_load %arg19[%swap3A_317] {strides = array<i32>} : memref<64xi32, #tpu.memory_space<vmem>>, vector<16xi32>,
      %swap3A_319 = vector.shape_cast %swap3A_318 : vector<16xi32> to vector<16xi32>
      %swap3A_320 = vector.shape_cast %add3A_316 : vector<16xi32> to vector<16xi32>
      tpu.vector_store %arg19[%swap3A_317], %swap3A_320 {strides = array<i32>} : memref<64xi32, #tpu.memory_space<vmem>>, vector<16xi32>,
      %dma_start3A_321 = arith.constant 0 : i32
      %dma_start3A_322 = arith.constant 0 : i32
      %dma_start3A_323 = tpu.memref_slice %arg2[%dma_start3A_321, %dma_start3A_322] : memref<20000x128xf32, #tpu.memory_space<hbm>> -> memref<20000x128xf32, #tpu.memory_space<hbm>>
      tpu.enqueue_indirect_dma source(%dma_start3A_323 : memref<20000x128xf32, #tpu.memory_space<hbm>>) target(%arg15 : memref<64x128xf32, #tpu.memory_space<vmem>>) offsets(%arg19 : memref<64xi32, #tpu.memory_space<vmem>>) semaphore(%arg27 : memref<!tpu.dma_semaphore, #tpu.memory_space<semaphore_mem>>)
      %dma_wait3A_324 = arith.constant 0 : i32
      %dma_wait3A_325 = arith.constant 0 : i32
      %dma_wait3A_326 = tpu.memref_slice %arg2[%dma_wait3A_324, %dma_wait3A_325] : memref<20000x128xf32, #tpu.memory_space<hbm>> -> memref<20000x128xf32, #tpu.memory_space<hbm>>
      tpu.wait_indirect_dma semaphore(%arg24 : memref<!tpu.dma_semaphore, #tpu.memory_space<semaphore_mem>>) src(%dma_wait3A_326 : memref<20000x128xf32, #tpu.memory_space<hbm>>) dst(%arg12 : memref<64x128xf32, #tpu.memory_space<vmem>>)
      %dma_wait3A_327 = tpu.memref_slice %arg4[%add3A_71] : memref<160000xi32, #tpu.memory_space<hbm>> -> memref<64xi32, #tpu.memory_space<hbm>>
      %dma_wait3A_328 = tpu.memref_slice %arg4[%add3A_71] : memref<160000xi32, #tpu.memory_space<hbm>> -> memref<64xi32, #tpu.memory_space<hbm>>
      tpu.wait_dma2 semaphore(%arg28 : memref<!tpu.dma_semaphore, #tpu.memory_space<semaphore_mem>>) src(%dma_wait3A_328 : memref<64xi32, #tpu.memory_space<hbm>>) dst(%arg20 : memref<64xi32, #tpu.memory_space<vmem>>)
      %dma_start3A_329 = arith.constant 0 : i32
      %dma_start3A_330 = arith.constant 0 : i32
      %dma_start3A_331 = tpu.memref_slice %arg11[%dma_start3A_329, %dma_start3A_330] : memref<10240x128xf32, #tpu.memory_space<vmem_shared>> -> memref<10240x128xf32, #tpu.memory_space<vmem_shared>>
      tpu.enqueue_indirect_dma source(%arg12 : memref<64x128xf32, #tpu.memory_space<vmem>>) target(%dma_start3A_331 : memref<10240x128xf32, #tpu.memory_space<vmem_shared>>) offsets(%arg20 : memref<64xi32, #tpu.memory_space<vmem>>) semaphore(%arg32 : memref<!tpu.dma_semaphore, #tpu.memory_space<semaphore_mem>>) {add = true}
      %dma_wait3A_332 = arith.constant 0 : i32
      %dma_wait3A_333 = arith.constant 0 : i32
      %dma_wait3A_334 = tpu.memref_slice %arg2[%dma_wait3A_332, %dma_wait3A_333] : memref<20000x128xf32, #tpu.memory_space<hbm>> -> memref<20000x128xf32, #tpu.memory_space<hbm>>
      tpu.wait_indirect_dma semaphore(%arg25 : memref<!tpu.dma_semaphore, #tpu.memory_space<semaphore_mem>>) src(%dma_wait3A_334 : memref<20000x128xf32, #tpu.memory_space<hbm>>) dst(%arg13 : memref<64x128xf32, #tpu.memory_space<vmem>>)
      %dma_wait3A_335 = tpu.memref_slice %arg4[%add3A_136] : memref<160000xi32, #tpu.memory_space<hbm>> -> memref<64xi32, #tpu.memory_space<hbm>>
      %dma_wait3A_336 = tpu.memref_slice %arg4[%add3A_136] : memref<160000xi32, #tpu.memory_space<hbm>> -> memref<64xi32, #tpu.memory_space<hbm>>
      tpu.wait_dma2 semaphore(%arg29 : memref<!tpu.dma_semaphore, #tpu.memory_space<semaphore_mem>>) src(%dma_wait3A_336 : memref<64xi32, #tpu.memory_space<hbm>>) dst(%arg21 : memref<64xi32, #tpu.memory_space<vmem>>)
      %dma_start3A_337 = arith.constant 0 : i32
      %dma_start3A_338 = arith.constant 0 : i32
      %dma_start3A_339 = tpu.memref_slice %arg11[%dma_start3A_337, %dma_start3A_338] : memref<10240x128xf32, #tpu.memory_space<vmem_shared>> -> memref<10240x128xf32, #tpu.memory_space<vmem_shared>>
      tpu.enqueue_indirect_dma source(%arg13 : memref<64x128xf32, #tpu.memory_space<vmem>>) target(%dma_start3A_339 : memref<10240x128xf32, #tpu.memory_space<vmem_shared>>) offsets(%arg21 : memref<64xi32, #tpu.memory_space<vmem>>) semaphore(%arg33 : memref<!tpu.dma_semaphore, #tpu.memory_space<semaphore_mem>>) {add = true}
      %dma_wait3A_340 = arith.constant 0 : i32
      %dma_wait3A_341 = arith.constant 0 : i32
      %dma_wait3A_342 = tpu.memref_slice %arg2[%dma_wait3A_340, %dma_wait3A_341] : memref<20000x128xf32, #tpu.memory_space<hbm>> -> memref<20000x128xf32, #tpu.memory_space<hbm>>
      tpu.wait_indirect_dma semaphore(%arg26 : memref<!tpu.dma_semaphore, #tpu.memory_space<semaphore_mem>>) src(%dma_wait3A_342 : memref<20000x128xf32, #tpu.memory_space<hbm>>) dst(%arg14 : memref<64x128xf32, #tpu.memory_space<vmem>>)
      %dma_wait3A_343 = tpu.memref_slice %arg4[%add3A_201] : memref<160000xi32, #tpu.memory_space<hbm>> -> memref<64xi32, #tpu.memory_space<hbm>>
      %dma_wait3A_344 = tpu.memref_slice %arg4[%add3A_201] : memref<160000xi32, #tpu.memory_space<hbm>> -> memref<64xi32, #tpu.memory_space<hbm>>
      tpu.wait_dma2 semaphore(%arg30 : memref<!tpu.dma_semaphore, #tpu.memory_space<semaphore_mem>>) src(%dma_wait3A_344 : memref<64xi32, #tpu.memory_space<hbm>>) dst(%arg22 : memref<64xi32, #tpu.memory_space<vmem>>)
      %dma_start3A_345 = arith.constant 0 : i32
      %dma_start3A_346 = arith.constant 0 : i32
      %dma_start3A_347 = tpu.memref_slice %arg11[%dma_start3A_345, %dma_start3A_346] : memref<10240x128xf32, #tpu.memory_space<vmem_shared>> -> memref<10240x128xf32, #tpu.memory_space<vmem_shared>>
      tpu.enqueue_indirect_dma source(%arg14 : memref<64x128xf32, #tpu.memory_space<vmem>>) target(%dma_start3A_347 : memref<10240x128xf32, #tpu.memory_space<vmem_shared>>) offsets(%arg22 : memref<64xi32, #tpu.memory_space<vmem>>) semaphore(%arg34 : memref<!tpu.dma_semaphore, #tpu.memory_space<semaphore_mem>>) {add = true}
      %dma_wait3A_348 = arith.constant 0 : i32
      %dma_wait3A_349 = arith.constant 0 : i32
      %dma_wait3A_350 = tpu.memref_slice %arg2[%dma_wait3A_348, %dma_wait3A_349] : memref<20000x128xf32, #tpu.memory_space<hbm>> -> memref<20000x128xf32, #tpu.memory_space<hbm>>
      tpu.wait_indirect_dma semaphore(%arg27 : memref<!tpu.dma_semaphore, #tpu.memory_space<semaphore_mem>>) src(%dma_wait3A_350 : memref<20000x128xf32, #tpu.memory_space<hbm>>) dst(%arg15 : memref<64x128xf32, #tpu.memory_space<vmem>>)
      %dma_wait3A_351 = tpu.memref_slice %arg4[%add3A_266] : memref<160000xi32, #tpu.memory_space<hbm>> -> memref<64xi32, #tpu.memory_space<hbm>>
      %dma_wait3A_352 = tpu.memref_slice %arg4[%add3A_266] : memref<160000xi32, #tpu.memory_space<hbm>> -> memref<64xi32, #tpu.memory_space<hbm>>
      tpu.wait_dma2 semaphore(%arg31 : memref<!tpu.dma_semaphore, #tpu.memory_space<semaphore_mem>>) src(%dma_wait3A_352 : memref<64xi32, #tpu.memory_space<hbm>>) dst(%arg23 : memref<64xi32, #tpu.memory_space<vmem>>)
      %dma_start3A_353 = arith.constant 0 : i32
      %dma_start3A_354 = arith.constant 0 : i32
      %dma_start3A_355 = tpu.memref_slice %arg11[%dma_start3A_353, %dma_start3A_354] : memref<10240x128xf32, #tpu.memory_space<vmem_shared>> -> memref<10240x128xf32, #tpu.memory_space<vmem_shared>>
      tpu.enqueue_indirect_dma source(%arg15 : memref<64x128xf32, #tpu.memory_space<vmem>>) target(%dma_start3A_355 : memref<10240x128xf32, #tpu.memory_space<vmem_shared>>) offsets(%arg23 : memref<64xi32, #tpu.memory_space<vmem>>) semaphore(%arg35 : memref<!tpu.dma_semaphore, #tpu.memory_space<semaphore_mem>>) {add = true}
      %dma_wait3A_356 = arith.constant 0 : i32
      %dma_wait3A_357 = arith.constant 0 : i32
      %dma_wait3A_358 = tpu.memref_slice %arg11[%dma_wait3A_356, %dma_wait3A_357] : memref<10240x128xf32, #tpu.memory_space<vmem_shared>> -> memref<10240x128xf32, #tpu.memory_space<vmem_shared>>
      tpu.wait_indirect_dma semaphore(%arg32 : memref<!tpu.dma_semaphore, #tpu.memory_space<semaphore_mem>>) src(%arg12 : memref<64x128xf32, #tpu.memory_space<vmem>>) dst(%dma_wait3A_358 : memref<10240x128xf32, #tpu.memory_space<vmem_shared>>)
      %dma_wait3A_359 = arith.constant 0 : i32
      %dma_wait3A_360 = arith.constant 0 : i32
      %dma_wait3A_361 = tpu.memref_slice %arg11[%dma_wait3A_359, %dma_wait3A_360] : memref<10240x128xf32, #tpu.memory_space<vmem_shared>> -> memref<10240x128xf32, #tpu.memory_space<vmem_shared>>
      tpu.wait_indirect_dma semaphore(%arg33 : memref<!tpu.dma_semaphore, #tpu.memory_space<semaphore_mem>>) src(%arg13 : memref<64x128xf32, #tpu.memory_space<vmem>>) dst(%dma_wait3A_361 : memref<10240x128xf32, #tpu.memory_space<vmem_shared>>)
      %dma_wait3A_362 = arith.constant 0 : i32
      %dma_wait3A_363 = arith.constant 0 : i32
      %dma_wait3A_364 = tpu.memref_slice %arg11[%dma_wait3A_362, %dma_wait3A_363] : memref<10240x128xf32, #tpu.memory_space<vmem_shared>> -> memref<10240x128xf32, #tpu.memory_space<vmem_shared>>
      tpu.wait_indirect_dma semaphore(%arg34 : memref<!tpu.dma_semaphore, #tpu.memory_space<semaphore_mem>>) src(%arg14 : memref<64x128xf32, #tpu.memory_space<vmem>>) dst(%dma_wait3A_364 : memref<10240x128xf32, #tpu.memory_space<vmem_shared>>)
      %dma_wait3A_365 = arith.constant 0 : i32
      %dma_wait3A_366 = arith.constant 0 : i32
      %dma_wait3A_367 = tpu.memref_slice %arg11[%dma_wait3A_365, %dma_wait3A_366] : memref<10240x128xf32, #tpu.memory_space<vmem_shared>> -> memref<10240x128xf32, #tpu.memory_space<vmem_shared>>
      tpu.wait_indirect_dma semaphore(%arg35 : memref<!tpu.dma_semaphore, #tpu.memory_space<semaphore_mem>>) src(%arg15 : memref<64x128xf32, #tpu.memory_space<vmem>>) dst(%dma_wait3A_367 : memref<10240x128xf32, #tpu.memory_space<vmem_shared>>)
    }
    %scan3A_30 = arith.constant 39 : i32
    %add3A_31 = arith.constant 9984 : i32
    %add3A_32 = arith.addi %mul3A_25, %add3A_31 : i32
    "tpu.region"() ({
      %run_scoped3A = tpu.sem_alloc : memref<!tpu.dma_semaphore, #tpu.memory_space<semaphore_mem>>
      %dma_start3A_60 = tpu.memref_slice %arg3[%add3A_32] : memref<160000xi32, #tpu.memory_space<hbm>> -> memref<16xi32, #tpu.memory_space<hbm>>
      %dma_start3A_61 = tpu.memref_slice %arg3[%add3A_32] : memref<160000xi32, #tpu.memory_space<hbm>> -> memref<16xi32, #tpu.memory_space<hbm>>
      tpu.enqueue_dma source(%dma_start3A_61 : memref<16xi32, #tpu.memory_space<hbm>>) target(%arg8 : memref<16xi32, #tpu.memory_space<vmem>>) target_semaphore(%run_scoped3A : memref<!tpu.dma_semaphore, #tpu.memory_space<semaphore_mem>>)
      %dma_wait3A_62 = tpu.memref_slice %arg3[%add3A_32] : memref<160000xi32, #tpu.memory_space<hbm>> -> memref<16xi32, #tpu.memory_space<hbm>>
      %dma_wait3A_63 = tpu.memref_slice %arg3[%add3A_32] : memref<160000xi32, #tpu.memory_space<hbm>> -> memref<16xi32, #tpu.memory_space<hbm>>
      tpu.wait_dma2 semaphore(%run_scoped3A : memref<!tpu.dma_semaphore, #tpu.memory_space<semaphore_mem>>) src(%dma_wait3A_63 : memref<16xi32, #tpu.memory_space<hbm>>) dst(%arg8 : memref<16xi32, #tpu.memory_space<vmem>>)
      tpu.yield
    }) : () -> ()
    "tpu.region"() ({
      %run_scoped3A = tpu.sem_alloc : memref<!tpu.dma_semaphore, #tpu.memory_space<semaphore_mem>>
      %dma_start3A_60 = tpu.memref_slice %arg4[%add3A_32] : memref<160000xi32, #tpu.memory_space<hbm>> -> memref<16xi32, #tpu.memory_space<hbm>>
      %dma_start3A_61 = tpu.memref_slice %arg4[%add3A_32] : memref<160000xi32, #tpu.memory_space<hbm>> -> memref<16xi32, #tpu.memory_space<hbm>>
      tpu.enqueue_dma source(%dma_start3A_61 : memref<16xi32, #tpu.memory_space<hbm>>) target(%arg9 : memref<16xi32, #tpu.memory_space<vmem>>) target_semaphore(%run_scoped3A : memref<!tpu.dma_semaphore, #tpu.memory_space<semaphore_mem>>)
      %dma_wait3A_62 = tpu.memref_slice %arg4[%add3A_32] : memref<160000xi32, #tpu.memory_space<hbm>> -> memref<16xi32, #tpu.memory_space<hbm>>
      %dma_wait3A_63 = tpu.memref_slice %arg4[%add3A_32] : memref<160000xi32, #tpu.memory_space<hbm>> -> memref<16xi32, #tpu.memory_space<hbm>>
      tpu.wait_dma2 semaphore(%run_scoped3A : memref<!tpu.dma_semaphore, #tpu.memory_space<semaphore_mem>>) src(%dma_wait3A_63 : memref<16xi32, #tpu.memory_space<hbm>>) dst(%arg9 : memref<16xi32, #tpu.memory_space<vmem>>)
      tpu.yield
    }) : () -> ()
    %get3A = arith.constant 0 : index
    %get3A_33 = tpu.vector_load %arg8[%get3A] {strides = array<i32>} : memref<16xi32, #tpu.memory_space<vmem>>, vector<16xi32>,
    %get3A_34 = vector.shape_cast %get3A_33 : vector<16xi32> to vector<16xi32>
    %mul3A_35 = arith.constant 10000 : i32
    %mul3A_36 = arith.muli %arg0, %mul3A_35 : i32
    %add3A_37 = vector.broadcast %mul3A_36 : i32 to vector<16xi32>
    %add3A_38 = arith.addi %get3A_34, %add3A_37 : vector<16xi32>
    %swap3A = arith.constant 0 : index
    %swap3A_39 = tpu.vector_load %arg10[%swap3A] {strides = array<i32>} : memref<16xi32, #tpu.memory_space<vmem>>, vector<16xi32>,
    %swap3A_40 = vector.shape_cast %swap3A_39 : vector<16xi32> to vector<16xi32>
    %swap3A_41 = vector.shape_cast %add3A_38 : vector<16xi32> to vector<16xi32>
    tpu.vector_store %arg10[%swap3A], %swap3A_41 {strides = array<i32>} : memref<16xi32, #tpu.memory_space<vmem>>, vector<16xi32>,
    %dma_start3A = arith.constant 0 : i32
    %dma_start3A_42 = arith.constant 0 : i32
    %dma_start3A_43 = tpu.memref_slice %arg12[%dma_start3A, %dma_start3A_42] : memref<64x128xf32, #tpu.memory_space<vmem>> -> memref<16x128xf32, #tpu.memory_space<vmem>>
    %dma_start3A_44 = arith.constant 0 : i32
    %dma_start3A_45 = arith.constant 0 : i32
    %dma_start3A_46 = tpu.memref_slice %arg2[%dma_start3A_44, %dma_start3A_45] : memref<20000x128xf32, #tpu.memory_space<hbm>> -> memref<20000x128xf32, #tpu.memory_space<hbm>>
    tpu.enqueue_indirect_dma source(%dma_start3A_46 : memref<20000x128xf32, #tpu.memory_space<hbm>>) target(%dma_start3A_43 : memref<16x128xf32, #tpu.memory_space<vmem>>) offsets(%arg10 : memref<16xi32, #tpu.memory_space<vmem>>) semaphore(%arg24 : memref<!tpu.dma_semaphore, #tpu.memory_space<semaphore_mem>>)
    %dma_wait3A = arith.constant 0 : i32
    %dma_wait3A_47 = arith.constant 0 : i32
    %dma_wait3A_48 = tpu.memref_slice %arg12[%dma_wait3A, %dma_wait3A_47] : memref<64x128xf32, #tpu.memory_space<vmem>> -> memref<16x128xf32, #tpu.memory_space<vmem>>
    %dma_wait3A_49 = arith.constant 0 : i32
    %dma_wait3A_50 = arith.constant 0 : i32
    %dma_wait3A_51 = tpu.memref_slice %arg2[%dma_wait3A_49, %dma_wait3A_50] : memref<20000x128xf32, #tpu.memory_space<hbm>> -> memref<20000x128xf32, #tpu.memory_space<hbm>>
    tpu.wait_indirect_dma semaphore(%arg24 : memref<!tpu.dma_semaphore, #tpu.memory_space<semaphore_mem>>) src(%dma_wait3A_51 : memref<20000x128xf32, #tpu.memory_space<hbm>>) dst(%dma_wait3A_48 : memref<16x128xf32, #tpu.memory_space<vmem>>)
    "tpu.region"() ({
      %run_scoped3A = tpu.sem_alloc : memref<!tpu.dma_semaphore, #tpu.memory_space<semaphore_mem>>
      %dma_start3A_60 = arith.constant 0 : i32
      %dma_start3A_61 = arith.constant 0 : i32
      %dma_start3A_62 = tpu.memref_slice %arg12[%dma_start3A_60, %dma_start3A_61] : memref<64x128xf32, #tpu.memory_space<vmem>> -> memref<16x128xf32, #tpu.memory_space<vmem>>
      %dma_start3A_63 = arith.constant 0 : i32
      %dma_start3A_64 = arith.constant 0 : i32
      %dma_start3A_65 = tpu.memref_slice %arg11[%dma_start3A_63, %dma_start3A_64] : memref<10240x128xf32, #tpu.memory_space<vmem_shared>> -> memref<10240x128xf32, #tpu.memory_space<vmem_shared>>
      tpu.enqueue_indirect_dma source(%dma_start3A_62 : memref<16x128xf32, #tpu.memory_space<vmem>>) target(%dma_start3A_65 : memref<10240x128xf32, #tpu.memory_space<vmem_shared>>) offsets(%arg9 : memref<16xi32, #tpu.memory_space<vmem>>) semaphore(%run_scoped3A : memref<!tpu.dma_semaphore, #tpu.memory_space<semaphore_mem>>) {add = true}
      %dma_wait3A_66 = arith.constant 0 : i32
      %dma_wait3A_67 = arith.constant 0 : i32
      %dma_wait3A_68 = tpu.memref_slice %arg12[%dma_wait3A_66, %dma_wait3A_67] : memref<64x128xf32, #tpu.memory_space<vmem>> -> memref<16x128xf32, #tpu.memory_space<vmem>>
      %dma_wait3A_69 = arith.constant 0 : i32
      %dma_wait3A_70 = arith.constant 0 : i32
      %dma_wait3A_71 = tpu.memref_slice %arg11[%dma_wait3A_69, %dma_wait3A_70] : memref<10240x128xf32, #tpu.memory_space<vmem_shared>> -> memref<10240x128xf32, #tpu.memory_space<vmem_shared>>
      tpu.wait_indirect_dma semaphore(%run_scoped3A : memref<!tpu.dma_semaphore, #tpu.memory_space<semaphore_mem>>) src(%dma_wait3A_68 : memref<16x128xf32, #tpu.memory_space<vmem>>) dst(%dma_wait3A_71 : memref<10240x128xf32, #tpu.memory_space<vmem_shared>>)
      tpu.yield
    }) : () -> ()
    %barrier3A_52 = arith.constant 0 : index
    tpu.barrier barrier_id(%barrier3A_52)
    %eq3A = arith.constant 0 : i32
    %eq3A_53 = arith.cmpi eq, %arg0, %eq3A : i32
    %convert_element_type3A = arith.extui %eq3A_53 : i1 to i32
    %cond3A = arith.constant 0 : i32
    %cond3A_54 = arith.cmpi ne, %convert_element_type3A, %cond3A : i32
    scf.if %cond3A_54 {
      "tpu.region"() ({
        %run_scoped3A = tpu.sem_alloc : memref<!tpu.dma_semaphore, #tpu.memory_space<semaphore_mem>>
        %dma_start3A_60 = arith.constant 0 : i32
        %dma_start3A_61 = tpu.memref_slice %arg5[%mul3A_4, %dma_start3A_60] : memref<10240x128xf32, #tpu.memory_space<hbm>> -> memref<640x128xf32, #tpu.memory_space<hbm>>
        %dma_start3A_62 = arith.constant 0 : i32
        %dma_start3A_63 = tpu.memref_slice %arg11[%mul3A_4, %dma_start3A_62] : memref<10240x128xf32, #tpu.memory_space<vmem_shared>> -> memref<640x128xf32, #tpu.memory_space<vmem_shared>>
        tpu.enqueue_dma source(%dma_start3A_63 : memref<640x128xf32, #tpu.memory_space<vmem_shared>>) target(%dma_start3A_61 : memref<640x128xf32, #tpu.memory_space<hbm>>) target_semaphore(%run_scoped3A : memref<!tpu.dma_semaphore, #tpu.memory_space<semaphore_mem>>)
        %dma_wait3A_64 = arith.constant 0 : i32
        %dma_wait3A_65 = tpu.memref_slice %arg5[%mul3A_4, %dma_wait3A_64] : memref<10240x128xf32, #tpu.memory_space<hbm>> -> memref<640x128xf32, #tpu.memory_space<hbm>>
        %dma_wait3A_66 = arith.constant 0 : i32
        %dma_wait3A_67 = tpu.memref_slice %arg11[%mul3A_4, %dma_wait3A_66] : memref<10240x128xf32, #tpu.memory_space<vmem_shared>> -> memref<640x128xf32, #tpu.memory_space<vmem_shared>>
        tpu.wait_dma2 semaphore(%run_scoped3A : memref<!tpu.dma_semaphore, #tpu.memory_space<semaphore_mem>>) src(%dma_wait3A_67 : memref<640x128xf32, #tpu.memory_space<vmem_shared>>) dst(%dma_wait3A_65 : memref<640x128xf32, #tpu.memory_space<hbm>>)
        tpu.yield
      }) : () -> ()
    } else {
    }
    %eq3A_55 = arith.constant 1 : i32
    %eq3A_56 = arith.cmpi eq, %arg0, %eq3A_55 : i32
    %convert_element_type3A_57 = arith.extui %eq3A_56 : i1 to i32
    %cond3A_58 = arith.constant 0 : i32
    %cond3A_59 = arith.cmpi ne, %convert_element_type3A_57, %cond3A_58 : i32
    scf.if %cond3A_59 {
      "tpu.region"() ({
        %run_scoped3A = tpu.sem_alloc : memref<!tpu.dma_semaphore, #tpu.memory_space<semaphore_mem>>
        %dma_start3A_60 = arith.constant 0 : i32
        %dma_start3A_61 = tpu.memref_slice %arg6[%mul3A_4, %dma_start3A_60] : memref<10240x128xf32, #tpu.memory_space<hbm>> -> memref<640x128xf32, #tpu.memory_space<hbm>>
        %dma_start3A_62 = arith.constant 0 : i32
        %dma_start3A_63 = tpu.memref_slice %arg11[%mul3A_4, %dma_start3A_62] : memref<10240x128xf32, #tpu.memory_space<vmem_shared>> -> memref<640x128xf32, #tpu.memory_space<vmem_shared>>
        tpu.enqueue_dma source(%dma_start3A_63 : memref<640x128xf32, #tpu.memory_space<vmem_shared>>) target(%dma_start3A_61 : memref<640x128xf32, #tpu.memory_space<hbm>>) target_semaphore(%run_scoped3A : memref<!tpu.dma_semaphore, #tpu.memory_space<semaphore_mem>>)
        %dma_wait3A_64 = arith.constant 0 : i32
        %dma_wait3A_65 = tpu.memref_slice %arg6[%mul3A_4, %dma_wait3A_64] : memref<10240x128xf32, #tpu.memory_space<hbm>> -> memref<640x128xf32, #tpu.memory_space<hbm>>
        %dma_wait3A_66 = arith.constant 0 : i32
        %dma_wait3A_67 = tpu.memref_slice %arg11[%mul3A_4, %dma_wait3A_66] : memref<10240x128xf32, #tpu.memory_space<vmem_shared>> -> memref<640x128xf32, #tpu.memory_space<vmem_shared>>
        tpu.wait_dma2 semaphore(%run_scoped3A : memref<!tpu.dma_semaphore, #tpu.memory_space<semaphore_mem>>) src(%dma_wait3A_67 : memref<640x128xf32, #tpu.memory_space<vmem_shared>>) dst(%dma_wait3A_65 : memref<640x128xf32, #tpu.memory_space<hbm>>)
        tpu.yield
      }) : () -> ()
    } else {
    }
    return
  }
}

#map = affine_map<(d0, d1) -> (0, 0)>
#map1 = affine_map<(d0, d1) -> (0)>
module attributes {stable_mosaic.version = 14 : i64} {
  func.func @body(%arg0: i32, %arg1: i32, %arg2: memref<10240x128xf32, #tpu.memory_space<hbm>>, %arg3: memref<160000xi32, #tpu.memory_space<hbm>>, %arg4: memref<160000xi32, #tpu.memory_space<hbm>>, %arg5: memref<10240x128xf32, #tpu.memory_space<hbm>>, %arg6: memref<10240x128xf32, #tpu.memory_space<hbm>>, %arg7: memref<5000xi32, #tpu.memory_space<vmem>>, %arg8: memref<8xi32, #tpu.memory_space<vmem>>, %arg9: memref<8xi32, #tpu.memory_space<vmem>>, %arg10: memref<8xi32, #tpu.memory_space<vmem>>, %arg11: memref<10240x128xf32, #tpu.memory_space<vmem_shared>>, %arg12: memref<64x128xf32, #tpu.memory_space<vmem>>, %arg13: memref<64x128xf32, #tpu.memory_space<vmem>>, %arg14: memref<64x128xf32, #tpu.memory_space<vmem>>, %arg15: memref<64x128xf32, #tpu.memory_space<vmem>>, %arg16: memref<64xi32, #tpu.memory_space<vmem>>, %arg17: memref<64xi32, #tpu.memory_space<vmem>>, %arg18: memref<64xi32, #tpu.memory_space<vmem>>, %arg19: memref<64xi32, #tpu.memory_space<vmem>>, %arg20: memref<64xi32, #tpu.memory_space<vmem>>, %arg21: memref<64xi32, #tpu.memory_space<vmem>>, %arg22: memref<64xi32, #tpu.memory_space<vmem>>, %arg23: memref<64xi32, #tpu.memory_space<vmem>>, %arg24: memref<!tpu.dma_semaphore, #tpu.memory_space<semaphore_mem>>, %arg25: memref<!tpu.dma_semaphore, #tpu.memory_space<semaphore_mem>>, %arg26: memref<!tpu.dma_semaphore, #tpu.memory_space<semaphore_mem>>, %arg27: memref<!tpu.dma_semaphore, #tpu.memory_space<semaphore_mem>>, %arg28: memref<!tpu.dma_semaphore, #tpu.memory_space<semaphore_mem>>, %arg29: memref<!tpu.dma_semaphore, #tpu.memory_space<semaphore_mem>>, %arg30: memref<!tpu.dma_semaphore, #tpu.memory_space<semaphore_mem>>, %arg31: memref<!tpu.dma_semaphore, #tpu.memory_space<semaphore_mem>>, %arg32: memref<!tpu.dma_semaphore, #tpu.memory_space<semaphore_mem>>, %arg33: memref<!tpu.dma_semaphore, #tpu.memory_space<semaphore_mem>>, %arg34: memref<!tpu.dma_semaphore, #tpu.memory_space<semaphore_mem>>, %arg35: memref<!tpu.dma_semaphore, #tpu.memory_space<semaphore_mem>>) attributes {dimension_semantics = [#tpu.dimension_semantics<core_parallel>, #tpu.dimension_semantics<subcore_parallel>], iteration_bounds = array<i64: 2, 16>, scalar_prefetch = 0 : i64, scratch_operands = 29 : i64, tpu.core_type = #tpu.core_type<sc_vector_subcore>, window_params = [{transform_indices = #map}, {transform_indices = #map1}, {transform_indices = #map1}, {transform_indices = #map}, {transform_indices = #map}]} {
    %scan3A = arith.constant 0 : i32
    %scan3A_0 = arith.constant 64 : i32
    %scan3A_1 = arith.addi %scan3A, %scan3A_0 : i32
    %scan3A_2 = arith.constant 1 : i32
    scf.for %scan3A_99 = %scan3A to %scan3A_1 step %scan3A_2  : i32 {
      %mul3A_100 = arith.constant 1 : i32
      %mul3A_101 = arith.muli %scan3A_99, %mul3A_100 : i32
      %add3A_102 = arith.constant 0 : i32
      %add3A_103 = arith.addi %add3A_102, %mul3A_101 : i32
      %broadcast_in_dim3A = arith.constant 0.000000e+00 : f32
      %broadcast_in_dim3A_104 = vector.broadcast %broadcast_in_dim3A : f32 to vector<16xf32>
      %swap3A = arith.index_cast %add3A_103 : i32 to index
      %swap3A_105 = arith.constant 0 : index
      %swap3A_106 = tpu.vector_load %arg12[%swap3A, %swap3A_105] {strides = array<i32>} : memref<64x128xf32, #tpu.memory_space<vmem>>, vector<1x16xf32>,
      %swap3A_107 = vector.shape_cast %swap3A_106 : vector<1x16xf32> to vector<16xf32>
      %swap3A_108 = vector.shape_cast %broadcast_in_dim3A_104 : vector<16xf32> to vector<1x16xf32>
      tpu.vector_store %arg12[%swap3A, %swap3A_105], %swap3A_108 {strides = array<i32>} : memref<64x128xf32, #tpu.memory_space<vmem>>, vector<1x16xf32>,
      %broadcast_in_dim3A_109 = arith.constant 0.000000e+00 : f32
      %broadcast_in_dim3A_110 = vector.broadcast %broadcast_in_dim3A_109 : f32 to vector<16xf32>
      %swap3A_111 = arith.index_cast %add3A_103 : i32 to index
      %swap3A_112 = arith.constant 16 : index
      %swap3A_113 = tpu.vector_load %arg12[%swap3A_111, %swap3A_112] {strides = array<i32>} : memref<64x128xf32, #tpu.memory_space<vmem>>, vector<1x16xf32>,
      %swap3A_114 = vector.shape_cast %swap3A_113 : vector<1x16xf32> to vector<16xf32>
      %swap3A_115 = vector.shape_cast %broadcast_in_dim3A_110 : vector<16xf32> to vector<1x16xf32>
      tpu.vector_store %arg12[%swap3A_111, %swap3A_112], %swap3A_115 {strides = array<i32>} : memref<64x128xf32, #tpu.memory_space<vmem>>, vector<1x16xf32>,
      %broadcast_in_dim3A_116 = arith.constant 0.000000e+00 : f32
      %broadcast_in_dim3A_117 = vector.broadcast %broadcast_in_dim3A_116 : f32 to vector<16xf32>
      %swap3A_118 = arith.index_cast %add3A_103 : i32 to index
      %swap3A_119 = arith.constant 32 : index
      %swap3A_120 = tpu.vector_load %arg12[%swap3A_118, %swap3A_119] {strides = array<i32>} : memref<64x128xf32, #tpu.memory_space<vmem>>, vector<1x16xf32>,
      %swap3A_121 = vector.shape_cast %swap3A_120 : vector<1x16xf32> to vector<16xf32>
      %swap3A_122 = vector.shape_cast %broadcast_in_dim3A_117 : vector<16xf32> to vector<1x16xf32>
      tpu.vector_store %arg12[%swap3A_118, %swap3A_119], %swap3A_122 {strides = array<i32>} : memref<64x128xf32, #tpu.memory_space<vmem>>, vector<1x16xf32>,
      %broadcast_in_dim3A_123 = arith.constant 0.000000e+00 : f32
      %broadcast_in_dim3A_124 = vector.broadcast %broadcast_in_dim3A_123 : f32 to vector<16xf32>
      %swap3A_125 = arith.index_cast %add3A_103 : i32 to index
      %swap3A_126 = arith.constant 48 : index
      %swap3A_127 = tpu.vector_load %arg12[%swap3A_125, %swap3A_126] {strides = array<i32>} : memref<64x128xf32, #tpu.memory_space<vmem>>, vector<1x16xf32>,
      %swap3A_128 = vector.shape_cast %swap3A_127 : vector<1x16xf32> to vector<16xf32>
      %swap3A_129 = vector.shape_cast %broadcast_in_dim3A_124 : vector<16xf32> to vector<1x16xf32>
      tpu.vector_store %arg12[%swap3A_125, %swap3A_126], %swap3A_129 {strides = array<i32>} : memref<64x128xf32, #tpu.memory_space<vmem>>, vector<1x16xf32>,
      %broadcast_in_dim3A_130 = arith.constant 0.000000e+00 : f32
      %broadcast_in_dim3A_131 = vector.broadcast %broadcast_in_dim3A_130 : f32 to vector<16xf32>
      %swap3A_132 = arith.index_cast %add3A_103 : i32 to index
      %swap3A_133 = arith.constant 64 : index
      %swap3A_134 = tpu.vector_load %arg12[%swap3A_132, %swap3A_133] {strides = array<i32>} : memref<64x128xf32, #tpu.memory_space<vmem>>, vector<1x16xf32>,
      %swap3A_135 = vector.shape_cast %swap3A_134 : vector<1x16xf32> to vector<16xf32>
      %swap3A_136 = vector.shape_cast %broadcast_in_dim3A_131 : vector<16xf32> to vector<1x16xf32>
      tpu.vector_store %arg12[%swap3A_132, %swap3A_133], %swap3A_136 {strides = array<i32>} : memref<64x128xf32, #tpu.memory_space<vmem>>, vector<1x16xf32>,
      %broadcast_in_dim3A_137 = arith.constant 0.000000e+00 : f32
      %broadcast_in_dim3A_138 = vector.broadcast %broadcast_in_dim3A_137 : f32 to vector<16xf32>
      %swap3A_139 = arith.index_cast %add3A_103 : i32 to index
      %swap3A_140 = arith.constant 80 : index
      %swap3A_141 = tpu.vector_load %arg12[%swap3A_139, %swap3A_140] {strides = array<i32>} : memref<64x128xf32, #tpu.memory_space<vmem>>, vector<1x16xf32>,
      %swap3A_142 = vector.shape_cast %swap3A_141 : vector<1x16xf32> to vector<16xf32>
      %swap3A_143 = vector.shape_cast %broadcast_in_dim3A_138 : vector<16xf32> to vector<1x16xf32>
      tpu.vector_store %arg12[%swap3A_139, %swap3A_140], %swap3A_143 {strides = array<i32>} : memref<64x128xf32, #tpu.memory_space<vmem>>, vector<1x16xf32>,
      %broadcast_in_dim3A_144 = arith.constant 0.000000e+00 : f32
      %broadcast_in_dim3A_145 = vector.broadcast %broadcast_in_dim3A_144 : f32 to vector<16xf32>
      %swap3A_146 = arith.index_cast %add3A_103 : i32 to index
      %swap3A_147 = arith.constant 96 : index
      %swap3A_148 = tpu.vector_load %arg12[%swap3A_146, %swap3A_147] {strides = array<i32>} : memref<64x128xf32, #tpu.memory_space<vmem>>, vector<1x16xf32>,
      %swap3A_149 = vector.shape_cast %swap3A_148 : vector<1x16xf32> to vector<16xf32>
      %swap3A_150 = vector.shape_cast %broadcast_in_dim3A_145 : vector<16xf32> to vector<1x16xf32>
      tpu.vector_store %arg12[%swap3A_146, %swap3A_147], %swap3A_150 {strides = array<i32>} : memref<64x128xf32, #tpu.memory_space<vmem>>, vector<1x16xf32>,
      %broadcast_in_dim3A_151 = arith.constant 0.000000e+00 : f32
      %broadcast_in_dim3A_152 = vector.broadcast %broadcast_in_dim3A_151 : f32 to vector<16xf32>
      %swap3A_153 = arith.index_cast %add3A_103 : i32 to index
      %swap3A_154 = arith.constant 112 : index
      %swap3A_155 = tpu.vector_load %arg12[%swap3A_153, %swap3A_154] {strides = array<i32>} : memref<64x128xf32, #tpu.memory_space<vmem>>, vector<1x16xf32>,
      %swap3A_156 = vector.shape_cast %swap3A_155 : vector<1x16xf32> to vector<16xf32>
      %swap3A_157 = vector.shape_cast %broadcast_in_dim3A_152 : vector<16xf32> to vector<1x16xf32>
      tpu.vector_store %arg12[%swap3A_153, %swap3A_154], %swap3A_157 {strides = array<i32>} : memref<64x128xf32, #tpu.memory_space<vmem>>, vector<1x16xf32>,
    }
    %scan3A_3 = arith.constant 64 : i32
    %mul3A = arith.constant 640 : i32
    %mul3A_4 = arith.muli %arg1, %mul3A : i32
    %add3A = arith.constant 0 : i32
    %add3A_5 = arith.addi %mul3A_4, %add3A : i32
    "tpu.region"() ({
      %run_scoped3A = tpu.sem_alloc : memref<!tpu.dma_semaphore, #tpu.memory_space<semaphore_mem>>
      %dma_start3A_99 = arith.constant 0 : i32
      %dma_start3A_100 = tpu.memref_slice %arg11[%add3A_5, %dma_start3A_99] : memref<10240x128xf32, #tpu.memory_space<vmem_shared>> -> memref<64x128xf32, #tpu.memory_space<vmem_shared>>
      %dma_start3A_101 = arith.constant 0 : i32
      %dma_start3A_102 = tpu.memref_slice %arg11[%add3A_5, %dma_start3A_101] : memref<10240x128xf32, #tpu.memory_space<vmem_shared>> -> memref<64x128xf32, #tpu.memory_space<vmem_shared>>
      tpu.enqueue_dma source(%arg12 : memref<64x128xf32, #tpu.memory_space<vmem>>) target(%dma_start3A_102 : memref<64x128xf32, #tpu.memory_space<vmem_shared>>) target_semaphore(%run_scoped3A : memref<!tpu.dma_semaphore, #tpu.memory_space<semaphore_mem>>)
      %dma_wait3A_103 = arith.constant 0 : i32
      %dma_wait3A_104 = tpu.memref_slice %arg11[%add3A_5, %dma_wait3A_103] : memref<10240x128xf32, #tpu.memory_space<vmem_shared>> -> memref<64x128xf32, #tpu.memory_space<vmem_shared>>
      %dma_wait3A_105 = arith.constant 0 : i32
      %dma_wait3A_106 = tpu.memref_slice %arg11[%add3A_5, %dma_wait3A_105] : memref<10240x128xf32, #tpu.memory_space<vmem_shared>> -> memref<64x128xf32, #tpu.memory_space<vmem_shared>>
      tpu.wait_dma2 semaphore(%run_scoped3A : memref<!tpu.dma_semaphore, #tpu.memory_space<semaphore_mem>>) src(%arg12 : memref<64x128xf32, #tpu.memory_space<vmem>>) dst(%dma_wait3A_106 : memref<64x128xf32, #tpu.memory_space<vmem_shared>>)
      tpu.yield
    }) : () -> ()
    %add3A_6 = arith.constant 64 : i32
    %add3A_7 = arith.addi %mul3A_4, %add3A_6 : i32
    "tpu.region"() ({
      %run_scoped3A = tpu.sem_alloc : memref<!tpu.dma_semaphore, #tpu.memory_space<semaphore_mem>>
      %dma_start3A_99 = arith.constant 0 : i32
      %dma_start3A_100 = tpu.memref_slice %arg11[%add3A_7, %dma_start3A_99] : memref<10240x128xf32, #tpu.memory_space<vmem_shared>> -> memref<64x128xf32, #tpu.memory_space<vmem_shared>>
      %dma_start3A_101 = arith.constant 0 : i32
      %dma_start3A_102 = tpu.memref_slice %arg11[%add3A_7, %dma_start3A_101] : memref<10240x128xf32, #tpu.memory_space<vmem_shared>> -> memref<64x128xf32, #tpu.memory_space<vmem_shared>>
      tpu.enqueue_dma source(%arg12 : memref<64x128xf32, #tpu.memory_space<vmem>>) target(%dma_start3A_102 : memref<64x128xf32, #tpu.memory_space<vmem_shared>>) target_semaphore(%run_scoped3A : memref<!tpu.dma_semaphore, #tpu.memory_space<semaphore_mem>>)
      %dma_wait3A_103 = arith.constant 0 : i32
      %dma_wait3A_104 = tpu.memref_slice %arg11[%add3A_7, %dma_wait3A_103] : memref<10240x128xf32, #tpu.memory_space<vmem_shared>> -> memref<64x128xf32, #tpu.memory_space<vmem_shared>>
      %dma_wait3A_105 = arith.constant 0 : i32
      %dma_wait3A_106 = tpu.memref_slice %arg11[%add3A_7, %dma_wait3A_105] : memref<10240x128xf32, #tpu.memory_space<vmem_shared>> -> memref<64x128xf32, #tpu.memory_space<vmem_shared>>
      tpu.wait_dma2 semaphore(%run_scoped3A : memref<!tpu.dma_semaphore, #tpu.memory_space<semaphore_mem>>) src(%arg12 : memref<64x128xf32, #tpu.memory_space<vmem>>) dst(%dma_wait3A_106 : memref<64x128xf32, #tpu.memory_space<vmem_shared>>)
      tpu.yield
    }) : () -> ()
    %add3A_8 = arith.constant 128 : i32
    %add3A_9 = arith.addi %mul3A_4, %add3A_8 : i32
    "tpu.region"() ({
      %run_scoped3A = tpu.sem_alloc : memref<!tpu.dma_semaphore, #tpu.memory_space<semaphore_mem>>
      %dma_start3A_99 = arith.constant 0 : i32
      %dma_start3A_100 = tpu.memref_slice %arg11[%add3A_9, %dma_start3A_99] : memref<10240x128xf32, #tpu.memory_space<vmem_shared>> -> memref<64x128xf32, #tpu.memory_space<vmem_shared>>
      %dma_start3A_101 = arith.constant 0 : i32
      %dma_start3A_102 = tpu.memref_slice %arg11[%add3A_9, %dma_start3A_101] : memref<10240x128xf32, #tpu.memory_space<vmem_shared>> -> memref<64x128xf32, #tpu.memory_space<vmem_shared>>
      tpu.enqueue_dma source(%arg12 : memref<64x128xf32, #tpu.memory_space<vmem>>) target(%dma_start3A_102 : memref<64x128xf32, #tpu.memory_space<vmem_shared>>) target_semaphore(%run_scoped3A : memref<!tpu.dma_semaphore, #tpu.memory_space<semaphore_mem>>)
      %dma_wait3A_103 = arith.constant 0 : i32
      %dma_wait3A_104 = tpu.memref_slice %arg11[%add3A_9, %dma_wait3A_103] : memref<10240x128xf32, #tpu.memory_space<vmem_shared>> -> memref<64x128xf32, #tpu.memory_space<vmem_shared>>
      %dma_wait3A_105 = arith.constant 0 : i32
      %dma_wait3A_106 = tpu.memref_slice %arg11[%add3A_9, %dma_wait3A_105] : memref<10240x128xf32, #tpu.memory_space<vmem_shared>> -> memref<64x128xf32, #tpu.memory_space<vmem_shared>>
      tpu.wait_dma2 semaphore(%run_scoped3A : memref<!tpu.dma_semaphore, #tpu.memory_space<semaphore_mem>>) src(%arg12 : memref<64x128xf32, #tpu.memory_space<vmem>>) dst(%dma_wait3A_106 : memref<64x128xf32, #tpu.memory_space<vmem_shared>>)
      tpu.yield
    }) : () -> ()
    %add3A_10 = arith.constant 192 : i32
    %add3A_11 = arith.addi %mul3A_4, %add3A_10 : i32
    "tpu.region"() ({
      %run_scoped3A = tpu.sem_alloc : memref<!tpu.dma_semaphore, #tpu.memory_space<semaphore_mem>>
      %dma_start3A_99 = arith.constant 0 : i32
      %dma_start3A_100 = tpu.memref_slice %arg11[%add3A_11, %dma_start3A_99] : memref<10240x128xf32, #tpu.memory_space<vmem_shared>> -> memref<64x128xf32, #tpu.memory_space<vmem_shared>>
      %dma_start3A_101 = arith.constant 0 : i32
      %dma_start3A_102 = tpu.memref_slice %arg11[%add3A_11, %dma_start3A_101] : memref<10240x128xf32, #tpu.memory_space<vmem_shared>> -> memref<64x128xf32, #tpu.memory_space<vmem_shared>>
      tpu.enqueue_dma source(%arg12 : memref<64x128xf32, #tpu.memory_space<vmem>>) target(%dma_start3A_102 : memref<64x128xf32, #tpu.memory_space<vmem_shared>>) target_semaphore(%run_scoped3A : memref<!tpu.dma_semaphore, #tpu.memory_space<semaphore_mem>>)
      %dma_wait3A_103 = arith.constant 0 : i32
      %dma_wait3A_104 = tpu.memref_slice %arg11[%add3A_11, %dma_wait3A_103] : memref<10240x128xf32, #tpu.memory_space<vmem_shared>> -> memref<64x128xf32, #tpu.memory_space<vmem_shared>>
      %dma_wait3A_105 = arith.constant 0 : i32
      %dma_wait3A_106 = tpu.memref_slice %arg11[%add3A_11, %dma_wait3A_105] : memref<10240x128xf32, #tpu.memory_space<vmem_shared>> -> memref<64x128xf32, #tpu.memory_space<vmem_shared>>
      tpu.wait_dma2 semaphore(%run_scoped3A : memref<!tpu.dma_semaphore, #tpu.memory_space<semaphore_mem>>) src(%arg12 : memref<64x128xf32, #tpu.memory_space<vmem>>) dst(%dma_wait3A_106 : memref<64x128xf32, #tpu.memory_space<vmem_shared>>)
      tpu.yield
    }) : () -> ()
    %add3A_12 = arith.constant 256 : i32
    %add3A_13 = arith.addi %mul3A_4, %add3A_12 : i32
    "tpu.region"() ({
      %run_scoped3A = tpu.sem_alloc : memref<!tpu.dma_semaphore, #tpu.memory_space<semaphore_mem>>
      %dma_start3A_99 = arith.constant 0 : i32
      %dma_start3A_100 = tpu.memref_slice %arg11[%add3A_13, %dma_start3A_99] : memref<10240x128xf32, #tpu.memory_space<vmem_shared>> -> memref<64x128xf32, #tpu.memory_space<vmem_shared>>
      %dma_start3A_101 = arith.constant 0 : i32
      %dma_start3A_102 = tpu.memref_slice %arg11[%add3A_13, %dma_start3A_101] : memref<10240x128xf32, #tpu.memory_space<vmem_shared>> -> memref<64x128xf32, #tpu.memory_space<vmem_shared>>
      tpu.enqueue_dma source(%arg12 : memref<64x128xf32, #tpu.memory_space<vmem>>) target(%dma_start3A_102 : memref<64x128xf32, #tpu.memory_space<vmem_shared>>) target_semaphore(%run_scoped3A : memref<!tpu.dma_semaphore, #tpu.memory_space<semaphore_mem>>)
      %dma_wait3A_103 = arith.constant 0 : i32
      %dma_wait3A_104 = tpu.memref_slice %arg11[%add3A_13, %dma_wait3A_103] : memref<10240x128xf32, #tpu.memory_space<vmem_shared>> -> memref<64x128xf32, #tpu.memory_space<vmem_shared>>
      %dma_wait3A_105 = arith.constant 0 : i32
      %dma_wait3A_106 = tpu.memref_slice %arg11[%add3A_13, %dma_wait3A_105] : memref<10240x128xf32, #tpu.memory_space<vmem_shared>> -> memref<64x128xf32, #tpu.memory_space<vmem_shared>>
      tpu.wait_dma2 semaphore(%run_scoped3A : memref<!tpu.dma_semaphore, #tpu.memory_space<semaphore_mem>>) src(%arg12 : memref<64x128xf32, #tpu.memory_space<vmem>>) dst(%dma_wait3A_106 : memref<64x128xf32, #tpu.memory_space<vmem_shared>>)
      tpu.yield
    }) : () -> ()
    %add3A_14 = arith.constant 320 : i32
    %add3A_15 = arith.addi %mul3A_4, %add3A_14 : i32
    "tpu.region"() ({
      %run_scoped3A = tpu.sem_alloc : memref<!tpu.dma_semaphore, #tpu.memory_space<semaphore_mem>>
      %dma_start3A_99 = arith.constant 0 : i32
      %dma_start3A_100 = tpu.memref_slice %arg11[%add3A_15, %dma_start3A_99] : memref<10240x128xf32, #tpu.memory_space<vmem_shared>> -> memref<64x128xf32, #tpu.memory_space<vmem_shared>>
      %dma_start3A_101 = arith.constant 0 : i32
      %dma_start3A_102 = tpu.memref_slice %arg11[%add3A_15, %dma_start3A_101] : memref<10240x128xf32, #tpu.memory_space<vmem_shared>> -> memref<64x128xf32, #tpu.memory_space<vmem_shared>>
      tpu.enqueue_dma source(%arg12 : memref<64x128xf32, #tpu.memory_space<vmem>>) target(%dma_start3A_102 : memref<64x128xf32, #tpu.memory_space<vmem_shared>>) target_semaphore(%run_scoped3A : memref<!tpu.dma_semaphore, #tpu.memory_space<semaphore_mem>>)
      %dma_wait3A_103 = arith.constant 0 : i32
      %dma_wait3A_104 = tpu.memref_slice %arg11[%add3A_15, %dma_wait3A_103] : memref<10240x128xf32, #tpu.memory_space<vmem_shared>> -> memref<64x128xf32, #tpu.memory_space<vmem_shared>>
      %dma_wait3A_105 = arith.constant 0 : i32
      %dma_wait3A_106 = tpu.memref_slice %arg11[%add3A_15, %dma_wait3A_105] : memref<10240x128xf32, #tpu.memory_space<vmem_shared>> -> memref<64x128xf32, #tpu.memory_space<vmem_shared>>
      tpu.wait_dma2 semaphore(%run_scoped3A : memref<!tpu.dma_semaphore, #tpu.memory_space<semaphore_mem>>) src(%arg12 : memref<64x128xf32, #tpu.memory_space<vmem>>) dst(%dma_wait3A_106 : memref<64x128xf32, #tpu.memory_space<vmem_shared>>)
      tpu.yield
    }) : () -> ()
    %add3A_16 = arith.constant 384 : i32
    %add3A_17 = arith.addi %mul3A_4, %add3A_16 : i32
    "tpu.region"() ({
      %run_scoped3A = tpu.sem_alloc : memref<!tpu.dma_semaphore, #tpu.memory_space<semaphore_mem>>
      %dma_start3A_99 = arith.constant 0 : i32
      %dma_start3A_100 = tpu.memref_slice %arg11[%add3A_17, %dma_start3A_99] : memref<10240x128xf32, #tpu.memory_space<vmem_shared>> -> memref<64x128xf32, #tpu.memory_space<vmem_shared>>
      %dma_start3A_101 = arith.constant 0 : i32
      %dma_start3A_102 = tpu.memref_slice %arg11[%add3A_17, %dma_start3A_101] : memref<10240x128xf32, #tpu.memory_space<vmem_shared>> -> memref<64x128xf32, #tpu.memory_space<vmem_shared>>
      tpu.enqueue_dma source(%arg12 : memref<64x128xf32, #tpu.memory_space<vmem>>) target(%dma_start3A_102 : memref<64x128xf32, #tpu.memory_space<vmem_shared>>) target_semaphore(%run_scoped3A : memref<!tpu.dma_semaphore, #tpu.memory_space<semaphore_mem>>)
      %dma_wait3A_103 = arith.constant 0 : i32
      %dma_wait3A_104 = tpu.memref_slice %arg11[%add3A_17, %dma_wait3A_103] : memref<10240x128xf32, #tpu.memory_space<vmem_shared>> -> memref<64x128xf32, #tpu.memory_space<vmem_shared>>
      %dma_wait3A_105 = arith.constant 0 : i32
      %dma_wait3A_106 = tpu.memref_slice %arg11[%add3A_17, %dma_wait3A_105] : memref<10240x128xf32, #tpu.memory_space<vmem_shared>> -> memref<64x128xf32, #tpu.memory_space<vmem_shared>>
      tpu.wait_dma2 semaphore(%run_scoped3A : memref<!tpu.dma_semaphore, #tpu.memory_space<semaphore_mem>>) src(%arg12 : memref<64x128xf32, #tpu.memory_space<vmem>>) dst(%dma_wait3A_106 : memref<64x128xf32, #tpu.memory_space<vmem_shared>>)
      tpu.yield
    }) : () -> ()
    %add3A_18 = arith.constant 448 : i32
    %add3A_19 = arith.addi %mul3A_4, %add3A_18 : i32
    "tpu.region"() ({
      %run_scoped3A = tpu.sem_alloc : memref<!tpu.dma_semaphore, #tpu.memory_space<semaphore_mem>>
      %dma_start3A_99 = arith.constant 0 : i32
      %dma_start3A_100 = tpu.memref_slice %arg11[%add3A_19, %dma_start3A_99] : memref<10240x128xf32, #tpu.memory_space<vmem_shared>> -> memref<64x128xf32, #tpu.memory_space<vmem_shared>>
      %dma_start3A_101 = arith.constant 0 : i32
      %dma_start3A_102 = tpu.memref_slice %arg11[%add3A_19, %dma_start3A_101] : memref<10240x128xf32, #tpu.memory_space<vmem_shared>> -> memref<64x128xf32, #tpu.memory_space<vmem_shared>>
      tpu.enqueue_dma source(%arg12 : memref<64x128xf32, #tpu.memory_space<vmem>>) target(%dma_start3A_102 : memref<64x128xf32, #tpu.memory_space<vmem_shared>>) target_semaphore(%run_scoped3A : memref<!tpu.dma_semaphore, #tpu.memory_space<semaphore_mem>>)
      %dma_wait3A_103 = arith.constant 0 : i32
      %dma_wait3A_104 = tpu.memref_slice %arg11[%add3A_19, %dma_wait3A_103] : memref<10240x128xf32, #tpu.memory_space<vmem_shared>> -> memref<64x128xf32, #tpu.memory_space<vmem_shared>>
      %dma_wait3A_105 = arith.constant 0 : i32
      %dma_wait3A_106 = tpu.memref_slice %arg11[%add3A_19, %dma_wait3A_105] : memref<10240x128xf32, #tpu.memory_space<vmem_shared>> -> memref<64x128xf32, #tpu.memory_space<vmem_shared>>
      tpu.wait_dma2 semaphore(%run_scoped3A : memref<!tpu.dma_semaphore, #tpu.memory_space<semaphore_mem>>) src(%arg12 : memref<64x128xf32, #tpu.memory_space<vmem>>) dst(%dma_wait3A_106 : memref<64x128xf32, #tpu.memory_space<vmem_shared>>)
      tpu.yield
    }) : () -> ()
    %add3A_20 = arith.constant 512 : i32
    %add3A_21 = arith.addi %mul3A_4, %add3A_20 : i32
    "tpu.region"() ({
      %run_scoped3A = tpu.sem_alloc : memref<!tpu.dma_semaphore, #tpu.memory_space<semaphore_mem>>
      %dma_start3A_99 = arith.constant 0 : i32
      %dma_start3A_100 = tpu.memref_slice %arg11[%add3A_21, %dma_start3A_99] : memref<10240x128xf32, #tpu.memory_space<vmem_shared>> -> memref<64x128xf32, #tpu.memory_space<vmem_shared>>
      %dma_start3A_101 = arith.constant 0 : i32
      %dma_start3A_102 = tpu.memref_slice %arg11[%add3A_21, %dma_start3A_101] : memref<10240x128xf32, #tpu.memory_space<vmem_shared>> -> memref<64x128xf32, #tpu.memory_space<vmem_shared>>
      tpu.enqueue_dma source(%arg12 : memref<64x128xf32, #tpu.memory_space<vmem>>) target(%dma_start3A_102 : memref<64x128xf32, #tpu.memory_space<vmem_shared>>) target_semaphore(%run_scoped3A : memref<!tpu.dma_semaphore, #tpu.memory_space<semaphore_mem>>)
      %dma_wait3A_103 = arith.constant 0 : i32
      %dma_wait3A_104 = tpu.memref_slice %arg11[%add3A_21, %dma_wait3A_103] : memref<10240x128xf32, #tpu.memory_space<vmem_shared>> -> memref<64x128xf32, #tpu.memory_space<vmem_shared>>
      %dma_wait3A_105 = arith.constant 0 : i32
      %dma_wait3A_106 = tpu.memref_slice %arg11[%add3A_21, %dma_wait3A_105] : memref<10240x128xf32, #tpu.memory_space<vmem_shared>> -> memref<64x128xf32, #tpu.memory_space<vmem_shared>>
      tpu.wait_dma2 semaphore(%run_scoped3A : memref<!tpu.dma_semaphore, #tpu.memory_space<semaphore_mem>>) src(%arg12 : memref<64x128xf32, #tpu.memory_space<vmem>>) dst(%dma_wait3A_106 : memref<64x128xf32, #tpu.memory_space<vmem_shared>>)
      tpu.yield
    }) : () -> ()
    %add3A_22 = arith.constant 576 : i32
    %add3A_23 = arith.addi %mul3A_4, %add3A_22 : i32
    "tpu.region"() ({
      %run_scoped3A = tpu.sem_alloc : memref<!tpu.dma_semaphore, #tpu.memory_space<semaphore_mem>>
      %dma_start3A_99 = arith.constant 0 : i32
      %dma_start3A_100 = tpu.memref_slice %arg11[%add3A_23, %dma_start3A_99] : memref<10240x128xf32, #tpu.memory_space<vmem_shared>> -> memref<64x128xf32, #tpu.memory_space<vmem_shared>>
      %dma_start3A_101 = arith.constant 0 : i32
      %dma_start3A_102 = tpu.memref_slice %arg11[%add3A_23, %dma_start3A_101] : memref<10240x128xf32, #tpu.memory_space<vmem_shared>> -> memref<64x128xf32, #tpu.memory_space<vmem_shared>>
      tpu.enqueue_dma source(%arg12 : memref<64x128xf32, #tpu.memory_space<vmem>>) target(%dma_start3A_102 : memref<64x128xf32, #tpu.memory_space<vmem_shared>>) target_semaphore(%run_scoped3A : memref<!tpu.dma_semaphore, #tpu.memory_space<semaphore_mem>>)
      %dma_wait3A_103 = arith.constant 0 : i32
      %dma_wait3A_104 = tpu.memref_slice %arg11[%add3A_23, %dma_wait3A_103] : memref<10240x128xf32, #tpu.memory_space<vmem_shared>> -> memref<64x128xf32, #tpu.memory_space<vmem_shared>>
      %dma_wait3A_105 = arith.constant 0 : i32
      %dma_wait3A_106 = tpu.memref_slice %arg11[%add3A_23, %dma_wait3A_105] : memref<10240x128xf32, #tpu.memory_space<vmem_shared>> -> memref<64x128xf32, #tpu.memory_space<vmem_shared>>
      tpu.wait_dma2 semaphore(%run_scoped3A : memref<!tpu.dma_semaphore, #tpu.memory_space<semaphore_mem>>) src(%arg12 : memref<64x128xf32, #tpu.memory_space<vmem>>) dst(%dma_wait3A_106 : memref<64x128xf32, #tpu.memory_space<vmem_shared>>)
      tpu.yield
    }) : () -> ()
    %mul3A_24 = arith.constant 16 : i32
    %mul3A_25 = arith.muli %arg0, %mul3A_24 : i32
    %add3A_26 = arith.addi %mul3A_25, %arg1 : i32
    %mul3A_27 = arith.constant 5000 : i32
    %mul3A_28 = arith.muli %add3A_26, %mul3A_27 : i32
    "tpu.region"() ({
      %run_scoped3A = tpu.sem_alloc : memref<!tpu.dma_semaphore, #tpu.memory_space<semaphore_mem>>
      %dma_start3A_99 = tpu.memref_slice %arg3[%mul3A_28] : memref<160000xi32, #tpu.memory_space<hbm>> -> memref<5000xi32, #tpu.memory_space<hbm>>
      %dma_start3A_100 = tpu.memref_slice %arg3[%mul3A_28] : memref<160000xi32, #tpu.memory_space<hbm>> -> memref<5000xi32, #tpu.memory_space<hbm>>
      tpu.enqueue_dma source(%dma_start3A_100 : memref<5000xi32, #tpu.memory_space<hbm>>) target(%arg7 : memref<5000xi32, #tpu.memory_space<vmem>>) target_semaphore(%run_scoped3A : memref<!tpu.dma_semaphore, #tpu.memory_space<semaphore_mem>>)
      %dma_wait3A_101 = tpu.memref_slice %arg3[%mul3A_28] : memref<160000xi32, #tpu.memory_space<hbm>> -> memref<5000xi32, #tpu.memory_space<hbm>>
      %dma_wait3A_102 = tpu.memref_slice %arg3[%mul3A_28] : memref<160000xi32, #tpu.memory_space<hbm>> -> memref<5000xi32, #tpu.memory_space<hbm>>
      tpu.wait_dma2 semaphore(%run_scoped3A : memref<!tpu.dma_semaphore, #tpu.memory_space<semaphore_mem>>) src(%dma_wait3A_102 : memref<5000xi32, #tpu.memory_space<hbm>>) dst(%arg7 : memref<5000xi32, #tpu.memory_space<vmem>>)
      tpu.yield
    }) : () -> ()
    %barrier3A = arith.constant 0 : index
    tpu.barrier barrier_id(%barrier3A)
    %scan3A_29 = arith.constant 0 : i32
    %scan3A_30 = arith.constant 19 : i32
    %scan3A_31 = arith.addi %scan3A_29, %scan3A_30 : i32
    %scan3A_32 = arith.constant 1 : i32
    scf.for %scan3A_99 = %scan3A_29 to %scan3A_31 step %scan3A_32  : i32 {
      %mul3A_100 = arith.constant 1 : i32
      %mul3A_101 = arith.muli %scan3A_99, %mul3A_100 : i32
      %add3A_102 = arith.constant 0 : i32
      %add3A_103 = arith.addi %add3A_102, %mul3A_101 : i32
      %mul3A_104 = arith.constant 4 : i32
      %mul3A_105 = arith.muli %add3A_103, %mul3A_104 : i32
      %mul3A_106 = arith.constant 64 : i32
      %mul3A_107 = arith.muli %mul3A_105, %mul3A_106 : i32
      %multiple_of3A_108 = tpu.assume_multiple %mul3A_107, 8 : i32
      %add3A_109 = arith.constant 0 : i32
      %add3A_110 = arith.addi %multiple_of3A_108, %add3A_109 : i32
      %add3A_111 = arith.addi %mul3A_28, %add3A_110 : i32
      %dma_start3A_112 = tpu.memref_slice %arg4[%add3A_111] : memref<160000xi32, #tpu.memory_space<hbm>> -> memref<64xi32, #tpu.memory_space<hbm>>
      %dma_start3A_113 = tpu.memref_slice %arg4[%add3A_111] : memref<160000xi32, #tpu.memory_space<hbm>> -> memref<64xi32, #tpu.memory_space<hbm>>
      tpu.enqueue_dma source(%dma_start3A_113 : memref<64xi32, #tpu.memory_space<hbm>>) target(%arg20 : memref<64xi32, #tpu.memory_space<vmem>>) target_semaphore(%arg28 : memref<!tpu.dma_semaphore, #tpu.memory_space<semaphore_mem>>)
      %dma_start3A_114 = tpu.memref_slice %arg7[%add3A_110] : memref<5000xi32, #tpu.memory_space<vmem>> -> memref<64xi32, #tpu.memory_space<vmem>>
      %dma_start3A_115 = arith.constant 0 : i32
      %dma_start3A_116 = arith.constant 0 : i32
      %dma_start3A_117 = tpu.memref_slice %arg2[%dma_start3A_115, %dma_start3A_116] : memref<10240x128xf32, #tpu.memory_space<hbm>> -> memref<10240x128xf32, #tpu.memory_space<hbm>>
      tpu.enqueue_indirect_dma source(%dma_start3A_117 : memref<10240x128xf32, #tpu.memory_space<hbm>>) target(%arg12 : memref<64x128xf32, #tpu.memory_space<vmem>>) offsets(%dma_start3A_114 : memref<64xi32, #tpu.memory_space<vmem>>) semaphore(%arg24 : memref<!tpu.dma_semaphore, #tpu.memory_space<semaphore_mem>>)
      %mul3A_118 = arith.constant 4 : i32
      %mul3A_119 = arith.muli %add3A_103, %mul3A_118 : i32
      %mul3A_120 = arith.constant 64 : i32
      %mul3A_121 = arith.muli %mul3A_119, %mul3A_120 : i32
      %multiple_of3A_122 = tpu.assume_multiple %mul3A_121, 8 : i32
      %add3A_123 = arith.constant 64 : i32
      %add3A_124 = arith.addi %multiple_of3A_122, %add3A_123 : i32
      %add3A_125 = arith.addi %mul3A_28, %add3A_124 : i32
      %dma_start3A_126 = tpu.memref_slice %arg4[%add3A_125] : memref<160000xi32, #tpu.memory_space<hbm>> -> memref<64xi32, #tpu.memory_space<hbm>>
      %dma_start3A_127 = tpu.memref_slice %arg4[%add3A_125] : memref<160000xi32, #tpu.memory_space<hbm>> -> memref<64xi32, #tpu.memory_space<hbm>>
      tpu.enqueue_dma source(%dma_start3A_127 : memref<64xi32, #tpu.memory_space<hbm>>) target(%arg21 : memref<64xi32, #tpu.memory_space<vmem>>) target_semaphore(%arg29 : memref<!tpu.dma_semaphore, #tpu.memory_space<semaphore_mem>>)
      %dma_start3A_128 = tpu.memref_slice %arg7[%add3A_124] : memref<5000xi32, #tpu.memory_space<vmem>> -> memref<64xi32, #tpu.memory_space<vmem>>
      %dma_start3A_129 = arith.constant 0 : i32
      %dma_start3A_130 = arith.constant 0 : i32
      %dma_start3A_131 = tpu.memref_slice %arg2[%dma_start3A_129, %dma_start3A_130] : memref<10240x128xf32, #tpu.memory_space<hbm>> -> memref<10240x128xf32, #tpu.memory_space<hbm>>
      tpu.enqueue_indirect_dma source(%dma_start3A_131 : memref<10240x128xf32, #tpu.memory_space<hbm>>) target(%arg13 : memref<64x128xf32, #tpu.memory_space<vmem>>) offsets(%dma_start3A_128 : memref<64xi32, #tpu.memory_space<vmem>>) semaphore(%arg25 : memref<!tpu.dma_semaphore, #tpu.memory_space<semaphore_mem>>)
      %mul3A_132 = arith.constant 4 : i32
      %mul3A_133 = arith.muli %add3A_103, %mul3A_132 : i32
      %mul3A_134 = arith.constant 64 : i32
      %mul3A_135 = arith.muli %mul3A_133, %mul3A_134 : i32
      %multiple_of3A_136 = tpu.assume_multiple %mul3A_135, 8 : i32
      %add3A_137 = arith.constant 128 : i32
      %add3A_138 = arith.addi %multiple_of3A_136, %add3A_137 : i32
      %add3A_139 = arith.addi %mul3A_28, %add3A_138 : i32
      %dma_start3A_140 = tpu.memref_slice %arg4[%add3A_139] : memref<160000xi32, #tpu.memory_space<hbm>> -> memref<64xi32, #tpu.memory_space<hbm>>
      %dma_start3A_141 = tpu.memref_slice %arg4[%add3A_139] : memref<160000xi32, #tpu.memory_space<hbm>> -> memref<64xi32, #tpu.memory_space<hbm>>
      tpu.enqueue_dma source(%dma_start3A_141 : memref<64xi32, #tpu.memory_space<hbm>>) target(%arg22 : memref<64xi32, #tpu.memory_space<vmem>>) target_semaphore(%arg30 : memref<!tpu.dma_semaphore, #tpu.memory_space<semaphore_mem>>)
      %dma_start3A_142 = tpu.memref_slice %arg7[%add3A_138] : memref<5000xi32, #tpu.memory_space<vmem>> -> memref<64xi32, #tpu.memory_space<vmem>>
      %dma_start3A_143 = arith.constant 0 : i32
      %dma_start3A_144 = arith.constant 0 : i32
      %dma_start3A_145 = tpu.memref_slice %arg2[%dma_start3A_143, %dma_start3A_144] : memref<10240x128xf32, #tpu.memory_space<hbm>> -> memref<10240x128xf32, #tpu.memory_space<hbm>>
      tpu.enqueue_indirect_dma source(%dma_start3A_145 : memref<10240x128xf32, #tpu.memory_space<hbm>>) target(%arg14 : memref<64x128xf32, #tpu.memory_space<vmem>>) offsets(%dma_start3A_142 : memref<64xi32, #tpu.memory_space<vmem>>) semaphore(%arg26 : memref<!tpu.dma_semaphore, #tpu.memory_space<semaphore_mem>>)
      %mul3A_146 = arith.constant 4 : i32
      %mul3A_147 = arith.muli %add3A_103, %mul3A_146 : i32
      %mul3A_148 = arith.constant 64 : i32
      %mul3A_149 = arith.muli %mul3A_147, %mul3A_148 : i32
      %multiple_of3A_150 = tpu.assume_multiple %mul3A_149, 8 : i32
      %add3A_151 = arith.constant 192 : i32
      %add3A_152 = arith.addi %multiple_of3A_150, %add3A_151 : i32
      %add3A_153 = arith.addi %mul3A_28, %add3A_152 : i32
      %dma_start3A_154 = tpu.memref_slice %arg4[%add3A_153] : memref<160000xi32, #tpu.memory_space<hbm>> -> memref<64xi32, #tpu.memory_space<hbm>>
      %dma_start3A_155 = tpu.memref_slice %arg4[%add3A_153] : memref<160000xi32, #tpu.memory_space<hbm>> -> memref<64xi32, #tpu.memory_space<hbm>>
      tpu.enqueue_dma source(%dma_start3A_155 : memref<64xi32, #tpu.memory_space<hbm>>) target(%arg23 : memref<64xi32, #tpu.memory_space<vmem>>) target_semaphore(%arg31 : memref<!tpu.dma_semaphore, #tpu.memory_space<semaphore_mem>>)
      %dma_start3A_156 = tpu.memref_slice %arg7[%add3A_152] : memref<5000xi32, #tpu.memory_space<vmem>> -> memref<64xi32, #tpu.memory_space<vmem>>
      %dma_start3A_157 = arith.constant 0 : i32
      %dma_start3A_158 = arith.constant 0 : i32
      %dma_start3A_159 = tpu.memref_slice %arg2[%dma_start3A_157, %dma_start3A_158] : memref<10240x128xf32, #tpu.memory_space<hbm>> -> memref<10240x128xf32, #tpu.memory_space<hbm>>
      tpu.enqueue_indirect_dma source(%dma_start3A_159 : memref<10240x128xf32, #tpu.memory_space<hbm>>) target(%arg15 : memref<64x128xf32, #tpu.memory_space<vmem>>) offsets(%dma_start3A_156 : memref<64xi32, #tpu.memory_space<vmem>>) semaphore(%arg27 : memref<!tpu.dma_semaphore, #tpu.memory_space<semaphore_mem>>)
      %dma_wait3A_160 = tpu.memref_slice %arg7[%add3A_110] : memref<5000xi32, #tpu.memory_space<vmem>> -> memref<64xi32, #tpu.memory_space<vmem>>
      %dma_wait3A_161 = arith.constant 0 : i32
      %dma_wait3A_162 = arith.constant 0 : i32
      %dma_wait3A_163 = tpu.memref_slice %arg2[%dma_wait3A_161, %dma_wait3A_162] : memref<10240x128xf32, #tpu.memory_space<hbm>> -> memref<10240x128xf32, #tpu.memory_space<hbm>>
      tpu.wait_indirect_dma semaphore(%arg24 : memref<!tpu.dma_semaphore, #tpu.memory_space<semaphore_mem>>) src(%dma_wait3A_163 : memref<10240x128xf32, #tpu.memory_space<hbm>>) dst(%arg12 : memref<64x128xf32, #tpu.memory_space<vmem>>)
      %dma_wait3A_164 = tpu.memref_slice %arg4[%add3A_111] : memref<160000xi32, #tpu.memory_space<hbm>> -> memref<64xi32, #tpu.memory_space<hbm>>
      %dma_wait3A_165 = tpu.memref_slice %arg4[%add3A_111] : memref<160000xi32, #tpu.memory_space<hbm>> -> memref<64xi32, #tpu.memory_space<hbm>>
      tpu.wait_dma2 semaphore(%arg28 : memref<!tpu.dma_semaphore, #tpu.memory_space<semaphore_mem>>) src(%dma_wait3A_165 : memref<64xi32, #tpu.memory_space<hbm>>) dst(%arg20 : memref<64xi32, #tpu.memory_space<vmem>>)
      %dma_start3A_166 = arith.constant 0 : i32
      %dma_start3A_167 = arith.constant 0 : i32
      %dma_start3A_168 = tpu.memref_slice %arg11[%dma_start3A_166, %dma_start3A_167] : memref<10240x128xf32, #tpu.memory_space<vmem_shared>> -> memref<10240x128xf32, #tpu.memory_space<vmem_shared>>
      tpu.enqueue_indirect_dma source(%arg12 : memref<64x128xf32, #tpu.memory_space<vmem>>) target(%dma_start3A_168 : memref<10240x128xf32, #tpu.memory_space<vmem_shared>>) offsets(%arg20 : memref<64xi32, #tpu.memory_space<vmem>>) semaphore(%arg32 : memref<!tpu.dma_semaphore, #tpu.memory_space<semaphore_mem>>) {add = true}
      %dma_wait3A_169 = tpu.memref_slice %arg7[%add3A_124] : memref<5000xi32, #tpu.memory_space<vmem>> -> memref<64xi32, #tpu.memory_space<vmem>>
      %dma_wait3A_170 = arith.constant 0 : i32
      %dma_wait3A_171 = arith.constant 0 : i32
      %dma_wait3A_172 = tpu.memref_slice %arg2[%dma_wait3A_170, %dma_wait3A_171] : memref<10240x128xf32, #tpu.memory_space<hbm>> -> memref<10240x128xf32, #tpu.memory_space<hbm>>
      tpu.wait_indirect_dma semaphore(%arg25 : memref<!tpu.dma_semaphore, #tpu.memory_space<semaphore_mem>>) src(%dma_wait3A_172 : memref<10240x128xf32, #tpu.memory_space<hbm>>) dst(%arg13 : memref<64x128xf32, #tpu.memory_space<vmem>>)
      %dma_wait3A_173 = tpu.memref_slice %arg4[%add3A_125] : memref<160000xi32, #tpu.memory_space<hbm>> -> memref<64xi32, #tpu.memory_space<hbm>>
      %dma_wait3A_174 = tpu.memref_slice %arg4[%add3A_125] : memref<160000xi32, #tpu.memory_space<hbm>> -> memref<64xi32, #tpu.memory_space<hbm>>
      tpu.wait_dma2 semaphore(%arg29 : memref<!tpu.dma_semaphore, #tpu.memory_space<semaphore_mem>>) src(%dma_wait3A_174 : memref<64xi32, #tpu.memory_space<hbm>>) dst(%arg21 : memref<64xi32, #tpu.memory_space<vmem>>)
      %dma_start3A_175 = arith.constant 0 : i32
      %dma_start3A_176 = arith.constant 0 : i32
      %dma_start3A_177 = tpu.memref_slice %arg11[%dma_start3A_175, %dma_start3A_176] : memref<10240x128xf32, #tpu.memory_space<vmem_shared>> -> memref<10240x128xf32, #tpu.memory_space<vmem_shared>>
      tpu.enqueue_indirect_dma source(%arg13 : memref<64x128xf32, #tpu.memory_space<vmem>>) target(%dma_start3A_177 : memref<10240x128xf32, #tpu.memory_space<vmem_shared>>) offsets(%arg21 : memref<64xi32, #tpu.memory_space<vmem>>) semaphore(%arg33 : memref<!tpu.dma_semaphore, #tpu.memory_space<semaphore_mem>>) {add = true}
      %dma_wait3A_178 = tpu.memref_slice %arg7[%add3A_138] : memref<5000xi32, #tpu.memory_space<vmem>> -> memref<64xi32, #tpu.memory_space<vmem>>
      %dma_wait3A_179 = arith.constant 0 : i32
      %dma_wait3A_180 = arith.constant 0 : i32
      %dma_wait3A_181 = tpu.memref_slice %arg2[%dma_wait3A_179, %dma_wait3A_180] : memref<10240x128xf32, #tpu.memory_space<hbm>> -> memref<10240x128xf32, #tpu.memory_space<hbm>>
      tpu.wait_indirect_dma semaphore(%arg26 : memref<!tpu.dma_semaphore, #tpu.memory_space<semaphore_mem>>) src(%dma_wait3A_181 : memref<10240x128xf32, #tpu.memory_space<hbm>>) dst(%arg14 : memref<64x128xf32, #tpu.memory_space<vmem>>)
      %dma_wait3A_182 = tpu.memref_slice %arg4[%add3A_139] : memref<160000xi32, #tpu.memory_space<hbm>> -> memref<64xi32, #tpu.memory_space<hbm>>
      %dma_wait3A_183 = tpu.memref_slice %arg4[%add3A_139] : memref<160000xi32, #tpu.memory_space<hbm>> -> memref<64xi32, #tpu.memory_space<hbm>>
      tpu.wait_dma2 semaphore(%arg30 : memref<!tpu.dma_semaphore, #tpu.memory_space<semaphore_mem>>) src(%dma_wait3A_183 : memref<64xi32, #tpu.memory_space<hbm>>) dst(%arg22 : memref<64xi32, #tpu.memory_space<vmem>>)
      %dma_start3A_184 = arith.constant 0 : i32
      %dma_start3A_185 = arith.constant 0 : i32
      %dma_start3A_186 = tpu.memref_slice %arg11[%dma_start3A_184, %dma_start3A_185] : memref<10240x128xf32, #tpu.memory_space<vmem_shared>> -> memref<10240x128xf32, #tpu.memory_space<vmem_shared>>
      tpu.enqueue_indirect_dma source(%arg14 : memref<64x128xf32, #tpu.memory_space<vmem>>) target(%dma_start3A_186 : memref<10240x128xf32, #tpu.memory_space<vmem_shared>>) offsets(%arg22 : memref<64xi32, #tpu.memory_space<vmem>>) semaphore(%arg34 : memref<!tpu.dma_semaphore, #tpu.memory_space<semaphore_mem>>) {add = true}
      %dma_wait3A_187 = tpu.memref_slice %arg7[%add3A_152] : memref<5000xi32, #tpu.memory_space<vmem>> -> memref<64xi32, #tpu.memory_space<vmem>>
      %dma_wait3A_188 = arith.constant 0 : i32
      %dma_wait3A_189 = arith.constant 0 : i32
      %dma_wait3A_190 = tpu.memref_slice %arg2[%dma_wait3A_188, %dma_wait3A_189] : memref<10240x128xf32, #tpu.memory_space<hbm>> -> memref<10240x128xf32, #tpu.memory_space<hbm>>
      tpu.wait_indirect_dma semaphore(%arg27 : memref<!tpu.dma_semaphore, #tpu.memory_space<semaphore_mem>>) src(%dma_wait3A_190 : memref<10240x128xf32, #tpu.memory_space<hbm>>) dst(%arg15 : memref<64x128xf32, #tpu.memory_space<vmem>>)
      %dma_wait3A_191 = tpu.memref_slice %arg4[%add3A_153] : memref<160000xi32, #tpu.memory_space<hbm>> -> memref<64xi32, #tpu.memory_space<hbm>>
      %dma_wait3A_192 = tpu.memref_slice %arg4[%add3A_153] : memref<160000xi32, #tpu.memory_space<hbm>> -> memref<64xi32, #tpu.memory_space<hbm>>
      tpu.wait_dma2 semaphore(%arg31 : memref<!tpu.dma_semaphore, #tpu.memory_space<semaphore_mem>>) src(%dma_wait3A_192 : memref<64xi32, #tpu.memory_space<hbm>>) dst(%arg23 : memref<64xi32, #tpu.memory_space<vmem>>)
      %dma_start3A_193 = arith.constant 0 : i32
      %dma_start3A_194 = arith.constant 0 : i32
      %dma_start3A_195 = tpu.memref_slice %arg11[%dma_start3A_193, %dma_start3A_194] : memref<10240x128xf32, #tpu.memory_space<vmem_shared>> -> memref<10240x128xf32, #tpu.memory_space<vmem_shared>>
      tpu.enqueue_indirect_dma source(%arg15 : memref<64x128xf32, #tpu.memory_space<vmem>>) target(%dma_start3A_195 : memref<10240x128xf32, #tpu.memory_space<vmem_shared>>) offsets(%arg23 : memref<64xi32, #tpu.memory_space<vmem>>) semaphore(%arg35 : memref<!tpu.dma_semaphore, #tpu.memory_space<semaphore_mem>>) {add = true}
      %dma_wait3A_196 = arith.constant 0 : i32
      %dma_wait3A_197 = arith.constant 0 : i32
      %dma_wait3A_198 = tpu.memref_slice %arg11[%dma_wait3A_196, %dma_wait3A_197] : memref<10240x128xf32, #tpu.memory_space<vmem_shared>> -> memref<10240x128xf32, #tpu.memory_space<vmem_shared>>
      tpu.wait_indirect_dma semaphore(%arg32 : memref<!tpu.dma_semaphore, #tpu.memory_space<semaphore_mem>>) src(%arg12 : memref<64x128xf32, #tpu.memory_space<vmem>>) dst(%dma_wait3A_198 : memref<10240x128xf32, #tpu.memory_space<vmem_shared>>)
      %dma_wait3A_199 = arith.constant 0 : i32
      %dma_wait3A_200 = arith.constant 0 : i32
      %dma_wait3A_201 = tpu.memref_slice %arg11[%dma_wait3A_199, %dma_wait3A_200] : memref<10240x128xf32, #tpu.memory_space<vmem_shared>> -> memref<10240x128xf32, #tpu.memory_space<vmem_shared>>
      tpu.wait_indirect_dma semaphore(%arg33 : memref<!tpu.dma_semaphore, #tpu.memory_space<semaphore_mem>>) src(%arg13 : memref<64x128xf32, #tpu.memory_space<vmem>>) dst(%dma_wait3A_201 : memref<10240x128xf32, #tpu.memory_space<vmem_shared>>)
      %dma_wait3A_202 = arith.constant 0 : i32
      %dma_wait3A_203 = arith.constant 0 : i32
      %dma_wait3A_204 = tpu.memref_slice %arg11[%dma_wait3A_202, %dma_wait3A_203] : memref<10240x128xf32, #tpu.memory_space<vmem_shared>> -> memref<10240x128xf32, #tpu.memory_space<vmem_shared>>
      tpu.wait_indirect_dma semaphore(%arg34 : memref<!tpu.dma_semaphore, #tpu.memory_space<semaphore_mem>>) src(%arg14 : memref<64x128xf32, #tpu.memory_space<vmem>>) dst(%dma_wait3A_204 : memref<10240x128xf32, #tpu.memory_space<vmem_shared>>)
      %dma_wait3A_205 = arith.constant 0 : i32
      %dma_wait3A_206 = arith.constant 0 : i32
      %dma_wait3A_207 = tpu.memref_slice %arg11[%dma_wait3A_205, %dma_wait3A_206] : memref<10240x128xf32, #tpu.memory_space<vmem_shared>> -> memref<10240x128xf32, #tpu.memory_space<vmem_shared>>
      tpu.wait_indirect_dma semaphore(%arg35 : memref<!tpu.dma_semaphore, #tpu.memory_space<semaphore_mem>>) src(%arg15 : memref<64x128xf32, #tpu.memory_space<vmem>>) dst(%dma_wait3A_207 : memref<10240x128xf32, #tpu.memory_space<vmem_shared>>)
    }
    %scan3A_33 = arith.constant 19 : i32
    %multiple_of3A = arith.constant 4864 : i32
    %multiple_of3A_34 = tpu.assume_multiple %multiple_of3A, 8 : i32
    %add3A_35 = arith.constant 0 : i32
    %add3A_36 = arith.addi %multiple_of3A_34, %add3A_35 : i32
    %add3A_37 = arith.addi %mul3A_28, %add3A_36 : i32
    %dma_start3A = tpu.memref_slice %arg4[%add3A_37] : memref<160000xi32, #tpu.memory_space<hbm>> -> memref<64xi32, #tpu.memory_space<hbm>>
    %dma_start3A_38 = tpu.memref_slice %arg4[%add3A_37] : memref<160000xi32, #tpu.memory_space<hbm>> -> memref<64xi32, #tpu.memory_space<hbm>>
    tpu.enqueue_dma source(%dma_start3A_38 : memref<64xi32, #tpu.memory_space<hbm>>) target(%arg20 : memref<64xi32, #tpu.memory_space<vmem>>) target_semaphore(%arg28 : memref<!tpu.dma_semaphore, #tpu.memory_space<semaphore_mem>>)
    %dma_start3A_39 = tpu.memref_slice %arg7[%add3A_36] : memref<5000xi32, #tpu.memory_space<vmem>> -> memref<64xi32, #tpu.memory_space<vmem>>
    %dma_start3A_40 = arith.constant 0 : i32
    %dma_start3A_41 = arith.constant 0 : i32
    %dma_start3A_42 = tpu.memref_slice %arg2[%dma_start3A_40, %dma_start3A_41] : memref<10240x128xf32, #tpu.memory_space<hbm>> -> memref<10240x128xf32, #tpu.memory_space<hbm>>
    tpu.enqueue_indirect_dma source(%dma_start3A_42 : memref<10240x128xf32, #tpu.memory_space<hbm>>) target(%arg12 : memref<64x128xf32, #tpu.memory_space<vmem>>) offsets(%dma_start3A_39 : memref<64xi32, #tpu.memory_space<vmem>>) semaphore(%arg24 : memref<!tpu.dma_semaphore, #tpu.memory_space<semaphore_mem>>)
    %multiple_of3A_43 = arith.constant 4864 : i32
    %multiple_of3A_44 = tpu.assume_multiple %multiple_of3A_43, 8 : i32
    %add3A_45 = arith.constant 64 : i32
    %add3A_46 = arith.addi %multiple_of3A_44, %add3A_45 : i32
    %add3A_47 = arith.addi %mul3A_28, %add3A_46 : i32
    %dma_start3A_48 = tpu.memref_slice %arg4[%add3A_47] : memref<160000xi32, #tpu.memory_space<hbm>> -> memref<64xi32, #tpu.memory_space<hbm>>
    %dma_start3A_49 = tpu.memref_slice %arg4[%add3A_47] : memref<160000xi32, #tpu.memory_space<hbm>> -> memref<64xi32, #tpu.memory_space<hbm>>
    tpu.enqueue_dma source(%dma_start3A_49 : memref<64xi32, #tpu.memory_space<hbm>>) target(%arg21 : memref<64xi32, #tpu.memory_space<vmem>>) target_semaphore(%arg29 : memref<!tpu.dma_semaphore, #tpu.memory_space<semaphore_mem>>)
    %dma_start3A_50 = tpu.memref_slice %arg7[%add3A_46] : memref<5000xi32, #tpu.memory_space<vmem>> -> memref<64xi32, #tpu.memory_space<vmem>>
    %dma_start3A_51 = arith.constant 0 : i32
    %dma_start3A_52 = arith.constant 0 : i32
    %dma_start3A_53 = tpu.memref_slice %arg2[%dma_start3A_51, %dma_start3A_52] : memref<10240x128xf32, #tpu.memory_space<hbm>> -> memref<10240x128xf32, #tpu.memory_space<hbm>>
    tpu.enqueue_indirect_dma source(%dma_start3A_53 : memref<10240x128xf32, #tpu.memory_space<hbm>>) target(%arg13 : memref<64x128xf32, #tpu.memory_space<vmem>>) offsets(%dma_start3A_50 : memref<64xi32, #tpu.memory_space<vmem>>) semaphore(%arg25 : memref<!tpu.dma_semaphore, #tpu.memory_space<semaphore_mem>>)
    %dma_wait3A = tpu.memref_slice %arg7[%add3A_36] : memref<5000xi32, #tpu.memory_space<vmem>> -> memref<64xi32, #tpu.memory_space<vmem>>
    %dma_wait3A_54 = arith.constant 0 : i32
    %dma_wait3A_55 = arith.constant 0 : i32
    %dma_wait3A_56 = tpu.memref_slice %arg2[%dma_wait3A_54, %dma_wait3A_55] : memref<10240x128xf32, #tpu.memory_space<hbm>> -> memref<10240x128xf32, #tpu.memory_space<hbm>>
    tpu.wait_indirect_dma semaphore(%arg24 : memref<!tpu.dma_semaphore, #tpu.memory_space<semaphore_mem>>) src(%dma_wait3A_56 : memref<10240x128xf32, #tpu.memory_space<hbm>>) dst(%arg12 : memref<64x128xf32, #tpu.memory_space<vmem>>)
    %dma_wait3A_57 = tpu.memref_slice %arg4[%add3A_37] : memref<160000xi32, #tpu.memory_space<hbm>> -> memref<64xi32, #tpu.memory_space<hbm>>
    %dma_wait3A_58 = tpu.memref_slice %arg4[%add3A_37] : memref<160000xi32, #tpu.memory_space<hbm>> -> memref<64xi32, #tpu.memory_space<hbm>>
    tpu.wait_dma2 semaphore(%arg28 : memref<!tpu.dma_semaphore, #tpu.memory_space<semaphore_mem>>) src(%dma_wait3A_58 : memref<64xi32, #tpu.memory_space<hbm>>) dst(%arg20 : memref<64xi32, #tpu.memory_space<vmem>>)
    %dma_start3A_59 = arith.constant 0 : i32
    %dma_start3A_60 = arith.constant 0 : i32
    %dma_start3A_61 = tpu.memref_slice %arg11[%dma_start3A_59, %dma_start3A_60] : memref<10240x128xf32, #tpu.memory_space<vmem_shared>> -> memref<10240x128xf32, #tpu.memory_space<vmem_shared>>
    tpu.enqueue_indirect_dma source(%arg12 : memref<64x128xf32, #tpu.memory_space<vmem>>) target(%dma_start3A_61 : memref<10240x128xf32, #tpu.memory_space<vmem_shared>>) offsets(%arg20 : memref<64xi32, #tpu.memory_space<vmem>>) semaphore(%arg32 : memref<!tpu.dma_semaphore, #tpu.memory_space<semaphore_mem>>) {add = true}
    %dma_wait3A_62 = tpu.memref_slice %arg7[%add3A_46] : memref<5000xi32, #tpu.memory_space<vmem>> -> memref<64xi32, #tpu.memory_space<vmem>>
    %dma_wait3A_63 = arith.constant 0 : i32
    %dma_wait3A_64 = arith.constant 0 : i32
    %dma_wait3A_65 = tpu.memref_slice %arg2[%dma_wait3A_63, %dma_wait3A_64] : memref<10240x128xf32, #tpu.memory_space<hbm>> -> memref<10240x128xf32, #tpu.memory_space<hbm>>
    tpu.wait_indirect_dma semaphore(%arg25 : memref<!tpu.dma_semaphore, #tpu.memory_space<semaphore_mem>>) src(%dma_wait3A_65 : memref<10240x128xf32, #tpu.memory_space<hbm>>) dst(%arg13 : memref<64x128xf32, #tpu.memory_space<vmem>>)
    %dma_wait3A_66 = tpu.memref_slice %arg4[%add3A_47] : memref<160000xi32, #tpu.memory_space<hbm>> -> memref<64xi32, #tpu.memory_space<hbm>>
    %dma_wait3A_67 = tpu.memref_slice %arg4[%add3A_47] : memref<160000xi32, #tpu.memory_space<hbm>> -> memref<64xi32, #tpu.memory_space<hbm>>
    tpu.wait_dma2 semaphore(%arg29 : memref<!tpu.dma_semaphore, #tpu.memory_space<semaphore_mem>>) src(%dma_wait3A_67 : memref<64xi32, #tpu.memory_space<hbm>>) dst(%arg21 : memref<64xi32, #tpu.memory_space<vmem>>)
    %dma_start3A_68 = arith.constant 0 : i32
    %dma_start3A_69 = arith.constant 0 : i32
    %dma_start3A_70 = tpu.memref_slice %arg11[%dma_start3A_68, %dma_start3A_69] : memref<10240x128xf32, #tpu.memory_space<vmem_shared>> -> memref<10240x128xf32, #tpu.memory_space<vmem_shared>>
    tpu.enqueue_indirect_dma source(%arg13 : memref<64x128xf32, #tpu.memory_space<vmem>>) target(%dma_start3A_70 : memref<10240x128xf32, #tpu.memory_space<vmem_shared>>) offsets(%arg21 : memref<64xi32, #tpu.memory_space<vmem>>) semaphore(%arg33 : memref<!tpu.dma_semaphore, #tpu.memory_space<semaphore_mem>>) {add = true}
    %dma_wait3A_71 = arith.constant 0 : i32
    %dma_wait3A_72 = arith.constant 0 : i32
    %dma_wait3A_73 = tpu.memref_slice %arg11[%dma_wait3A_71, %dma_wait3A_72] : memref<10240x128xf32, #tpu.memory_space<vmem_shared>> -> memref<10240x128xf32, #tpu.memory_space<vmem_shared>>
    tpu.wait_indirect_dma semaphore(%arg32 : memref<!tpu.dma_semaphore, #tpu.memory_space<semaphore_mem>>) src(%arg12 : memref<64x128xf32, #tpu.memory_space<vmem>>) dst(%dma_wait3A_73 : memref<10240x128xf32, #tpu.memory_space<vmem_shared>>)
    %dma_wait3A_74 = arith.constant 0 : i32
    %dma_wait3A_75 = arith.constant 0 : i32
    %dma_wait3A_76 = tpu.memref_slice %arg11[%dma_wait3A_74, %dma_wait3A_75] : memref<10240x128xf32, #tpu.memory_space<vmem_shared>> -> memref<10240x128xf32, #tpu.memory_space<vmem_shared>>
    tpu.wait_indirect_dma semaphore(%arg33 : memref<!tpu.dma_semaphore, #tpu.memory_space<semaphore_mem>>) src(%arg13 : memref<64x128xf32, #tpu.memory_space<vmem>>) dst(%dma_wait3A_76 : memref<10240x128xf32, #tpu.memory_space<vmem_shared>>)
    %add3A_77 = arith.constant 4992 : i32
    %add3A_78 = arith.addi %mul3A_28, %add3A_77 : i32
    "tpu.region"() ({
      %run_scoped3A = tpu.sem_alloc : memref<!tpu.dma_semaphore, #tpu.memory_space<semaphore_mem>>
      %dma_start3A_99 = tpu.memref_slice %arg3[%add3A_78] : memref<160000xi32, #tpu.memory_space<hbm>> -> memref<8xi32, #tpu.memory_space<hbm>>
      %dma_start3A_100 = tpu.memref_slice %arg3[%add3A_78] : memref<160000xi32, #tpu.memory_space<hbm>> -> memref<8xi32, #tpu.memory_space<hbm>>
      tpu.enqueue_dma source(%dma_start3A_100 : memref<8xi32, #tpu.memory_space<hbm>>) target(%arg8 : memref<8xi32, #tpu.memory_space<vmem>>) target_semaphore(%run_scoped3A : memref<!tpu.dma_semaphore, #tpu.memory_space<semaphore_mem>>)
      %dma_wait3A_101 = tpu.memref_slice %arg3[%add3A_78] : memref<160000xi32, #tpu.memory_space<hbm>> -> memref<8xi32, #tpu.memory_space<hbm>>
      %dma_wait3A_102 = tpu.memref_slice %arg3[%add3A_78] : memref<160000xi32, #tpu.memory_space<hbm>> -> memref<8xi32, #tpu.memory_space<hbm>>
      tpu.wait_dma2 semaphore(%run_scoped3A : memref<!tpu.dma_semaphore, #tpu.memory_space<semaphore_mem>>) src(%dma_wait3A_102 : memref<8xi32, #tpu.memory_space<hbm>>) dst(%arg8 : memref<8xi32, #tpu.memory_space<vmem>>)
      tpu.yield
    }) : () -> ()
    "tpu.region"() ({
      %run_scoped3A = tpu.sem_alloc : memref<!tpu.dma_semaphore, #tpu.memory_space<semaphore_mem>>
      %dma_start3A_99 = tpu.memref_slice %arg4[%add3A_78] : memref<160000xi32, #tpu.memory_space<hbm>> -> memref<8xi32, #tpu.memory_space<hbm>>
      %dma_start3A_100 = tpu.memref_slice %arg4[%add3A_78] : memref<160000xi32, #tpu.memory_space<hbm>> -> memref<8xi32, #tpu.memory_space<hbm>>
      tpu.enqueue_dma source(%dma_start3A_100 : memref<8xi32, #tpu.memory_space<hbm>>) target(%arg9 : memref<8xi32, #tpu.memory_space<vmem>>) target_semaphore(%run_scoped3A : memref<!tpu.dma_semaphore, #tpu.memory_space<semaphore_mem>>)
      %dma_wait3A_101 = tpu.memref_slice %arg4[%add3A_78] : memref<160000xi32, #tpu.memory_space<hbm>> -> memref<8xi32, #tpu.memory_space<hbm>>
      %dma_wait3A_102 = tpu.memref_slice %arg4[%add3A_78] : memref<160000xi32, #tpu.memory_space<hbm>> -> memref<8xi32, #tpu.memory_space<hbm>>
      tpu.wait_dma2 semaphore(%run_scoped3A : memref<!tpu.dma_semaphore, #tpu.memory_space<semaphore_mem>>) src(%dma_wait3A_102 : memref<8xi32, #tpu.memory_space<hbm>>) dst(%arg9 : memref<8xi32, #tpu.memory_space<vmem>>)
      tpu.yield
    }) : () -> ()
    %dma_start3A_79 = arith.constant 0 : i32
    %dma_start3A_80 = arith.constant 0 : i32
    %dma_start3A_81 = tpu.memref_slice %arg12[%dma_start3A_79, %dma_start3A_80] : memref<64x128xf32, #tpu.memory_space<vmem>> -> memref<8x128xf32, #tpu.memory_space<vmem>>
    %dma_start3A_82 = arith.constant 0 : i32
    %dma_start3A_83 = arith.constant 0 : i32
    %dma_start3A_84 = tpu.memref_slice %arg2[%dma_start3A_82, %dma_start3A_83] : memref<10240x128xf32, #tpu.memory_space<hbm>> -> memref<10240x128xf32, #tpu.memory_space<hbm>>
    tpu.enqueue_indirect_dma source(%dma_start3A_84 : memref<10240x128xf32, #tpu.memory_space<hbm>>) target(%dma_start3A_81 : memref<8x128xf32, #tpu.memory_space<vmem>>) offsets(%arg8 : memref<8xi32, #tpu.memory_space<vmem>>) semaphore(%arg24 : memref<!tpu.dma_semaphore, #tpu.memory_space<semaphore_mem>>)
    %dma_wait3A_85 = arith.constant 0 : i32
    %dma_wait3A_86 = arith.constant 0 : i32
    %dma_wait3A_87 = tpu.memref_slice %arg12[%dma_wait3A_85, %dma_wait3A_86] : memref<64x128xf32, #tpu.memory_space<vmem>> -> memref<8x128xf32, #tpu.memory_space<vmem>>
    %dma_wait3A_88 = arith.constant 0 : i32
    %dma_wait3A_89 = arith.constant 0 : i32
    %dma_wait3A_90 = tpu.memref_slice %arg2[%dma_wait3A_88, %dma_wait3A_89] : memref<10240x128xf32, #tpu.memory_space<hbm>> -> memref<10240x128xf32, #tpu.memory_space<hbm>>
    tpu.wait_indirect_dma semaphore(%arg24 : memref<!tpu.dma_semaphore, #tpu.memory_space<semaphore_mem>>) src(%dma_wait3A_90 : memref<10240x128xf32, #tpu.memory_space<hbm>>) dst(%dma_wait3A_87 : memref<8x128xf32, #tpu.memory_space<vmem>>)
    "tpu.region"() ({
      %run_scoped3A = tpu.sem_alloc : memref<!tpu.dma_semaphore, #tpu.memory_space<semaphore_mem>>
      %dma_start3A_99 = arith.constant 0 : i32
      %dma_start3A_100 = arith.constant 0 : i32
      %dma_start3A_101 = tpu.memref_slice %arg12[%dma_start3A_99, %dma_start3A_100] : memref<64x128xf32, #tpu.memory_space<vmem>> -> memref<8x128xf32, #tpu.memory_space<vmem>>
      %dma_start3A_102 = arith.constant 0 : i32
      %dma_start3A_103 = arith.constant 0 : i32
      %dma_start3A_104 = tpu.memref_slice %arg11[%dma_start3A_102, %dma_start3A_103] : memref<10240x128xf32, #tpu.memory_space<vmem_shared>> -> memref<10240x128xf32, #tpu.memory_space<vmem_shared>>
      tpu.enqueue_indirect_dma source(%dma_start3A_101 : memref<8x128xf32, #tpu.memory_space<vmem>>) target(%dma_start3A_104 : memref<10240x128xf32, #tpu.memory_space<vmem_shared>>) offsets(%arg9 : memref<8xi32, #tpu.memory_space<vmem>>) semaphore(%run_scoped3A : memref<!tpu.dma_semaphore, #tpu.memory_space<semaphore_mem>>) {add = true}
      %dma_wait3A_105 = arith.constant 0 : i32
      %dma_wait3A_106 = arith.constant 0 : i32
      %dma_wait3A_107 = tpu.memref_slice %arg12[%dma_wait3A_105, %dma_wait3A_106] : memref<64x128xf32, #tpu.memory_space<vmem>> -> memref<8x128xf32, #tpu.memory_space<vmem>>
      %dma_wait3A_108 = arith.constant 0 : i32
      %dma_wait3A_109 = arith.constant 0 : i32
      %dma_wait3A_110 = tpu.memref_slice %arg11[%dma_wait3A_108, %dma_wait3A_109] : memref<10240x128xf32, #tpu.memory_space<vmem_shared>> -> memref<10240x128xf32, #tpu.memory_space<vmem_shared>>
      tpu.wait_indirect_dma semaphore(%run_scoped3A : memref<!tpu.dma_semaphore, #tpu.memory_space<semaphore_mem>>) src(%dma_wait3A_107 : memref<8x128xf32, #tpu.memory_space<vmem>>) dst(%dma_wait3A_110 : memref<10240x128xf32, #tpu.memory_space<vmem_shared>>)
      tpu.yield
    }) : () -> ()
    %barrier3A_91 = arith.constant 0 : index
    tpu.barrier barrier_id(%barrier3A_91)
    %eq3A = arith.constant 0 : i32
    %eq3A_92 = arith.cmpi eq, %arg0, %eq3A : i32
    %convert_element_type3A = arith.extui %eq3A_92 : i1 to i32
    %cond3A = arith.constant 0 : i32
    %cond3A_93 = arith.cmpi ne, %convert_element_type3A, %cond3A : i32
    scf.if %cond3A_93 {
      "tpu.region"() ({
        %run_scoped3A = tpu.sem_alloc : memref<!tpu.dma_semaphore, #tpu.memory_space<semaphore_mem>>
        %dma_start3A_99 = arith.constant 0 : i32
        %dma_start3A_100 = tpu.memref_slice %arg5[%mul3A_4, %dma_start3A_99] : memref<10240x128xf32, #tpu.memory_space<hbm>> -> memref<640x128xf32, #tpu.memory_space<hbm>>
        %dma_start3A_101 = arith.constant 0 : i32
        %dma_start3A_102 = tpu.memref_slice %arg11[%mul3A_4, %dma_start3A_101] : memref<10240x128xf32, #tpu.memory_space<vmem_shared>> -> memref<640x128xf32, #tpu.memory_space<vmem_shared>>
        tpu.enqueue_dma source(%dma_start3A_102 : memref<640x128xf32, #tpu.memory_space<vmem_shared>>) target(%dma_start3A_100 : memref<640x128xf32, #tpu.memory_space<hbm>>) target_semaphore(%run_scoped3A : memref<!tpu.dma_semaphore, #tpu.memory_space<semaphore_mem>>)
        %dma_wait3A_103 = arith.constant 0 : i32
        %dma_wait3A_104 = tpu.memref_slice %arg5[%mul3A_4, %dma_wait3A_103] : memref<10240x128xf32, #tpu.memory_space<hbm>> -> memref<640x128xf32, #tpu.memory_space<hbm>>
        %dma_wait3A_105 = arith.constant 0 : i32
        %dma_wait3A_106 = tpu.memref_slice %arg11[%mul3A_4, %dma_wait3A_105] : memref<10240x128xf32, #tpu.memory_space<vmem_shared>> -> memref<640x128xf32, #tpu.memory_space<vmem_shared>>
        tpu.wait_dma2 semaphore(%run_scoped3A : memref<!tpu.dma_semaphore, #tpu.memory_space<semaphore_mem>>) src(%dma_wait3A_106 : memref<640x128xf32, #tpu.memory_space<vmem_shared>>) dst(%dma_wait3A_104 : memref<640x128xf32, #tpu.memory_space<hbm>>)
        tpu.yield
      }) : () -> ()
    } else {
    }
    %eq3A_94 = arith.constant 1 : i32
    %eq3A_95 = arith.cmpi eq, %arg0, %eq3A_94 : i32
    %convert_element_type3A_96 = arith.extui %eq3A_95 : i1 to i32
    %cond3A_97 = arith.constant 0 : i32
    %cond3A_98 = arith.cmpi ne, %convert_element_type3A_96, %cond3A_97 : i32
    scf.if %cond3A_98 {
      "tpu.region"() ({
        %run_scoped3A = tpu.sem_alloc : memref<!tpu.dma_semaphore, #tpu.memory_space<semaphore_mem>>
        %dma_start3A_99 = arith.constant 0 : i32
        %dma_start3A_100 = tpu.memref_slice %arg6[%mul3A_4, %dma_start3A_99] : memref<10240x128xf32, #tpu.memory_space<hbm>> -> memref<640x128xf32, #tpu.memory_space<hbm>>
        %dma_start3A_101 = arith.constant 0 : i32
        %dma_start3A_102 = tpu.memref_slice %arg11[%mul3A_4, %dma_start3A_101] : memref<10240x128xf32, #tpu.memory_space<vmem_shared>> -> memref<640x128xf32, #tpu.memory_space<vmem_shared>>
        tpu.enqueue_dma source(%dma_start3A_102 : memref<640x128xf32, #tpu.memory_space<vmem_shared>>) target(%dma_start3A_100 : memref<640x128xf32, #tpu.memory_space<hbm>>) target_semaphore(%run_scoped3A : memref<!tpu.dma_semaphore, #tpu.memory_space<semaphore_mem>>)
        %dma_wait3A_103 = arith.constant 0 : i32
        %dma_wait3A_104 = tpu.memref_slice %arg6[%mul3A_4, %dma_wait3A_103] : memref<10240x128xf32, #tpu.memory_space<hbm>> -> memref<640x128xf32, #tpu.memory_space<hbm>>
        %dma_wait3A_105 = arith.constant 0 : i32
        %dma_wait3A_106 = tpu.memref_slice %arg11[%mul3A_4, %dma_wait3A_105] : memref<10240x128xf32, #tpu.memory_space<vmem_shared>> -> memref<640x128xf32, #tpu.memory_space<vmem_shared>>
        tpu.wait_dma2 semaphore(%run_scoped3A : memref<!tpu.dma_semaphore, #tpu.memory_space<semaphore_mem>>) src(%dma_wait3A_106 : memref<640x128xf32, #tpu.memory_space<vmem_shared>>) dst(%dma_wait3A_104 : memref<640x128xf32, #tpu.memory_space<hbm>>)
        tpu.yield
      }) : () -> ()
    } else {
    }
    return
  }
}

module attributes {stable_mosaic.version = 14 : i64} {
  func.func @body(%arg0: i32, %arg1: memref<2000x256xf32, #tpu.memory_space<vmem>>, %arg2: memref<2000x1xf32, #tpu.memory_space<vmem>>, %arg3: memref<256x256xf32, #tpu.memory_space<vmem>>, %arg4: memref<2x2000x128xf32, #tpu.memory_space<vmem>>) attributes {dimension_semantics = [#tpu.dimension_semantics<arbitrary>], iteration_bounds = array<i64: 5>, scalar_prefetch = 0 : i64, scratch_operands = 0 : i64, tpu.core_type = #tpu.core_type<tc>, window_params = [{transform_indices = @transform_0, window_bounds = array<i64: 2000, 256>}, {transform_indices = @transform_1, window_bounds = array<i64: 2000, 1>}, {pipeline_mode = #tpu.pipeline_mode<synchronous>, transform_indices = @transform_2, window_bounds = array<i64: 256, 256>}, {transform_indices = @transform_3, window_bounds = array<i64: 2, 2000, 128>}]} {
    %get3A = arith.constant 0 : index
    %get3A_0 = arith.constant 0 : index
    %get3A_1 = vector.load %arg2[%get3A, %get3A_0] : memref<2000x1xf32, #tpu.memory_space<vmem>>, vector<2000x1xf32>
    %max3A = arith.constant 1.000000e+00 : f32
    %max3A_2 = vector.broadcast %max3A : f32 to vector<2000x1xf32>
    %max3A_3 = arith.maximumf %get3A_1, %max3A_2 : vector<2000x1xf32>
    %rsqrt3A = math.rsqrt %max3A_3 : vector<2000x1xf32>
    %get3A_4 = arith.constant 0 : index
    %get3A_5 = arith.constant 0 : index
    %get3A_6 = vector.load %arg1[%get3A_4, %get3A_5] : memref<2000x256xf32, #tpu.memory_space<vmem>>, vector<2000x256xf32>
    %mul3A = vector.broadcast %rsqrt3A : vector<2000x1xf32> to vector<2000x256xf32>
    %mul3A_7 = arith.mulf %get3A_6, %mul3A : vector<2000x256xf32>
    %get3A_8 = arith.constant 0 : index
    %get3A_9 = arith.constant 0 : index
    %get3A_10 = vector.load %arg3[%get3A_8, %get3A_9] : memref<256x256xf32, #tpu.memory_space<vmem>>, vector<256x128xf32>
    %dot_general3A = arith.constant dense<0.000000e+00> : vector<2000x128xf32>
    %dot_general3A_11 = tpu.matmul %mul3A_7, %get3A_10, %dot_general3A {dimension_numbers = #tpu.dot_dimension_numbers<[1], [0], [0], [1], [0, 0, 1, 1], [], []>, transpose_lhs_hint = false} : vector<2000x256xf32>, vector<256x128xf32>, vector<2000x128xf32> -> vector<2000x128xf32>
    %swap3A = arith.constant 0 : index
    %swap3A_12 = arith.constant 0 : index
    %swap3A_13 = arith.constant 0 : index
    %swap3A_14 = vector.load %arg4[%swap3A, %swap3A_12, %swap3A_13] : memref<2x2000x128xf32, #tpu.memory_space<vmem>>, vector<1x2000x128xf32>
    %swap3A_15 = vector.shape_cast %swap3A_14 : vector<1x2000x128xf32> to vector<2000x128xf32>
    %swap3A_16 = vector.shape_cast %dot_general3A_11 : vector<2000x128xf32> to vector<1x2000x128xf32>
    tpu.vector_store %arg4[%swap3A, %swap3A_12, %swap3A_13], %swap3A_16 {strides = array<i32>} : memref<2x2000x128xf32, #tpu.memory_space<vmem>>, vector<1x2000x128xf32>,
    %get3A_17 = arith.constant 0 : index
    %get3A_18 = arith.constant 128 : index
    %get3A_19 = vector.load %arg3[%get3A_17, %get3A_18] : memref<256x256xf32, #tpu.memory_space<vmem>>, vector<256x128xf32>
    %dot_general3A_20 = arith.constant dense<0.000000e+00> : vector<2000x128xf32>
    %dot_general3A_21 = tpu.matmul %mul3A_7, %get3A_19, %dot_general3A_20 {dimension_numbers = #tpu.dot_dimension_numbers<[1], [0], [0], [1], [0, 0, 1, 1], [], []>, transpose_lhs_hint = false} : vector<2000x256xf32>, vector<256x128xf32>, vector<2000x128xf32> -> vector<2000x128xf32>
    %swap3A_22 = arith.constant 1 : index
    %swap3A_23 = arith.constant 0 : index
    %swap3A_24 = arith.constant 0 : index
    %swap3A_25 = vector.load %arg4[%swap3A_22, %swap3A_23, %swap3A_24] : memref<2x2000x128xf32, #tpu.memory_space<vmem>>, vector<1x2000x128xf32>
    %swap3A_26 = vector.shape_cast %swap3A_25 : vector<1x2000x128xf32> to vector<2000x128xf32>
    %swap3A_27 = vector.shape_cast %dot_general3A_21 : vector<2000x128xf32> to vector<1x2000x128xf32>
    tpu.vector_store %arg4[%swap3A_22, %swap3A_23, %swap3A_24], %swap3A_27 {strides = array<i32>} : memref<2x2000x128xf32, #tpu.memory_space<vmem>>, vector<1x2000x128xf32>,
    return
  }
  func.func @transform_0(%arg0: i32) -> (i32, i32) {
    %c0_i32 = arith.constant 0 : i32
    %c0_i32_0 = arith.constant 0 : i32
    return %arg0, %c0_i32 : i32, i32
  }
  func.func @transform_1(%arg0: i32) -> (i32, i32) {
    %c0_i32 = arith.constant 0 : i32
    %c0_i32_0 = arith.constant 0 : i32
    return %arg0, %c0_i32 : i32, i32
  }
  func.func @transform_2(%arg0: i32) -> (i32, i32) {
    %c0_i32 = arith.constant 0 : i32
    %c0_i32_0 = arith.constant 0 : i32
    %c0_i32_1 = arith.constant 0 : i32
    return %c0_i32, %c0_i32_0 : i32, i32
  }
  func.func @transform_3(%arg0: i32) -> (i32, i32, i32) {
    %c0_i32 = arith.constant 0 : i32
    %c0_i32_0 = arith.constant 0 : i32
    %c0_i32_1 = arith.constant 0 : i32
    return %c0_i32, %arg0, %c0_i32_0 : i32, i32, i32
  }
}

module attributes {stable_mosaic.version = 14 : i64} {
  func.func @body(%arg0: i32, %arg1: memref<2560x128xf32, #tpu.memory_space<vmem>>, %arg2: memref<2560x128xf32, #tpu.memory_space<vmem>>, %arg3: memref<2560x1xf32, #tpu.memory_space<vmem>>, %arg4: memref<2560x1xf32, #tpu.memory_space<vmem>>, %arg5: memref<1x256xf32, #tpu.memory_space<vmem>>, %arg6: memref<256x64xf32, #tpu.memory_space<vmem>>, %arg7: memref<2560x128xf32, #tpu.memory_space<vmem>>) attributes {dimension_semantics = [#tpu.dimension_semantics<arbitrary>], iteration_bounds = array<i64: 4>, scalar_prefetch = 0 : i64, scratch_operands = 0 : i64, tpu.core_type = #tpu.core_type<tc>, window_params = [{transform_indices = @transform_0, window_bounds = array<i64: 2560, 128>}, {transform_indices = @transform_1, window_bounds = array<i64: 2560, 128>}, {transform_indices = @transform_2, window_bounds = array<i64: 2560, 1>}, {transform_indices = @transform_3, window_bounds = array<i64: 2560, 1>}, {pipeline_mode = #tpu.pipeline_mode<synchronous>, transform_indices = @transform_4, window_bounds = array<i64: 1, 256>}, {pipeline_mode = #tpu.pipeline_mode<synchronous>, transform_indices = @transform_5, window_bounds = array<i64: 256, 64>}, {transform_indices = @transform_6, window_bounds = array<i64: 2560, 128>}]} {
    %get3A = arith.constant 0 : index
    %get3A_0 = arith.constant 0 : index
    %get3A_1 = vector.load %arg3[%get3A, %get3A_0] : memref<2560x1xf32, #tpu.memory_space<vmem>>, vector<2560x1xf32>
    %max3A = arith.constant 1.000000e+00 : f32
    %max3A_2 = vector.broadcast %max3A : f32 to vector<2560x1xf32>
    %max3A_3 = arith.maximumf %get3A_1, %max3A_2 : vector<2560x1xf32>
    %rsqrt3A = math.rsqrt %max3A_3 : vector<2560x1xf32>
    %get3A_4 = arith.constant 0 : index
    %get3A_5 = arith.constant 0 : index
    %get3A_6 = vector.load %arg4[%get3A_4, %get3A_5] : memref<2560x1xf32, #tpu.memory_space<vmem>>, vector<2560x1xf32>
    %max3A_7 = arith.constant 1.000000e+00 : f32
    %max3A_8 = vector.broadcast %max3A_7 : f32 to vector<2560x1xf32>
    %max3A_9 = arith.maximumf %get3A_6, %max3A_8 : vector<2560x1xf32>
    %rsqrt3A_10 = math.rsqrt %max3A_9 : vector<2560x1xf32>
    %get3A_11 = arith.constant 0 : index
    %get3A_12 = arith.constant 0 : index
    %get3A_13 = vector.load %arg1[%get3A_11, %get3A_12] : memref<2560x128xf32, #tpu.memory_space<vmem>>, vector<2560x128xf32>
    %get3A_14 = arith.constant 0 : index
    %get3A_15 = arith.constant 0 : index
    %get3A_16 = vector.load %arg2[%get3A_14, %get3A_15] : memref<2560x128xf32, #tpu.memory_space<vmem>>, vector<2560x128xf32>
    %concatenate3A = tpu.concatenate %get3A_13, %get3A_16 in 1 : vector<2560x128xf32>, vector<2560x128xf32> -> vector<2560x256xf32>
    %mul3A = vector.broadcast %rsqrt3A : vector<2560x1xf32> to vector<2560x256xf32>
    %mul3A_17 = arith.mulf %concatenate3A, %mul3A : vector<2560x256xf32>
    %get3A_18 = arith.constant 0 : index
    %get3A_19 = arith.constant 0 : index
    %get3A_20 = vector.load %arg5[%get3A_18, %get3A_19] : memref<1x256xf32, #tpu.memory_space<vmem>>, vector<1x256xf32>
    %add3A = vector.broadcast %get3A_20 : vector<1x256xf32> to vector<2560x256xf32>
    %add3A_21 = arith.addf %mul3A_17, %add3A : vector<2560x256xf32>
    %max3A_22 = arith.constant 0.000000e+00 : f32
    %max3A_23 = vector.broadcast %max3A_22 : f32 to vector<2560x256xf32>
    %max3A_24 = arith.maximumf %add3A_21, %max3A_23 : vector<2560x256xf32>
    %mul3A_25 = vector.broadcast %rsqrt3A_10 : vector<2560x1xf32> to vector<2560x256xf32>
    %mul3A_26 = arith.mulf %max3A_24, %mul3A_25 : vector<2560x256xf32>
    %get3A_27 = arith.constant 0 : index
    %get3A_28 = arith.constant 0 : index
    %get3A_29 = vector.load %arg6[%get3A_27, %get3A_28] : memref<256x64xf32, #tpu.memory_space<vmem>>, vector<256x64xf32>
    %dot_general3A = arith.constant dense<0.000000e+00> : vector<2560x64xf32>
    %dot_general3A_30 = tpu.matmul %mul3A_26, %get3A_29, %dot_general3A {dimension_numbers = #tpu.dot_dimension_numbers<[1], [0], [0], [1], [0, 0, 1, 1], [], []>, transpose_lhs_hint = false} : vector<2560x256xf32>, vector<256x64xf32>, vector<2560x64xf32> -> vector<2560x64xf32>
    %broadcast_in_dim3A = arith.constant 0.000000e+00 : f32
    %broadcast_in_dim3A_31 = vector.broadcast %broadcast_in_dim3A : f32 to vector<2560x64xf32>
    %concatenate3A_32 = tpu.concatenate %dot_general3A_30, %broadcast_in_dim3A_31 in 1 : vector<2560x64xf32>, vector<2560x64xf32> -> vector<2560x128xf32>
    %swap3A = arith.constant 0 : index
    %swap3A_33 = arith.constant 0 : index
    %swap3A_34 = vector.load %arg7[%swap3A, %swap3A_33] : memref<2560x128xf32, #tpu.memory_space<vmem>>, vector<2560x128xf32>
    tpu.vector_store %arg7[%swap3A, %swap3A_33], %concatenate3A_32 {strides = array<i32>} : memref<2560x128xf32, #tpu.memory_space<vmem>>, vector<2560x128xf32>,
    return
  }
  func.func @transform_0(%arg0: i32) -> (i32, i32) {
    %c0_i32 = arith.constant 0 : i32
    %c0_i32_0 = arith.constant 0 : i32
    return %arg0, %c0_i32 : i32, i32
  }
  func.func @transform_1(%arg0: i32) -> (i32, i32) {
    %c0_i32 = arith.constant 0 : i32
    %c0_i32_0 = arith.constant 0 : i32
    return %arg0, %c0_i32 : i32, i32
  }
  func.func @transform_2(%arg0: i32) -> (i32, i32) {
    %c0_i32 = arith.constant 0 : i32
    %c0_i32_0 = arith.constant 0 : i32
    return %arg0, %c0_i32 : i32, i32
  }
  func.func @transform_3(%arg0: i32) -> (i32, i32) {
    %c0_i32 = arith.constant 0 : i32
    %c0_i32_0 = arith.constant 0 : i32
    return %arg0, %c0_i32 : i32, i32
  }
  func.func @transform_4(%arg0: i32) -> (i32, i32) {
    %c0_i32 = arith.constant 0 : i32
    %c0_i32_0 = arith.constant 0 : i32
    %c0_i32_1 = arith.constant 0 : i32
    return %c0_i32, %c0_i32_0 : i32, i32
  }
  func.func @transform_5(%arg0: i32) -> (i32, i32) {
    %c0_i32 = arith.constant 0 : i32
    %c0_i32_0 = arith.constant 0 : i32
    %c0_i32_1 = arith.constant 0 : i32
    return %c0_i32, %c0_i32_0 : i32, i32
  }
  func.func @transform_6(%arg0: i32) -> (i32, i32) {
    %c0_i32 = arith.constant 0 : i32
    %c0_i32_0 = arith.constant 0 : i32
    return %arg0, %c0_i32 : i32, i32
  }
}

module attributes {stable_mosaic.version = 14 : i64} {
  func.func @body(%arg0: i32, %arg1: memref<2000x128xf32, #tpu.memory_space<vmem>>, %arg2: memref<2000x128xf32, #tpu.memory_space<vmem>>, %arg3: memref<2000x1xf32, #tpu.memory_space<vmem>>, %arg4: memref<1x64xf32, #tpu.memory_space<vmem>>, %arg5: memref<2000x64xf32, #tpu.memory_space<vmem>>) attributes {dimension_semantics = [#tpu.dimension_semantics<arbitrary>], iteration_bounds = array<i64: 5>, scalar_prefetch = 0 : i64, scratch_operands = 0 : i64, tpu.core_type = #tpu.core_type<tc>, window_params = [{transform_indices = @transform_0, window_bounds = array<i64: 2000, 128>}, {transform_indices = @transform_1, window_bounds = array<i64: 2000, 128>}, {transform_indices = @transform_2, window_bounds = array<i64: 2000, 1>}, {pipeline_mode = #tpu.pipeline_mode<synchronous>, transform_indices = @transform_3, window_bounds = array<i64: 1, 64>}, {transform_indices = @transform_4, window_bounds = array<i64: 2000, 64>}]} {
    %get3A = arith.constant 0 : index
    %get3A_0 = arith.constant 0 : index
    %get3A_1 = vector.load %arg3[%get3A, %get3A_0] : memref<2000x1xf32, #tpu.memory_space<vmem>>, vector<2000x1xf32>
    %max3A = arith.constant 1.000000e+00 : f32
    %max3A_2 = vector.broadcast %max3A : f32 to vector<2000x1xf32>
    %max3A_3 = arith.maximumf %get3A_1, %max3A_2 : vector<2000x1xf32>
    %rsqrt3A = math.rsqrt %max3A_3 : vector<2000x1xf32>
    %get3A_4 = arith.constant 0 : index
    %get3A_5 = arith.constant 0 : index
    %get3A_6 = vector.load %arg1[%get3A_4, %get3A_5] : memref<2000x128xf32, #tpu.memory_space<vmem>>, vector<2000x128xf32>
    %get3A_7 = arith.constant 0 : index
    %get3A_8 = arith.constant 0 : index
    %get3A_9 = vector.load %arg2[%get3A_7, %get3A_8] : memref<2000x128xf32, #tpu.memory_space<vmem>>, vector<2000x128xf32>
    %add3A = arith.addf %get3A_6, %get3A_9 : vector<2000x128xf32>
    %slice3A = vector.extract_strided_slice %add3A {offsets = [0, 0], sizes = [2000, 64], strides = [1, 1]} : vector<2000x128xf32> to vector<2000x64xf32>
    %mul3A = vector.broadcast %rsqrt3A : vector<2000x1xf32> to vector<2000x64xf32>
    %mul3A_10 = arith.mulf %slice3A, %mul3A : vector<2000x64xf32>
    %get3A_11 = arith.constant 0 : index
    %get3A_12 = arith.constant 0 : index
    %get3A_13 = vector.load %arg4[%get3A_11, %get3A_12] : memref<1x64xf32, #tpu.memory_space<vmem>>, vector<1x64xf32>
    %add3A_14 = vector.broadcast %get3A_13 : vector<1x64xf32> to vector<2000x64xf32>
    %add3A_15 = arith.addf %mul3A_10, %add3A_14 : vector<2000x64xf32>
    %swap3A = arith.constant 0 : index
    %swap3A_16 = arith.constant 0 : index
    %swap3A_17 = vector.load %arg5[%swap3A, %swap3A_16] : memref<2000x64xf32, #tpu.memory_space<vmem>>, vector<2000x64xf32>
    tpu.vector_store %arg5[%swap3A, %swap3A_16], %add3A_15 {strides = array<i32>} : memref<2000x64xf32, #tpu.memory_space<vmem>>, vector<2000x64xf32>,
    return
  }
  func.func @transform_0(%arg0: i32) -> (i32, i32) {
    %c0_i32 = arith.constant 0 : i32
    %c0_i32_0 = arith.constant 0 : i32
    return %arg0, %c0_i32 : i32, i32
  }
  func.func @transform_1(%arg0: i32) -> (i32, i32) {
    %c0_i32 = arith.constant 0 : i32
    %c0_i32_0 = arith.constant 0 : i32
    return %arg0, %c0_i32 : i32, i32
  }
  func.func @transform_2(%arg0: i32) -> (i32, i32) {
    %c0_i32 = arith.constant 0 : i32
    %c0_i32_0 = arith.constant 0 : i32
    return %arg0, %c0_i32 : i32, i32
  }
  func.func @transform_3(%arg0: i32) -> (i32, i32) {
    %c0_i32 = arith.constant 0 : i32
    %c0_i32_0 = arith.constant 0 : i32
    %c0_i32_1 = arith.constant 0 : i32
    return %c0_i32, %c0_i32_0 : i32, i32
  }
  func.func @transform_4(%arg0: i32) -> (i32, i32) {
    %c0_i32 = arith.constant 0 : i32
    %c0_i32_0 = arith.constant 0 : i32
    return %arg0, %c0_i32 : i32, i32
  }
}

</mosaic_0001>

<sc_bundles>
// kernel: kernel.11.cloned.1.call-start
scs
__scs_entry_jumppad:
0x0: {  	(pc) =	sbr.rel $0x88, $3  }
0x1: {  	(tag) =	ssettag $0x0;
	lr =	simm.s32 $0x1  }
0x2: {  	[smem:$0x3F9B] =	sst lr;
	_ =	strace $0xD0000000  }
0x3: {  	_ = 	snop  }
0x4: {  	_ = 	snop  }
0x5: {  	_ = 	snop  }
0x6: {  	_ = 	snop  }
0x7: {  	_ = 	snop  }
__scs_overlays_trampoline_lowered:
0x8: {  	[smem:$0x3FAA] =	sst s0  }
0x9: {  	[smem:$0x3FAB] =	sst s1  }
0xa: {  	[smem:$0x3FAC] =	sst s2  }
0xb: {  	[smem:$0x3FAD] =	sst s3  }
0xc: {  	[smem:$0x3FAE] =	sst s4  }
0xd: {  	[smem:$0x3FAF] =	sst s5  }
0xe: {  	[smem:$0x3FB0] =	sst s6  }
0xf: {  	[smem:$0x3FB1] =	sst s7  }
0x10: {  	[smem:$0x3FB2] =	sst s8  }
0x11: {  	[smem:$0x3FB3] =	sst s9;
	s0 =	simm.s32 @!p0 $0x0  }
0x12: {  	s1 =	sld [smem:$0x3F99];
	s0 =	simm.s32 @p0 $0x1  }
0x13: {  	[smem:$0x3FB4] =	sst s0;
	s0 =	simm.s32 @!p1 $0x0  }
0x14: {  	s2 =	sld [smem:$0x3F98];
	s0 =	simm.s32 @p1 $0x1  }
0x15: {  	[smem:$0x3FB5] =	sst s0;
	s0 =	simm.s32 @!p2 $0x0  }
0x16: {  	s3 =	sld [smem:$0x3FDB];
	s0 =	simm.s32 @p2 $0x1  }
0x17: {  	s4 =	simm.s32 $0x1BF5;
	[smem:$0x3FB7] =	sst s0  }
0x18: {  	s0 =	sld [smem:$0x3F9A];
	_ =	swait.ge [sflag:s4], $0x0  }
0x19: {  	s7 =	sld [smem:$0x3F9B]  }
0x1a: {  	s8 =	sadd.s32 $0xFFFFE003, lr  }
0x1b: {  	s9 =	sadd.s32 $0xFFFFFEF7, lr;
	s5 =	simm.s32 $0xFFFFFFFF;
	p2 =	slt.u32 s8, $0xFFFFF086  }
0x1c: {  	p1 =	slt.u32 s9, $0xF7A;
	s5 =	simm.s32 @!p2 $0x0  }
0x1d: {  	s5 =	simm.s32 @p1 $0x1;
	p0 =	seq.s32 s7, s2  }
0x1e: {  	s7 =	smul.u32 @!p0 $0xF7A, s2;
	p2 =	seq.s32 @!p0 s5, $0x0  }
0x1f: {  	s9 =	smul.u32 $0xF7A, s1;
	s8 =	simm.s32 @!p0 $0x1BF5;
	p2 =	por !p2, p0  }
0x20: {  	[sflag:s8] =	ssyncset.s32 @!p0 $0xFFFFF086;
	s6 =	sadd.s32 @!p0 s3, s7;
	s7 =	simm.s32 @!p0 $0x108  }
0x21: {  	s3 =	sadd.s32 s3, s9;
	s6 =	sadd.s32 @!p0 $0x88, s6;
	s7 =	simm.s32 @p2 $0x1082  }
0x22: {  	[simem:s7], [sflag:s8] =	dma.local @!p0 [hbm:s6], $0xF7A  }
0x23: {  	s9 =	sor.u32 $0xD0000000, s2;
	s6 =	simm.s32 $0x108;
	_ =	swait.ge @!p0 [sflag:s8], $0x0  }
0x24: {  	s3 =	sadd.s32 $0x88, s3;
	s6 =	simm.s32 @!p1 $0x1082;
	[sflag:s4] =	ssyncset.s32 $0xFFFFF086  }
0x25: {  	[simem:s6], [sflag:s4] =	dma.local [hbm:s3], $0xF7A  }
0x26: {  	[smem:$0x3F9B] =	sst s1;
	(tag) =	ssettag s2;
	_ =	strace s9  }
0x27: {  	s1 =	sld [smem:$0x3FAB]  }
0x28: {  	s2 =	sld [smem:$0x3FAC]  }
0x29: {  	s4 =	sld [smem:$0x3FAE]  }
0x2a: {  	p0 =	seq.s32 s5, $0x0;
	s5 =	sld [smem:$0x3FAF]  }
0x2b: {  	s6 =	sld [smem:$0x3FB0]  }
0x2c: {  	s7 =	sld [smem:$0x3FB1]  }
0x2d: {  	s3 =	simm.s32 $0x108;
	s8 =	sld [smem:$0x3FB2]  }
0x2e: {  	s3 =	simm.s32 @!p0 $0x1082;
	s9 =	sld [smem:$0x3FB3]  }
0x2f: {  	lr =	sadd.s32 s0, s3;
	s0 =	sld [smem:$0x3FAA]  }
0x30: {  	s3 =	sld [smem:$0x3FAD]  }
0x31: {  	[smem:$0x3FB6] =	sst s10  }
0x32: {  	s10 =	sld [smem:$0x3FB4];
	_ =	sdelay $0x3  }
0x33: {  	p0 =	seq.s32 s10, $0x1;
	s10 =	sld [smem:$0x3FB6];
	_ =	sdelay $0x3  }
0x34: {  	[smem:$0x3FB6] =	sst s10  }
0x35: {  	s10 =	sld [smem:$0x3FB5];
	_ =	sdelay $0x3  }
0x36: {  	p1 =	seq.s32 s10, $0x1;
	s10 =	sld [smem:$0x3FB6];
	_ =	sdelay $0x3  }
0x37: {  	[smem:$0x3FB6] =	sst s10  }
0x38: {  	s10 =	sld [smem:$0x3FB7]  }
0x39: {  	_ = 	snop;
	(pc) =	sbr.ind lr, $3  }
0x3a: {  	_ = 	snop  }
0x3b: {  	_ = 	snop  }
0x3c: {  	p2 =	seq.s32 s10, $0x1;
	s10 =	sld [smem:$0x3FB6]  }
0x3d: {  	_ =	shalt  }
0x3e: {  	_ =	shalt  }
0x3f: {  	_ =	shalt  }
0x40: {  	_ =	shalt  }
0x41: {  	_ =	shalt  }
0x42: {  	_ =	shalt  }
0x43: {  	_ =	shalt  }
0x44: {  	_ =	shalt  }
0x45: {  	_ =	shalt  }
0x46: {  	_ =	shalt  }
0x47: {  	_ =	shalt  }
0x48: {  	_ =	shalt  }
0x49: {  	_ =	shalt  }
0x4a: {  	_ =	shalt  }
0x4b: {  	_ =	shalt  }
0x4c: {  	_ =	shalt  }
0x4d: {  	_ =	shalt  }
0x4e: {  	_ =	shalt  }
0x4f: {  	_ =	shalt  }
0x50: {  	_ =	shalt  }
0x51: {  	_ =	shalt  }
0x52: {  	_ =	shalt  }
0x53: {  	_ =	shalt  }
0x54: {  	_ =	shalt  }
0x55: {  	_ =	shalt  }
0x56: {  	_ =	shalt  }
0x57: {  	_ =	shalt  }
0x58: {  	_ =	shalt  }
0x59: {  	_ =	shalt  }
0x5a: {  	_ =	shalt  }
0x5b: {  	_ =	shalt  }
0x5c: {  	_ =	shalt  }
0x5d: {  	_ =	shalt  }
0x5e: {  	_ =	shalt  }
0x5f: {  	_ =	shalt  }
0x60: {  	_ =	shalt  }
0x61: {  	_ =	shalt  }
0x62: {  	_ =	shalt  }
0x63: {  	_ =	shalt  }
0x64: {  	_ =	shalt  }
0x65: {  	_ =	shalt  }
0x66: {  	_ =	shalt  }
0x67: {  	_ =	shalt  }
0x68: {  	_ =	shalt  }
0x69: {  	_ =	shalt  }
0x6a: {  	_ =	shalt  }
0x6b: {  	_ =	shalt  }
0x6c: {  	_ =	shalt  }
0x6d: {  	_ =	shalt  }
0x6e: {  	_ =	shalt  }
0x6f: {  	_ =	shalt  }
0x70: {  	_ =	shalt  }
0x71: {  	_ =	shalt  }
0x72: {  	_ =	shalt  }
0x73: {  	_ =	shalt  }
0x74: {  	_ =	shalt  }
0x75: {  	_ =	shalt  }
0x76: {  	_ =	shalt  }
0x77: {  	_ =	shalt  }
0x78: {  	_ =	shalt  }
0x79: {  	_ =	shalt  }
0x7a: {  	_ =	shalt  }
0x7b: {  	_ =	shalt  }
0x7c: {  	_ =	shalt  }
0x7d: {  	_ =	shalt  }
0x7e: {  	_ =	shalt  }
0x7f: {  	_ =	shalt  }
0x80: {  	_ =	shalt  }
0x81: {  	_ =	shalt  }
0x82: {  	_ =	shalt  }
0x83: {  	_ =	shalt  }
0x84: {  	_ =	shalt  }
0x85: {  	_ =	shalt  }
0x86: {  	_ =	shalt  }
0x87: {  	_ =	shalt  }
.Lfunc_end0:
.L_simem_size_0:
called_computation.1_lowered:
.L_overlay_start_0:
0x88: {  	s2 =	sld [smem:$0x3FD9]  }
0x89: {  	s3 =	sld [smem:$0x3FFE];
	_ =	sdelay $0x1  }
0x8a: {  	s1 =	srdreg.scid  }
0x8b: {  	s0 =	sand.u32 $0x1, s1  }
0x8c: {  	s17 =	sshll.u32 s0, $0xA;
	s2 =	sadd.s32 s3, s2  }
0x8d: {  	s2 =	sadd.s32 s2, s17  }
0x8e: {  	[smem:$0x3FC2] =	sst s2  }
0x8f: {  	_ = 	snop  }
0x90: {  	s2 =	sld [smem:$0x3FD0];
	(tm) =	ssettm $0x1  }
0x91: {  	s18 =	sld [smem:$0x3FFB];
	_ =	sdelay $0x3  }
0x92: {  	_ =	strace s18  }
0x93: {  	s3 =	sld [smem:$0x3FFC];
	_ =	sdelay $0x3  }
0x94: {  	_ =	strace s3  }
0x95: {  	s3 =	sld [smem:$0x3FFD];
	_ =	sdelay $0x3  }
0x96: {  	_ =	strace s3  }
0x97: {  	_ =	strace $0x8FFFFFFF  }
0x98: {  	s19 =	sld [smem:$0x3FDB];
	_ =	sdelay $0x1  }
0x99: {  	s4 =	simm.s32 $_scs_section_size  }
0x9a: {  	s5 =	simm.s32 $_size__tile_overlayer_lowered;
	s6 =	simm.s32 $_tile_overlayer_lowered  }
0x9b: {  	s22 =	simm.s32 $0x1BFF;
	s21 =	sshll.u32 s6, $0x1;
	s3 =	sadd.s32 s4, s19  }
0x9c: {  	s7 =	simm.s32 $0x0;
	s20 =	sshll.u32 s5, $0x1;
	s5 =	sadd.s32 s21, s3  }
0x9d: {  	[timem:s7], [sflag:s22] =	dma.local [hbm:s5], s20  }
0x9e: {  	_ =	swait.ge [sflag:s22], s20  }
0x9f: {  	s4 =	ssub.s32 $0x0, s20;
	[sflag:s22] =	ssyncset.done $0x0  }
0xa0: {  	[sflag:s22] =	ssyncadd.s32 s4;
	_ =	sdelay $0x1  }
0xa1: {  	s23 =	simm.s32 $0x1B8B  }
0xa2: {  	_ =	swait.ge [sflag:s23], $0x1  }
0xa3: {  	[sflag:s23] =	ssyncset.done $0x0  }
0xa4: {  	s25 =	simm.s32 $0x1B8E;
	s24 =	sld [smem:$0x3FFE];
	[sflag:s23] =	ssyncadd.s32 $0xFFFFFFFF  }
0xa5: {  	s26 =	simm.s32 $execute0_lowered;
	[smem:$0x3FD2] =	sst s25  }
0xa6: {  	s5 =	sshll.u32 s26, $0x1;
	_ =	strace $0x80000049;
	[dreg:$0x1] =	wrdreg $0xFFFFFFFF  }
0xa7: {  	s28 =	simm.s32 $_size_execute0_lowered;
	s3 =	sadd.s32 s3, s5;
	[dreg:$0x0] =	wrdreg $0x0  }
0xa8: {  	s5 =	sshll.u32 s28, $0x1;
	[dreg:$0x2] =	wrdreg s3  }
0xa9: {  	[dreg:$0x3] =	wrdreg s5  }
0xaa: {  	[dreg:$0x4] =	wrdreg $0xC0  }
0xab: {  	_ =	task [dreg:s7], $0x5FFFF  }
0xac: {  	[dreg:$0x1] =	wrdreg $0xFFFFFFFF  }
0xad: {  	[dreg:$0x0] =	wrdreg $0x60  }
0xae: {  	[dreg:$0x2] =	wrdreg s24  }
0xaf: {  	[dreg:$0x3] =	wrdreg s2  }
0xb0: {  	[dreg:$0x4] =	wrdreg $0x29000  }
0xb1: {  	[dreg:$0x5] =	wrdreg $0x9  }
0xb2: {  	_ =	task.clear_ibuf [dreg:s7], $0x6FFFF;
	_ =	strace $0x90000049  }
0xb3: {  	s29 =	simm.s32 $0x9;
	_ =	strace $0x8000004B  }
0xb4: {  	_ =	swait.ge [sflag:s29], $0x1  }
0xb5: {  	[sflag:s29] =	ssyncadd.s32 $0xFFFFFFFF  }
0xb6: {  	_ =	strace $0x9000004B  }
0xb7: {  	_ =	sfence  }
0xb8: {  	s30 =	sld [smem:$0x0];
	_ =	sdelay $0x2  }
0xb9: {  	s31 =	sshll.u32 s1, $0xD;
	s1 =	sshrl.u32 s1, $0x2  }
0xba: {  	s3 =	sand.u32 $0x4000, s31;
	s1 =	sadd.s32 s1, s30  }
0xbb: {  	s0 =	sor.u32 s3, s0;
	s1 =	sshll.u32 s1, $0x11  }
0xbc: {  	s0 =	sor.u32 s1, s0  }
0xbd: {  	s0 =	sadd.s32 $0x8F2B, s0  }
0xbe: {  	[sflag:s0] =	ssyncadd.remote.s32 $0x1  }
0xbf: {  	_ =	sfence.sel $0xFFFF  }
0xc0: {  	[dreg:$0x0] =	wrdreg $0xFFFFFFFF;
	(pc) =	sbr.abs _section_cstart, $3  }
0xc1: {  	[dreg:$0x1] =	wrdreg $0xFFFFFFFF  }
0xc2: {  	_ =	task.clear_ibuf [dreg:s7], $0x2FFFF;
	_ =	strace $0x9FFFFFFF  }
0xc3: {  	(tm) =	ssettm $0x7FFFFFFF  }
tec
execute0_lowered:
.L_overlay_start_1:
0x0: {  	(tag) =	ssettag $0x1  }
0x1: {  	s0 =	rddreg [dreg:$0x0]  }
0x2: {  	s1 =	rddreg [dreg:$0x1];
	s11 =	stileid.u32  }
0x3: {  	s2 =	rddreg [dreg:$0x2];
	s5 =	smul.u32 $0x50000, s11  }
0x4: {  	s3 =	simm.s32 $0x0;
	s4 =	srdreg.scid;
	s25 =	smul.u32 $0x2710, s11  }
0x5: {  	s28 =	simm.s32 $0x1A900;
	s6 =	sand.u32 $0x1, s4;
	s17 =	smul.u32 $0x2800, s11  }
0x6: {  	[smem:$0x7FF] =	sst s3;
	s11 =	smul.u32 $0x4E2, s11;
	s7 =	ssub.s32 $0x2, s6  }
0x7: {  	s29 =	simm.s32 $0x1EC80;
	_ =	strace $0x8000004A;
	s8 =	sshrl.u32 s7, $0x1  }
0x8: {  	s5 =	sshrl.u32 s5, $0x2;
	s22 =	sadd.s32 s11, s1;
	s7 =	ssub.s32 s7, s8  }
0x9: {  	s8 =	sshrl.u32 s25, $0x3;
	[dreg:$0x4] =	wrdreg s22;
	s25 =	simm.s32 $0x1EA00  }
0xa: {  	s30 =	simm.s32 $0x1C900;
	s18 =	sadd.s32 s5, s2;
	[dreg:$0x7] =	wrdreg s25  }
0xb: {  	s31 =	simm.s32 $0x1;
	s5 =	sadd.s32 $0x2000, s18;
	[dreg:$0x9] =	wrdreg s18  }
0xc: {  	s4 =	sadd.s32 $0x30400, s0;
	s23 =	sadd.s32 $0x4000, s18;
	[dreg:$0xa] =	wrdreg s5  }
0xd: {  	s9 =	sadd.s32 $0x2800, s0;
	s24 =	sadd.s32 $0x6000, s18;
	[dreg:$0xb] =	wrdreg s23  }
0xe: {  	p0 =	seq.s32 s6, $0x1;
	s26 =	sadd.s32 $0x8000, s18;
	[dreg:$0xc] =	wrdreg s24  }
0xf: {  	s11 =	simm.s32 $0x9;
	s10 =	sadd.s32 $0xA000, s18;
	[dreg:$0xd] =	wrdreg s26  }
0x10: {  	s22 =	simm.s32 $0x1EB00;
	s12 =	sadd.s32 $0xC000, s18;
	[dreg:$0xe] =	wrdreg s10  }
0x11: {  	s13 =	sadd.s32 $0xE000, s18;
	s14 =	sadd.s32 $0x10000, s18;
	[dreg:$0xf] =	wrdreg s12  }
0x12: {  	s15 =	sadd.s32 $0x12000, s18;
	s16 =	sadd.s32 s9, s8;
	[dreg:$0x10] =	wrdreg s13  }
0x13: {  	s8 =	sadd.s32 $0x4E0, s8;
	s21 =	smax.u32 s7, $0x1;
	[dreg:$0x11] =	wrdreg s14  }
0x14: {  	s25 =	simm.s32 $0x18900;
	s7 =	simm.s32 $0x3;
	[dreg:$0x12] =	wrdreg s15  }
0x15: {  	[dreg:$0x13] =	wrdreg s16;
	s15 =	smul.u32 $0x2710, s6;
	s10 =	simm.s32 $0xA6600  }
0x16: {  	s19 =	sadd.s32 s9, s8;
	s20 =	sadd.s32 s1, s8;
	[dreg:$0x16] =	wrdreg s21  }
0x17: {  	s23 =	simm.s32 $0x1E900;
	s21 =	simm.s32 $0xD;
	s24 =	simm.s32 $0x1E980  }
0x18: {  	s26 =	simm.s32 $0x1EA80;
	s1 =	simm.s32 $0x2;
	s6 =	simm.s32 $0x6  }
0x19: {  	s8 =	simm.s32 $0x7;
	s9 =	simm.s32 $0x4;
	[dreg:$0x14] =	wrdreg s19  }
0x1a: {  	s12 =	simm.s32 $0xA;
	s13 =	simm.s32 $0xB;
	[dreg:$0x15] =	wrdreg s20  }
0x1b: {  	s14 =	simm.s32 $0xC;
	s10 =	simm.s32 @!p0 $0x7E600;
	[dreg:$0x5] =	wrdreg s23  }
0x1c: {  	s20 =	simm.s32 $0x16900;
	[dreg:$0x6] =	wrdreg s24;
	s23 =	simm.s32 $0x40  }
0x1d: {  	[dreg:$0x8] =	wrdreg s26;
	s24 =	simm.s32 $0x1EB80;
	s0 =	sadd.s32 s10, s0  }
0x1e: {  	s26 =	simm.s32 $0x1EC00;
	s10 =	simm.s32 $0x8;
	s0 =	sadd.s32 s0, s17  }
0x1f: {  	v1 =	vimm.f32 $0.0e+00;
	v0 =	vmov s15;
	s17 =	simm.s32 $0x0;
	[dreg:$0x17] =	wrdreg s0;
	s0 =	simm.s32 $0x5  }
.LBB2_1:
0x20: {  	s15 =	simm.s32 $0x0;
	s16 =	simm.s32 $0x200  }
.LBB2_2:
0x21: {  	p0 =	sne.s32 s16, $0x7E00;
	[tilespmem:s15+$0x16970] =	vst v1  }
0x22: {  	[tilespmem:s15+$0x16900] =	vst v1  }
0x23: {  	[tilespmem:s15+$0x16910] =	vst v1  }
.Ltmp0:
0x24: {  	[tilespmem:s15+$0x16920] =	vst v1;
	(pc) =	sbr.rel @p0 .LBB2_2-.Ltmp0, $4  }
0x25: {  	[tilespmem:s15+$0x16930] =	vst v1  }
0x26: {  	[tilespmem:s15+$0x16940] =	vst v1  }
0x27: {  	[tilespmem:s15+$0x16950] =	vst v1  }
0x28: {  	[tilespmem:s15+$0x16960] =	vst v1;
	s15 =	sshra.s32 s16, $0x2;
	s16 =	sadd.s32 $0x200, s16  }
0x29: {  	[tilespmem:s15+$0x16970] =	vst v1  }
0x2a: {  	[tilespmem:s15+$0x16900] =	vst v1  }
0x2b: {  	[tilespmem:s15+$0x16910] =	vst v1  }
0x2c: {  	[tilespmem:s15+$0x16920] =	vst v1  }
0x2d: {  	[tilespmem:s15+$0x16930] =	vst v1  }
0x2e: {  	[tilespmem:s15+$0x16940] =	vst v1  }
0x2f: {  	[tilespmem:s15+$0x16950] =	vst v1  }
0x30: {  	[tilespmem:s15+$0x16960] =	vst v1  }
0x31: {  	[spmem:s18] =	stream.linear.scatter [tilespmem:s20], [sflag:$0xD], $0x2000, $0x38;
	[tilespmem:$0x1ED00] =	vst v63  }
0x32: {  	_ =	swait.ge [sflag:s21], $0x2000  }
0x33: {  	[sflag:s21] =	ssyncset.done $0x0  }
0x34: {  	s5 =	rddreg [dreg:$0xa];
	[sflag:s21] =	ssyncadd.s32 $0xFFFFE000  }
0x35: {  	[spmem:s5] =	stream.linear.scatter [tilespmem:s20], [sflag:$0xD], $0x2000, $0x38;
	[tilespmem:$0x1ED00] =	vst v63  }
0x36: {  	_ =	swait.ge [sflag:s21], $0x2000  }
0x37: {  	[sflag:s21] =	ssyncset.done $0x0  }
0x38: {  	s18 =	rddreg [dreg:$0xb];
	[sflag:s21] =	ssyncadd.s32 $0xFFFFE000  }
0x39: {  	[spmem:s18] =	stream.linear.scatter [tilespmem:s20], [sflag:$0xD], $0x2000, $0x38;
	[tilespmem:$0x1ED00] =	vst v63  }
0x3a: {  	_ =	swait.ge [sflag:s21], $0x2000  }
0x3b: {  	[sflag:s21] =	ssyncset.done $0x0  }
0x3c: {  	s19 =	rddreg [dreg:$0xc];
	[sflag:s21] =	ssyncadd.s32 $0xFFFFE000  }
0x3d: {  	[spmem:s19] =	stream.linear.scatter [tilespmem:s20], [sflag:$0xD], $0x2000, $0x38;
	[tilespmem:$0x1ED00] =	vst v63  }
0x3e: {  	_ =	swait.ge [sflag:s21], $0x2000  }
0x3f: {  	[sflag:s21] =	ssyncset.done $0x0  }
0x40: {  	s15 =	rddreg [dreg:$0xd];
	[sflag:s21] =	ssyncadd.s32 $0xFFFFE000  }
0x41: {  	[spmem:s15] =	stream.linear.scatter [tilespmem:s20], [sflag:$0xD], $0x2000, $0x38;
	[tilespmem:$0x1ED00] =	vst v63  }
0x42: {  	_ =	swait.ge [sflag:s21], $0x2000  }
0x43: {  	[sflag:s21] =	ssyncset.done $0x0  }
0x44: {  	s16 =	rddreg [dreg:$0xe];
	[sflag:s21] =	ssyncadd.s32 $0xFFFFE000  }
0x45: {  	[spmem:s16] =	stream.linear.scatter [tilespmem:s20], [sflag:$0xD], $0x2000, $0x38;
	[tilespmem:$0x1ED00] =	vst v63  }
0x46: {  	_ =	swait.ge [sflag:s21], $0x2000  }
0x47: {  	[sflag:s21] =	ssyncset.done $0x0  }
0x48: {  	s18 =	rddreg [dreg:$0xf];
	[sflag:s21] =	ssyncadd.s32 $0xFFFFE000  }
0x49: {  	[spmem:s18] =	stream.linear.scatter [tilespmem:s20], [sflag:$0xD], $0x2000, $0x38;
	[tilespmem:$0x1ED00] =	vst v63  }
0x4a: {  	_ =	swait.ge [sflag:s21], $0x2000  }
0x4b: {  	[sflag:s21] =	ssyncset.done $0x0  }
0x4c: {  	s19 =	rddreg [dreg:$0x10];
	[sflag:s21] =	ssyncadd.s32 $0xFFFFE000  }
0x4d: {  	[spmem:s19] =	stream.linear.scatter [tilespmem:s20], [sflag:$0xD], $0x2000, $0x38;
	[tilespmem:$0x1ED00] =	vst v63  }
0x4e: {  	_ =	swait.ge [sflag:s21], $0x2000  }
0x4f: {  	[sflag:s21] =	ssyncset.done $0x0  }
0x50: {  	s15 =	rddreg [dreg:$0x11];
	[sflag:s21] =	ssyncadd.s32 $0xFFFFE000  }
0x51: {  	[spmem:s15] =	stream.linear.scatter [tilespmem:s20], [sflag:$0xD], $0x2000, $0x38;
	[tilespmem:$0x1ED00] =	vst v63  }
0x52: {  	_ =	swait.ge [sflag:s21], $0x2000  }
0x53: {  	[sflag:s21] =	ssyncset.done $0x0  }
0x54: {  	s16 =	rddreg [dreg:$0x12];
	[sflag:s21] =	ssyncadd.s32 $0xFFFFE000  }
0x55: {  	[spmem:s16] =	stream.linear.scatter [tilespmem:s20], [sflag:$0xD], $0x2000, $0x38;
	[tilespmem:$0x1ED00] =	vst v63  }
0x56: {  	_ =	swait.ge [sflag:s21], $0x2000  }
0x57: {  	[sflag:s21] =	ssyncset.done $0x0  }
0x58: {  	s18 =	simm.s32 $0x0;
	s19 =	rddreg [dreg:$0x13];
	[sflag:s21] =	ssyncadd.s32 $0xFFFFE000  }
0x59: {  	[tilespmem:s18], [sflag:$0xD] =	stream.linear.gather [hbm4b:s19+s18], $0x2710, $0x38;
	[tilespmem:$0x1ED00] =	vst v63  }
0x5a: {  	_ =	swait.ge [sflag:s21], $0x2710  }
0x5b: {  	[sflag:s21] =	ssyncset.done $0x0  }
0x5c: {  	[sflag:s21] =	ssyncadd.s32 $0xFFFFD8F0  }
0x5d: {  	[bflag:$0x0] =	sbarrier.arrive $0xFFFF  }
0x5e: {  	s16 =	rddreg [dreg:$0x4]  }
0x5f: {  	s18 =	simm.s32 $0x80;
	s15 =	sadd.s32 $0x0, s16  }
0x60: {  	[tilespmem:s22], [sflag:$0x5] =	stream.linear.gather [hbm4b:s15+s3], $0x40, $0x38;
	[tilespmem:$0x1ED00] =	vst v63  }
0x61: {  	v2 =	vld [tilespmem:s18+$0xFFFFFF80];
	_ =	sdelay $0x4  }
0x62: {  	v2 =	vadd.s32 v0, v2  }
0x63: {  	[tilespmem:$0x1E900] =	vst v2  }
0x64: {  	v2 =	vld [tilespmem:s18+$0xFFFFFF90];
	_ =	sdelay $0x4  }
0x65: {  	v2 =	vadd.s32 v0, v2  }
0x66: {  	[tilespmem:$0x1E910] =	vst v2  }
0x67: {  	v2 =	vld [tilespmem:s18+$0xFFFFFFA0];
	_ =	sdelay $0x4  }
0x68: {  	v2 =	vadd.s32 v0, v2  }
0x69: {  	[tilespmem:$0x1E920] =	vst v2  }
0x6a: {  	v2 =	vld [tilespmem:s18+$0xFFFFFFB0];
	_ =	sdelay $0x4  }
0x6b: {  	v2 =	vadd.s32 v0, v2  }
0x6c: {  	s16 =	rddreg [dreg:$0x5];
	[tilespmem:$0x1E930] =	vst v2  }
0x6d: {  	[tilespmem:s20], [sflag:$0x1] =	stream.indirect.gather [hbm4b:s4+s23], $0x80, s16, s23, $0xb8;
	[tilespmem:$0x1ED00] =	vst v63  }
0x6e: {  	s19 =	sadd.s32 $0x8, s15  }
0x6f: {  	[tilespmem:s24], [sflag:$0x6] =	stream.linear.gather [hbm4b:s19+s3], $0x40, $0x38;
	[tilespmem:$0x1ED00] =	vst v63  }
0x70: {  	v2 =	vld [tilespmem:s18+$0xFFFFFFC0];
	_ =	sdelay $0x4  }
0x71: {  	v2 =	vadd.s32 v0, v2  }
0x72: {  	[tilespmem:$0x1E980] =	vst v2  }
0x73: {  	v2 =	vld [tilespmem:s18+$0xFFFFFFD0];
	_ =	sdelay $0x4  }
0x74: {  	v2 =	vadd.s32 v0, v2  }
0x75: {  	[tilespmem:$0x1E990] =	vst v2  }
0x76: {  	v2 =	vld [tilespmem:s18+$0xFFFFFFE0];
	_ =	sdelay $0x4  }
0x77: {  	v2 =	vadd.s32 v0, v2  }
0x78: {  	[tilespmem:$0x1E9A0] =	vst v2  }
0x79: {  	v2 =	vld [tilespmem:s18+$0xFFFFFFF0];
	_ =	sdelay $0x4  }
0x7a: {  	v2 =	vadd.s32 v0, v2  }
0x7b: {  	s5 =	rddreg [dreg:$0x6];
	[tilespmem:$0x1E9B0] =	vst v2  }
0x7c: {  	[tilespmem:s25], [sflag:$0x2] =	stream.indirect.gather [hbm4b:s4+s23], $0x80, s5, s23, $0xb8;
	[tilespmem:$0x1ED00] =	vst v63  }
0x7d: {  	s19 =	sadd.s32 $0x10, s15  }
0x7e: {  	[tilespmem:s26], [sflag:$0x7] =	stream.linear.gather [hbm4b:s19+s3], $0x40, $0x38;
	[tilespmem:$0x1ED00] =	vst v63  }
0x7f: {  	v2 =	vld [tilespmem:s18+$0x0];
	_ =	sdelay $0x4  }
0x80: {  	v2 =	vadd.s32 v0, v2  }
0x81: {  	[tilespmem:$0x1EA00] =	vst v2  }
0x82: {  	v2 =	vld [tilespmem:s18+$0x10];
	_ =	sdelay $0x4  }
0x83: {  	v2 =	vadd.s32 v0, v2  }
0x84: {  	[tilespmem:$0x1EA10] =	vst v2  }
0x85: {  	v2 =	vld [tilespmem:s18+$0x20];
	_ =	sdelay $0x4  }
0x86: {  	v2 =	vadd.s32 v0, v2  }
0x87: {  	[tilespmem:$0x1EA20] =	vst v2  }
0x88: {  	v2 =	vld [tilespmem:s18+$0x30];
	_ =	sdelay $0x4  }
0x89: {  	v2 =	vadd.s32 v0, v2  }
0x8a: {  	s5 =	rddreg [dreg:$0x7];
	[tilespmem:$0x1EA30] =	vst v2  }
0x8b: {  	[tilespmem:s28], [sflag:$0x3] =	stream.indirect.gather [hbm4b:s4+s23], $0x80, s5, s23, $0xb8;
	[tilespmem:$0x1ED00] =	vst v63  }
0x8c: {  	s15 =	sadd.s32 $0x18, s15  }
0x8d: {  	[tilespmem:s29], [sflag:$0x8] =	stream.linear.gather [hbm4b:s15+s3], $0x40, $0x38;
	[tilespmem:$0x1ED00] =	vst v63  }
0x8e: {  	v2 =	vld [tilespmem:s18+$0x40];
	_ =	sdelay $0x4  }
0x8f: {  	v2 =	vadd.s32 v0, v2  }
0x90: {  	[tilespmem:$0x1EA80] =	vst v2  }
0x91: {  	v2 =	vld [tilespmem:s18+$0x50];
	_ =	sdelay $0x4  }
0x92: {  	v2 =	vadd.s32 v0, v2  }
0x93: {  	[tilespmem:$0x1EA90] =	vst v2  }
0x94: {  	v2 =	vld [tilespmem:s18+$0x60];
	_ =	sdelay $0x4  }
0x95: {  	v2 =	vadd.s32 v0, v2  }
0x96: {  	[tilespmem:$0x1EAA0] =	vst v2  }
0x97: {  	v2 =	vld [tilespmem:s18+$0x70];
	_ =	sdelay $0x4  }
0x98: {  	v2 =	vadd.s32 v0, v2  }
0x99: {  	s19 =	rddreg [dreg:$0x8];
	[tilespmem:$0x1EAB0] =	vst v2  }
0x9a: {  	[tilespmem:s30], [sflag:$0x4] =	stream.indirect.gather [hbm4b:s4+s23], $0x80, s19, s23, $0xb8;
	[tilespmem:$0x1ED00] =	vst v63  }
0x9b: {  	_ =	swait.ge [sflag:s31], $0x2000  }
0x9c: {  	[sflag:s31] =	ssyncset.done $0x0  }
0x9d: {  	[sflag:s31] =	ssyncadd.s32 $0xFFFFE000  }
0x9e: {  	_ =	swait.ge [sflag:s0], $0x40  }
0x9f: {  	[sflag:s0] =	ssyncset.done $0x0  }
0xa0: {  	[sflag:s0] =	ssyncadd.s32 $0xFFFFFFC0  }
0xa1: {  	[spmem:s2] =	stream.indirect.scatter.add.f32 [tilespmem:s20], [sflag:$0x9], $0x80, s22, s23, $0xb8;
	[tilespmem:$0x1ED00] =	vst v63  }
0xa2: {  	_ =	swait.ge [sflag:s1], $0x2000  }
0xa3: {  	[sflag:s1] =	ssyncset.done $0x0  }
0xa4: {  	[sflag:s1] =	ssyncadd.s32 $0xFFFFE000  }
0xa5: {  	_ =	swait.ge [sflag:s6], $0x40  }
0xa6: {  	[sflag:s6] =	ssyncset.done $0x0  }
0xa7: {  	[sflag:s6] =	ssyncadd.s32 $0xFFFFFFC0  }
0xa8: {  	[spmem:s2] =	stream.indirect.scatter.add.f32 [tilespmem:s25], [sflag:$0xA], $0x80, s24, s23, $0xb8;
	[tilespmem:$0x1ED00] =	vst v63  }
0xa9: {  	_ =	swait.ge [sflag:s7], $0x2000  }
0xaa: {  	[sflag:s7] =	ssyncset.done $0x0  }
0xab: {  	[sflag:s7] =	ssyncadd.s32 $0xFFFFE000  }
0xac: {  	_ =	swait.ge [sflag:s8], $0x40  }
0xad: {  	[sflag:s8] =	ssyncset.done $0x0  }
0xae: {  	[sflag:s8] =	ssyncadd.s32 $0xFFFFFFC0  }
0xaf: {  	[spmem:s2] =	stream.indirect.scatter.add.f32 [tilespmem:s28], [sflag:$0xB], $0x80, s26, s23, $0xb8;
	[tilespmem:$0x1ED00] =	vst v63  }
0xb0: {  	_ =	swait.ge [sflag:s9], $0x2000  }
0xb1: {  	[sflag:s9] =	ssyncset.done $0x0  }
0xb2: {  	[sflag:s9] =	ssyncadd.s32 $0xFFFFE000  }
0xb3: {  	_ =	swait.ge [sflag:s10], $0x40  }
0xb4: {  	[sflag:s10] =	ssyncset.done $0x0  }
0xb5: {  	[sflag:s10] =	ssyncadd.s32 $0xFFFFFFC0  }
0xb6: {  	[spmem:s2] =	stream.indirect.scatter.add.f32 [tilespmem:s30], [sflag:$0xC], $0x80, s29, s23, $0xb8;
	[tilespmem:$0x1ED00] =	vst v63  }
0xb7: {  	_ =	swait.ge [sflag:s11], $0x2000  }
0xb8: {  	[sflag:s11] =	ssyncset.done $0x0  }
0xb9: {  	[sflag:s11] =	ssyncadd.s32 $0xFFFFE000  }
0xba: {  	_ =	swait.ge [sflag:s12], $0x2000  }
0xbb: {  	[sflag:s12] =	ssyncset.done $0x0  }
0xbc: {  	[sflag:s12] =	ssyncadd.s32 $0xFFFFE000  }
0xbd: {  	_ =	swait.ge [sflag:s13], $0x2000  }
0xbe: {  	[sflag:s13] =	ssyncset.done $0x0  }
0xbf: {  	[sflag:s13] =	ssyncadd.s32 $0xFFFFE000  }
0xc0: {  	s15 =	simm.s32 $0x40;
	_ =	swait.ge [sflag:s14], $0x2000  }
0xc1: {  	s19 =	simm.s32 $0x20;
	s16 =	rddreg [dreg:$0x4];
	[sflag:s14] =	ssyncset.done $0x0  }
.LBB2_4:
0xc2: {  	[sflag:s14] =	ssyncadd.s32 $0xFFFFE000;
	s18 =	sadd.s32 $0x100, s18;
	s16 =	sadd.s32 s19, s16  }
0xc3: {  	[tilespmem:s22], [sflag:$0x5] =	stream.linear.gather [hbm4b:s16+s3], $0x40, $0x38;
	[tilespmem:$0x1ED00] =	vst v63  }
0xc4: {  	v2 =	vld [tilespmem:s18+$0xFFFFFF80];
	_ =	sdelay $0x4  }
0xc5: {  	v2 =	vadd.s32 v0, v2  }
0xc6: {  	[tilespmem:$0x1E900] =	vst v2  }
0xc7: {  	v2 =	vld [tilespmem:s18+$0xFFFFFF90];
	_ =	sdelay $0x4  }
0xc8: {  	v2 =	vadd.s32 v0, v2  }
0xc9: {  	[tilespmem:$0x1E910] =	vst v2  }
0xca: {  	v2 =	vld [tilespmem:s18+$0xFFFFFFA0];
	_ =	sdelay $0x4  }
0xcb: {  	v2 =	vadd.s32 v0, v2  }
0xcc: {  	[tilespmem:$0x1E920] =	vst v2  }
0xcd: {  	v2 =	vld [tilespmem:s18+$0xFFFFFFB0];
	_ =	sdelay $0x4  }
0xce: {  	s5 =	smov.u32 s15;
	v2 =	vadd.s32 v0, v2  }
0xcf: {  	s19 =	smov.u32 s5;
	s5 =	rddreg [dreg:$0x5];
	[tilespmem:$0x1E930] =	vst v2  }
0xd0: {  	[tilespmem:s20], [sflag:$0x1] =	stream.indirect.gather [hbm4b:s4+s23], $0x80, s5, s23, $0xb8;
	[tilespmem:$0x1ED00] =	vst v63  }
0xd1: {  	s5 =	sadd.s32 $0x8, s16  }
0xd2: {  	[tilespmem:s24], [sflag:$0x6] =	stream.linear.gather [hbm4b:s5+s3], $0x40, $0x38;
	[tilespmem:$0x1ED00] =	vst v63  }
0xd3: {  	v2 =	vld [tilespmem:s18+$0xFFFFFFC0];
	_ =	sdelay $0x4  }
0xd4: {  	v2 =	vadd.s32 v0, v2  }
0xd5: {  	[tilespmem:$0x1E980] =	vst v2  }
0xd6: {  	v2 =	vld [tilespmem:s18+$0xFFFFFFD0];
	_ =	sdelay $0x4  }
0xd7: {  	v2 =	vadd.s32 v0, v2  }
0xd8: {  	[tilespmem:$0x1E990] =	vst v2  }
0xd9: {  	v2 =	vld [tilespmem:s18+$0xFFFFFFE0];
	_ =	sdelay $0x4  }
0xda: {  	v2 =	vadd.s32 v0, v2  }
0xdb: {  	[tilespmem:$0x1E9A0] =	vst v2  }
0xdc: {  	v2 =	vld [tilespmem:s18+$0xFFFFFFF0];
	_ =	sdelay $0x4  }
0xdd: {  	v2 =	vadd.s32 v0, v2  }
0xde: {  	s5 =	rddreg [dreg:$0x6];
	[tilespmem:$0x1E9B0] =	vst v2  }
0xdf: {  	[tilespmem:s25], [sflag:$0x2] =	stream.indirect.gather [hbm4b:s4+s23], $0x80, s5, s23, $0xb8;
	[tilespmem:$0x1ED00] =	vst v63  }
0xe0: {  	s5 =	sadd.s32 $0x10, s16  }
0xe1: {  	[tilespmem:s26], [sflag:$0x7] =	stream.linear.gather [hbm4b:s5+s3], $0x40, $0x38;
	[tilespmem:$0x1ED00] =	vst v63  }
0xe2: {  	v2 =	vld [tilespmem:s18+$0x0];
	_ =	sdelay $0x4  }
0xe3: {  	v2 =	vadd.s32 v0, v2  }
0xe4: {  	[tilespmem:$0x1EA00] =	vst v2  }
0xe5: {  	v2 =	vld [tilespmem:s18+$0x10];
	_ =	sdelay $0x4  }
0xe6: {  	v2 =	vadd.s32 v0, v2  }
0xe7: {  	[tilespmem:$0x1EA10] =	vst v2  }
0xe8: {  	v2 =	vld [tilespmem:s18+$0x20];
	_ =	sdelay $0x4  }
0xe9: {  	v2 =	vadd.s32 v0, v2  }
0xea: {  	[tilespmem:$0x1EA20] =	vst v2  }
0xeb: {  	v2 =	vld [tilespmem:s18+$0x30];
	_ =	sdelay $0x4  }
0xec: {  	v2 =	vadd.s32 v0, v2  }
0xed: {  	s5 =	rddreg [dreg:$0x7];
	[tilespmem:$0x1EA30] =	vst v2  }
0xee: {  	[tilespmem:s28], [sflag:$0x3] =	stream.indirect.gather [hbm4b:s4+s23], $0x80, s5, s23, $0xb8;
	[tilespmem:$0x1ED00] =	vst v63  }
0xef: {  	s16 =	sadd.s32 $0x18, s16  }
0xf0: {  	[tilespmem:s29], [sflag:$0x8] =	stream.linear.gather [hbm4b:s16+s3], $0x40, $0x38;
	[tilespmem:$0x1ED00] =	vst v63  }
0xf1: {  	v2 =	vld [tilespmem:s18+$0x40];
	_ =	sdelay $0x4  }
0xf2: {  	v2 =	vadd.s32 v0, v2  }
0xf3: {  	[tilespmem:$0x1EA80] =	vst v2  }
0xf4: {  	v2 =	vld [tilespmem:s18+$0x50];
	_ =	sdelay $0x4  }
0xf5: {  	v2 =	vadd.s32 v0, v2  }
0xf6: {  	[tilespmem:$0x1EA90] =	vst v2  }
0xf7: {  	v2 =	vld [tilespmem:s18+$0x60];
	_ =	sdelay $0x4  }
0xf8: {  	v2 =	vadd.s32 v0, v2  }
0xf9: {  	[tilespmem:$0x1EAA0] =	vst v2  }
0xfa: {  	v2 =	vld [tilespmem:s18+$0x70];
	_ =	sdelay $0x4  }
0xfb: {  	v2 =	vadd.s32 v0, v2  }
0xfc: {  	s16 =	rddreg [dreg:$0x8];
	[tilespmem:$0x1EAB0] =	vst v2  }
0xfd: {  	[tilespmem:s30], [sflag:$0x4] =	stream.indirect.gather [hbm4b:s4+s23], $0x80, s16, s23, $0xb8;
	[tilespmem:$0x1ED00] =	vst v63  }
0xfe: {  	_ =	swait.ge [sflag:s31], $0x2000  }
0xff: {  	[sflag:s31] =	ssyncset.done $0x0  }
0x100: {  	[sflag:s31] =	ssyncadd.s32 $0xFFFFE000  }
0x101: {  	_ =	swait.ge [sflag:s0], $0x40  }
0x102: {  	[sflag:s0] =	ssyncset.done $0x0  }
0x103: {  	[sflag:s0] =	ssyncadd.s32 $0xFFFFFFC0  }
0x104: {  	[spmem:s2] =	stream.indirect.scatter.add.f32 [tilespmem:s20], [sflag:$0x9], $0x80, s22, s23, $0xb8;
	[tilespmem:$0x1ED00] =	vst v63  }
0x105: {  	_ =	swait.ge [sflag:s1], $0x2000  }
0x106: {  	[sflag:s1] =	ssyncset.done $0x0  }
0x107: {  	[sflag:s1] =	ssyncadd.s32 $0xFFFFE000  }
0x108: {  	_ =	swait.ge [sflag:s6], $0x40  }
0x109: {  	[sflag:s6] =	ssyncset.done $0x0  }
0x10a: {  	[sflag:s6] =	ssyncadd.s32 $0xFFFFFFC0  }
0x10b: {  	[spmem:s2] =	stream.indirect.scatter.add.f32 [tilespmem:s25], [sflag:$0xA], $0x80, s24, s23, $0xb8;
	[tilespmem:$0x1ED00] =	vst v63  }
0x10c: {  	_ =	swait.ge [sflag:s7], $0x2000  }
0x10d: {  	[sflag:s7] =	ssyncset.done $0x0  }
0x10e: {  	[sflag:s7] =	ssyncadd.s32 $0xFFFFE000  }
0x10f: {  	_ =	swait.ge [sflag:s8], $0x40  }
0x110: {  	[sflag:s8] =	ssyncset.done $0x0  }
0x111: {  	[sflag:s8] =	ssyncadd.s32 $0xFFFFFFC0  }
0x112: {  	[spmem:s2] =	stream.indirect.scatter.add.f32 [tilespmem:s28], [sflag:$0xB], $0x80, s26, s23, $0xb8;
	[tilespmem:$0x1ED00] =	vst v63  }
0x113: {  	_ =	swait.ge [sflag:s9], $0x2000  }
0x114: {  	[sflag:s9] =	ssyncset.done $0x0  }
0x115: {  	[sflag:s9] =	ssyncadd.s32 $0xFFFFE000  }
0x116: {  	_ =	swait.ge [sflag:s10], $0x40  }
0x117: {  	[sflag:s10] =	ssyncset.done $0x0  }
0x118: {  	[sflag:s10] =	ssyncadd.s32 $0xFFFFFFC0  }
0x119: {  	[spmem:s2] =	stream.indirect.scatter.add.f32 [tilespmem:s30], [sflag:$0xC], $0x80, s29, s23, $0xb8;
	[tilespmem:$0x1ED00] =	vst v63  }
0x11a: {  	_ =	swait.ge [sflag:s11], $0x2000  }
0x11b: {  	[sflag:s11] =	ssyncset.done $0x0  }
0x11c: {  	[sflag:s11] =	ssyncadd.s32 $0xFFFFE000  }
0x11d: {  	_ =	swait.ge [sflag:s12], $0x2000  }
0x11e: {  	[sflag:s12] =	ssyncset.done $0x0  }
0x11f: {  	p0 =	sne.s32 s15, $0x4C0;
	[sflag:s12] =	ssyncadd.s32 $0xFFFFE000  }
.Ltmp1:
0x120: {  	_ =	swait.ge [sflag:s13], $0x2000;
	(pc) =	sbr.rel @p0 .LBB2_4-.Ltmp1, $4  }
0x121: {  	[sflag:s13] =	ssyncset.done $0x0  }
0x122: {  	[sflag:s13] =	ssyncadd.s32 $0xFFFFE000  }
0x123: {  	_ =	swait.ge [sflag:s14], $0x2000  }
0x124: {  	s15 =	sadd.s32 $0x20, s15;
	s16 =	rddreg [dreg:$0x4];
	[sflag:s14] =	ssyncset.done $0x0  }
0x125: {  	[sflag:s14] =	ssyncadd.s32 $0xFFFFE000;
	s5 =	sadd.s32 $0x100, s18;
	s15 =	sadd.s32 s19, s16  }
0x126: {  	[tilespmem:s22], [sflag:$0x5] =	stream.linear.gather [hbm4b:s15+s3], $0x40, $0x38;
	[tilespmem:$0x1ED00] =	vst v63  }
0x127: {  	v2 =	vld [tilespmem:s5+$0xFFFFFF80];
	_ =	sdelay $0x4  }
0x128: {  	v2 =	vadd.s32 v0, v2  }
0x129: {  	[tilespmem:$0x1E900] =	vst v2  }
0x12a: {  	v2 =	vld [tilespmem:s5+$0xFFFFFF90];
	_ =	sdelay $0x4  }
0x12b: {  	v2 =	vadd.s32 v0, v2  }
0x12c: {  	[tilespmem:$0x1E910] =	vst v2  }
0x12d: {  	v2 =	vld [tilespmem:s5+$0xFFFFFFA0];
	_ =	sdelay $0x4  }
0x12e: {  	v2 =	vadd.s32 v0, v2  }
0x12f: {  	[tilespmem:$0x1E920] =	vst v2  }
0x130: {  	v2 =	vld [tilespmem:s5+$0xFFFFFFB0];
	_ =	sdelay $0x4  }
0x131: {  	v2 =	vadd.s32 v0, v2  }
0x132: {  	s19 =	rddreg [dreg:$0x5];
	[tilespmem:$0x1E930] =	vst v2  }
0x133: {  	[tilespmem:s20], [sflag:$0x1] =	stream.indirect.gather [hbm4b:s4+s23], $0x80, s19, s23, $0xb8;
	[tilespmem:$0x1ED00] =	vst v63  }
0x134: {  	s18 =	sadd.s32 $0x8, s15  }
0x135: {  	[tilespmem:s24], [sflag:$0x6] =	stream.linear.gather [hbm4b:s18+s3], $0x40, $0x38;
	[tilespmem:$0x1ED00] =	vst v63  }
0x136: {  	v2 =	vld [tilespmem:s5+$0xFFFFFFC0];
	_ =	sdelay $0x4  }
0x137: {  	v2 =	vadd.s32 v0, v2  }
0x138: {  	[tilespmem:$0x1E980] =	vst v2  }
0x139: {  	v2 =	vld [tilespmem:s5+$0xFFFFFFD0];
	_ =	sdelay $0x4  }
0x13a: {  	v2 =	vadd.s32 v0, v2  }
0x13b: {  	[tilespmem:$0x1E990] =	vst v2  }
0x13c: {  	v2 =	vld [tilespmem:s5+$0xFFFFFFE0];
	_ =	sdelay $0x4  }
0x13d: {  	v2 =	vadd.s32 v0, v2  }
0x13e: {  	[tilespmem:$0x1E9A0] =	vst v2  }
0x13f: {  	v2 =	vld [tilespmem:s5+$0xFFFFFFF0];
	_ =	sdelay $0x4  }
0x140: {  	v2 =	vadd.s32 v0, v2  }
0x141: {  	s19 =	rddreg [dreg:$0x6];
	[tilespmem:$0x1E9B0] =	vst v2  }
0x142: {  	[tilespmem:s25], [sflag:$0x2] =	stream.indirect.gather [hbm4b:s4+s23], $0x80, s19, s23, $0xb8;
	[tilespmem:$0x1ED00] =	vst v63  }
0x143: {  	s18 =	sadd.s32 $0x10, s15  }
0x144: {  	[tilespmem:s26], [sflag:$0x7] =	stream.linear.gather [hbm4b:s18+s3], $0x40, $0x38;
	[tilespmem:$0x1ED00] =	vst v63  }
0x145: {  	v2 =	vld [tilespmem:s5+$0x0];
	_ =	sdelay $0x4  }
0x146: {  	v2 =	vadd.s32 v0, v2  }
0x147: {  	[tilespmem:$0x1EA00] =	vst v2  }
0x148: {  	v2 =	vld [tilespmem:s5+$0x10];
	_ =	sdelay $0x4  }
0x149: {  	v2 =	vadd.s32 v0, v2  }
0x14a: {  	[tilespmem:$0x1EA10] =	vst v2  }
0x14b: {  	v2 =	vld [tilespmem:s5+$0x20];
	_ =	sdelay $0x4  }
0x14c: {  	v2 =	vadd.s32 v0, v2  }
0x14d: {  	[tilespmem:$0x1EA20] =	vst v2  }
0x14e: {  	v2 =	vld [tilespmem:s5+$0x30];
	_ =	sdelay $0x4  }
0x14f: {  	v2 =	vadd.s32 v0, v2  }
0x150: {  	s19 =	rddreg [dreg:$0x7];
	[tilespmem:$0x1EA30] =	vst v2  }
0x151: {  	[tilespmem:s28], [sflag:$0x3] =	stream.indirect.gather [hbm4b:s4+s23], $0x80, s19, s23, $0xb8;
	[tilespmem:$0x1ED00] =	vst v63  }
0x152: {  	s15 =	sadd.s32 $0x18, s15  }
0x153: {  	[tilespmem:s29], [sflag:$0x8] =	stream.linear.gather [hbm4b:s15+s3], $0x40, $0x38;
	[tilespmem:$0x1ED00] =	vst v63  }
0x154: {  	v2 =	vld [tilespmem:s5+$0x40];
	_ =	sdelay $0x4  }
0x155: {  	v2 =	vadd.s32 v0, v2  }
0x156: {  	[tilespmem:$0x1EA80] =	vst v2  }
0x157: {  	v2 =	vld [tilespmem:s5+$0x50];
	_ =	sdelay $0x4  }
0x158: {  	v2 =	vadd.s32 v0, v2  }
0x159: {  	[tilespmem:$0x1EA90] =	vst v2  }
0x15a: {  	v2 =	vld [tilespmem:s5+$0x60];
	_ =	sdelay $0x4  }
0x15b: {  	v2 =	vadd.s32 v0, v2  }
0x15c: {  	[tilespmem:$0x1EAA0] =	vst v2  }
0x15d: {  	v2 =	vld [tilespmem:s5+$0x70];
	_ =	sdelay $0x4  }
0x15e: {  	v2 =	vadd.s32 v0, v2  }
0x15f: {  	s16 =	rddreg [dreg:$0x8];
	[tilespmem:$0x1EAB0] =	vst v2  }
0x160: {  	[tilespmem:s30], [sflag:$0x4] =	stream.indirect.gather [hbm4b:s4+s23], $0x80, s16, s23, $0xb8;
	[tilespmem:$0x1ED00] =	vst v63  }
0x161: {  	_ =	swait.ge [sflag:s31], $0x2000  }
0x162: {  	[sflag:s31] =	ssyncset.done $0x0  }
0x163: {  	[sflag:s31] =	ssyncadd.s32 $0xFFFFE000  }
0x164: {  	_ =	swait.ge [sflag:s0], $0x40  }
0x165: {  	[sflag:s0] =	ssyncset.done $0x0  }
0x166: {  	[sflag:s0] =	ssyncadd.s32 $0xFFFFFFC0  }
0x167: {  	[spmem:s2] =	stream.indirect.scatter.add.f32 [tilespmem:s20], [sflag:$0x9], $0x80, s22, s23, $0xb8;
	[tilespmem:$0x1ED00] =	vst v63  }
0x168: {  	_ =	swait.ge [sflag:s1], $0x2000  }
0x169: {  	[sflag:s1] =	ssyncset.done $0x0  }
0x16a: {  	[sflag:s1] =	ssyncadd.s32 $0xFFFFE000  }
0x16b: {  	_ =	swait.ge [sflag:s6], $0x40  }
0x16c: {  	[sflag:s6] =	ssyncset.done $0x0  }
0x16d: {  	[sflag:s6] =	ssyncadd.s32 $0xFFFFFFC0  }
0x16e: {  	[spmem:s2] =	stream.indirect.scatter.add.f32 [tilespmem:s25], [sflag:$0xA], $0x80, s24, s23, $0xb8;
	[tilespmem:$0x1ED00] =	vst v63  }
0x16f: {  	_ =	swait.ge [sflag:s7], $0x2000  }
0x170: {  	[sflag:s7] =	ssyncset.done $0x0  }
0x171: {  	[sflag:s7] =	ssyncadd.s32 $0xFFFFE000  }
0x172: {  	_ =	swait.ge [sflag:s8], $0x40  }
0x173: {  	[sflag:s8] =	ssyncset.done $0x0  }
0x174: {  	[sflag:s8] =	ssyncadd.s32 $0xFFFFFFC0  }
0x175: {  	[spmem:s2] =	stream.indirect.scatter.add.f32 [tilespmem:s28], [sflag:$0xB], $0x80, s26, s23, $0xb8;
	[tilespmem:$0x1ED00] =	vst v63  }
0x176: {  	_ =	swait.ge [sflag:s9], $0x2000  }
0x177: {  	[sflag:s9] =	ssyncset.done $0x0  }
0x178: {  	[sflag:s9] =	ssyncadd.s32 $0xFFFFE000  }
0x179: {  	_ =	swait.ge [sflag:s10], $0x40  }
0x17a: {  	[sflag:s10] =	ssyncset.done $0x0  }
0x17b: {  	[sflag:s10] =	ssyncadd.s32 $0xFFFFFFC0  }
0x17c: {  	[spmem:s2] =	stream.indirect.scatter.add.f32 [tilespmem:s30], [sflag:$0xC], $0x80, s29, s23, $0xb8;
	[tilespmem:$0x1ED00] =	vst v63  }
0x17d: {  	_ =	swait.ge [sflag:s11], $0x2000  }
0x17e: {  	[sflag:s11] =	ssyncset.done $0x0  }
0x17f: {  	[sflag:s11] =	ssyncadd.s32 $0xFFFFE000  }
0x180: {  	_ =	swait.ge [sflag:s12], $0x2000  }
0x181: {  	[sflag:s12] =	ssyncset.done $0x0  }
0x182: {  	[sflag:s12] =	ssyncadd.s32 $0xFFFFE000  }
0x183: {  	_ =	swait.ge [sflag:s13], $0x2000  }
0x184: {  	[sflag:s13] =	ssyncset.done $0x0  }
0x185: {  	[sflag:s13] =	ssyncadd.s32 $0xFFFFE000  }
0x186: {  	_ =	swait.ge [sflag:s14], $0x2000  }
0x187: {  	[sflag:s14] =	ssyncset.done $0x0  }
0x188: {  	s19 =	simm.s32 $0x2780;
	s18 =	rddreg [dreg:$0x14];
	[sflag:s14] =	ssyncadd.s32 $0xFFFFE000  }
0x189: {  	[tilespmem:s19], [sflag:$0xD] =	stream.linear.gather [hbm4b:s18+s3], $0x10, $0x38;
	[tilespmem:$0x1ED00] =	vst v63  }
0x18a: {  	_ =	swait.ge [sflag:s21], $0x10  }
0x18b: {  	[sflag:s21] =	ssyncset.done $0x0  }
0x18c: {  	s15 =	simm.s32 $0x2800;
	s16 =	rddreg [dreg:$0x15];
	[sflag:s21] =	ssyncadd.s32 $0xFFFFFFF0  }
0x18d: {  	[tilespmem:s15], [sflag:$0xD] =	stream.linear.gather [hbm4b:s16+s3], $0x10, $0x38;
	[tilespmem:$0x1ED00] =	vst v63  }
0x18e: {  	_ =	swait.ge [sflag:s21], $0x10  }
0x18f: {  	[sflag:s21] =	ssyncset.done $0x0  }
0x190: {  	[sflag:s21] =	ssyncadd.s32 $0xFFFFFFF0  }
0x191: {  	v2 =	vld [tilespmem:$0x2780];
	_ =	sdelay $0x4  }
0x192: {  	v2 =	vadd.s32 v0, v2  }
0x193: {  	s18 =	simm.s32 $0x10;
	s19 =	simm.s32 $0x2880;
	[tilespmem:$0x2880] =	vst v2  }
0x194: {  	[tilespmem:s20], [sflag:$0x1] =	stream.indirect.gather [hbm4b:s4+s18], $0x80, s19, s18, $0xb8;
	[tilespmem:$0x1ED00] =	vst v63  }
0x195: {  	_ =	swait.ge [sflag:s31], $0x800  }
0x196: {  	[sflag:s31] =	ssyncset.done $0x0  }
0x197: {  	[sflag:s31] =	ssyncadd.s32 $0xFFFFF800  }
0x198: {  	[spmem:s2] =	stream.indirect.scatter.add.f32 [tilespmem:s20], [sflag:$0xD], $0x80, s15, s18, $0xb8;
	[tilespmem:$0x1ED00] =	vst v63  }
0x199: {  	_ =	swait.ge [sflag:s21], $0x800  }
0x19a: {  	[sflag:s21] =	ssyncset.done $0x0  }
0x19b: {  	[sflag:s21] =	ssyncadd.s32 $0xFFFFF800  }
0x19c: {  	s15 =	stileid.u32;
	[bflag:$0x0] =	sbarrier.arrive $0xFFFF  }
0x19d: {  	s5 =	sshll.u32 s15, $0x6;
	s18 =	rddreg [dreg:$0x9]  }
0x19e: {  	s5 =	sor.u32 $0x1C0D, s5;
	s19 =	rddreg [dreg:$0x17];
	s16 =	sshrl.u32 s18, $0x3  }
0x19f: {  	[hbm:s19], [sflag:s5] =	dma.local [spmem:s16], $0x2800  }
0x1a0: {  	_ =	swait.ge [sflag:s21], $0x2800  }
0x1a1: {  	s17 =	sadd.s32 $0x1, s17;
	s19 =	rddreg [dreg:$0x16]  }
0x1a2: {  	p0 =	sne.s32 s17, s19  }
.Ltmp2:
0x1a3: {  	_ = 	snop;
	(pc) =	sbr.rel @p0 .LBB2_1-.Ltmp2, $3  }
0x1a4: {  	_ =	sdelay $0x1  }
0x1a5: {  	[sflag:s21] =	ssyncset.done $0x0  }
0x1a6: {  	[sflag:s21] =	ssyncadd.s32 $0xFFFFD800  }
0x1a7: {  	_ =	sfence.sel $0x180000  }
0x1a8: {  	[bflag:$0x0] =	sbarrier.arrive $0xFFFF  }
0x1a9: {  	_ =	strace $0x9000004A  }
0x1aa: {  	s0 =	stileid.u32;
	[bflag:$0x2] =	sbarrier.arrive $0xFFFF  }
0x1ab: {  	p0 =	sne.s32 s0, $0x0;
	s0 =	rddreg [dreg:$0x3]  }
0x1ac: {  	s0 =	sadd.s32 @!p0 $0x100000, s0  }
0x1ad: {  	[sflag:s0] =	ssyncadd.tile.s32 @!p0 $0x1;
	_ =	shalt  }
.Lfunc_end2:
_tile_overlayer_lowered:
.L_overlay_start_2:
0x1ae: {  	(tag) =	ssettag $0x2  }
0x1af: {  	s0 =	rddreg [dreg:$0x0];
	s2 =	stileid.u32  }
0x1b0: {  	s1 =	rddreg [dreg:$0x1];
	p0 =	sne.s32 s2, $0x0  }
0x1b1: {  	s3 =	rddreg [dreg:$0x2];
	[bflag:$0x3] =	sbarrier.arrive $0xFFFF;
	s2 =	simm.s32 @!p0 $0x1C0D  }
0x1b2: {  	[timem:s3], [sflag:s2] =	dma.local @!p0 [hbm:s0], s1  }
0x1b3: {  	s0 =	simm.s32 @!p0 $0xD  }
0x1b4: {  	_ =	swait.ge @!p0 [sflag:s0], s1  }
0x1b5: {  	s1 =	ssub.s32 @!p0 $0x0, s1;
	[sflag:s0] =	ssyncset.done @!p0 $0x0  }
0x1b6: {  	[sflag:s0] =	ssyncadd.s32 @!p0 s1  }
0x1b7: {  	[bflag:$0x3] =	sbarrier.arrive $0xFFFF  }
0x1b8: {  	_ =	shalt  }

// kernel: kernel.14.cloned.1.call-start
scs
__scs_entry_jumppad:
0x0: {  	(pc) =	sbr.rel $0x88, $3  }
0x1: {  	(tag) =	ssettag $0x0;
	lr =	simm.s32 $0x1  }
0x2: {  	[smem:$0x3F9B] =	sst lr;
	_ =	strace $0xD0000000  }
0x3: {  	_ = 	snop  }
0x4: {  	_ = 	snop  }
0x5: {  	_ = 	snop  }
0x6: {  	_ = 	snop  }
0x7: {  	_ = 	snop  }
__scs_overlays_trampoline_lowered:
0x8: {  	[smem:$0x3FAA] =	sst s0  }
0x9: {  	[smem:$0x3FAB] =	sst s1  }
0xa: {  	[smem:$0x3FAC] =	sst s2  }
0xb: {  	[smem:$0x3FAD] =	sst s3  }
0xc: {  	[smem:$0x3FAE] =	sst s4  }
0xd: {  	[smem:$0x3FAF] =	sst s5  }
0xe: {  	[smem:$0x3FB0] =	sst s6  }
0xf: {  	[smem:$0x3FB1] =	sst s7  }
0x10: {  	[smem:$0x3FB2] =	sst s8  }
0x11: {  	[smem:$0x3FB3] =	sst s9;
	s0 =	simm.s32 @!p0 $0x0  }
0x12: {  	s1 =	sld [smem:$0x3F99];
	s0 =	simm.s32 @p0 $0x1  }
0x13: {  	[smem:$0x3FB4] =	sst s0;
	s0 =	simm.s32 @!p1 $0x0  }
0x14: {  	s2 =	sld [smem:$0x3F98];
	s0 =	simm.s32 @p1 $0x1  }
0x15: {  	[smem:$0x3FB5] =	sst s0;
	s0 =	simm.s32 @!p2 $0x0  }
0x16: {  	s3 =	sld [smem:$0x3FDB];
	s0 =	simm.s32 @p2 $0x1  }
0x17: {  	s4 =	simm.s32 $0x1BF5;
	[smem:$0x3FB7] =	sst s0  }
0x18: {  	s0 =	sld [smem:$0x3F9A];
	_ =	swait.ge [sflag:s4], $0x0  }
0x19: {  	s7 =	sld [smem:$0x3F9B]  }
0x1a: {  	s8 =	sadd.s32 $0xFFFFE003, lr  }
0x1b: {  	s9 =	sadd.s32 $0xFFFFFEF7, lr;
	s5 =	simm.s32 $0xFFFFFFFF;
	p2 =	slt.u32 s8, $0xFFFFF086  }
0x1c: {  	p1 =	slt.u32 s9, $0xF7A;
	s5 =	simm.s32 @!p2 $0x0  }
0x1d: {  	s5 =	simm.s32 @p1 $0x1;
	p0 =	seq.s32 s7, s2  }
0x1e: {  	s7 =	smul.u32 @!p0 $0xF7A, s2;
	p2 =	seq.s32 @!p0 s5, $0x0  }
0x1f: {  	s9 =	smul.u32 $0xF7A, s1;
	s8 =	simm.s32 @!p0 $0x1BF5;
	p2 =	por !p2, p0  }
0x20: {  	[sflag:s8] =	ssyncset.s32 @!p0 $0xFFFFF086;
	s6 =	sadd.s32 @!p0 s3, s7;
	s7 =	simm.s32 @!p0 $0x108  }
0x21: {  	s3 =	sadd.s32 s3, s9;
	s6 =	sadd.s32 @!p0 $0x88, s6;
	s7 =	simm.s32 @p2 $0x1082  }
0x22: {  	[simem:s7], [sflag:s8] =	dma.local @!p0 [hbm:s6], $0xF7A  }
0x23: {  	s9 =	sor.u32 $0xD0000000, s2;
	s6 =	simm.s32 $0x108;
	_ =	swait.ge @!p0 [sflag:s8], $0x0  }
0x24: {  	s3 =	sadd.s32 $0x88, s3;
	s6 =	simm.s32 @!p1 $0x1082;
	[sflag:s4] =	ssyncset.s32 $0xFFFFF086  }
0x25: {  	[simem:s6], [sflag:s4] =	dma.local [hbm:s3], $0xF7A  }
0x26: {  	[smem:$0x3F9B] =	sst s1;
	(tag) =	ssettag s2;
	_ =	strace s9  }
0x27: {  	s1 =	sld [smem:$0x3FAB]  }
0x28: {  	s2 =	sld [smem:$0x3FAC]  }
0x29: {  	s4 =	sld [smem:$0x3FAE]  }
0x2a: {  	p0 =	seq.s32 s5, $0x0;
	s5 =	sld [smem:$0x3FAF]  }
0x2b: {  	s6 =	sld [smem:$0x3FB0]  }
0x2c: {  	s7 =	sld [smem:$0x3FB1]  }
0x2d: {  	s3 =	simm.s32 $0x108;
	s8 =	sld [smem:$0x3FB2]  }
0x2e: {  	s3 =	simm.s32 @!p0 $0x1082;
	s9 =	sld [smem:$0x3FB3]  }
0x2f: {  	lr =	sadd.s32 s0, s3;
	s0 =	sld [smem:$0x3FAA]  }
0x30: {  	s3 =	sld [smem:$0x3FAD]  }
0x31: {  	[smem:$0x3FB6] =	sst s10  }
0x32: {  	s10 =	sld [smem:$0x3FB4];
	_ =	sdelay $0x3  }
0x33: {  	p0 =	seq.s32 s10, $0x1;
	s10 =	sld [smem:$0x3FB6];
	_ =	sdelay $0x3  }
0x34: {  	[smem:$0x3FB6] =	sst s10  }
0x35: {  	s10 =	sld [smem:$0x3FB5];
	_ =	sdelay $0x3  }
0x36: {  	p1 =	seq.s32 s10, $0x1;
	s10 =	sld [smem:$0x3FB6];
	_ =	sdelay $0x3  }
0x37: {  	[smem:$0x3FB6] =	sst s10  }
0x38: {  	s10 =	sld [smem:$0x3FB7]  }
0x39: {  	_ = 	snop;
	(pc) =	sbr.ind lr, $3  }
0x3a: {  	_ = 	snop  }
0x3b: {  	_ = 	snop  }
0x3c: {  	p2 =	seq.s32 s10, $0x1;
	s10 =	sld [smem:$0x3FB6]  }
0x3d: {  	_ =	shalt  }
0x3e: {  	_ =	shalt  }
0x3f: {  	_ =	shalt  }
0x40: {  	_ =	shalt  }
0x41: {  	_ =	shalt  }
0x42: {  	_ =	shalt  }
0x43: {  	_ =	shalt  }
0x44: {  	_ =	shalt  }
0x45: {  	_ =	shalt  }
0x46: {  	_ =	shalt  }
0x47: {  	_ =	shalt  }
0x48: {  	_ =	shalt  }
0x49: {  	_ =	shalt  }
0x4a: {  	_ =	shalt  }
0x4b: {  	_ =	shalt  }
0x4c: {  	_ =	shalt  }
0x4d: {  	_ =	shalt  }
0x4e: {  	_ =	shalt  }
0x4f: {  	_ =	shalt  }
0x50: {  	_ =	shalt  }
0x51: {  	_ =	shalt  }
0x52: {  	_ =	shalt  }
0x53: {  	_ =	shalt  }
0x54: {  	_ =	shalt  }
0x55: {  	_ =	shalt  }
0x56: {  	_ =	shalt  }
0x57: {  	_ =	shalt  }
0x58: {  	_ =	shalt  }
0x59: {  	_ =	shalt  }
0x5a: {  	_ =	shalt  }
0x5b: {  	_ =	shalt  }
0x5c: {  	_ =	shalt  }
0x5d: {  	_ =	shalt  }
0x5e: {  	_ =	shalt  }
0x5f: {  	_ =	shalt  }
0x60: {  	_ =	shalt  }
0x61: {  	_ =	shalt  }
0x62: {  	_ =	shalt  }
0x63: {  	_ =	shalt  }
0x64: {  	_ =	shalt  }
0x65: {  	_ =	shalt  }
0x66: {  	_ =	shalt  }
0x67: {  	_ =	shalt  }
0x68: {  	_ =	shalt  }
0x69: {  	_ =	shalt  }
0x6a: {  	_ =	shalt  }
0x6b: {  	_ =	shalt  }
0x6c: {  	_ =	shalt  }
0x6d: {  	_ =	shalt  }
0x6e: {  	_ =	shalt  }
0x6f: {  	_ =	shalt  }
0x70: {  	_ =	shalt  }
0x71: {  	_ =	shalt  }
0x72: {  	_ =	shalt  }
0x73: {  	_ =	shalt  }
0x74: {  	_ =	shalt  }
0x75: {  	_ =	shalt  }
0x76: {  	_ =	shalt  }
0x77: {  	_ =	shalt  }
0x78: {  	_ =	shalt  }
0x79: {  	_ =	shalt  }
0x7a: {  	_ =	shalt  }
0x7b: {  	_ =	shalt  }
0x7c: {  	_ =	shalt  }
0x7d: {  	_ =	shalt  }
0x7e: {  	_ =	shalt  }
0x7f: {  	_ =	shalt  }
0x80: {  	_ =	shalt  }
0x81: {  	_ =	shalt  }
0x82: {  	_ =	shalt  }
0x83: {  	_ =	shalt  }
0x84: {  	_ =	shalt  }
0x85: {  	_ =	shalt  }
0x86: {  	_ =	shalt  }
0x87: {  	_ =	shalt  }
.Lfunc_end0:
.L_simem_size_0:
called_computation.2_lowered:
.L_overlay_start_0:
0x88: {  	s2 =	sld [smem:$0x3FD9]  }
0x89: {  	s3 =	sld [smem:$0x3FFE];
	_ =	sdelay $0x1  }
0x8a: {  	s1 =	srdreg.scid  }
0x8b: {  	s0 =	sand.u32 $0x1, s1  }
0x8c: {  	s17 =	sshll.u32 s0, $0xA;
	s2 =	sadd.s32 s3, s2  }
0x8d: {  	s2 =	sadd.s32 s2, s17  }
0x8e: {  	[smem:$0x3FC2] =	sst s2  }
0x8f: {  	_ = 	snop  }
0x90: {  	s2 =	sld [smem:$0x3FD0];
	(tm) =	ssettm $0x1  }
0x91: {  	s18 =	sld [smem:$0x3FFB];
	_ =	sdelay $0x3  }
0x92: {  	_ =	strace s18  }
0x93: {  	s3 =	sld [smem:$0x3FFC];
	_ =	sdelay $0x3  }
0x94: {  	_ =	strace s3  }
0x95: {  	s3 =	sld [smem:$0x3FFD];
	_ =	sdelay $0x3  }
0x96: {  	_ =	strace s3  }
0x97: {  	_ =	strace $0x8FFFFFFF  }
0x98: {  	s19 =	sld [smem:$0x3FDB];
	_ =	sdelay $0x1  }
0x99: {  	s4 =	simm.s32 $_scs_section_size  }
0x9a: {  	s5 =	simm.s32 $_size__tile_overlayer_lowered;
	s6 =	simm.s32 $_tile_overlayer_lowered  }
0x9b: {  	s22 =	simm.s32 $0x1BFF;
	s21 =	sshll.u32 s6, $0x1;
	s3 =	sadd.s32 s4, s19  }
0x9c: {  	s7 =	simm.s32 $0x0;
	s20 =	sshll.u32 s5, $0x1;
	s5 =	sadd.s32 s21, s3  }
0x9d: {  	[timem:s7], [sflag:s22] =	dma.local [hbm:s5], s20  }
0x9e: {  	_ =	swait.ge [sflag:s22], s20  }
0x9f: {  	s4 =	ssub.s32 $0x0, s20;
	[sflag:s22] =	ssyncset.done $0x0  }
0xa0: {  	[sflag:s22] =	ssyncadd.s32 s4;
	_ =	sdelay $0x1  }
0xa1: {  	s23 =	simm.s32 $0x1B8B  }
0xa2: {  	_ =	swait.ge [sflag:s23], $0x1  }
0xa3: {  	[sflag:s23] =	ssyncset.done $0x0  }
0xa4: {  	s25 =	simm.s32 $0x1B8E;
	s24 =	sld [smem:$0x3FFE];
	[sflag:s23] =	ssyncadd.s32 $0xFFFFFFFF  }
0xa5: {  	s26 =	simm.s32 $execute0_lowered;
	[smem:$0x3FD2] =	sst s25  }
0xa6: {  	s5 =	sshll.u32 s26, $0x1;
	_ =	strace $0x8000004C;
	[dreg:$0x1] =	wrdreg $0xFFFFFFFF  }
0xa7: {  	s28 =	simm.s32 $_size_execute0_lowered;
	s3 =	sadd.s32 s3, s5;
	[dreg:$0x0] =	wrdreg $0x0  }
0xa8: {  	s5 =	sshll.u32 s28, $0x1;
	[dreg:$0x2] =	wrdreg s3  }
0xa9: {  	[dreg:$0x3] =	wrdreg s5  }
0xaa: {  	[dreg:$0x4] =	wrdreg $0xC0  }
0xab: {  	_ =	task [dreg:s7], $0x5FFFF  }
0xac: {  	[dreg:$0x1] =	wrdreg $0xFFFFFFFF  }
0xad: {  	[dreg:$0x0] =	wrdreg $0x60  }
0xae: {  	[dreg:$0x2] =	wrdreg s24  }
0xaf: {  	[dreg:$0x3] =	wrdreg s2  }
0xb0: {  	[dreg:$0x4] =	wrdreg $0x15000  }
0xb1: {  	[dreg:$0x5] =	wrdreg $0x9  }
0xb2: {  	_ =	task.clear_ibuf [dreg:s7], $0x6FFFF;
	_ =	strace $0x9000004C  }
0xb3: {  	s29 =	simm.s32 $0x9;
	_ =	strace $0x8000004E  }
0xb4: {  	_ =	swait.ge [sflag:s29], $0x1  }
0xb5: {  	[sflag:s29] =	ssyncadd.s32 $0xFFFFFFFF  }
0xb6: {  	_ =	strace $0x9000004E  }
0xb7: {  	_ =	sfence  }
0xb8: {  	s30 =	sld [smem:$0x0];
	_ =	sdelay $0x2  }
0xb9: {  	s31 =	sshll.u32 s1, $0xD;
	s1 =	sshrl.u32 s1, $0x2  }
0xba: {  	s3 =	sand.u32 $0x4000, s31;
	s1 =	sadd.s32 s1, s30  }
0xbb: {  	s0 =	sor.u32 s3, s0;
	s1 =	sshll.u32 s1, $0x11  }
0xbc: {  	s0 =	sor.u32 s1, s0  }
0xbd: {  	s0 =	sadd.s32 $0x8F2B, s0  }
0xbe: {  	[sflag:s0] =	ssyncadd.remote.s32 $0x1  }
0xbf: {  	_ =	sfence.sel $0xFFFF  }
0xc0: {  	[dreg:$0x0] =	wrdreg $0xFFFFFFFF;
	(pc) =	sbr.abs _section_cstart, $3  }
0xc1: {  	[dreg:$0x1] =	wrdreg $0xFFFFFFFF  }
0xc2: {  	_ =	task.clear_ibuf [dreg:s7], $0x2FFFF;
	_ =	strace $0x9FFFFFFF  }
0xc3: {  	(tm) =	ssettm $0x7FFFFFFF  }
tec
execute0_lowered:
.L_overlay_start_1:
0x0: {  	(tag) =	ssettag $0x1  }
0x1: {  	s0 =	rddreg [dreg:$0x0]  }
0x2: {  	s1 =	rddreg [dreg:$0x1]  }
0x3: {  	s2 =	rddreg [dreg:$0x2]  }
0x4: {  	s3 =	simm.s32 $0x0;
	s13 =	stileid.u32;
	s5 =	srdreg.scid  }
0x5: {  	s28 =	simm.s32 $0x17500;
	s29 =	simm.s32 $0x1D600;
	s30 =	simm.s32 $0x19500  }
0x6: {  	s31 =	simm.s32 $0x1D680;
	[smem:$0x7FF] =	sst s3;
	s6 =	smul.u32 $0x50000, s13  }
0x7: {  	s4 =	sadd.s32 $0x7800, s0;
	s7 =	sand.u32 $0x1, s5;
	s8 =	sadd.s32 $0x2800, s0  }
0x8: {  	_ =	strace $0x8000004D;
	s9 =	ssub.s32 $0x2, s7;
	s12 =	sshrl.u32 s6, $0x2  }
0x9: {  	s10 =	sshll.u32 s7, $0x4;
	s23 =	smul.u32 $0x13880, s7;
	s18 =	sadd.s32 s12, s2  }
0xa: {  	p0 =	seq.s32 s7, $0x1;
	s5 =	sadd.s32 $0x2000, s18;
	[dreg:$0x8] =	wrdreg s18  }
0xb: {  	s7 =	simm.s32 $0x57800;
	s16 =	sadd.s32 $0x4000, s18;
	[dreg:$0x9] =	wrdreg s5  }
0xc: {  	s14 =	sshrl.u32 s9, $0x1;
	s17 =	sadd.s32 $0x6000, s18;
	[dreg:$0xa] =	wrdreg s16  }
0xd: {  	s15 =	sor.u32 s13, s10;
	s19 =	sadd.s32 $0x8000, s18;
	[dreg:$0xb] =	wrdreg s17  }
0xe: {  	s7 =	simm.s32 @!p0 $0x2F800;
	s20 =	sadd.s32 $0xA000, s18;
	[dreg:$0xc] =	wrdreg s19  }
0xf: {  	s6 =	ssub.s32 s9, s14;
	s21 =	sadd.s32 $0xC000, s18;
	[dreg:$0xd] =	wrdreg s20  }
0x10: {  	s9 =	smul.u32 $0x1388, s15;
	s22 =	sadd.s32 $0xE000, s18;
	[dreg:$0xe] =	wrdreg s21  }
0x11: {  	s12 =	smul.u32 $0x1388, s13;
	s24 =	sadd.s32 $0x10000, s18;
	[dreg:$0xf] =	wrdreg s22  }
0x12: {  	s0 =	sadd.s32 s7, s0;
	s25 =	sadd.s32 $0x12000, s18;
	[dreg:$0x10] =	wrdreg s24  }
0x13: {  	s9 =	sshrl.u32 s9, $0x3;
	[dreg:$0x11] =	wrdreg s25;
	s10 =	sadd.s32 s12, s23  }
0x14: {  	s24 =	smul.u32 $0x2800, s13;
	s12 =	simm.s32 $0x8;
	s13 =	simm.s32 $0x9  }
0x15: {  	s11 =	sadd.s32 s1, s9;
	s26 =	sadd.s32 s8, s9;
	s16 =	sadd.s32 $0xC0, s10  }
0x16: {  	s19 =	sadd.s32 $0x80, s10;
	s9 =	sadd.s32 $0x270, s9;
	s21 =	sadd.s32 $0x40, s10  }
0x17: {  	s10 =	sshrl.u32 s10, $0x3;
	[dreg:$0x12] =	wrdreg s26;
	s14 =	sadd.s32 $0x260, s11  }
0x18: {  	s15 =	sadd.s32 $0x268, s11;
	s17 =	sshrl.u32 s16, $0x3;
	s11 =	sshrl.u32 s19, $0x3  }
0x19: {  	s22 =	sadd.s32 s8, s9;
	s23 =	sshrl.u32 s21, $0x3;
	[dreg:$0x13] =	wrdreg s14  }
0x1a: {  	s25 =	sadd.s32 s1, s9;
	s26 =	smax.u32 s6, $0x1;
	[dreg:$0x14] =	wrdreg s15  }
0x1b: {  	s0 =	sadd.s32 s0, s24;
	s24 =	simm.s32 $0x1D500;
	[dreg:$0x15] =	wrdreg s22  }
0x1c: {  	s6 =	simm.s32 $0x5;
	s8 =	simm.s32 $0x6;
	[dreg:$0x16] =	wrdreg s25  }
0x1d: {  	s9 =	simm.s32 $0x3;
	s16 =	simm.s32 $0xC;
	[dreg:$0x17] =	wrdreg s26  }
0x1e: {  	s7 =	sadd.s32 s17, s1;
	s20 =	sadd.s32 s11, s1;
	[dreg:$0x18] =	wrdreg s0  }
0x1f: {  	s22 =	simm.s32 $0x15500;
	s25 =	simm.s32 $0x40;
	s26 =	simm.s32 $0x1D580  }
0x20: {  	s0 =	simm.s32 $0x1B500;
	s11 =	simm.s32 $0x4;
	s14 =	simm.s32 $0xA  }
0x21: {  	s15 =	simm.s32 $0xB;
	s17 =	simm.s32 $0x0;
	[dreg:$0x4] =	wrdreg s7  }
0x22: {  	[dreg:$0x5] =	wrdreg s20;
	s7 =	sadd.s32 s23, s1;
	s1 =	sadd.s32 s10, s1  }
0x23: {  	s23 =	simm.s32 $0xD;
	s10 =	simm.s32 $0x7;
	[dreg:$0x6] =	wrdreg s7  }
0x24: {  	v0 =	vimm.f32 $0.0e+00;
	[dreg:$0x7] =	wrdreg s1;
	s1 =	simm.s32 $0x1;
	s7 =	simm.s32 $0x2  }
.LBB2_1:
0x25: {  	[dreg:$0x19] =	wrdreg s17;
	s17 =	simm.s32 $0x0;
	s20 =	simm.s32 $0x200  }
.LBB2_2:
0x26: {  	p0 =	sne.s32 s20, $0x7E00;
	[tilespmem:s17+$0x15570] =	vst v0  }
0x27: {  	[tilespmem:s17+$0x15500] =	vst v0  }
0x28: {  	[tilespmem:s17+$0x15510] =	vst v0  }
.Ltmp0:
0x29: {  	[tilespmem:s17+$0x15520] =	vst v0;
	(pc) =	sbr.rel @p0 .LBB2_2-.Ltmp0, $4  }
0x2a: {  	[tilespmem:s17+$0x15530] =	vst v0  }
0x2b: {  	[tilespmem:s17+$0x15540] =	vst v0  }
0x2c: {  	[tilespmem:s17+$0x15550] =	vst v0  }
0x2d: {  	[tilespmem:s17+$0x15560] =	vst v0;
	s17 =	sshra.s32 s20, $0x2;
	s20 =	sadd.s32 $0x200, s20  }
0x2e: {  	[tilespmem:s17+$0x15570] =	vst v0  }
0x2f: {  	[tilespmem:s17+$0x15500] =	vst v0  }
0x30: {  	[tilespmem:s17+$0x15510] =	vst v0  }
0x31: {  	[tilespmem:s17+$0x15520] =	vst v0  }
0x32: {  	[tilespmem:s17+$0x15530] =	vst v0  }
0x33: {  	[tilespmem:s17+$0x15540] =	vst v0  }
0x34: {  	[tilespmem:s17+$0x15550] =	vst v0  }
0x35: {  	[tilespmem:s17+$0x15560] =	vst v0  }
0x36: {  	[spmem:s18] =	stream.linear.scatter [tilespmem:s22], [sflag:$0xD], $0x2000, $0x38;
	[tilespmem:$0x1D700] =	vst v63  }
0x37: {  	_ =	swait.ge [sflag:s23], $0x2000  }
0x38: {  	[sflag:s23] =	ssyncset.done $0x0  }
0x39: {  	s5 =	rddreg [dreg:$0x9];
	[sflag:s23] =	ssyncadd.s32 $0xFFFFE000  }
0x3a: {  	[spmem:s5] =	stream.linear.scatter [tilespmem:s22], [sflag:$0xD], $0x2000, $0x38;
	[tilespmem:$0x1D700] =	vst v63  }
0x3b: {  	_ =	swait.ge [sflag:s23], $0x2000  }
0x3c: {  	[sflag:s23] =	ssyncset.done $0x0  }
0x3d: {  	s21 =	rddreg [dreg:$0xa];
	[sflag:s23] =	ssyncadd.s32 $0xFFFFE000  }
0x3e: {  	[spmem:s21] =	stream.linear.scatter [tilespmem:s22], [sflag:$0xD], $0x2000, $0x38;
	[tilespmem:$0x1D700] =	vst v63  }
0x3f: {  	_ =	swait.ge [sflag:s23], $0x2000  }
0x40: {  	[sflag:s23] =	ssyncset.done $0x0  }
0x41: {  	s17 =	rddreg [dreg:$0xb];
	[sflag:s23] =	ssyncadd.s32 $0xFFFFE000  }
0x42: {  	[spmem:s17] =	stream.linear.scatter [tilespmem:s22], [sflag:$0xD], $0x2000, $0x38;
	[tilespmem:$0x1D700] =	vst v63  }
0x43: {  	_ =	swait.ge [sflag:s23], $0x2000  }
0x44: {  	[sflag:s23] =	ssyncset.done $0x0  }
0x45: {  	s18 =	rddreg [dreg:$0xc];
	[sflag:s23] =	ssyncadd.s32 $0xFFFFE000  }
0x46: {  	[spmem:s18] =	stream.linear.scatter [tilespmem:s22], [sflag:$0xD], $0x2000, $0x38;
	[tilespmem:$0x1D700] =	vst v63  }
0x47: {  	_ =	swait.ge [sflag:s23], $0x2000  }
0x48: {  	[sflag:s23] =	ssyncset.done $0x0  }
0x49: {  	s19 =	rddreg [dreg:$0xd];
	[sflag:s23] =	ssyncadd.s32 $0xFFFFE000  }
0x4a: {  	[spmem:s19] =	stream.linear.scatter [tilespmem:s22], [sflag:$0xD], $0x2000, $0x38;
	[tilespmem:$0x1D700] =	vst v63  }
0x4b: {  	_ =	swait.ge [sflag:s23], $0x2000  }
0x4c: {  	[sflag:s23] =	ssyncset.done $0x0  }
0x4d: {  	s20 =	rddreg [dreg:$0xe];
	[sflag:s23] =	ssyncadd.s32 $0xFFFFE000  }
0x4e: {  	[spmem:s20] =	stream.linear.scatter [tilespmem:s22], [sflag:$0xD], $0x2000, $0x38;
	[tilespmem:$0x1D700] =	vst v63  }
0x4f: {  	_ =	swait.ge [sflag:s23], $0x2000  }
0x50: {  	[sflag:s23] =	ssyncset.done $0x0  }
0x51: {  	s21 =	rddreg [dreg:$0xf];
	[sflag:s23] =	ssyncadd.s32 $0xFFFFE000  }
0x52: {  	[spmem:s21] =	stream.linear.scatter [tilespmem:s22], [sflag:$0xD], $0x2000, $0x38;
	[tilespmem:$0x1D700] =	vst v63  }
0x53: {  	_ =	swait.ge [sflag:s23], $0x2000  }
0x54: {  	[sflag:s23] =	ssyncset.done $0x0  }
0x55: {  	s17 =	rddreg [dreg:$0x10];
	[sflag:s23] =	ssyncadd.s32 $0xFFFFE000  }
0x56: {  	[spmem:s17] =	stream.linear.scatter [tilespmem:s22], [sflag:$0xD], $0x2000, $0x38;
	[tilespmem:$0x1D700] =	vst v63  }
0x57: {  	_ =	swait.ge [sflag:s23], $0x2000  }
0x58: {  	[sflag:s23] =	ssyncset.done $0x0  }
0x59: {  	s18 =	rddreg [dreg:$0x11];
	[sflag:s23] =	ssyncadd.s32 $0xFFFFE000  }
0x5a: {  	[spmem:s18] =	stream.linear.scatter [tilespmem:s22], [sflag:$0xD], $0x2000, $0x38;
	[tilespmem:$0x1D700] =	vst v63  }
0x5b: {  	_ =	swait.ge [sflag:s23], $0x2000  }
0x5c: {  	[sflag:s23] =	ssyncset.done $0x0  }
0x5d: {  	s19 =	simm.s32 $0x0;
	s20 =	rddreg [dreg:$0x12];
	[sflag:s23] =	ssyncadd.s32 $0xFFFFE000  }
0x5e: {  	[tilespmem:s19], [sflag:$0xD] =	stream.linear.gather [hbm4b:s20+s19], $0x1388, $0x38;
	[tilespmem:$0x1D700] =	vst v63  }
0x5f: {  	_ =	swait.ge [sflag:s23], $0x1388  }
0x60: {  	[sflag:s23] =	ssyncset.done $0x0  }
0x61: {  	[sflag:s23] =	ssyncadd.s32 $0xFFFFEC78  }
0x62: {  	[bflag:$0x0] =	sbarrier.arrive $0xFFFF  }
0x63: {  	s21 =	rddreg [dreg:$0x7]  }
0x64: {  	s17 =	sadd.s32 $0x0, s21  }
0x65: {  	[tilespmem:s24], [sflag:$0x5] =	stream.linear.gather [hbm4b:s17+s3], $0x40, $0x38;
	[tilespmem:$0x1D700] =	vst v63  }
0x66: {  	s19 =	simm.s32 $0x0;
	s5 =	rddreg [dreg:$0x6]  }
0x67: {  	[tilespmem:s22], [sflag:$0x1] =	stream.indirect.gather [hbm4b:s4+s25], $0x80, s19, s25, $0xb8;
	[tilespmem:$0x1D700] =	vst v63  }
0x68: {  	s20 =	sadd.s32 $0x0, s5  }
0x69: {  	[tilespmem:s26], [sflag:$0x6] =	stream.linear.gather [hbm4b:s20+s3], $0x40, $0x38;
	[tilespmem:$0x1D700] =	vst v63  }
0x6a: {  	s21 =	rddreg [dreg:$0x5];
	s5 =	simm.s32 $0x40  }
0x6b: {  	[tilespmem:s28], [sflag:$0x2] =	stream.indirect.gather [hbm4b:s4+s25], $0x80, s5, s25, $0xb8;
	[tilespmem:$0x1D700] =	vst v63  }
0x6c: {  	s18 =	sadd.s32 $0x0, s21  }
0x6d: {  	[tilespmem:s29], [sflag:$0x7] =	stream.linear.gather [hbm4b:s18+s3], $0x40, $0x38;
	[tilespmem:$0x1D700] =	vst v63  }
0x6e: {  	s19 =	rddreg [dreg:$0x4];
	s20 =	simm.s32 $0x80  }
0x6f: {  	[tilespmem:s30], [sflag:$0x3] =	stream.indirect.gather [hbm4b:s4+s25], $0x80, s20, s25, $0xb8;
	[tilespmem:$0x1D700] =	vst v63  }
0x70: {  	s21 =	sadd.s32 $0x0, s19  }
0x71: {  	[tilespmem:s31], [sflag:$0x8] =	stream.linear.gather [hbm4b:s21+s3], $0x40, $0x38;
	[tilespmem:$0x1D700] =	vst v63  }
0x72: {  	s20 =	simm.s32 $0xC0  }
0x73: {  	[tilespmem:s0], [sflag:$0x4] =	stream.indirect.gather [hbm4b:s4+s25], $0x80, s20, s25, $0xb8;
	[tilespmem:$0x1D700] =	vst v63  }
0x74: {  	_ =	swait.ge [sflag:s1], $0x2000  }
0x75: {  	[sflag:s1] =	ssyncset.done $0x0  }
0x76: {  	[sflag:s1] =	ssyncadd.s32 $0xFFFFE000  }
0x77: {  	_ =	swait.ge [sflag:s6], $0x40  }
0x78: {  	[sflag:s6] =	ssyncset.done $0x0  }
0x79: {  	[sflag:s6] =	ssyncadd.s32 $0xFFFFFFC0  }
0x7a: {  	[spmem:s2] =	stream.indirect.scatter.add.f32 [tilespmem:s22], [sflag:$0x9], $0x80, s24, s25, $0xb8;
	[tilespmem:$0x1D700] =	vst v63  }
0x7b: {  	_ =	swait.ge [sflag:s7], $0x2000  }
0x7c: {  	[sflag:s7] =	ssyncset.done $0x0  }
0x7d: {  	[sflag:s7] =	ssyncadd.s32 $0xFFFFE000  }
0x7e: {  	_ =	swait.ge [sflag:s8], $0x40  }
0x7f: {  	[sflag:s8] =	ssyncset.done $0x0  }
0x80: {  	[sflag:s8] =	ssyncadd.s32 $0xFFFFFFC0  }
0x81: {  	[spmem:s2] =	stream.indirect.scatter.add.f32 [tilespmem:s28], [sflag:$0xA], $0x80, s26, s25, $0xb8;
	[tilespmem:$0x1D700] =	vst v63  }
0x82: {  	_ =	swait.ge [sflag:s9], $0x2000  }
0x83: {  	[sflag:s9] =	ssyncset.done $0x0  }
0x84: {  	[sflag:s9] =	ssyncadd.s32 $0xFFFFE000  }
0x85: {  	_ =	swait.ge [sflag:s10], $0x40  }
0x86: {  	[sflag:s10] =	ssyncset.done $0x0  }
0x87: {  	[sflag:s10] =	ssyncadd.s32 $0xFFFFFFC0  }
0x88: {  	[spmem:s2] =	stream.indirect.scatter.add.f32 [tilespmem:s30], [sflag:$0xB], $0x80, s29, s25, $0xb8;
	[tilespmem:$0x1D700] =	vst v63  }
0x89: {  	_ =	swait.ge [sflag:s11], $0x2000  }
0x8a: {  	[sflag:s11] =	ssyncset.done $0x0  }
0x8b: {  	[sflag:s11] =	ssyncadd.s32 $0xFFFFE000  }
0x8c: {  	_ =	swait.ge [sflag:s12], $0x40  }
0x8d: {  	[sflag:s12] =	ssyncset.done $0x0  }
0x8e: {  	[sflag:s12] =	ssyncadd.s32 $0xFFFFFFC0  }
0x8f: {  	[spmem:s2] =	stream.indirect.scatter.add.f32 [tilespmem:s0], [sflag:$0xC], $0x80, s31, s25, $0xb8;
	[tilespmem:$0x1D700] =	vst v63  }
0x90: {  	_ =	swait.ge [sflag:s13], $0x2000  }
0x91: {  	[sflag:s13] =	ssyncset.done $0x0  }
0x92: {  	[sflag:s13] =	ssyncadd.s32 $0xFFFFE000  }
0x93: {  	_ =	swait.ge [sflag:s14], $0x2000  }
0x94: {  	[sflag:s14] =	ssyncset.done $0x0  }
0x95: {  	[sflag:s14] =	ssyncadd.s32 $0xFFFFE000  }
0x96: {  	_ =	swait.ge [sflag:s15], $0x2000  }
0x97: {  	[sflag:s15] =	ssyncset.done $0x0  }
0x98: {  	[sflag:s15] =	ssyncadd.s32 $0xFFFFE000  }
0x99: {  	s17 =	simm.s32 $0x40;
	_ =	swait.ge [sflag:s16], $0x2000  }
0x9a: {  	s21 =	simm.s32 $0x20;
	s18 =	rddreg [dreg:$0x7];
	[sflag:s16] =	ssyncset.done $0x0  }
.LBB2_4:
0x9b: {  	[sflag:s16] =	ssyncadd.s32 $0xFFFFE000;
	s20 =	sadd.s32 $0x100, s20;
	s18 =	sadd.s32 s21, s18  }
0x9c: {  	[tilespmem:s24], [sflag:$0x5] =	stream.linear.gather [hbm4b:s18+s3], $0x40, $0x38;
	[tilespmem:$0x1D700] =	vst v63  }
0x9d: {  	s19 =	rddreg [dreg:$0x6];
	s18 =	sadd.s32 $0xFFFFFF40, s20  }
0x9e: {  	[tilespmem:s22], [sflag:$0x1] =	stream.indirect.gather [hbm4b:s4+s25], $0x80, s18, s25, $0xb8;
	[tilespmem:$0x1D700] =	vst v63  }
0x9f: {  	s18 =	sadd.s32 s21, s19  }
0xa0: {  	[tilespmem:s26], [sflag:$0x6] =	stream.linear.gather [hbm4b:s18+s3], $0x40, $0x38;
	[tilespmem:$0x1D700] =	vst v63  }
0xa1: {  	s19 =	rddreg [dreg:$0x5];
	s18 =	sadd.s32 $0xFFFFFF80, s20  }
0xa2: {  	[tilespmem:s28], [sflag:$0x2] =	stream.indirect.gather [hbm4b:s4+s25], $0x80, s18, s25, $0xb8;
	[tilespmem:$0x1D700] =	vst v63  }
0xa3: {  	s18 =	sadd.s32 s21, s19  }
0xa4: {  	[tilespmem:s29], [sflag:$0x7] =	stream.linear.gather [hbm4b:s18+s3], $0x40, $0x38;
	[tilespmem:$0x1D700] =	vst v63  }
0xa5: {  	s19 =	rddreg [dreg:$0x4];
	s18 =	sadd.s32 $0xFFFFFFC0, s20  }
0xa6: {  	[tilespmem:s30], [sflag:$0x3] =	stream.indirect.gather [hbm4b:s4+s25], $0x80, s18, s25, $0xb8;
	[tilespmem:$0x1D700] =	vst v63  }
0xa7: {  	s19 =	sadd.s32 s21, s19  }
0xa8: {  	[tilespmem:s31], [sflag:$0x8] =	stream.linear.gather [hbm4b:s19+s3], $0x40, $0x38;
	[tilespmem:$0x1D700] =	vst v63  }
0xa9: {  	_ = 	snop  }
0xaa: {  	[tilespmem:s0], [sflag:$0x4] =	stream.indirect.gather [hbm4b:s4+s25], $0x80, s20, s25, $0xb8;
	[tilespmem:$0x1D700] =	vst v63  }
0xab: {  	_ =	swait.ge [sflag:s1], $0x2000  }
0xac: {  	[sflag:s1] =	ssyncset.done $0x0  }
0xad: {  	[sflag:s1] =	ssyncadd.s32 $0xFFFFE000  }
0xae: {  	_ =	swait.ge [sflag:s6], $0x40  }
0xaf: {  	[sflag:s6] =	ssyncset.done $0x0  }
0xb0: {  	[sflag:s6] =	ssyncadd.s32 $0xFFFFFFC0  }
0xb1: {  	[spmem:s2] =	stream.indirect.scatter.add.f32 [tilespmem:s22], [sflag:$0x9], $0x80, s24, s25, $0xb8;
	[tilespmem:$0x1D700] =	vst v63  }
0xb2: {  	_ =	swait.ge [sflag:s7], $0x2000  }
0xb3: {  	[sflag:s7] =	ssyncset.done $0x0  }
0xb4: {  	[sflag:s7] =	ssyncadd.s32 $0xFFFFE000  }
0xb5: {  	_ =	swait.ge [sflag:s8], $0x40  }
0xb6: {  	[sflag:s8] =	ssyncset.done $0x0  }
0xb7: {  	[sflag:s8] =	ssyncadd.s32 $0xFFFFFFC0  }
0xb8: {  	[spmem:s2] =	stream.indirect.scatter.add.f32 [tilespmem:s28], [sflag:$0xA], $0x80, s26, s25, $0xb8;
	[tilespmem:$0x1D700] =	vst v63  }
0xb9: {  	_ =	swait.ge [sflag:s9], $0x2000  }
0xba: {  	[sflag:s9] =	ssyncset.done $0x0  }
0xbb: {  	[sflag:s9] =	ssyncadd.s32 $0xFFFFE000  }
0xbc: {  	_ =	swait.ge [sflag:s10], $0x40  }
0xbd: {  	[sflag:s10] =	ssyncset.done $0x0  }
0xbe: {  	[sflag:s10] =	ssyncadd.s32 $0xFFFFFFC0  }
0xbf: {  	[spmem:s2] =	stream.indirect.scatter.add.f32 [tilespmem:s30], [sflag:$0xB], $0x80, s29, s25, $0xb8;
	[tilespmem:$0x1D700] =	vst v63  }
0xc0: {  	_ =	swait.ge [sflag:s11], $0x2000  }
0xc1: {  	[sflag:s11] =	ssyncset.done $0x0  }
0xc2: {  	[sflag:s11] =	ssyncadd.s32 $0xFFFFE000  }
0xc3: {  	_ =	swait.ge [sflag:s12], $0x40  }
0xc4: {  	[sflag:s12] =	ssyncset.done $0x0  }
0xc5: {  	[sflag:s12] =	ssyncadd.s32 $0xFFFFFFC0  }
0xc6: {  	[spmem:s2] =	stream.indirect.scatter.add.f32 [tilespmem:s0], [sflag:$0xC], $0x80, s31, s25, $0xb8;
	[tilespmem:$0x1D700] =	vst v63  }
0xc7: {  	_ =	swait.ge [sflag:s13], $0x2000  }
0xc8: {  	[sflag:s13] =	ssyncset.done $0x0  }
0xc9: {  	[sflag:s13] =	ssyncadd.s32 $0xFFFFE000  }
0xca: {  	_ =	swait.ge [sflag:s14], $0x2000  }
0xcb: {  	[sflag:s14] =	ssyncset.done $0x0  }
0xcc: {  	p0 =	sne.s32 s17, $0x240;
	[sflag:s14] =	ssyncadd.s32 $0xFFFFE000  }
.Ltmp1:
0xcd: {  	_ =	swait.ge [sflag:s15], $0x2000;
	(pc) =	sbr.rel @p0 .LBB2_4-.Ltmp1, $4  }
0xce: {  	[sflag:s15] =	ssyncset.done $0x0  }
0xcf: {  	[sflag:s15] =	ssyncadd.s32 $0xFFFFE000  }
0xd0: {  	s5 =	smov.u32 s17;
	s17 =	sadd.s32 $0x20, s17;
	_ =	swait.ge [sflag:s16], $0x2000  }
0xd1: {  	s21 =	smov.u32 s5;
	s18 =	rddreg [dreg:$0x7];
	[sflag:s16] =	ssyncset.done $0x0  }
0xd2: {  	[sflag:s16] =	ssyncadd.s32 $0xFFFFE000;
	s5 =	sadd.s32 $0x100, s20;
	s17 =	sadd.s32 s21, s18  }
0xd3: {  	[tilespmem:s24], [sflag:$0x5] =	stream.linear.gather [hbm4b:s17+s3], $0x40, $0x38;
	[tilespmem:$0x1D700] =	vst v63  }
0xd4: {  	s19 =	rddreg [dreg:$0x6];
	s20 =	sadd.s32 $0xFFFFFF40, s5  }
0xd5: {  	[tilespmem:s22], [sflag:$0x1] =	stream.indirect.gather [hbm4b:s4+s25], $0x80, s20, s25, $0xb8;
	[tilespmem:$0x1D700] =	vst v63  }
0xd6: {  	s18 =	sadd.s32 s21, s19  }
0xd7: {  	[tilespmem:s26], [sflag:$0x6] =	stream.linear.gather [hbm4b:s18+s3], $0x40, $0x38;
	[tilespmem:$0x1D700] =	vst v63  }
0xd8: {  	s19 =	rddreg [dreg:$0x5];
	s20 =	sadd.s32 $0xFFFFFF80, s5  }
0xd9: {  	[tilespmem:s28], [sflag:$0x2] =	stream.indirect.gather [hbm4b:s4+s25], $0x80, s20, s25, $0xb8;
	[tilespmem:$0x1D700] =	vst v63  }
0xda: {  	s19 =	sadd.s32 s21, s19  }
0xdb: {  	[tilespmem:s29], [sflag:$0x7] =	stream.linear.gather [hbm4b:s19+s3], $0x40, $0x38;
	[tilespmem:$0x1D700] =	vst v63  }
0xdc: {  	s20 =	rddreg [dreg:$0x4];
	s19 =	sadd.s32 $0xFFFFFFC0, s5  }
0xdd: {  	[tilespmem:s30], [sflag:$0x3] =	stream.indirect.gather [hbm4b:s4+s25], $0x80, s19, s25, $0xb8;
	[tilespmem:$0x1D700] =	vst v63  }
0xde: {  	s20 =	sadd.s32 s21, s20  }
0xdf: {  	[tilespmem:s31], [sflag:$0x8] =	stream.linear.gather [hbm4b:s20+s3], $0x40, $0x38;
	[tilespmem:$0x1D700] =	vst v63  }
0xe0: {  	_ = 	snop  }
0xe1: {  	[tilespmem:s0], [sflag:$0x4] =	stream.indirect.gather [hbm4b:s4+s25], $0x80, s5, s25, $0xb8;
	[tilespmem:$0x1D700] =	vst v63  }
0xe2: {  	_ =	swait.ge [sflag:s1], $0x2000  }
0xe3: {  	[sflag:s1] =	ssyncset.done $0x0  }
0xe4: {  	[sflag:s1] =	ssyncadd.s32 $0xFFFFE000  }
0xe5: {  	_ =	swait.ge [sflag:s6], $0x40  }
0xe6: {  	[sflag:s6] =	ssyncset.done $0x0  }
0xe7: {  	[sflag:s6] =	ssyncadd.s32 $0xFFFFFFC0  }
0xe8: {  	[spmem:s2] =	stream.indirect.scatter.add.f32 [tilespmem:s22], [sflag:$0x9], $0x80, s24, s25, $0xb8;
	[tilespmem:$0x1D700] =	vst v63  }
0xe9: {  	_ =	swait.ge [sflag:s7], $0x2000  }
0xea: {  	[sflag:s7] =	ssyncset.done $0x0  }
0xeb: {  	[sflag:s7] =	ssyncadd.s32 $0xFFFFE000  }
0xec: {  	_ =	swait.ge [sflag:s8], $0x40  }
0xed: {  	[sflag:s8] =	ssyncset.done $0x0  }
0xee: {  	[sflag:s8] =	ssyncadd.s32 $0xFFFFFFC0  }
0xef: {  	[spmem:s2] =	stream.indirect.scatter.add.f32 [tilespmem:s28], [sflag:$0xA], $0x80, s26, s25, $0xb8;
	[tilespmem:$0x1D700] =	vst v63  }
0xf0: {  	_ =	swait.ge [sflag:s9], $0x2000  }
0xf1: {  	[sflag:s9] =	ssyncset.done $0x0  }
0xf2: {  	[sflag:s9] =	ssyncadd.s32 $0xFFFFE000  }
0xf3: {  	_ =	swait.ge [sflag:s10], $0x40  }
0xf4: {  	[sflag:s10] =	ssyncset.done $0x0  }
0xf5: {  	[sflag:s10] =	ssyncadd.s32 $0xFFFFFFC0  }
0xf6: {  	[spmem:s2] =	stream.indirect.scatter.add.f32 [tilespmem:s30], [sflag:$0xB], $0x80, s29, s25, $0xb8;
	[tilespmem:$0x1D700] =	vst v63  }
0xf7: {  	_ =	swait.ge [sflag:s11], $0x2000  }
0xf8: {  	[sflag:s11] =	ssyncset.done $0x0  }
0xf9: {  	[sflag:s11] =	ssyncadd.s32 $0xFFFFE000  }
0xfa: {  	_ =	swait.ge [sflag:s12], $0x40  }
0xfb: {  	[sflag:s12] =	ssyncset.done $0x0  }
0xfc: {  	[sflag:s12] =	ssyncadd.s32 $0xFFFFFFC0  }
0xfd: {  	[spmem:s2] =	stream.indirect.scatter.add.f32 [tilespmem:s0], [sflag:$0xC], $0x80, s31, s25, $0xb8;
	[tilespmem:$0x1D700] =	vst v63  }
0xfe: {  	_ =	swait.ge [sflag:s13], $0x2000  }
0xff: {  	[sflag:s13] =	ssyncset.done $0x0  }
0x100: {  	[sflag:s13] =	ssyncadd.s32 $0xFFFFE000  }
0x101: {  	_ =	swait.ge [sflag:s14], $0x2000  }
0x102: {  	[sflag:s14] =	ssyncset.done $0x0  }
0x103: {  	[sflag:s14] =	ssyncadd.s32 $0xFFFFE000  }
0x104: {  	_ =	swait.ge [sflag:s15], $0x2000  }
0x105: {  	[sflag:s15] =	ssyncset.done $0x0  }
0x106: {  	[sflag:s15] =	ssyncadd.s32 $0xFFFFE000  }
0x107: {  	_ =	swait.ge [sflag:s16], $0x2000  }
0x108: {  	[sflag:s16] =	ssyncset.done $0x0  }
0x109: {  	s21 =	rddreg [dreg:$0x13];
	[sflag:s16] =	ssyncadd.s32 $0xFFFFE000  }
0x10a: {  	[tilespmem:s24], [sflag:$0x5] =	stream.linear.gather [hbm4b:s21+s3], $0x40, $0x38;
	[tilespmem:$0x1D700] =	vst v63  }
0x10b: {  	s17 =	simm.s32 $0x1300  }
0x10c: {  	[tilespmem:s22], [sflag:$0x1] =	stream.indirect.gather [hbm4b:s4+s25], $0x80, s17, s25, $0xb8;
	[tilespmem:$0x1D700] =	vst v63  }
0x10d: {  	s18 =	rddreg [dreg:$0x14]  }
0x10e: {  	[tilespmem:s26], [sflag:$0x6] =	stream.linear.gather [hbm4b:s18+s3], $0x40, $0x38;
	[tilespmem:$0x1D700] =	vst v63  }
0x10f: {  	s19 =	simm.s32 $0x1340  }
0x110: {  	[tilespmem:s28], [sflag:$0x2] =	stream.indirect.gather [hbm4b:s4+s25], $0x80, s19, s25, $0xb8;
	[tilespmem:$0x1D700] =	vst v63  }
0x111: {  	_ =	swait.ge [sflag:s1], $0x2000  }
0x112: {  	[sflag:s1] =	ssyncset.done $0x0  }
0x113: {  	[sflag:s1] =	ssyncadd.s32 $0xFFFFE000  }
0x114: {  	_ =	swait.ge [sflag:s6], $0x40  }
0x115: {  	[sflag:s6] =	ssyncset.done $0x0  }
0x116: {  	[sflag:s6] =	ssyncadd.s32 $0xFFFFFFC0  }
0x117: {  	[spmem:s2] =	stream.indirect.scatter.add.f32 [tilespmem:s22], [sflag:$0x9], $0x80, s24, s25, $0xb8;
	[tilespmem:$0x1D700] =	vst v63  }
0x118: {  	_ =	swait.ge [sflag:s7], $0x2000  }
0x119: {  	[sflag:s7] =	ssyncset.done $0x0  }
0x11a: {  	[sflag:s7] =	ssyncadd.s32 $0xFFFFE000  }
0x11b: {  	_ =	swait.ge [sflag:s8], $0x40  }
0x11c: {  	[sflag:s8] =	ssyncset.done $0x0  }
0x11d: {  	[sflag:s8] =	ssyncadd.s32 $0xFFFFFFC0  }
0x11e: {  	[spmem:s2] =	stream.indirect.scatter.add.f32 [tilespmem:s28], [sflag:$0xA], $0x80, s26, s25, $0xb8;
	[tilespmem:$0x1D700] =	vst v63  }
0x11f: {  	_ =	swait.ge [sflag:s13], $0x2000  }
0x120: {  	[sflag:s13] =	ssyncset.done $0x0  }
0x121: {  	[sflag:s13] =	ssyncadd.s32 $0xFFFFE000  }
0x122: {  	_ =	swait.ge [sflag:s14], $0x2000  }
0x123: {  	[sflag:s14] =	ssyncset.done $0x0  }
0x124: {  	s21 =	simm.s32 $0x1400;
	s20 =	rddreg [dreg:$0x15];
	[sflag:s14] =	ssyncadd.s32 $0xFFFFE000  }
0x125: {  	[tilespmem:s21], [sflag:$0xD] =	stream.linear.gather [hbm4b:s20+s3], $0x8, $0x38;
	[tilespmem:$0x1D700] =	vst v63  }
0x126: {  	_ =	swait.ge [sflag:s23], $0x8  }
0x127: {  	[sflag:s23] =	ssyncset.done $0x0  }
0x128: {  	s19 =	simm.s32 $0x1480;
	s18 =	rddreg [dreg:$0x16];
	[sflag:s23] =	ssyncadd.s32 $0xFFFFFFF8  }
0x129: {  	[tilespmem:s19], [sflag:$0xD] =	stream.linear.gather [hbm4b:s18+s3], $0x8, $0x38;
	[tilespmem:$0x1D700] =	vst v63  }
0x12a: {  	_ =	swait.ge [sflag:s23], $0x8  }
0x12b: {  	[sflag:s23] =	ssyncset.done $0x0  }
0x12c: {  	[sflag:s23] =	ssyncadd.s32 $0xFFFFFFF8  }
0x12d: {  	[tilespmem:s22], [sflag:$0x1] =	stream.indirect.gather [hbm4b:s4+s12], $0x80, s21, s12, $0xb8;
	[tilespmem:$0x1D700] =	vst v63  }
0x12e: {  	_ =	swait.ge [sflag:s1], $0x400  }
0x12f: {  	[sflag:s1] =	ssyncset.done $0x0  }
0x130: {  	[sflag:s1] =	ssyncadd.s32 $0xFFFFFC00  }
0x131: {  	[spmem:s2] =	stream.indirect.scatter.add.f32 [tilespmem:s22], [sflag:$0xD], $0x80, s19, s12, $0xb8;
	[tilespmem:$0x1D700] =	vst v63  }
0x132: {  	_ =	swait.ge [sflag:s23], $0x400  }
0x133: {  	[sflag:s23] =	ssyncset.done $0x0  }
0x134: {  	[sflag:s23] =	ssyncadd.s32 $0xFFFFFC00  }
0x135: {  	s20 =	stileid.u32;
	[bflag:$0x0] =	sbarrier.arrive $0xFFFF  }
0x136: {  	s5 =	sshll.u32 s20, $0x6;
	s18 =	rddreg [dreg:$0x8]  }
0x137: {  	s5 =	sor.u32 $0x1C0D, s5;
	s19 =	rddreg [dreg:$0x18];
	s21 =	sshrl.u32 s18, $0x3  }
0x138: {  	[hbm:s19], [sflag:s5] =	dma.local [spmem:s21], $0x2800  }
0x139: {  	_ =	swait.ge [sflag:s23], $0x2800  }
0x13a: {  	s20 =	rddreg [dreg:$0x19]  }
0x13b: {  	s21 =	rddreg [dreg:$0x17];
	s17 =	sadd.s32 $0x1, s20  }
0x13c: {  	p0 =	sne.s32 s17, s21  }
.Ltmp2:
0x13d: {  	_ = 	snop;
	(pc) =	sbr.rel @p0 .LBB2_1-.Ltmp2, $3  }
0x13e: {  	_ =	sdelay $0x1  }
0x13f: {  	[sflag:s23] =	ssyncset.done $0x0  }
0x140: {  	[sflag:s23] =	ssyncadd.s32 $0xFFFFD800  }
0x141: {  	_ =	sfence.sel $0x180000  }
0x142: {  	[bflag:$0x0] =	sbarrier.arrive $0xFFFF  }
0x143: {  	_ =	strace $0x9000004D  }
0x144: {  	s0 =	stileid.u32;
	[bflag:$0x2] =	sbarrier.arrive $0xFFFF  }
0x145: {  	p0 =	sne.s32 s0, $0x0;
	s0 =	rddreg [dreg:$0x3]  }
0x146: {  	s0 =	sadd.s32 @!p0 $0x100000, s0  }
0x147: {  	[sflag:s0] =	ssyncadd.tile.s32 @!p0 $0x1;
	_ =	shalt  }
.Lfunc_end2:
_tile_overlayer_lowered:
.L_overlay_start_2:
0x148: {  	(tag) =	ssettag $0x2  }
0x149: {  	s0 =	rddreg [dreg:$0x0];
	s2 =	stileid.u32  }
0x14a: {  	s1 =	rddreg [dreg:$0x1];
	p0 =	sne.s32 s2, $0x0  }
0x14b: {  	s3 =	rddreg [dreg:$0x2];
	[bflag:$0x3] =	sbarrier.arrive $0xFFFF;
	s2 =	simm.s32 @!p0 $0x1C0D  }
0x14c: {  	[timem:s3], [sflag:s2] =	dma.local @!p0 [hbm:s0], s1  }
0x14d: {  	s0 =	simm.s32 @!p0 $0xD  }
0x14e: {  	_ =	swait.ge @!p0 [sflag:s0], s1  }
0x14f: {  	s1 =	ssub.s32 @!p0 $0x0, s1;
	[sflag:s0] =	ssyncset.done @!p0 $0x0  }
0x150: {  	[sflag:s0] =	ssyncadd.s32 @!p0 s1  }
0x151: {  	[bflag:$0x3] =	sbarrier.arrive $0xFFFF  }
0x152: {  	_ =	shalt  }

// kernel: kernel.8.cloned.1.call-start
scs
__scs_entry_jumppad:
0x0: {  	(pc) =	sbr.rel $0x88, $3  }
0x1: {  	(tag) =	ssettag $0x0;
	lr =	simm.s32 $0x1  }
0x2: {  	[smem:$0x3F9B] =	sst lr;
	_ =	strace $0xD0000000  }
0x3: {  	_ = 	snop  }
0x4: {  	_ = 	snop  }
0x5: {  	_ = 	snop  }
0x6: {  	_ = 	snop  }
0x7: {  	_ = 	snop  }
__scs_overlays_trampoline_lowered:
0x8: {  	[smem:$0x3FAA] =	sst s0  }
0x9: {  	[smem:$0x3FAB] =	sst s1  }
0xa: {  	[smem:$0x3FAC] =	sst s2  }
0xb: {  	[smem:$0x3FAD] =	sst s3  }
0xc: {  	[smem:$0x3FAE] =	sst s4  }
0xd: {  	[smem:$0x3FAF] =	sst s5  }
0xe: {  	[smem:$0x3FB0] =	sst s6  }
0xf: {  	[smem:$0x3FB1] =	sst s7  }
0x10: {  	[smem:$0x3FB2] =	sst s8  }
0x11: {  	[smem:$0x3FB3] =	sst s9;
	s0 =	simm.s32 @!p0 $0x0  }
0x12: {  	s1 =	sld [smem:$0x3F99];
	s0 =	simm.s32 @p0 $0x1  }
0x13: {  	[smem:$0x3FB4] =	sst s0;
	s0 =	simm.s32 @!p1 $0x0  }
0x14: {  	s2 =	sld [smem:$0x3F98];
	s0 =	simm.s32 @p1 $0x1  }
0x15: {  	[smem:$0x3FB5] =	sst s0;
	s0 =	simm.s32 @!p2 $0x0  }
0x16: {  	s3 =	sld [smem:$0x3FDB];
	s0 =	simm.s32 @p2 $0x1  }
0x17: {  	s4 =	simm.s32 $0x1BF5;
	[smem:$0x3FB7] =	sst s0  }
0x18: {  	s0 =	sld [smem:$0x3F9A];
	_ =	swait.ge [sflag:s4], $0x0  }
0x19: {  	s7 =	sld [smem:$0x3F9B]  }
0x1a: {  	s8 =	sadd.s32 $0xFFFFE003, lr  }
0x1b: {  	s9 =	sadd.s32 $0xFFFFFEF7, lr;
	s5 =	simm.s32 $0xFFFFFFFF;
	p2 =	slt.u32 s8, $0xFFFFF086  }
0x1c: {  	p1 =	slt.u32 s9, $0xF7A;
	s5 =	simm.s32 @!p2 $0x0  }
0x1d: {  	s5 =	simm.s32 @p1 $0x1;
	p0 =	seq.s32 s7, s2  }
0x1e: {  	s7 =	smul.u32 @!p0 $0xF7A, s2;
	p2 =	seq.s32 @!p0 s5, $0x0  }
0x1f: {  	s9 =	smul.u32 $0xF7A, s1;
	s8 =	simm.s32 @!p0 $0x1BF5;
	p2 =	por !p2, p0  }
0x20: {  	[sflag:s8] =	ssyncset.s32 @!p0 $0xFFFFF086;
	s6 =	sadd.s32 @!p0 s3, s7;
	s7 =	simm.s32 @!p0 $0x108  }
0x21: {  	s3 =	sadd.s32 s3, s9;
	s6 =	sadd.s32 @!p0 $0x88, s6;
	s7 =	simm.s32 @p2 $0x1082  }
0x22: {  	[simem:s7], [sflag:s8] =	dma.local @!p0 [hbm:s6], $0xF7A  }
0x23: {  	s9 =	sor.u32 $0xD0000000, s2;
	s6 =	simm.s32 $0x108;
	_ =	swait.ge @!p0 [sflag:s8], $0x0  }
0x24: {  	s3 =	sadd.s32 $0x88, s3;
	s6 =	simm.s32 @!p1 $0x1082;
	[sflag:s4] =	ssyncset.s32 $0xFFFFF086  }
0x25: {  	[simem:s6], [sflag:s4] =	dma.local [hbm:s3], $0xF7A  }
0x26: {  	[smem:$0x3F9B] =	sst s1;
	(tag) =	ssettag s2;
	_ =	strace s9  }
0x27: {  	s1 =	sld [smem:$0x3FAB]  }
0x28: {  	s2 =	sld [smem:$0x3FAC]  }
0x29: {  	s4 =	sld [smem:$0x3FAE]  }
0x2a: {  	p0 =	seq.s32 s5, $0x0;
	s5 =	sld [smem:$0x3FAF]  }
0x2b: {  	s6 =	sld [smem:$0x3FB0]  }
0x2c: {  	s7 =	sld [smem:$0x3FB1]  }
0x2d: {  	s3 =	simm.s32 $0x108;
	s8 =	sld [smem:$0x3FB2]  }
0x2e: {  	s3 =	simm.s32 @!p0 $0x1082;
	s9 =	sld [smem:$0x3FB3]  }
0x2f: {  	lr =	sadd.s32 s0, s3;
	s0 =	sld [smem:$0x3FAA]  }
0x30: {  	s3 =	sld [smem:$0x3FAD]  }
0x31: {  	[smem:$0x3FB6] =	sst s10  }
0x32: {  	s10 =	sld [smem:$0x3FB4];
	_ =	sdelay $0x3  }
0x33: {  	p0 =	seq.s32 s10, $0x1;
	s10 =	sld [smem:$0x3FB6];
	_ =	sdelay $0x3  }
0x34: {  	[smem:$0x3FB6] =	sst s10  }
0x35: {  	s10 =	sld [smem:$0x3FB5];
	_ =	sdelay $0x3  }
0x36: {  	p1 =	seq.s32 s10, $0x1;
	s10 =	sld [smem:$0x3FB6];
	_ =	sdelay $0x3  }
0x37: {  	[smem:$0x3FB6] =	sst s10  }
0x38: {  	s10 =	sld [smem:$0x3FB7]  }
0x39: {  	_ = 	snop;
	(pc) =	sbr.ind lr, $3  }
0x3a: {  	_ = 	snop  }
0x3b: {  	_ = 	snop  }
0x3c: {  	p2 =	seq.s32 s10, $0x1;
	s10 =	sld [smem:$0x3FB6]  }
0x3d: {  	_ =	shalt  }
0x3e: {  	_ =	shalt  }
0x3f: {  	_ =	shalt  }
0x40: {  	_ =	shalt  }
0x41: {  	_ =	shalt  }
0x42: {  	_ =	shalt  }
0x43: {  	_ =	shalt  }
0x44: {  	_ =	shalt  }
0x45: {  	_ =	shalt  }
0x46: {  	_ =	shalt  }
0x47: {  	_ =	shalt  }
0x48: {  	_ =	shalt  }
0x49: {  	_ =	shalt  }
0x4a: {  	_ =	shalt  }
0x4b: {  	_ =	shalt  }
0x4c: {  	_ =	shalt  }
0x4d: {  	_ =	shalt  }
0x4e: {  	_ =	shalt  }
0x4f: {  	_ =	shalt  }
0x50: {  	_ =	shalt  }
0x51: {  	_ =	shalt  }
0x52: {  	_ =	shalt  }
0x53: {  	_ =	shalt  }
0x54: {  	_ =	shalt  }
0x55: {  	_ =	shalt  }
0x56: {  	_ =	shalt  }
0x57: {  	_ =	shalt  }
0x58: {  	_ =	shalt  }
0x59: {  	_ =	shalt  }
0x5a: {  	_ =	shalt  }
0x5b: {  	_ =	shalt  }
0x5c: {  	_ =	shalt  }
0x5d: {  	_ =	shalt  }
0x5e: {  	_ =	shalt  }
0x5f: {  	_ =	shalt  }
0x60: {  	_ =	shalt  }
0x61: {  	_ =	shalt  }
0x62: {  	_ =	shalt  }
0x63: {  	_ =	shalt  }
0x64: {  	_ =	shalt  }
0x65: {  	_ =	shalt  }
0x66: {  	_ =	shalt  }
0x67: {  	_ =	shalt  }
0x68: {  	_ =	shalt  }
0x69: {  	_ =	shalt  }
0x6a: {  	_ =	shalt  }
0x6b: {  	_ =	shalt  }
0x6c: {  	_ =	shalt  }
0x6d: {  	_ =	shalt  }
0x6e: {  	_ =	shalt  }
0x6f: {  	_ =	shalt  }
0x70: {  	_ =	shalt  }
0x71: {  	_ =	shalt  }
0x72: {  	_ =	shalt  }
0x73: {  	_ =	shalt  }
0x74: {  	_ =	shalt  }
0x75: {  	_ =	shalt  }
0x76: {  	_ =	shalt  }
0x77: {  	_ =	shalt  }
0x78: {  	_ =	shalt  }
0x79: {  	_ =	shalt  }
0x7a: {  	_ =	shalt  }
0x7b: {  	_ =	shalt  }
0x7c: {  	_ =	shalt  }
0x7d: {  	_ =	shalt  }
0x7e: {  	_ =	shalt  }
0x7f: {  	_ =	shalt  }
0x80: {  	_ =	shalt  }
0x81: {  	_ =	shalt  }
0x82: {  	_ =	shalt  }
0x83: {  	_ =	shalt  }
0x84: {  	_ =	shalt  }
0x85: {  	_ =	shalt  }
0x86: {  	_ =	shalt  }
0x87: {  	_ =	shalt  }
.Lfunc_end0:
.L_simem_size_0:
called_computation_lowered:
.L_overlay_start_0:
0x88: {  	s2 =	sld [smem:$0x3FD9]  }
0x89: {  	s3 =	sld [smem:$0x3FFE];
	_ =	sdelay $0x1  }
0x8a: {  	s1 =	srdreg.scid  }
0x8b: {  	s0 =	sand.u32 $0x1, s1  }
0x8c: {  	s17 =	sshll.u32 s0, $0xA;
	s2 =	sadd.s32 s3, s2  }
0x8d: {  	s2 =	sadd.s32 s2, s17  }
0x8e: {  	[smem:$0x3FC2] =	sst s2  }
0x8f: {  	_ = 	snop  }
0x90: {  	s2 =	sld [smem:$0x3FD0];
	(tm) =	ssettm $0x1  }
0x91: {  	s18 =	sld [smem:$0x3FFB];
	_ =	sdelay $0x3  }
0x92: {  	_ =	strace s18  }
0x93: {  	s3 =	sld [smem:$0x3FFC];
	_ =	sdelay $0x3  }
0x94: {  	_ =	strace s3  }
0x95: {  	s3 =	sld [smem:$0x3FFD];
	_ =	sdelay $0x3  }
0x96: {  	_ =	strace s3  }
0x97: {  	_ =	strace $0x8FFFFFFF  }
0x98: {  	s19 =	sld [smem:$0x3FDB];
	_ =	sdelay $0x1  }
0x99: {  	s4 =	simm.s32 $_scs_section_size  }
0x9a: {  	s5 =	simm.s32 $_size__tile_overlayer_lowered;
	s6 =	simm.s32 $_tile_overlayer_lowered  }
0x9b: {  	s22 =	simm.s32 $0x1BFF;
	s21 =	sshll.u32 s6, $0x1;
	s3 =	sadd.s32 s4, s19  }
0x9c: {  	s7 =	simm.s32 $0x0;
	s20 =	sshll.u32 s5, $0x1;
	s5 =	sadd.s32 s21, s3  }
0x9d: {  	[timem:s7], [sflag:s22] =	dma.local [hbm:s5], s20  }
0x9e: {  	_ =	swait.ge [sflag:s22], s20  }
0x9f: {  	s4 =	ssub.s32 $0x0, s20;
	[sflag:s22] =	ssyncset.done $0x0  }
0xa0: {  	[sflag:s22] =	ssyncadd.s32 s4;
	_ =	sdelay $0x1  }
0xa1: {  	s23 =	simm.s32 $0x1B8B  }
0xa2: {  	_ =	swait.ge [sflag:s23], $0x1  }
0xa3: {  	[sflag:s23] =	ssyncset.done $0x0  }
0xa4: {  	s25 =	simm.s32 $0x1B8E;
	s24 =	sld [smem:$0x3FFE];
	[sflag:s23] =	ssyncadd.s32 $0xFFFFFFFF  }
0xa5: {  	s26 =	simm.s32 $execute0_lowered;
	[smem:$0x3FD2] =	sst s25  }
0xa6: {  	s5 =	sshll.u32 s26, $0x1;
	_ =	strace $0x80000046;
	[dreg:$0x1] =	wrdreg $0xFFFFFFFF  }
0xa7: {  	s28 =	simm.s32 $_size_execute0_lowered;
	s3 =	sadd.s32 s3, s5;
	[dreg:$0x0] =	wrdreg $0x0  }
0xa8: {  	s5 =	sshll.u32 s28, $0x1;
	[dreg:$0x2] =	wrdreg s3  }
0xa9: {  	[dreg:$0x3] =	wrdreg s5  }
0xaa: {  	[dreg:$0x4] =	wrdreg $0xC0  }
0xab: {  	_ =	task [dreg:s7], $0x5FFFF  }
0xac: {  	[dreg:$0x1] =	wrdreg $0xFFFFFFFF  }
0xad: {  	[dreg:$0x0] =	wrdreg $0x60  }
0xae: {  	[dreg:$0x2] =	wrdreg s24  }
0xaf: {  	[dreg:$0x3] =	wrdreg s2  }
0xb0: {  	[dreg:$0x4] =	wrdreg $0x2B000  }
0xb1: {  	[dreg:$0x5] =	wrdreg $0x9  }
0xb2: {  	_ =	task.clear_ibuf [dreg:s7], $0x6FFFF;
	_ =	strace $0x90000046  }
0xb3: {  	s29 =	simm.s32 $0x9;
	_ =	strace $0x80000048  }
0xb4: {  	_ =	swait.ge [sflag:s29], $0x1  }
0xb5: {  	[sflag:s29] =	ssyncadd.s32 $0xFFFFFFFF  }
0xb6: {  	_ =	strace $0x90000048  }
0xb7: {  	_ =	sfence  }
0xb8: {  	s30 =	sld [smem:$0x0];
	_ =	sdelay $0x2  }
0xb9: {  	s31 =	sshll.u32 s1, $0xD;
	s1 =	sshrl.u32 s1, $0x2  }
0xba: {  	s3 =	sand.u32 $0x4000, s31;
	s1 =	sadd.s32 s1, s30  }
0xbb: {  	s0 =	sor.u32 s3, s0;
	s1 =	sshll.u32 s1, $0x11  }
0xbc: {  	s0 =	sor.u32 s1, s0  }
0xbd: {  	s0 =	sadd.s32 $0x8F2B, s0  }
0xbe: {  	[sflag:s0] =	ssyncadd.remote.s32 $0x1  }
0xbf: {  	_ =	sfence.sel $0xFFFF  }
0xc0: {  	[dreg:$0x0] =	wrdreg $0xFFFFFFFF;
	(pc) =	sbr.abs _section_cstart, $3  }
0xc1: {  	[dreg:$0x1] =	wrdreg $0xFFFFFFFF  }
0xc2: {  	_ =	task.clear_ibuf [dreg:s7], $0x2FFFF;
	_ =	strace $0x9FFFFFFF  }
0xc3: {  	(tm) =	ssettm $0x7FFFFFFF  }
tec
execute0_lowered:
.L_overlay_start_1:
0x0: {  	(tag) =	ssettag $0x1  }
0x1: {  	s7 =	rddreg [dreg:$0x0]  }
0x2: {  	s1 =	rddreg [dreg:$0x1]  }
0x3: {  	s2 =	rddreg [dreg:$0x2]  }
0x4: {  	s0 =	rddreg [dreg:$0x3]  }
0x5: {  	s4 =	simm.s32 $0x0;
	s5 =	srdreg.scid;
	s3 =	stileid.u32  }
0x6: {  	s14 =	simm.s32 $0x2880;
	s15 =	simm.s32 $0x4;
	s16 =	simm.s32 $0x80  }
0x7: {  	s17 =	simm.s32 $0x2D80;
	s18 =	simm.s32 $0x2800;
	s19 =	simm.s32 $0x2E00  }
0x8: {  	s20 =	simm.s32 $0x2E80;
	s21 =	simm.s32 $0x1;
	s22 =	simm.s32 $0x2  }
0x9: {  	s23 =	simm.s32 $0x3;
	s24 =	simm.s32 $0x2780;
	s25 =	simm.s32 $0x10  }
0xa: {  	s26 =	simm.s32 $0x0;
	[smem:$0x7FF] =	sst s4;
	s11 =	smul.u32 $0x280, s3  }
0xb: {  	s8 =	sand.u32 $0x1, s5;
	s5 =	sadd.s32 $0x2800, s7;
	s12 =	smul.u32 $0x2710, s3  }
.Ltmp0:
0xc: {  	s6 =	sadd.s32 $0x7800, s7;
	s7 =	sadd.s32 $0x7E00, s7;
	(pc) =	sbr.rel .LBB2_1-.Ltmp0, $4  }
0xd: {  	_ =	strace $0x80000047;
	s9 =	ssub.s32 $0x2, s8;
	p0 =	seq.s32 s8, $0x1  }
0xe: {  	s10 =	sshrl.u32 s9, $0x1;
	s8 =	sadd.s32 s11, s2;
	s12 =	sshrl.u32 s12, $0x3  }
0xf: {  	s11 =	sshrl.u32 s11, $0x3;
	s13 =	ssub.s32 s9, s10;
	s9 =	sadd.s32 s5, s12  }
0x10: {  	v0 =	vimm.f32 $1.000000000e+00;
	v1 =	vimm.f32 $0.0e+00;
	s10 =	sadd.s32 $0x4E0, s12;
	s12 =	sadd.s32 s1, s12;
	s13 =	smax.u32 s13, $0x1  }
.LBB2_7:
0x11: {  	s28 =	sshra.s32 s28, $0x2;
	[sflag:s23] =	ssyncadd.s32 $0xFFFFFF80  }
0x12: {  	v2 =	vld [tilespmem:s28+$0x0];
	_ =	sdelay $0x4  }
0x13: {  	[tilespmem:$0x2D80] =	vst v2  }
0x14: {  	v2 =	vld [tilespmem:s28+$0x10];
	_ =	sdelay $0x4  }
0x15: {  	[tilespmem:$0x2D90] =	vst v2  }
0x16: {  	v2 =	vld [tilespmem:s28+$0x20];
	_ =	sdelay $0x4  }
0x17: {  	[tilespmem:$0x2DA0] =	vst v2  }
0x18: {  	v2 =	vld [tilespmem:s28+$0x30];
	_ =	sdelay $0x4  }
0x19: {  	[tilespmem:$0x2DB0] =	vst v2  }
0x1a: {  	v2 =	vld [tilespmem:s28+$0x40];
	_ =	sdelay $0x4  }
0x1b: {  	[tilespmem:$0x2DC0] =	vst v2  }
0x1c: {  	v2 =	vld [tilespmem:s28+$0x50];
	_ =	sdelay $0x4  }
0x1d: {  	[tilespmem:$0x2DD0] =	vst v2  }
0x1e: {  	v2 =	vld [tilespmem:s28+$0x60];
	_ =	sdelay $0x4  }
0x1f: {  	[tilespmem:$0x2DE0] =	vst v2  }
0x20: {  	v2 =	vld [tilespmem:s28+$0x70];
	_ =	sdelay $0x4  }
0x21: {  	[tilespmem:$0x2DF0] =	vst v2  }
0x22: {  	[spmem:s2] =	stream.indirect.scatter.add.f32 [tilespmem:s18], [sflag:$0x1], $0x1, s17, s16, $0xb8;
	[tilespmem:$0x2F00] =	vst v63  }
0x23: {  	v2 =	vld [tilespmem:s28+$0x80];
	_ =	sdelay $0x4  }
0x24: {  	[tilespmem:$0x2E00] =	vst v2  }
0x25: {  	v2 =	vld [tilespmem:s28+$0x90];
	_ =	sdelay $0x4  }
0x26: {  	[tilespmem:$0x2E10] =	vst v2  }
0x27: {  	v2 =	vld [tilespmem:s28+$0xA0];
	_ =	sdelay $0x4  }
0x28: {  	[tilespmem:$0x2E20] =	vst v2  }
0x29: {  	v2 =	vld [tilespmem:s28+$0xB0];
	_ =	sdelay $0x4  }
0x2a: {  	[tilespmem:$0x2E30] =	vst v2  }
0x2b: {  	v2 =	vld [tilespmem:s28+$0xC0];
	_ =	sdelay $0x4  }
0x2c: {  	[tilespmem:$0x2E40] =	vst v2  }
0x2d: {  	v2 =	vld [tilespmem:s28+$0xD0];
	_ =	sdelay $0x4  }
0x2e: {  	[tilespmem:$0x2E50] =	vst v2  }
0x2f: {  	v2 =	vld [tilespmem:s28+$0xE0];
	_ =	sdelay $0x4  }
0x30: {  	[tilespmem:$0x2E60] =	vst v2  }
0x31: {  	v2 =	vld [tilespmem:s28+$0xF0];
	_ =	sdelay $0x4  }
0x32: {  	[tilespmem:$0x2E70] =	vst v2  }
0x33: {  	[spmem:s2] =	stream.indirect.scatter.add.f32 [tilespmem:s18], [sflag:$0x2], $0x1, s19, s16, $0xb8;
	[tilespmem:$0x2F00] =	vst v63  }
0x34: {  	v2 =	vld [tilespmem:s28+$0x100];
	_ =	sdelay $0x4  }
0x35: {  	[tilespmem:$0x2E80] =	vst v2  }
0x36: {  	v2 =	vld [tilespmem:s28+$0x110];
	_ =	sdelay $0x4  }
0x37: {  	[tilespmem:$0x2E90] =	vst v2  }
0x38: {  	v2 =	vld [tilespmem:s28+$0x120];
	_ =	sdelay $0x4  }
0x39: {  	[tilespmem:$0x2EA0] =	vst v2  }
0x3a: {  	v2 =	vld [tilespmem:s28+$0x130];
	_ =	sdelay $0x4  }
0x3b: {  	[tilespmem:$0x2EB0] =	vst v2  }
0x3c: {  	v2 =	vld [tilespmem:s28+$0x140];
	_ =	sdelay $0x4  }
0x3d: {  	[tilespmem:$0x2EC0] =	vst v2  }
0x3e: {  	v2 =	vld [tilespmem:s28+$0x150];
	_ =	sdelay $0x4  }
0x3f: {  	[tilespmem:$0x2ED0] =	vst v2  }
0x40: {  	v2 =	vld [tilespmem:s28+$0x160];
	_ =	sdelay $0x4  }
0x41: {  	[tilespmem:$0x2EE0] =	vst v2  }
0x42: {  	v2 =	vld [tilespmem:s28+$0x170];
	_ =	sdelay $0x4  }
0x43: {  	[tilespmem:$0x2EF0] =	vst v2  }
0x44: {  	[spmem:s2] =	stream.indirect.scatter.add.f32 [tilespmem:s18], [sflag:$0x3], $0x1, s20, s16, $0xb8;
	[tilespmem:$0x2F00] =	vst v63  }
0x45: {  	_ =	swait.ge [sflag:s21], $0x80  }
0x46: {  	[sflag:s21] =	ssyncset.done $0x0  }
0x47: {  	[sflag:s21] =	ssyncadd.s32 $0xFFFFFF80  }
0x48: {  	_ =	swait.ge [sflag:s22], $0x80  }
0x49: {  	[sflag:s22] =	ssyncset.done $0x0  }
0x4a: {  	[sflag:s22] =	ssyncadd.s32 $0xFFFFFF80  }
0x4b: {  	_ =	swait.ge [sflag:s23], $0x80  }
0x4c: {  	[sflag:s23] =	ssyncset.done $0x0  }
0x4d: {  	s29 =	smov.u32 s1;
	s28 =	smov.u32 s7;
	[sflag:s23] =	ssyncadd.s32 $0xFFFFFF80  }
.LBB2_8:
0x4e: {  	s29 =	sadd.s32 s29, s10  }
0x4f: {  	[tilespmem:s24], [sflag:$0x4] =	stream.linear.gather [hbm4b:s29+s4], $0x10, $0x38;
	[tilespmem:$0x2F00] =	vst v63  }
0x50: {  	_ =	swait.ge [sflag:s15], $0x10  }
0x51: {  	[sflag:s15] =	ssyncset.done $0x0  }
0x52: {  	[sflag:s15] =	ssyncadd.s32 $0xFFFFFFF0  }
0x53: {  	[spmem:s2] =	stream.indirect.scatter.add.f32 [tilespmem:s18], [sflag:$0x4], $0x1, s24, s25, $0xb8;
	[tilespmem:$0x2F00] =	vst v63  }
0x54: {  	s28 =	sadd.s32 s28, s11;
	_ =	swait.ge [sflag:s15], $0x10  }
0x55: {  	s31 =	sshll.u32 s3, $0x6;
	s26 =	sadd.s32 $0x1, s26;
	[sflag:s15] =	ssyncset.done $0x0  }
0x56: {  	s30 =	sshrl.u32 s8, $0x3;
	p1 =	sne.s32 s26, s13;
	[sflag:s15] =	ssyncadd.s32 $0xFFFFFFF0  }
.Ltmp1:
0x57: {  	s29 =	sor.u32 $0x1C04, s31;
	[bflag:$0x0] =	sbarrier.arrive $0xFFFF;
	(pc) =	sbr.rel @!p1 .LBB2_9-.Ltmp1, $4  }
0x58: {  	[hbm:s28], [sflag:s29] =	dma.local [spmem:s30], $0x50  }
0x59: {  	_ =	swait.ge [sflag:s15], $0x50  }
0x5a: {  	[sflag:s15] =	ssyncset.done $0x0  }
0x5b: {  	[sflag:s15] =	ssyncadd.s32 $0xFFFFFFB0  }
.LBB2_1:
0x5c: {  	[tilespmem:$0x2800] =	vst v0  }
0x5d: {  	[tilespmem:$0x2810] =	vst v0  }
0x5e: {  	[tilespmem:$0x2820] =	vst v0  }
0x5f: {  	[tilespmem:$0x2830] =	vst v0  }
0x60: {  	[tilespmem:$0x2840] =	vst v0  }
0x61: {  	[tilespmem:$0x2850] =	vst v0  }
0x62: {  	[tilespmem:$0x2860] =	vst v0  }
0x63: {  	[tilespmem:$0x2870] =	vst v0  }
0x64: {  	[tilespmem:$0x2880] =	vst v1  }
0x65: {  	[tilespmem:$0x2890] =	vst v1  }
0x66: {  	[tilespmem:$0x28A0] =	vst v1  }
0x67: {  	[tilespmem:$0x28B0] =	vst v1  }
0x68: {  	[tilespmem:$0x28C0] =	vst v1  }
0x69: {  	[tilespmem:$0x28D0] =	vst v1  }
0x6a: {  	[tilespmem:$0x28E0] =	vst v1  }
0x6b: {  	[tilespmem:$0x28F0] =	vst v1  }
0x6c: {  	[tilespmem:$0x2900] =	vst v1  }
0x6d: {  	[tilespmem:$0x2910] =	vst v1  }
0x6e: {  	[tilespmem:$0x2920] =	vst v1  }
0x6f: {  	[tilespmem:$0x2930] =	vst v1  }
0x70: {  	[tilespmem:$0x2940] =	vst v1  }
0x71: {  	[tilespmem:$0x2950] =	vst v1  }
0x72: {  	[tilespmem:$0x2960] =	vst v1  }
0x73: {  	[tilespmem:$0x2970] =	vst v1  }
0x74: {  	[tilespmem:$0x2980] =	vst v1  }
0x75: {  	[tilespmem:$0x2990] =	vst v1  }
0x76: {  	[tilespmem:$0x29A0] =	vst v1  }
0x77: {  	[tilespmem:$0x29B0] =	vst v1  }
0x78: {  	[tilespmem:$0x29C0] =	vst v1  }
0x79: {  	[tilespmem:$0x29D0] =	vst v1  }
0x7a: {  	[tilespmem:$0x29E0] =	vst v1  }
0x7b: {  	[tilespmem:$0x29F0] =	vst v1  }
0x7c: {  	[tilespmem:$0x2A00] =	vst v1  }
0x7d: {  	[tilespmem:$0x2A10] =	vst v1  }
0x7e: {  	[tilespmem:$0x2A20] =	vst v1  }
0x7f: {  	[tilespmem:$0x2A30] =	vst v1  }
0x80: {  	[tilespmem:$0x2A40] =	vst v1  }
0x81: {  	[tilespmem:$0x2A50] =	vst v1  }
0x82: {  	[tilespmem:$0x2A60] =	vst v1  }
0x83: {  	[tilespmem:$0x2A70] =	vst v1  }
0x84: {  	[tilespmem:$0x2A80] =	vst v1  }
0x85: {  	[tilespmem:$0x2A90] =	vst v1  }
0x86: {  	[tilespmem:$0x2AA0] =	vst v1  }
0x87: {  	[tilespmem:$0x2AB0] =	vst v1  }
0x88: {  	[tilespmem:$0x2AC0] =	vst v1  }
0x89: {  	[tilespmem:$0x2AD0] =	vst v1  }
0x8a: {  	[tilespmem:$0x2AE0] =	vst v1  }
.Ltmp2:
0x8b: {  	[tilespmem:$0x2AF0] =	vst v1;
	(pc) =	sbr.rel @!p0 .LBB2_2-.Ltmp2, $4  }
0x8c: {  	[spmem:s8] =	stream.linear.scatter [tilespmem:s14], [sflag:$0x4], $0x280, $0x38;
	[tilespmem:$0x2F00] =	vst v63  }
0x8d: {  	_ =	swait.ge [sflag:s15], $0x280  }
0x8e: {  	[sflag:s15] =	ssyncset.done $0x0  }
0x8f: {  	s28 =	simm.s32 $0x0;
	[sflag:s15] =	ssyncadd.s32 $0xFFFFFD80  }
0x90: {  	[tilespmem:s28], [sflag:$0x4] =	stream.linear.gather [hbm4b:s12+s28], $0x2710, $0x38;
	[tilespmem:$0x2F00] =	vst v63  }
0x91: {  	_ =	swait.ge [sflag:s15], $0x2710  }
0x92: {  	[sflag:s15] =	ssyncset.done $0x0  }
0x93: {  	[sflag:s15] =	ssyncadd.s32 $0xFFFFD8F0  }
0x94: {  	s28 =	simm.s32 $0x0;
	[bflag:$0x0] =	sbarrier.arrive $0xFFFF  }
0x95: {  	v2 =	vld [tilespmem:s28+$0x0];
	_ =	sdelay $0x4  }
0x96: {  	[tilespmem:$0x2D80] =	vst v2  }
0x97: {  	v2 =	vld [tilespmem:s28+$0x10];
	_ =	sdelay $0x4  }
0x98: {  	[tilespmem:$0x2D90] =	vst v2  }
0x99: {  	v2 =	vld [tilespmem:s28+$0x20];
	_ =	sdelay $0x4  }
0x9a: {  	[tilespmem:$0x2DA0] =	vst v2  }
0x9b: {  	v2 =	vld [tilespmem:s28+$0x30];
	_ =	sdelay $0x4  }
0x9c: {  	[tilespmem:$0x2DB0] =	vst v2  }
0x9d: {  	v2 =	vld [tilespmem:s28+$0x40];
	_ =	sdelay $0x4  }
0x9e: {  	[tilespmem:$0x2DC0] =	vst v2  }
0x9f: {  	v2 =	vld [tilespmem:s28+$0x50];
	_ =	sdelay $0x4  }
0xa0: {  	[tilespmem:$0x2DD0] =	vst v2  }
0xa1: {  	v2 =	vld [tilespmem:s28+$0x60];
	_ =	sdelay $0x4  }
0xa2: {  	[tilespmem:$0x2DE0] =	vst v2  }
0xa3: {  	v2 =	vld [tilespmem:s28+$0x70];
	_ =	sdelay $0x4  }
0xa4: {  	[tilespmem:$0x2DF0] =	vst v2  }
0xa5: {  	[spmem:s2] =	stream.indirect.scatter.add.f32 [tilespmem:s18], [sflag:$0x1], $0x1, s17, s16, $0xb8;
	[tilespmem:$0x2F00] =	vst v63  }
0xa6: {  	v2 =	vld [tilespmem:s28+$0x80];
	_ =	sdelay $0x4  }
0xa7: {  	[tilespmem:$0x2E00] =	vst v2  }
0xa8: {  	v2 =	vld [tilespmem:s28+$0x90];
	_ =	sdelay $0x4  }
0xa9: {  	[tilespmem:$0x2E10] =	vst v2  }
0xaa: {  	v2 =	vld [tilespmem:s28+$0xA0];
	_ =	sdelay $0x4  }
0xab: {  	[tilespmem:$0x2E20] =	vst v2  }
0xac: {  	v2 =	vld [tilespmem:s28+$0xB0];
	_ =	sdelay $0x4  }
0xad: {  	[tilespmem:$0x2E30] =	vst v2  }
0xae: {  	v2 =	vld [tilespmem:s28+$0xC0];
	_ =	sdelay $0x4  }
0xaf: {  	[tilespmem:$0x2E40] =	vst v2  }
0xb0: {  	v2 =	vld [tilespmem:s28+$0xD0];
	_ =	sdelay $0x4  }
0xb1: {  	[tilespmem:$0x2E50] =	vst v2  }
0xb2: {  	v2 =	vld [tilespmem:s28+$0xE0];
	_ =	sdelay $0x4  }
0xb3: {  	[tilespmem:$0x2E60] =	vst v2  }
0xb4: {  	v2 =	vld [tilespmem:s28+$0xF0];
	_ =	sdelay $0x4  }
0xb5: {  	[tilespmem:$0x2E70] =	vst v2  }
0xb6: {  	[spmem:s2] =	stream.indirect.scatter.add.f32 [tilespmem:s18], [sflag:$0x2], $0x1, s19, s16, $0xb8;
	[tilespmem:$0x2F00] =	vst v63  }
0xb7: {  	v2 =	vld [tilespmem:s28+$0x100];
	_ =	sdelay $0x4  }
0xb8: {  	[tilespmem:$0x2E80] =	vst v2  }
0xb9: {  	v2 =	vld [tilespmem:s28+$0x110];
	_ =	sdelay $0x4  }
0xba: {  	[tilespmem:$0x2E90] =	vst v2  }
0xbb: {  	v2 =	vld [tilespmem:s28+$0x120];
	_ =	sdelay $0x4  }
0xbc: {  	[tilespmem:$0x2EA0] =	vst v2  }
0xbd: {  	v2 =	vld [tilespmem:s28+$0x130];
	_ =	sdelay $0x4  }
0xbe: {  	[tilespmem:$0x2EB0] =	vst v2  }
0xbf: {  	v2 =	vld [tilespmem:s28+$0x140];
	_ =	sdelay $0x4  }
0xc0: {  	[tilespmem:$0x2EC0] =	vst v2  }
0xc1: {  	v2 =	vld [tilespmem:s28+$0x150];
	_ =	sdelay $0x4  }
0xc2: {  	[tilespmem:$0x2ED0] =	vst v2  }
0xc3: {  	v2 =	vld [tilespmem:s28+$0x160];
	_ =	sdelay $0x4  }
0xc4: {  	[tilespmem:$0x2EE0] =	vst v2  }
0xc5: {  	v2 =	vld [tilespmem:s28+$0x170];
	_ =	sdelay $0x4  }
0xc6: {  	[tilespmem:$0x2EF0] =	vst v2  }
0xc7: {  	[spmem:s2] =	stream.indirect.scatter.add.f32 [tilespmem:s18], [sflag:$0x3], $0x1, s20, s16, $0xb8;
	[tilespmem:$0x2F00] =	vst v63  }
0xc8: {  	_ =	swait.ge [sflag:s21], $0x80  }
0xc9: {  	[sflag:s21] =	ssyncset.done $0x0  }
0xca: {  	[sflag:s21] =	ssyncadd.s32 $0xFFFFFF80  }
0xcb: {  	_ =	swait.ge [sflag:s22], $0x80  }
0xcc: {  	[sflag:s22] =	ssyncset.done $0x0  }
0xcd: {  	[sflag:s22] =	ssyncadd.s32 $0xFFFFFF80  }
0xce: {  	_ =	swait.ge [sflag:s23], $0x80  }
0xcf: {  	s31 =	simm.s32 $0xC00;
	s28 =	simm.s32 $0x600;
	[sflag:s23] =	ssyncset.done $0x0  }
.LBB2_6:
0xd0: {  	s30 =	sshra.s32 s28, $0x2  }
0xd1: {  	[sflag:s23] =	ssyncadd.s32 $0xFFFFFF80;
	s28 =	smov.u32 s31;
	s29 =	sadd.s32 $0x600, s31  }
0xd2: {  	p1 =	sne.s32 s31, $0x9600;
	v2 =	vld [tilespmem:s30+$0x0];
	_ =	sdelay $0x4  }
0xd3: {  	[tilespmem:$0x2D80] =	vst v2  }
0xd4: {  	v2 =	vld [tilespmem:s30+$0x10];
	_ =	sdelay $0x4  }
0xd5: {  	[tilespmem:$0x2D90] =	vst v2  }
0xd6: {  	v2 =	vld [tilespmem:s30+$0x20];
	_ =	sdelay $0x4  }
0xd7: {  	[tilespmem:$0x2DA0] =	vst v2  }
0xd8: {  	v2 =	vld [tilespmem:s30+$0x30];
	_ =	sdelay $0x4  }
0xd9: {  	[tilespmem:$0x2DB0] =	vst v2  }
0xda: {  	v2 =	vld [tilespmem:s30+$0x40];
	_ =	sdelay $0x4  }
0xdb: {  	[tilespmem:$0x2DC0] =	vst v2  }
0xdc: {  	v2 =	vld [tilespmem:s30+$0x50];
	_ =	sdelay $0x4  }
0xdd: {  	[tilespmem:$0x2DD0] =	vst v2  }
0xde: {  	v2 =	vld [tilespmem:s30+$0x60];
	_ =	sdelay $0x4  }
0xdf: {  	[tilespmem:$0x2DE0] =	vst v2  }
0xe0: {  	v2 =	vld [tilespmem:s30+$0x70];
	_ =	sdelay $0x4  }
0xe1: {  	[tilespmem:$0x2DF0] =	vst v2  }
0xe2: {  	[spmem:s2] =	stream.indirect.scatter.add.f32 [tilespmem:s18], [sflag:$0x1], $0x1, s17, s16, $0xb8;
	[tilespmem:$0x2F00] =	vst v63  }
0xe3: {  	v2 =	vld [tilespmem:s30+$0x80];
	_ =	sdelay $0x4  }
0xe4: {  	[tilespmem:$0x2E00] =	vst v2  }
0xe5: {  	v2 =	vld [tilespmem:s30+$0x90];
	_ =	sdelay $0x4  }
0xe6: {  	[tilespmem:$0x2E10] =	vst v2  }
0xe7: {  	v2 =	vld [tilespmem:s30+$0xA0];
	_ =	sdelay $0x4  }
0xe8: {  	[tilespmem:$0x2E20] =	vst v2  }
0xe9: {  	v2 =	vld [tilespmem:s30+$0xB0];
	_ =	sdelay $0x4  }
0xea: {  	[tilespmem:$0x2E30] =	vst v2  }
0xeb: {  	v2 =	vld [tilespmem:s30+$0xC0];
	_ =	sdelay $0x4  }
0xec: {  	[tilespmem:$0x2E40] =	vst v2  }
0xed: {  	v2 =	vld [tilespmem:s30+$0xD0];
	_ =	sdelay $0x4  }
0xee: {  	[tilespmem:$0x2E50] =	vst v2  }
0xef: {  	v2 =	vld [tilespmem:s30+$0xE0];
	_ =	sdelay $0x4  }
0xf0: {  	[tilespmem:$0x2E60] =	vst v2  }
0xf1: {  	v2 =	vld [tilespmem:s30+$0xF0];
	_ =	sdelay $0x4  }
0xf2: {  	[tilespmem:$0x2E70] =	vst v2  }
0xf3: {  	[spmem:s2] =	stream.indirect.scatter.add.f32 [tilespmem:s18], [sflag:$0x2], $0x1, s19, s16, $0xb8;
	[tilespmem:$0x2F00] =	vst v63  }
0xf4: {  	v2 =	vld [tilespmem:s30+$0x100];
	_ =	sdelay $0x4  }
0xf5: {  	[tilespmem:$0x2E80] =	vst v2  }
0xf6: {  	v2 =	vld [tilespmem:s30+$0x110];
	_ =	sdelay $0x4  }
0xf7: {  	[tilespmem:$0x2E90] =	vst v2  }
0xf8: {  	v2 =	vld [tilespmem:s30+$0x120];
	_ =	sdelay $0x4  }
0xf9: {  	[tilespmem:$0x2EA0] =	vst v2  }
0xfa: {  	v2 =	vld [tilespmem:s30+$0x130];
	_ =	sdelay $0x4  }
0xfb: {  	[tilespmem:$0x2EB0] =	vst v2  }
0xfc: {  	v2 =	vld [tilespmem:s30+$0x140];
	_ =	sdelay $0x4  }
0xfd: {  	[tilespmem:$0x2EC0] =	vst v2  }
0xfe: {  	v2 =	vld [tilespmem:s30+$0x150];
	_ =	sdelay $0x4  }
0xff: {  	[tilespmem:$0x2ED0] =	vst v2  }
0x100: {  	v2 =	vld [tilespmem:s30+$0x160];
	_ =	sdelay $0x4  }
0x101: {  	[tilespmem:$0x2EE0] =	vst v2  }
0x102: {  	v2 =	vld [tilespmem:s30+$0x170];
	_ =	sdelay $0x4  }
0x103: {  	[tilespmem:$0x2EF0] =	vst v2  }
0x104: {  	[spmem:s2] =	stream.indirect.scatter.add.f32 [tilespmem:s18], [sflag:$0x3], $0x1, s20, s16, $0xb8;
	[tilespmem:$0x2F00] =	vst v63  }
0x105: {  	_ =	swait.ge [sflag:s21], $0x80  }
0x106: {  	[sflag:s21] =	ssyncset.done $0x0  }
0x107: {  	[sflag:s21] =	ssyncadd.s32 $0xFFFFFF80  }
.Ltmp3:
0x108: {  	_ =	swait.ge [sflag:s22], $0x80;
	(pc) =	sbr.rel @p1 .LBB2_6-.Ltmp3, $4  }
0x109: {  	[sflag:s22] =	ssyncset.done $0x0  }
0x10a: {  	[sflag:s22] =	ssyncadd.s32 $0xFFFFFF80  }
0x10b: {  	_ =	swait.ge [sflag:s23], $0x80  }
0x10c: {  	s31 =	smov.u32 s29;
	[sflag:s23] =	ssyncset.done $0x0  }
.Ltmp4:
0x10d: {  	_ = 	snop;
	(pc) =	sbr.rel .LBB2_7-.Ltmp4, $1  }
0x10e: {  	_ =	sdelay $0x3  }
.LBB2_2:
0x10f: {  	[tilespmem:s28], [sflag:$0x4] =	stream.linear.gather [hbm4b:s9+s28], $0x2710, $0x38;
	[tilespmem:$0x2F00] =	vst v63  }
0x110: {  	_ =	swait.ge [sflag:s15], $0x2710  }
0x111: {  	[sflag:s15] =	ssyncset.done $0x0  }
0x112: {  	[sflag:s15] =	ssyncadd.s32 $0xFFFFD8F0  }
0x113: {  	s28 =	simm.s32 $0x0;
	[bflag:$0x0] =	sbarrier.arrive $0xFFFF  }
0x114: {  	v2 =	vld [tilespmem:s28+$0x0];
	_ =	sdelay $0x4  }
0x115: {  	[tilespmem:$0x2D80] =	vst v2  }
0x116: {  	v2 =	vld [tilespmem:s28+$0x10];
	_ =	sdelay $0x4  }
0x117: {  	[tilespmem:$0x2D90] =	vst v2  }
0x118: {  	v2 =	vld [tilespmem:s28+$0x20];
	_ =	sdelay $0x4  }
0x119: {  	[tilespmem:$0x2DA0] =	vst v2  }
0x11a: {  	v2 =	vld [tilespmem:s28+$0x30];
	_ =	sdelay $0x4  }
0x11b: {  	[tilespmem:$0x2DB0] =	vst v2  }
0x11c: {  	v2 =	vld [tilespmem:s28+$0x40];
	_ =	sdelay $0x4  }
0x11d: {  	[tilespmem:$0x2DC0] =	vst v2  }
0x11e: {  	v2 =	vld [tilespmem:s28+$0x50];
	_ =	sdelay $0x4  }
0x11f: {  	[tilespmem:$0x2DD0] =	vst v2  }
0x120: {  	v2 =	vld [tilespmem:s28+$0x60];
	_ =	sdelay $0x4  }
0x121: {  	[tilespmem:$0x2DE0] =	vst v2  }
0x122: {  	v2 =	vld [tilespmem:s28+$0x70];
	_ =	sdelay $0x4  }
0x123: {  	[tilespmem:$0x2DF0] =	vst v2  }
0x124: {  	[spmem:s2] =	stream.indirect.scatter.add.f32 [tilespmem:s18], [sflag:$0x1], $0x1, s17, s16, $0xb8;
	[tilespmem:$0x2F00] =	vst v63  }
0x125: {  	v2 =	vld [tilespmem:s28+$0x80];
	_ =	sdelay $0x4  }
0x126: {  	[tilespmem:$0x2E00] =	vst v2  }
0x127: {  	v2 =	vld [tilespmem:s28+$0x90];
	_ =	sdelay $0x4  }
0x128: {  	[tilespmem:$0x2E10] =	vst v2  }
0x129: {  	v2 =	vld [tilespmem:s28+$0xA0];
	_ =	sdelay $0x4  }
0x12a: {  	[tilespmem:$0x2E20] =	vst v2  }
0x12b: {  	v2 =	vld [tilespmem:s28+$0xB0];
	_ =	sdelay $0x4  }
0x12c: {  	[tilespmem:$0x2E30] =	vst v2  }
0x12d: {  	v2 =	vld [tilespmem:s28+$0xC0];
	_ =	sdelay $0x4  }
0x12e: {  	[tilespmem:$0x2E40] =	vst v2  }
0x12f: {  	v2 =	vld [tilespmem:s28+$0xD0];
	_ =	sdelay $0x4  }
0x130: {  	[tilespmem:$0x2E50] =	vst v2  }
0x131: {  	v2 =	vld [tilespmem:s28+$0xE0];
	_ =	sdelay $0x4  }
0x132: {  	[tilespmem:$0x2E60] =	vst v2  }
0x133: {  	v2 =	vld [tilespmem:s28+$0xF0];
	_ =	sdelay $0x4  }
0x134: {  	[tilespmem:$0x2E70] =	vst v2  }
0x135: {  	[spmem:s2] =	stream.indirect.scatter.add.f32 [tilespmem:s18], [sflag:$0x2], $0x1, s19, s16, $0xb8;
	[tilespmem:$0x2F00] =	vst v63  }
0x136: {  	v2 =	vld [tilespmem:s28+$0x100];
	_ =	sdelay $0x4  }
0x137: {  	[tilespmem:$0x2E80] =	vst v2  }
0x138: {  	v2 =	vld [tilespmem:s28+$0x110];
	_ =	sdelay $0x4  }
0x139: {  	[tilespmem:$0x2E90] =	vst v2  }
0x13a: {  	v2 =	vld [tilespmem:s28+$0x120];
	_ =	sdelay $0x4  }
0x13b: {  	[tilespmem:$0x2EA0] =	vst v2  }
0x13c: {  	v2 =	vld [tilespmem:s28+$0x130];
	_ =	sdelay $0x4  }
0x13d: {  	[tilespmem:$0x2EB0] =	vst v2  }
0x13e: {  	v2 =	vld [tilespmem:s28+$0x140];
	_ =	sdelay $0x4  }
0x13f: {  	[tilespmem:$0x2EC0] =	vst v2  }
0x140: {  	v2 =	vld [tilespmem:s28+$0x150];
	_ =	sdelay $0x4  }
0x141: {  	[tilespmem:$0x2ED0] =	vst v2  }
0x142: {  	v2 =	vld [tilespmem:s28+$0x160];
	_ =	sdelay $0x4  }
0x143: {  	[tilespmem:$0x2EE0] =	vst v2  }
0x144: {  	v2 =	vld [tilespmem:s28+$0x170];
	_ =	sdelay $0x4  }
0x145: {  	[tilespmem:$0x2EF0] =	vst v2  }
0x146: {  	[spmem:s2] =	stream.indirect.scatter.add.f32 [tilespmem:s18], [sflag:$0x3], $0x1, s20, s16, $0xb8;
	[tilespmem:$0x2F00] =	vst v63  }
0x147: {  	_ =	swait.ge [sflag:s21], $0x80  }
0x148: {  	[sflag:s21] =	ssyncset.done $0x0  }
0x149: {  	[sflag:s21] =	ssyncadd.s32 $0xFFFFFF80  }
0x14a: {  	_ =	swait.ge [sflag:s22], $0x80  }
0x14b: {  	[sflag:s22] =	ssyncset.done $0x0  }
0x14c: {  	[sflag:s22] =	ssyncadd.s32 $0xFFFFFF80  }
0x14d: {  	_ =	swait.ge [sflag:s23], $0x80  }
0x14e: {  	s31 =	simm.s32 $0xC00;
	s28 =	simm.s32 $0x600;
	[sflag:s23] =	ssyncset.done $0x0  }
.LBB2_3:
0x14f: {  	s30 =	sshra.s32 s28, $0x2  }
0x150: {  	[sflag:s23] =	ssyncadd.s32 $0xFFFFFF80;
	s28 =	smov.u32 s31;
	s29 =	sadd.s32 $0x600, s31  }
0x151: {  	p1 =	seq.s32 s31, $0x9600;
	v2 =	vld [tilespmem:s30+$0x0];
	_ =	sdelay $0x4  }
0x152: {  	[tilespmem:$0x2D80] =	vst v2  }
0x153: {  	v2 =	vld [tilespmem:s30+$0x10];
	_ =	sdelay $0x4  }
0x154: {  	[tilespmem:$0x2D90] =	vst v2  }
0x155: {  	v2 =	vld [tilespmem:s30+$0x20];
	_ =	sdelay $0x4  }
0x156: {  	[tilespmem:$0x2DA0] =	vst v2  }
0x157: {  	v2 =	vld [tilespmem:s30+$0x30];
	_ =	sdelay $0x4  }
0x158: {  	[tilespmem:$0x2DB0] =	vst v2  }
0x159: {  	v2 =	vld [tilespmem:s30+$0x40];
	_ =	sdelay $0x4  }
0x15a: {  	[tilespmem:$0x2DC0] =	vst v2  }
0x15b: {  	v2 =	vld [tilespmem:s30+$0x50];
	_ =	sdelay $0x4  }
0x15c: {  	[tilespmem:$0x2DD0] =	vst v2  }
0x15d: {  	v2 =	vld [tilespmem:s30+$0x60];
	_ =	sdelay $0x4  }
0x15e: {  	[tilespmem:$0x2DE0] =	vst v2  }
0x15f: {  	v2 =	vld [tilespmem:s30+$0x70];
	_ =	sdelay $0x4  }
0x160: {  	[tilespmem:$0x2DF0] =	vst v2  }
0x161: {  	[spmem:s2] =	stream.indirect.scatter.add.f32 [tilespmem:s18], [sflag:$0x1], $0x1, s17, s16, $0xb8;
	[tilespmem:$0x2F00] =	vst v63  }
0x162: {  	v2 =	vld [tilespmem:s30+$0x80];
	_ =	sdelay $0x4  }
0x163: {  	[tilespmem:$0x2E00] =	vst v2  }
0x164: {  	v2 =	vld [tilespmem:s30+$0x90];
	_ =	sdelay $0x4  }
0x165: {  	[tilespmem:$0x2E10] =	vst v2  }
0x166: {  	v2 =	vld [tilespmem:s30+$0xA0];
	_ =	sdelay $0x4  }
0x167: {  	[tilespmem:$0x2E20] =	vst v2  }
0x168: {  	v2 =	vld [tilespmem:s30+$0xB0];
	_ =	sdelay $0x4  }
0x169: {  	[tilespmem:$0x2E30] =	vst v2  }
0x16a: {  	v2 =	vld [tilespmem:s30+$0xC0];
	_ =	sdelay $0x4  }
0x16b: {  	[tilespmem:$0x2E40] =	vst v2  }
0x16c: {  	v2 =	vld [tilespmem:s30+$0xD0];
	_ =	sdelay $0x4  }
0x16d: {  	[tilespmem:$0x2E50] =	vst v2  }
0x16e: {  	v2 =	vld [tilespmem:s30+$0xE0];
	_ =	sdelay $0x4  }
0x16f: {  	[tilespmem:$0x2E60] =	vst v2  }
0x170: {  	v2 =	vld [tilespmem:s30+$0xF0];
	_ =	sdelay $0x4  }
0x171: {  	[tilespmem:$0x2E70] =	vst v2  }
0x172: {  	[spmem:s2] =	stream.indirect.scatter.add.f32 [tilespmem:s18], [sflag:$0x2], $0x1, s19, s16, $0xb8;
	[tilespmem:$0x2F00] =	vst v63  }
0x173: {  	v2 =	vld [tilespmem:s30+$0x100];
	_ =	sdelay $0x4  }
0x174: {  	[tilespmem:$0x2E80] =	vst v2  }
0x175: {  	v2 =	vld [tilespmem:s30+$0x110];
	_ =	sdelay $0x4  }
0x176: {  	[tilespmem:$0x2E90] =	vst v2  }
0x177: {  	v2 =	vld [tilespmem:s30+$0x120];
	_ =	sdelay $0x4  }
0x178: {  	[tilespmem:$0x2EA0] =	vst v2  }
0x179: {  	v2 =	vld [tilespmem:s30+$0x130];
	_ =	sdelay $0x4  }
0x17a: {  	[tilespmem:$0x2EB0] =	vst v2  }
0x17b: {  	v2 =	vld [tilespmem:s30+$0x140];
	_ =	sdelay $0x4  }
0x17c: {  	[tilespmem:$0x2EC0] =	vst v2  }
0x17d: {  	v2 =	vld [tilespmem:s30+$0x150];
	_ =	sdelay $0x4  }
0x17e: {  	[tilespmem:$0x2ED0] =	vst v2  }
0x17f: {  	v2 =	vld [tilespmem:s30+$0x160];
	_ =	sdelay $0x4  }
0x180: {  	[tilespmem:$0x2EE0] =	vst v2  }
0x181: {  	v2 =	vld [tilespmem:s30+$0x170];
	_ =	sdelay $0x4  }
0x182: {  	[tilespmem:$0x2EF0] =	vst v2  }
0x183: {  	[spmem:s2] =	stream.indirect.scatter.add.f32 [tilespmem:s18], [sflag:$0x3], $0x1, s20, s16, $0xb8;
	[tilespmem:$0x2F00] =	vst v63  }
0x184: {  	_ =	swait.ge [sflag:s21], $0x80  }
0x185: {  	[sflag:s21] =	ssyncset.done $0x0  }
0x186: {  	[sflag:s21] =	ssyncadd.s32 $0xFFFFFF80  }
.Ltmp5:
0x187: {  	_ =	swait.ge [sflag:s22], $0x80;
	(pc) =	sbr.rel @!p1 .LBB2_3-.Ltmp5, $4  }
0x188: {  	[sflag:s22] =	ssyncset.done $0x0  }
0x189: {  	[sflag:s22] =	ssyncadd.s32 $0xFFFFFF80  }
0x18a: {  	_ =	swait.ge [sflag:s23], $0x80  }
0x18b: {  	s31 =	smov.u32 s29;
	[sflag:s23] =	ssyncset.done $0x0  }
0x18c: {  	s28 =	sshra.s32 s28, $0x2;
	[sflag:s23] =	ssyncadd.s32 $0xFFFFFF80  }
0x18d: {  	v2 =	vld [tilespmem:s28+$0x0];
	_ =	sdelay $0x4  }
0x18e: {  	[tilespmem:$0x2D80] =	vst v2  }
0x18f: {  	v2 =	vld [tilespmem:s28+$0x10];
	_ =	sdelay $0x4  }
0x190: {  	[tilespmem:$0x2D90] =	vst v2  }
0x191: {  	v2 =	vld [tilespmem:s28+$0x20];
	_ =	sdelay $0x4  }
0x192: {  	[tilespmem:$0x2DA0] =	vst v2  }
0x193: {  	v2 =	vld [tilespmem:s28+$0x30];
	_ =	sdelay $0x4  }
0x194: {  	[tilespmem:$0x2DB0] =	vst v2  }
0x195: {  	v2 =	vld [tilespmem:s28+$0x40];
	_ =	sdelay $0x4  }
0x196: {  	[tilespmem:$0x2DC0] =	vst v2  }
0x197: {  	v2 =	vld [tilespmem:s28+$0x50];
	_ =	sdelay $0x4  }
0x198: {  	[tilespmem:$0x2DD0] =	vst v2  }
0x199: {  	v2 =	vld [tilespmem:s28+$0x60];
	_ =	sdelay $0x4  }
0x19a: {  	[tilespmem:$0x2DE0] =	vst v2  }
0x19b: {  	v2 =	vld [tilespmem:s28+$0x70];
	_ =	sdelay $0x4  }
0x19c: {  	[tilespmem:$0x2DF0] =	vst v2  }
0x19d: {  	[spmem:s2] =	stream.indirect.scatter.add.f32 [tilespmem:s18], [sflag:$0x1], $0x1, s17, s16, $0xb8;
	[tilespmem:$0x2F00] =	vst v63  }
0x19e: {  	v2 =	vld [tilespmem:s28+$0x80];
	_ =	sdelay $0x4  }
0x19f: {  	[tilespmem:$0x2E00] =	vst v2  }
0x1a0: {  	v2 =	vld [tilespmem:s28+$0x90];
	_ =	sdelay $0x4  }
0x1a1: {  	[tilespmem:$0x2E10] =	vst v2  }
0x1a2: {  	v2 =	vld [tilespmem:s28+$0xA0];
	_ =	sdelay $0x4  }
0x1a3: {  	[tilespmem:$0x2E20] =	vst v2  }
0x1a4: {  	v2 =	vld [tilespmem:s28+$0xB0];
	_ =	sdelay $0x4  }
0x1a5: {  	[tilespmem:$0x2E30] =	vst v2  }
0x1a6: {  	v2 =	vld [tilespmem:s28+$0xC0];
	_ =	sdelay $0x4  }
0x1a7: {  	[tilespmem:$0x2E40] =	vst v2  }
0x1a8: {  	v2 =	vld [tilespmem:s28+$0xD0];
	_ =	sdelay $0x4  }
0x1a9: {  	[tilespmem:$0x2E50] =	vst v2  }
0x1aa: {  	v2 =	vld [tilespmem:s28+$0xE0];
	_ =	sdelay $0x4  }
0x1ab: {  	[tilespmem:$0x2E60] =	vst v2  }
0x1ac: {  	v2 =	vld [tilespmem:s28+$0xF0];
	_ =	sdelay $0x4  }
0x1ad: {  	[tilespmem:$0x2E70] =	vst v2  }
0x1ae: {  	[spmem:s2] =	stream.indirect.scatter.add.f32 [tilespmem:s18], [sflag:$0x2], $0x1, s19, s16, $0xb8;
	[tilespmem:$0x2F00] =	vst v63  }
0x1af: {  	v2 =	vld [tilespmem:s28+$0x100];
	_ =	sdelay $0x4  }
0x1b0: {  	[tilespmem:$0x2E80] =	vst v2  }
0x1b1: {  	v2 =	vld [tilespmem:s28+$0x110];
	_ =	sdelay $0x4  }
0x1b2: {  	[tilespmem:$0x2E90] =	vst v2  }
0x1b3: {  	v2 =	vld [tilespmem:s28+$0x120];
	_ =	sdelay $0x4  }
0x1b4: {  	[tilespmem:$0x2EA0] =	vst v2  }
0x1b5: {  	v2 =	vld [tilespmem:s28+$0x130];
	_ =	sdelay $0x4  }
0x1b6: {  	[tilespmem:$0x2EB0] =	vst v2  }
0x1b7: {  	v2 =	vld [tilespmem:s28+$0x140];
	_ =	sdelay $0x4  }
0x1b8: {  	[tilespmem:$0x2EC0] =	vst v2  }
0x1b9: {  	v2 =	vld [tilespmem:s28+$0x150];
	_ =	sdelay $0x4  }
0x1ba: {  	[tilespmem:$0x2ED0] =	vst v2  }
0x1bb: {  	v2 =	vld [tilespmem:s28+$0x160];
	_ =	sdelay $0x4  }
0x1bc: {  	[tilespmem:$0x2EE0] =	vst v2  }
0x1bd: {  	v2 =	vld [tilespmem:s28+$0x170];
	_ =	sdelay $0x4  }
0x1be: {  	[tilespmem:$0x2EF0] =	vst v2  }
0x1bf: {  	[spmem:s2] =	stream.indirect.scatter.add.f32 [tilespmem:s18], [sflag:$0x3], $0x1, s20, s16, $0xb8;
	[tilespmem:$0x2F00] =	vst v63  }
0x1c0: {  	_ =	swait.ge [sflag:s21], $0x80  }
0x1c1: {  	[sflag:s21] =	ssyncset.done $0x0  }
0x1c2: {  	[sflag:s21] =	ssyncadd.s32 $0xFFFFFF80  }
0x1c3: {  	_ =	swait.ge [sflag:s22], $0x80  }
.Ltmp6:
0x1c4: {  	[sflag:s22] =	ssyncset.done $0x0;
	(pc) =	sbr.rel .LBB2_8-.Ltmp6, $4  }
0x1c5: {  	[sflag:s22] =	ssyncadd.s32 $0xFFFFFF80  }
0x1c6: {  	_ =	swait.ge [sflag:s23], $0x80  }
0x1c7: {  	[sflag:s23] =	ssyncset.done $0x0  }
0x1c8: {  	s29 =	smov.u32 s5;
	s28 =	smov.u32 s6;
	[sflag:s23] =	ssyncadd.s32 $0xFFFFFF80  }
.LBB2_9:
0x1c9: {  	_ =	sfence.sel $0x180000  }
0x1ca: {  	[bflag:$0x0] =	sbarrier.arrive $0xFFFF  }
0x1cb: {  	p0 =	sne.s32 s3, $0x0;
	_ =	strace $0x90000047  }
0x1cc: {  	s0 =	sadd.s32 @!p0 $0x100000, s0;
	[bflag:$0x2] =	sbarrier.arrive $0xFFFF  }
0x1cd: {  	[sflag:s0] =	ssyncadd.tile.s32 @!p0 $0x1;
	_ =	shalt  }
.Lfunc_end2:
_tile_overlayer_lowered:
.L_overlay_start_2:
0x1ce: {  	(tag) =	ssettag $0x2  }
0x1cf: {  	s0 =	rddreg [dreg:$0x0];
	s2 =	stileid.u32  }
0x1d0: {  	s1 =	rddreg [dreg:$0x1];
	p0 =	sne.s32 s2, $0x0  }
0x1d1: {  	s3 =	rddreg [dreg:$0x2];
	[bflag:$0x3] =	sbarrier.arrive $0xFFFF;
	s2 =	simm.s32 @!p0 $0x1C04  }
0x1d2: {  	[timem:s3], [sflag:s2] =	dma.local @!p0 [hbm:s0], s1  }
0x1d3: {  	s0 =	simm.s32 @!p0 $0x4  }
0x1d4: {  	_ =	swait.ge @!p0 [sflag:s0], s1  }
0x1d5: {  	s1 =	ssub.s32 @!p0 $0x0, s1;
	[sflag:s0] =	ssyncset.done @!p0 $0x0  }
0x1d6: {  	[sflag:s0] =	ssyncadd.s32 @!p0 s1  }
0x1d7: {  	[bflag:$0x3] =	sbarrier.arrive $0xFFFF  }
0x1d8: {  	_ =	shalt  }

</sc_bundles>
